<compile_context>
chip_gen: v7x
topology: tpu7x:2x2x1
jax: 0.10.2.dev20260603
libtpu: 0.0.44.dev20260713+nightly
codegen_flags: <defaults>
</compile_context>

<pallas_src>
import functools

import jax
import jax.numpy as jnp
from jax import lax
from jax.experimental import pallas as pl
from jax.experimental.pallas import tpu as pltpu
from jax.experimental.pallas import tpu_sc as plsc

N = 10000
E = 160000
D_IN = 256
H = 512
T = 32
OUT = 2

NC = 2
NS = 16
L = 16
NPAD = 10240
EPAD = 32 * 40 * 128
ERT = 40
RPT = 80
WIN = 40
CH = 4
RB = 1000
NB = N // RB

@functools.lru_cache(maxsize=None)
def _sc_kernels():
    mesh = plsc.VectorSubcoreMesh(
        core_axis_name="c", subcore_axis_name="s",
        num_cores=NC, num_subcores=NS)
    sc_stats = pl.kernel(
        _sc_stats_body,
        out_type=jax.ShapeDtypeStruct((NC * NS, 3, NPAD // 128, 128),
                                      jnp.float32),
        mesh=mesh,
        compiler_params=pltpu.CompilerParams(needs_layout_passes=False),
        scratch_types=[
            pltpu.VMEM((ERT, 128), jnp.int32),
            pltpu.VMEM((ERT, 128), jnp.int32),
            pltpu.VMEM((ERT, 128), jnp.float32),
            pltpu.VMEM((NPAD // 128, 128), jnp.float32),
            pltpu.VMEM((NPAD // 128, 128), jnp.float32),
            pltpu.VMEM((NPAD // 128, 128), jnp.float32),
        ],
    )
    sc_agg = pl.kernel(
        _sc_agg_body,
        out_type=jax.ShapeDtypeStruct((CH, NPAD, 128), jnp.float32),
        mesh=mesh,
        compiler_params=pltpu.CompilerParams(needs_layout_passes=False),
        scratch_types=[
            pltpu.VMEM((WIN, 128), jnp.int32),
            pltpu.VMEM((WIN, 128), jnp.int32),
            pltpu.VMEM((128, 128), jnp.float32),
            pltpu.VMEM((128, 128), jnp.float32),
            pltpu.VMEM_SHARED((NPAD, 128), jnp.float32),
            pltpu.SemaphoreType.DMA,
            pltpu.SemaphoreType.DMA,
            pltpu.SemaphoreType.DMA,
            pltpu.SemaphoreType.DMA,
        ],
    )
    return sc_stats, sc_agg


def _sc_stats_body(src_hbm, dst_hbm, ea_hbm, parts_hbm, sv, dv, ev, cs, cd, td):
    c = lax.axis_index("c")
    s = lax.axis_index("s")
    wid = c * NS + s
    base = wid * ERT
    pltpu.sync_copy(src_hbm.at[pl.ds(base, ERT)], sv)
    pltpu.sync_copy(dst_hbm.at[pl.ds(base, ERT)], dv)
    pltpu.sync_copy(ea_hbm.at[pl.ds(base, ERT)], ev)

    zf = jnp.zeros((L,), jnp.float32)

    def zloop(i, _):
        r = i // 8
        c0 = (i % 8) * L
        cs[r, pl.ds(c0, L)] = zf
        cd[r, pl.ds(c0, L)] = zf
        td[r, pl.ds(c0, L)] = zf
        return 0

    lax.fori_loop(0, (NPAD // 128) * 8, zloop, 0)

    ones = jnp.full((L,), 1.0, jnp.float32)

    def eloop(k, _):
        j = k // 8
        c0 = (k % 8) * L
        si = sv[j, pl.ds(c0, L)]
        di = dv[j, pl.ds(c0, L)]
        ea = ev[j, pl.ds(c0, L)]
        cea = jnp.clip(ea, -1000.0, 1000.0)
        sr = lax.shift_right_logical(si, 7)
        sc_ = lax.bitwise_and(si, 127)
        dr = lax.shift_right_logical(di, 7)
        dc = lax.bitwise_and(di, 127)
        plsc.addupdate_scatter(cs, [sr, sc_], ones)
        plsc.addupdate_scatter(cd, [dr, dc], ones)
        plsc.addupdate_scatter(td, [sr, sc_], cea)
        plsc.addupdate_scatter(td, [dr, dc], cea)
        return 0

    lax.fori_loop(0, ERT * 8, eloop, 0)

    pltpu.sync_copy(cs, parts_hbm.at[wid, 0])
    pltpu.sync_copy(cd, parts_hbm.at[wid, 1])
    pltpu.sync_copy(td, parts_hbm.at[wid, 2])


def _sc_agg_body(hp_hbm, srcadj_hbm, dst_hbm, agg_hbm,
                 srcv, dstv, gb0, gb1, acc, g0, g1, t0, t1):
    c = lax.axis_index("c")
    s = lax.axis_index("s")
    base = s * RPT

    for jj in range(2):
        ch = c * 2 + jj

        pltpu.sync_copy(hp_hbm.at[pl.ds(ch * NPAD + s * 640, 640)],
                        acc.at[pl.ds(s * 640, 640)])
        plsc.subcore_barrier()

        for w in range(RPT // WIN):
            pltpu.sync_copy(
                srcadj_hbm.at[ch, pl.ds(base + w * WIN, WIN)], srcv)
            pltpu.sync_copy(dst_hbm.at[pl.ds(base + w * WIN, WIN)], dstv)

            pltpu.async_copy(hp_hbm.at[srcv.at[0]], gb0, g0)

            def loop2(t, _):
                j0 = 2 * t
                j1 = 2 * t + 1
                pltpu.async_copy(hp_hbm.at[srcv.at[j1]], gb1, g1)
                pltpu.make_async_copy(hp_hbm.at[srcv.at[j0]], gb0, g0).wait()
                pltpu.sync_copy(gb0, acc.at[dstv.at[j0]], add=True)

                @pl.when(t < (WIN // 2) - 1)
                def _():
                    pltpu.async_copy(hp_hbm.at[srcv.at[j0 + 2]], gb0, g0)

                pltpu.make_async_copy(hp_hbm.at[srcv.at[j1]], gb1, g1).wait()
                pltpu.sync_copy(gb1, acc.at[dstv.at[j1]], add=True)
                return 0

            lax.fori_loop(0, WIN // 2, loop2, 0)

        plsc.subcore_barrier()
        pltpu.sync_copy(acc.at[pl.ds(s * 640, 640)],
                        agg_hbm.at[ch, pl.ds(s * 640, 640)])
        plsc.subcore_barrier()


def _prep_body(parts_ref, ea_ref, dinv_ref, tdn_ref):
    red = jnp.sum(parts_ref[...], axis=0)
    cs = red[0]
    cd = red[1]
    tdr = red[2]
    cea = jnp.clip(ea_ref[...], -1000.0, 1000.0)
    s1 = jnp.sum(cea)
    s2 = jnp.sum(cea * cea)
    mu = s1 / E
    var = (s2 - E * mu * mu) / (E - 1)
    sig = jnp.sqrt(var) + 1e-9
    deg2 = cs + cd
    tdn_ref[...] = ((tdr - deg2 * mu) / sig) / jnp.maximum(deg2, 1.0)
    dinv_ref[...] = lax.rsqrt(cd + 1.0)


_prep = pl.pallas_call(
    _prep_body,
    out_shape=(
        jax.ShapeDtypeStruct((NPAD // 128, 128), jnp.float32),
        jax.ShapeDtypeStruct((NPAD // 128, 128), jnp.float32),
    ),
)


def _layer1a_body(x_ref, w1_ref, dinv_ref, hp_ref):
    h = jnp.dot(x_ref[...], w1_ref[...],
                preferred_element_type=jnp.float32) * dinv_ref[...]
    for cc in range(CH):
        hp_ref[cc] = h[:, cc * 128:(cc + 1) * 128]


_layer1a = pl.pallas_call(
    _layer1a_body,
    grid=(NB,),
    in_specs=[
        pl.BlockSpec((RB, D_IN), lambda i: (i, 0)),
        pl.BlockSpec((D_IN, H), lambda i: (0, 0)),
        pl.BlockSpec((RB, 1), lambda i: (i, 0)),
    ],
    out_specs=[pl.BlockSpec((CH, RB, 128), lambda i: (0, i, 0))],
    out_shape=(jax.ShapeDtypeStruct((CH, NPAD, 128), jnp.float32),),
)


def _layer1b_body(x_ref, wt1_ref, wt2_ref, bt_ref, tdn_ref, tt_ref, emb_ref,
                  wa_ref, tmp_ref, sem_ref, tl_ref, sl_ref, dtm_ref, acc_ref):
    i = pl.program_id(0)
    tmp = jax.nn.relu(
        jnp.dot(x_ref[...], wt1_ref[...], preferred_element_type=jnp.float32)
        + tdn_ref[...] * wt2_ref[...] + bt_ref[...])
    tmp_ref[...] = tmp
    tl = jnp.dot(tmp, wa_ref[...], preferred_element_type=jnp.float32)
    tl_ref[...] = tl
    oh = (tt_ref[...] == lax.broadcasted_iota(jnp.int32, (RB, T), 1)
          ).astype(jnp.float32)
    sm = jnp.dot(oh, emb_ref[...], preferred_element_type=jnp.float32)
    sem_ref[...] = sm
    sml = jnp.dot(sm, wa_ref[...], preferred_element_type=jnp.float32)
    sl_ref[...] = sml

    @pl.when(i == 0)
    def _():
        acc_ref[...] = jnp.zeros_like(acc_ref)

    acc_ref[0:1, 0:1] += jnp.sum(jnp.exp(tl)).reshape(1, 1)
    acc_ref[0:1, 1:2] += jnp.sum(jnp.exp(sml)).reshape(1, 1)

    @pl.when(i == NB - 1)
    def _():
        dtm_ref[...] = acc_ref[...]


_layer1b = pl.pallas_call(
    _layer1b_body,
    grid=(NB,),
    in_specs=[
        pl.BlockSpec((RB, D_IN), lambda i: (i, 0)),
        pl.BlockSpec((D_IN, H), lambda i: (0, 0)),
        pl.BlockSpec((1, H), lambda i: (0, 0)),
        pl.BlockSpec((1, H), lambda i: (0, 0)),
        pl.BlockSpec((RB, 1), lambda i: (i, 0)),
        pl.BlockSpec((RB, 1), lambda i: (i, 0)),
        pl.BlockSpec((T, H), lambda i: (0, 0)),
        pl.BlockSpec((H, 1), lambda i: (0, 0)),
    ],
    out_specs=[
        pl.BlockSpec((RB, H), lambda i: (i, 0)),
        pl.BlockSpec((RB, H), lambda i: (i, 0)),
        pl.BlockSpec((RB, 1), lambda i: (i, 0)),
        pl.BlockSpec((RB, 1), lambda i: (i, 0)),
        pl.BlockSpec((1, 2), lambda i: (0, 0)),
    ],
    out_shape=(
        jax.ShapeDtypeStruct((N, H), jnp.float32),
        jax.ShapeDtypeStruct((N, H), jnp.float32),
        jax.ShapeDtypeStruct((N, 1), jnp.float32),
        jax.ShapeDtypeStruct((N, 1), jnp.float32),
        jax.ShapeDtypeStruct((1, 2), jnp.float32),
    ),
    scratch_shapes=[pltpu.VMEM((1, 2), jnp.float32)],
)


def _post_body(agg_ref, dinv_ref, b_ref, z_ref, stats_ref, acc_ref):
    i = pl.program_id(0)
    agg = jnp.concatenate([agg_ref[cc] for cc in range(CH)], axis=1)
    z = jax.nn.relu(dinv_ref[...] * agg + b_ref[...])
    z_ref[...] = z

    @pl.when(i == 0)
    def _():
        acc_ref[...] = jnp.zeros_like(acc_ref)

    acc_ref[0:1, :] += jnp.sum(z, axis=0, keepdims=True)
    acc_ref[1:2, :] += jnp.sum(z * z, axis=0, keepdims=True)

    @pl.when(i == NB - 1)
    def _():
        stats_ref[...] = acc_ref[...]


_post = pl.pallas_call(
    _post_body,
    grid=(NB,),
    in_specs=[
        pl.BlockSpec((CH, RB, 128), lambda i: (0, i, 0)),
        pl.BlockSpec((RB, 1), lambda i: (i, 0)),
        pl.BlockSpec((1, H), lambda i: (0, 0)),
    ],
    out_specs=[
        pl.BlockSpec((RB, H), lambda i: (i, 0)),
        pl.BlockSpec((2, H), lambda i: (0, 0)),
    ],
    out_shape=(
        jax.ShapeDtypeStruct((N, H), jnp.float32),
        jax.ShapeDtypeStruct((2, H), jnp.float32),
    ),
    scratch_shapes=[pltpu.VMEM((2, H), jnp.float32)],
)


def _bn_mm_body(z_ref, st_ref, g_ref, be_ref, w_ref, dinv_ref, hp_ref):
    m = st_ref[0:1, :] * (1.0 / N)
    ex2 = st_ref[1:2, :] * (1.0 / N)
    a = g_ref[...] * lax.rsqrt(jnp.maximum(ex2 - m * m, 0.0) + 1e-5)
    bn = (z_ref[...] - m) * a + be_ref[...]
    h = jnp.dot(bn, w_ref[...], preferred_element_type=jnp.float32)
    h = h * dinv_ref[...]
    for cc in range(CH):
        hp_ref[cc] = h[:, cc * 128:(cc + 1) * 128]


_bn_mm = pl.pallas_call(
    _bn_mm_body,
    grid=(NB,),
    in_specs=[
        pl.BlockSpec((RB, H), lambda i: (i, 0)),
        pl.BlockSpec((2, H), lambda i: (0, 0)),
        pl.BlockSpec((1, H), lambda i: (0, 0)),
        pl.BlockSpec((1, H), lambda i: (0, 0)),
        pl.BlockSpec((H, H), lambda i: (0, 0)),
        pl.BlockSpec((RB, 1), lambda i: (i, 0)),
    ],
    out_specs=[pl.BlockSpec((CH, RB, 128), lambda i: (0, i, 0))],
    out_shape=(jax.ShapeDtypeStruct((CH, NPAD, 128), jnp.float32),),
)


def _bn_fin_body(z_ref, st_ref, g_ref, be_ref, wa_ref, s_ref, sl_ref,
                 ds_ref, acc_ref):
    i = pl.program_id(0)
    m = st_ref[0:1, :] * (1.0 / N)
    ex2 = st_ref[1:2, :] * (1.0 / N)
    a = g_ref[...] * lax.rsqrt(jnp.maximum(ex2 - m * m, 0.0) + 1e-5)
    bn = (z_ref[...] - m) * a + be_ref[...]
    s_ref[...] = bn
    sl = jnp.dot(bn, wa_ref[...], preferred_element_type=jnp.float32)
    sl_ref[...] = sl

    @pl.when(i == 0)
    def _():
        acc_ref[...] = jnp.zeros_like(acc_ref)

    acc_ref[...] += jnp.sum(jnp.exp(sl)).reshape(1, 1)

    @pl.when(i == NB - 1)
    def _():
        ds_ref[...] = acc_ref[...]


_bn_fin = pl.pallas_call(
    _bn_fin_body,
    grid=(NB,),
    in_specs=[
        pl.BlockSpec((RB, H), lambda i: (i, 0)),
        pl.BlockSpec((2, H), lambda i: (0, 0)),
        pl.BlockSpec((1, H), lambda i: (0, 0)),
        pl.BlockSpec((1, H), lambda i: (0, 0)),
        pl.BlockSpec((H, 1), lambda i: (0, 0)),
    ],
    out_specs=[
        pl.BlockSpec((RB, H), lambda i: (i, 0)),
        pl.BlockSpec((RB, 1), lambda i: (i, 0)),
        pl.BlockSpec((1, 1), lambda i: (0, 0)),
    ],
    out_shape=(
        jax.ShapeDtypeStruct((N, H), jnp.float32),
        jax.ShapeDtypeStruct((N, 1), jnp.float32),
        jax.ShapeDtypeStruct((1, 1), jnp.float32),
    ),
    scratch_shapes=[pltpu.VMEM((1, 1), jnp.float32)],
)


def _comb_body(s_ref, t_ref, m_ref, sl_ref, tl_ref, sml_ref, ds_ref, dtm_ref,
               wf_ref, bf_ref, o_ref):
    w0 = jnp.exp(sl_ref[...]) / ds_ref[0, 0]
    w1 = jnp.exp(tl_ref[...]) / dtm_ref[0, 0]
    w2 = jnp.exp(sml_ref[...]) / dtm_ref[0, 1]
    comb = w0 * s_ref[...] + w1 * t_ref[...] + w2 * m_ref[...]
    o_ref[...] = jnp.dot(comb, wf_ref[...],
                         preferred_element_type=jnp.float32) + bf_ref[...]


_comb = pl.pallas_call(
    _comb_body,
    grid=(NB,),
    in_specs=[
        pl.BlockSpec((RB, H), lambda i: (i, 0)),
        pl.BlockSpec((RB, H), lambda i: (i, 0)),
        pl.BlockSpec((RB, H), lambda i: (i, 0)),
        pl.BlockSpec((RB, 1), lambda i: (i, 0)),
        pl.BlockSpec((RB, 1), lambda i: (i, 0)),
        pl.BlockSpec((RB, 1), lambda i: (i, 0)),
        pl.BlockSpec((1, 1), lambda i: (0, 0)),
        pl.BlockSpec((1, 2), lambda i: (0, 0)),
        pl.BlockSpec((H, OUT), lambda i: (0, 0)),
        pl.BlockSpec((1, OUT), lambda i: (0, 0)),
    ],
    out_specs=pl.BlockSpec((RB, OUT), lambda i: (i, 0)),
    out_shape=jax.ShapeDtypeStruct((N, OUT), jnp.float32),
)


def kernel(x, edge_index, edge_attr, transaction_types, timestamps,
           W1, b1, W2, b2, W3, b3, g1, be1, g2, be2, g3, be3,
           Wt, bt, emb, Wa, ba, Wf, bf):
    src = edge_index[0]
    dst = edge_index[1]
    idt = src.dtype
    npad = EPAD - E
    padbin = N + (jnp.arange(npad, dtype=idt) % (NPAD - N))
    src_p = jnp.concatenate([src, padbin])
    dst_p = jnp.concatenate([dst, padbin])
    src2d = src_p.reshape(EPAD // 128, 128)
    dst2d = dst_p.reshape(EPAD // 128, 128)
    srcadj = (src_p[None, :]
              + (jnp.arange(CH, dtype=idt) * NPAD)[:, None]
              ).reshape(CH, EPAD // 128, 128)
    eap2d = jnp.concatenate(
        [edge_attr[:, 0], jnp.zeros((npad,), jnp.float32)]
    ).reshape(EPAD // 128, 128)
    ea2d = edge_attr.reshape(E // 128, 128)

    _sc_stats, _sc_agg = _sc_kernels()
    parts = _sc_stats(src2d, dst2d, eap2d)
    dinv80, tdn80 = _prep(parts, ea2d)
    dinv = dinv80.reshape(NPAD, 1)[:N]
    tdn = tdn80.reshape(NPAD, 1)[:N]

    tt2d = transaction_types.reshape(N, 1).astype(jnp.int32)
    (hp,) = _layer1a(x, W1, dinv)
    temporal, semantic, tl, sml, den_tm = _layer1b(
        x, Wt[:D_IN], Wt[D_IN:].reshape(1, H), bt.reshape(1, H),
        tdn, tt2d, emb, Wa)

    z = None
    stats = None
    for (bb, gg, bee, wnext) in ((b1, g1, be1, W2), (b2, g2, be2, W3)):
        agg = _sc_agg(hp.reshape(CH * NPAD, 128), srcadj, dst2d)
        z, stats = _post(agg, dinv, bb.reshape(1, H))
        (hp,) = _bn_mm(z, stats, gg.reshape(1, H), bee.reshape(1, H),
                       wnext, dinv)
    agg = _sc_agg(hp.reshape(CH * NPAD, 128), srcadj, dst2d)
    z, stats = _post(agg, dinv, b3.reshape(1, H))
    s, sl, den_s = _bn_fin(z, stats, g3.reshape(1, H), be3.reshape(1, H), Wa)

    return _comb(s, temporal, semantic, sl, tl, sml, den_s, den_tm,
                 Wf, bf.reshape(1, OUT))

# --- scband reference (transcript-rebuilt; emitter-appended) ---
"""Pipeline reference for scband-tssgc-2388001816776 (READ-ONLY COPY).

The authoritative reference and input builder live on the scoring server;
editing this copy changes nothing except your own understanding.
"""

import jax
import jax.numpy as jnp
import numpy as np

N = 10000
E = 160000
D_IN = 256
H = 512
T = 32
OUT = 2


def setup_inputs():
    ks = jax.random.split(jax.random.key(0), 30)
    s = 0.02
    inp = {}
    inp['x'] = jax.random.normal(ks[0], (N, D_IN), dtype=jnp.float32)
    inp['edge_index'] = jax.random.randint(ks[1], (2, E), 0, N)
    inp['edge_attr'] = jax.random.normal(ks[2], (E, 1), dtype=jnp.float32)
    inp['transaction_types'] = jax.random.randint(ks[3], (N,), 0, T)
    inp['timestamps'] = jax.random.uniform(ks[4], (N,), dtype=jnp.float32)
    inp['W1'] = jax.random.normal(ks[5], (D_IN, H), dtype=jnp.float32) * s
    inp['b1'] = jnp.zeros((H,), jnp.float32)
    inp['W2'] = jax.random.normal(ks[6], (H, H), dtype=jnp.float32) * s
    inp['b2'] = jnp.zeros((H,), jnp.float32)
    inp['W3'] = jax.random.normal(ks[7], (H, H), dtype=jnp.float32) * s
    inp['b3'] = jnp.zeros((H,), jnp.float32)
    inp['g1'] = jnp.ones((H,), jnp.float32)
    inp['be1'] = jnp.zeros((H,), jnp.float32)
    inp['g2'] = jnp.ones((H,), jnp.float32)
    inp['be2'] = jnp.zeros((H,), jnp.float32)
    inp['g3'] = jnp.ones((H,), jnp.float32)
    inp['be3'] = jnp.zeros((H,), jnp.float32)
    inp['Wt'] = jax.random.normal(ks[8], (D_IN + 1, H), dtype=jnp.float32) * s
    inp['bt'] = jnp.zeros((H,), jnp.float32)
    inp['emb'] = jax.random.normal(ks[9], (T, H), dtype=jnp.float32) * s
    inp['Wa'] = jax.random.normal(ks[10], (H, 1), dtype=jnp.float32) * s
    inp['ba'] = jnp.zeros((1,), jnp.float32)
    inp['Wf'] = jax.random.normal(ks[11], (H, OUT), dtype=jnp.float32) * s
    inp['bf'] = jnp.zeros((OUT,), jnp.float32)
    return inp


def _gcn(x, W, b, src, dst, n):
    loop = jnp.arange(n, dtype=src.dtype)
    s2 = jnp.concatenate([src, loop])
    d2 = jnp.concatenate([dst, loop])
    h = x @ W
    deg = jnp.zeros((n,), x.dtype).at[d2].add(1.0)
    dinv = jnp.where(deg > 0, 1.0 / jnp.sqrt(deg), 0.0)
    norm = dinv[s2] * dinv[d2]
    out = jnp.zeros((n, W.shape[1]), x.dtype).at[d2].add(norm[:, None] * h[s2])
    return out + b


def _bn(x, g, b, eps=1e-5):
    m = x.mean(axis=0)
    v = x.var(axis=0)
    return (x - m) / jnp.sqrt(v + eps) * g + b


def reference(x, edge_index, edge_attr, transaction_types, timestamps, W1, b1, W2, b2, W3, b3, g1, be1, g2, be2, g3, be3, Wt, bt, emb, Wa, ba, Wf, bf):
    n = x.shape[0]
    src, dst = edge_index[0], edge_index[1]
    s = _bn(jax.nn.relu(_gcn(x, W1, b1, src, dst, n)), g1, be1)
    s = _bn(jax.nn.relu(_gcn(s, W2, b2, src, dst, n)), g2, be2)
    s = _bn(jax.nn.relu(_gcn(s, W3, b3, src, dst, n)), g3, be3)
    ea = jnp.clip(edge_attr, -1000.0, 1000.0)
    ea = (ea - ea.mean()) / (jnp.std(ea, ddof=1) + 1e-9)
    td = jnp.zeros((n, 1), x.dtype).at[src].add(ea).at[dst].add(ea)
    deg = jnp.bincount(src, length=n) + jnp.bincount(dst, length=n)
    deg = jnp.maximum(deg, 1).astype(x.dtype)[:, None]
    td = td / deg
    temporal = jax.nn.relu(jnp.concatenate([x, td], axis=1) @ Wt + bt)
    semantic = emb[transaction_types]
    sw = jax.nn.softmax(s @ Wa + ba, axis=0)
    tw = jax.nn.softmax(temporal @ Wa + ba, axis=0)
    smw = jax.nn.softmax(semantic @ Wa + ba, axis=0)
    combined = sw * s + tw * temporal + smw * semantic
    return combined @ Wf + bf

if __name__ == "__main__":
    import jax
    _d = setup_inputs()
    print(jax.jit(kernel)(*tuple(_d.values())))

</pallas_src>

<mosaic_0001>
#map = affine_map<(d0, d1) -> (0, 0)>
#map1 = affine_map<(d0, d1) -> (0, 0, 0, 0)>
module attributes {stable_mosaic.version = 14 : i64} {
  func.func @_sc_stats_body(%arg0: i32, %arg1: i32, %arg2: memref<1280x128xi32, #tpu.memory_space<hbm>>, %arg3: memref<1280x128xi32, #tpu.memory_space<hbm>>, %arg4: memref<1280x128xf32, #tpu.memory_space<hbm>>, %arg5: memref<32x3x80x128xf32, #tpu.memory_space<hbm>>, %arg6: memref<40x128xi32, #tpu.memory_space<vmem>>, %arg7: memref<40x128xi32, #tpu.memory_space<vmem>>, %arg8: memref<40x128xf32, #tpu.memory_space<vmem>>, %arg9: memref<80x128xf32, #tpu.memory_space<vmem>>, %arg10: memref<80x128xf32, #tpu.memory_space<vmem>>, %arg11: memref<80x128xf32, #tpu.memory_space<vmem>>) attributes {dimension_semantics = [#tpu.dimension_semantics<core_parallel>, #tpu.dimension_semantics<subcore_parallel>], iteration_bounds = array<i64: 2, 16>, scalar_prefetch = 0 : i64, scratch_operands = 6 : i64, tpu.core_type = #tpu.core_type<sc_vector_subcore>, window_params = [{transform_indices = #map}, {transform_indices = #map}, {transform_indices = #map}, {transform_indices = #map1}]} {
    %mul3A = arith.constant 16 : i32
    %mul3A_0 = arith.muli %arg0, %mul3A : i32
    %add3A = arith.addi %mul3A_0, %arg1 : i32
    %mul3A_1 = arith.constant 40 : i32
    %mul3A_2 = arith.muli %add3A, %mul3A_1 : i32
    "tpu.region"() ({
      %run_scoped3A_21 = tpu.sem_alloc : memref<!tpu.dma_semaphore, #tpu.memory_space<semaphore_mem>>
      %dma_start3A = arith.constant 0 : i32
      %dma_start3A_22 = tpu.memref_slice %arg2[%mul3A_2, %dma_start3A] : memref<1280x128xi32, #tpu.memory_space<hbm>> -> memref<40x128xi32, #tpu.memory_space<hbm>>
      %dma_start3A_23 = arith.constant 0 : i32
      %dma_start3A_24 = tpu.memref_slice %arg2[%mul3A_2, %dma_start3A_23] : memref<1280x128xi32, #tpu.memory_space<hbm>> -> memref<40x128xi32, #tpu.memory_space<hbm>>
      tpu.enqueue_dma source(%dma_start3A_24 : memref<40x128xi32, #tpu.memory_space<hbm>>) target(%arg6 : memref<40x128xi32, #tpu.memory_space<vmem>>) target_semaphore(%run_scoped3A_21 : memref<!tpu.dma_semaphore, #tpu.memory_space<semaphore_mem>>)
      %dma_wait3A = arith.constant 0 : i32
      %dma_wait3A_25 = tpu.memref_slice %arg2[%mul3A_2, %dma_wait3A] : memref<1280x128xi32, #tpu.memory_space<hbm>> -> memref<40x128xi32, #tpu.memory_space<hbm>>
      %dma_wait3A_26 = arith.constant 0 : i32
      %dma_wait3A_27 = tpu.memref_slice %arg2[%mul3A_2, %dma_wait3A_26] : memref<1280x128xi32, #tpu.memory_space<hbm>> -> memref<40x128xi32, #tpu.memory_space<hbm>>
      tpu.wait_dma2 semaphore(%run_scoped3A_21 : memref<!tpu.dma_semaphore, #tpu.memory_space<semaphore_mem>>) src(%dma_wait3A_27 : memref<40x128xi32, #tpu.memory_space<hbm>>) dst(%arg6 : memref<40x128xi32, #tpu.memory_space<vmem>>)
      tpu.yield
    }) : () -> ()
    "tpu.region"() ({
      %run_scoped3A_21 = tpu.sem_alloc : memref<!tpu.dma_semaphore, #tpu.memory_space<semaphore_mem>>
      %dma_start3A = arith.constant 0 : i32
      %dma_start3A_22 = tpu.memref_slice %arg3[%mul3A_2, %dma_start3A] : memref<1280x128xi32, #tpu.memory_space<hbm>> -> memref<40x128xi32, #tpu.memory_space<hbm>>
      %dma_start3A_23 = arith.constant 0 : i32
      %dma_start3A_24 = tpu.memref_slice %arg3[%mul3A_2, %dma_start3A_23] : memref<1280x128xi32, #tpu.memory_space<hbm>> -> memref<40x128xi32, #tpu.memory_space<hbm>>
      tpu.enqueue_dma source(%dma_start3A_24 : memref<40x128xi32, #tpu.memory_space<hbm>>) target(%arg7 : memref<40x128xi32, #tpu.memory_space<vmem>>) target_semaphore(%run_scoped3A_21 : memref<!tpu.dma_semaphore, #tpu.memory_space<semaphore_mem>>)
      %dma_wait3A = arith.constant 0 : i32
      %dma_wait3A_25 = tpu.memref_slice %arg3[%mul3A_2, %dma_wait3A] : memref<1280x128xi32, #tpu.memory_space<hbm>> -> memref<40x128xi32, #tpu.memory_space<hbm>>
      %dma_wait3A_26 = arith.constant 0 : i32
      %dma_wait3A_27 = tpu.memref_slice %arg3[%mul3A_2, %dma_wait3A_26] : memref<1280x128xi32, #tpu.memory_space<hbm>> -> memref<40x128xi32, #tpu.memory_space<hbm>>
      tpu.wait_dma2 semaphore(%run_scoped3A_21 : memref<!tpu.dma_semaphore, #tpu.memory_space<semaphore_mem>>) src(%dma_wait3A_27 : memref<40x128xi32, #tpu.memory_space<hbm>>) dst(%arg7 : memref<40x128xi32, #tpu.memory_space<vmem>>)
      tpu.yield
    }) : () -> ()
    "tpu.region"() ({
      %run_scoped3A_21 = tpu.sem_alloc : memref<!tpu.dma_semaphore, #tpu.memory_space<semaphore_mem>>
      %dma_start3A = arith.constant 0 : i32
      %dma_start3A_22 = tpu.memref_slice %arg4[%mul3A_2, %dma_start3A] : memref<1280x128xf32, #tpu.memory_space<hbm>> -> memref<40x128xf32, #tpu.memory_space<hbm>>
      %dma_start3A_23 = arith.constant 0 : i32
      %dma_start3A_24 = tpu.memref_slice %arg4[%mul3A_2, %dma_start3A_23] : memref<1280x128xf32, #tpu.memory_space<hbm>> -> memref<40x128xf32, #tpu.memory_space<hbm>>
      tpu.enqueue_dma source(%dma_start3A_24 : memref<40x128xf32, #tpu.memory_space<hbm>>) target(%arg8 : memref<40x128xf32, #tpu.memory_space<vmem>>) target_semaphore(%run_scoped3A_21 : memref<!tpu.dma_semaphore, #tpu.memory_space<semaphore_mem>>)
      %dma_wait3A = arith.constant 0 : i32
      %dma_wait3A_25 = tpu.memref_slice %arg4[%mul3A_2, %dma_wait3A] : memref<1280x128xf32, #tpu.memory_space<hbm>> -> memref<40x128xf32, #tpu.memory_space<hbm>>
      %dma_wait3A_26 = arith.constant 0 : i32
      %dma_wait3A_27 = tpu.memref_slice %arg4[%mul3A_2, %dma_wait3A_26] : memref<1280x128xf32, #tpu.memory_space<hbm>> -> memref<40x128xf32, #tpu.memory_space<hbm>>
      tpu.wait_dma2 semaphore(%run_scoped3A_21 : memref<!tpu.dma_semaphore, #tpu.memory_space<semaphore_mem>>) src(%dma_wait3A_27 : memref<40x128xf32, #tpu.memory_space<hbm>>) dst(%arg8 : memref<40x128xf32, #tpu.memory_space<vmem>>)
      tpu.yield
    }) : () -> ()
    %broadcast_in_dim3A = arith.constant 0.000000e+00 : f32
    %broadcast_in_dim3A_3 = vector.broadcast %broadcast_in_dim3A : f32 to vector<16xf32>
    %scan3A = arith.constant 0 : i32
    %scan3A_4 = arith.constant 0 : i32
    %scan3A_5 = arith.constant 640 : i32
    %scan3A_6 = arith.addi %scan3A_4, %scan3A_5 : i32
    %scan3A_7 = arith.constant 1 : i32
    %scan3A_8 = scf.for %scan3A_21 = %scan3A_4 to %scan3A_6 step %scan3A_7 iter_args(%scan3A_22 = %scan3A) -> (i32)  : i32 {
      %jit3A = arith.constant 8 : i32
      %div3A = arith.divsi %scan3A_21, %jit3A : i32
      %sign3A = arith.constant 0 : i32
      %sign3A_23 = arith.cmpi sgt, %scan3A_21, %sign3A : i32
      %sign3A_24 = arith.extui %sign3A_23 : i1 to i32
      %sign3A_25 = arith.constant 0 : i32
      %sign3A_26 = arith.cmpi slt, %scan3A_21, %sign3A_25 : i32
      %sign3A_27 = arith.extui %sign3A_26 : i1 to i32
      %sign3A_28 = arith.subi %sign3A_24, %sign3A_27 : i32
      %sign3A_29 = arith.constant 0 : i32
      %sign3A_30 = arith.cmpi sgt, %jit3A, %sign3A_29 : i32
      %sign3A_31 = arith.extui %sign3A_30 : i1 to i32
      %sign3A_32 = arith.constant 0 : i32
      %sign3A_33 = arith.cmpi slt, %jit3A, %sign3A_32 : i32
      %sign3A_34 = arith.extui %sign3A_33 : i1 to i32
      %sign3A_35 = arith.subi %sign3A_31, %sign3A_34 : i32
      %ne3A = arith.cmpi ne, %sign3A_28, %sign3A_35 : i32
      %rem3A = arith.remsi %scan3A_21, %jit3A : i32
      %ne3A_36 = arith.constant 0 : i32
      %ne3A_37 = arith.cmpi ne, %rem3A, %ne3A_36 : i32
      %and3A = arith.andi %ne3A, %ne3A_37 : i1
      %sub3A = arith.constant 1 : i32
      %sub3A_38 = arith.subi %div3A, %sub3A : i32
      %select_n3A = arith.select %and3A, %sub3A_38, %div3A : i32
      %jit3A_39 = arith.constant 8 : i32
      %eq3A = arith.constant 0 : i32
      %eq3A_40 = arith.cmpi eq, %jit3A_39, %eq3A : i32
      %jit3A_41 = arith.constant 1 : i32
      %select_n3A_42 = arith.select %eq3A_40, %jit3A_41, %jit3A_39 : i32
      %rem3A_43 = arith.remsi %scan3A_21, %select_n3A_42 : i32
      %ne3A_44 = arith.constant 0 : i32
      %ne3A_45 = arith.cmpi ne, %rem3A_43, %ne3A_44 : i32
      %lt3A = arith.constant 0 : i32
      %lt3A_46 = arith.cmpi slt, %rem3A_43, %lt3A : i32
      %lt3A_47 = arith.constant 0 : i32
      %lt3A_48 = arith.cmpi slt, %select_n3A_42, %lt3A_47 : i32
      %ne3A_49 = arith.xori %lt3A_46, %lt3A_48 : i1
      %and3A_50 = arith.andi %ne3A_49, %ne3A_45 : i1
      %add3A_51 = arith.addi %rem3A_43, %select_n3A_42 : i32
      %select_n3A_52 = arith.select %and3A_50, %add3A_51, %rem3A_43 : i32
      %mul3A_53 = arith.constant 16 : i32
      %mul3A_54 = arith.muli %select_n3A_52, %mul3A_53 : i32
      %swap3A = arith.index_cast %select_n3A : i32 to index
      %swap3A_55 = arith.index_cast %mul3A_54 : i32 to index
      %swap3A_56 = tpu.vector_load %arg9[%swap3A, %swap3A_55] {strides = array<i32>} : memref<80x128xf32, #tpu.memory_space<vmem>>, vector<16xf32>,
      tpu.vector_store %arg9[%swap3A, %swap3A_55], %broadcast_in_dim3A_3 {strides = array<i32>} : memref<80x128xf32, #tpu.memory_space<vmem>>, vector<16xf32>,
      %swap3A_57 = arith.index_cast %select_n3A : i32 to index
      %swap3A_58 = arith.index_cast %mul3A_54 : i32 to index
      %swap3A_59 = tpu.vector_load %arg10[%swap3A_57, %swap3A_58] {strides = array<i32>} : memref<80x128xf32, #tpu.memory_space<vmem>>, vector<16xf32>,
      tpu.vector_store %arg10[%swap3A_57, %swap3A_58], %broadcast_in_dim3A_3 {strides = array<i32>} : memref<80x128xf32, #tpu.memory_space<vmem>>, vector<16xf32>,
      %swap3A_60 = arith.index_cast %select_n3A : i32 to index
      %swap3A_61 = arith.index_cast %mul3A_54 : i32 to index
      %swap3A_62 = tpu.vector_load %arg11[%swap3A_60, %swap3A_61] {strides = array<i32>} : memref<80x128xf32, #tpu.memory_space<vmem>>, vector<16xf32>,
      tpu.vector_store %arg11[%swap3A_60, %swap3A_61], %broadcast_in_dim3A_3 {strides = array<i32>} : memref<80x128xf32, #tpu.memory_space<vmem>>, vector<16xf32>,
      %scan3A_63 = arith.constant 0 : i32
      scf.yield %scan3A_63 : i32
    }
    %scan3A_9 = arith.constant 640 : i32
    %broadcast_in_dim3A_10 = arith.constant 1.000000e+00 : f32
    %broadcast_in_dim3A_11 = vector.broadcast %broadcast_in_dim3A_10 : f32 to vector<16xf32>
    %scan3A_12 = arith.constant 0 : i32
    %scan3A_13 = arith.constant 0 : i32
    %scan3A_14 = arith.constant 320 : i32
    %scan3A_15 = arith.addi %scan3A_13, %scan3A_14 : i32
    %scan3A_16 = arith.constant 1 : i32
    %scan3A_17 = scf.for %scan3A_21 = %scan3A_13 to %scan3A_15 step %scan3A_16 iter_args(%scan3A_22 = %scan3A_12) -> (i32)  : i32 {
      %jit3A = arith.constant 8 : i32
      %div3A = arith.divsi %scan3A_21, %jit3A : i32
      %sign3A = arith.constant 0 : i32
      %sign3A_23 = arith.cmpi sgt, %scan3A_21, %sign3A : i32
      %sign3A_24 = arith.extui %sign3A_23 : i1 to i32
      %sign3A_25 = arith.constant 0 : i32
      %sign3A_26 = arith.cmpi slt, %scan3A_21, %sign3A_25 : i32
      %sign3A_27 = arith.extui %sign3A_26 : i1 to i32
      %sign3A_28 = arith.subi %sign3A_24, %sign3A_27 : i32
      %sign3A_29 = arith.constant 0 : i32
      %sign3A_30 = arith.cmpi sgt, %jit3A, %sign3A_29 : i32
      %sign3A_31 = arith.extui %sign3A_30 : i1 to i32
      %sign3A_32 = arith.constant 0 : i32
      %sign3A_33 = arith.cmpi slt, %jit3A, %sign3A_32 : i32
      %sign3A_34 = arith.extui %sign3A_33 : i1 to i32
      %sign3A_35 = arith.subi %sign3A_31, %sign3A_34 : i32
      %ne3A = arith.cmpi ne, %sign3A_28, %sign3A_35 : i32
      %rem3A = arith.remsi %scan3A_21, %jit3A : i32
      %ne3A_36 = arith.constant 0 : i32
      %ne3A_37 = arith.cmpi ne, %rem3A, %ne3A_36 : i32
      %and3A = arith.andi %ne3A, %ne3A_37 : i1
      %sub3A = arith.constant 1 : i32
      %sub3A_38 = arith.subi %div3A, %sub3A : i32
      %select_n3A = arith.select %and3A, %sub3A_38, %div3A : i32
      %jit3A_39 = arith.constant 8 : i32
      %eq3A = arith.constant 0 : i32
      %eq3A_40 = arith.cmpi eq, %jit3A_39, %eq3A : i32
      %jit3A_41 = arith.constant 1 : i32
      %select_n3A_42 = arith.select %eq3A_40, %jit3A_41, %jit3A_39 : i32
      %rem3A_43 = arith.remsi %scan3A_21, %select_n3A_42 : i32
      %ne3A_44 = arith.constant 0 : i32
      %ne3A_45 = arith.cmpi ne, %rem3A_43, %ne3A_44 : i32
      %lt3A = arith.constant 0 : i32
      %lt3A_46 = arith.cmpi slt, %rem3A_43, %lt3A : i32
      %lt3A_47 = arith.constant 0 : i32
      %lt3A_48 = arith.cmpi slt, %select_n3A_42, %lt3A_47 : i32
      %ne3A_49 = arith.xori %lt3A_46, %lt3A_48 : i1
      %and3A_50 = arith.andi %ne3A_49, %ne3A_45 : i1
      %add3A_51 = arith.addi %rem3A_43, %select_n3A_42 : i32
      %select_n3A_52 = arith.select %and3A_50, %add3A_51, %rem3A_43 : i32
      %mul3A_53 = arith.constant 16 : i32
      %mul3A_54 = arith.muli %select_n3A_52, %mul3A_53 : i32
      %get3A = arith.index_cast %select_n3A : i32 to index
      %get3A_55 = arith.index_cast %mul3A_54 : i32 to index
      %get3A_56 = tpu.vector_load %arg6[%get3A, %get3A_55] {strides = array<i32>} : memref<40x128xi32, #tpu.memory_space<vmem>>, vector<16xi32>,
      %get3A_57 = arith.index_cast %select_n3A : i32 to index
      %get3A_58 = arith.index_cast %mul3A_54 : i32 to index
      %get3A_59 = tpu.vector_load %arg7[%get3A_57, %get3A_58] {strides = array<i32>} : memref<40x128xi32, #tpu.memory_space<vmem>>, vector<16xi32>,
      %get3A_60 = arith.index_cast %select_n3A : i32 to index
      %get3A_61 = arith.index_cast %mul3A_54 : i32 to index
      %get3A_62 = tpu.vector_load %arg8[%get3A_60, %get3A_61] {strides = array<i32>} : memref<40x128xf32, #tpu.memory_space<vmem>>, vector<16xf32>,
      %jit3A_63 = arith.constant -1.000000e+03 : f32
      %jit3A_64 = arith.constant 1.000000e+03 : f32
      %max3A = vector.broadcast %jit3A_63 : f32 to vector<16xf32>
      %max3A_65 = arith.maximumf %max3A, %get3A_62 : vector<16xf32>
      %min3A = vector.broadcast %jit3A_64 : f32 to vector<16xf32>
      %min3A_66 = arith.minimumf %min3A, %max3A_65 : vector<16xf32>
      %shift_right_logical3A = arith.constant 7 : i32
      %shift_right_logical3A_67 = vector.broadcast %shift_right_logical3A : i32 to vector<16xi32>
      %shift_right_logical3A_68 = arith.shrui %get3A_56, %shift_right_logical3A_67 : vector<16xi32>
      %and3A_69 = arith.constant 127 : i32
      %and3A_70 = vector.broadcast %and3A_69 : i32 to vector<16xi32>
      %and3A_71 = arith.andi %get3A_56, %and3A_70 : vector<16xi32>
      %shift_right_logical3A_72 = arith.constant 7 : i32
      %shift_right_logical3A_73 = vector.broadcast %shift_right_logical3A_72 : i32 to vector<16xi32>
      %shift_right_logical3A_74 = arith.shrui %get3A_59, %shift_right_logical3A_73 : vector<16xi32>
      %and3A_75 = arith.constant 127 : i32
      %and3A_76 = vector.broadcast %and3A_75 : i32 to vector<16xi32>
      %and3A_77 = arith.andi %get3A_59, %and3A_76 : vector<16xi32>
      tpu.vector_store_idx %arg9[%shift_right_logical3A_68, %and3A_71], %broadcast_in_dim3A_11 {add = true} : memref<80x128xf32, #tpu.memory_space<vmem>>[vector<16xi32>, vector<16xi32>], vector<16xf32>,
      tpu.vector_store_idx %arg10[%shift_right_logical3A_74, %and3A_77], %broadcast_in_dim3A_11 {add = true} : memref<80x128xf32, #tpu.memory_space<vmem>>[vector<16xi32>, vector<16xi32>], vector<16xf32>,
      tpu.vector_store_idx %arg11[%shift_right_logical3A_68, %and3A_71], %min3A_66 {add = true} : memref<80x128xf32, #tpu.memory_space<vmem>>[vector<16xi32>, vector<16xi32>], vector<16xf32>,
      tpu.vector_store_idx %arg11[%shift_right_logical3A_74, %and3A_77], %min3A_66 {add = true} : memref<80x128xf32, #tpu.memory_space<vmem>>[vector<16xi32>, vector<16xi32>], vector<16xf32>,
      %scan3A_78 = arith.constant 0 : i32
      scf.yield %scan3A_78 : i32
    }
    %scan3A_18 = arith.constant 320 : i32
    %run_scoped3A = arith.constant 0 : i32
    "tpu.region"() ({
      %run_scoped3A_21 = tpu.sem_alloc : memref<!tpu.dma_semaphore, #tpu.memory_space<semaphore_mem>>
      %dma_start3A = arith.constant 0 : i32
      %dma_start3A_22 = arith.constant 0 : i32
      %dma_start3A_23 = tpu.memref_slice %arg5[%add3A, %run_scoped3A, %dma_start3A, %dma_start3A_22] : memref<32x3x80x128xf32, #tpu.memory_space<hbm>> -> memref<1x1x80x128xf32, #tpu.memory_space<hbm>>
      %dma_start3A_24 = tpu.memref_squeeze %dma_start3A_23 : memref<1x1x80x128xf32, #tpu.memory_space<hbm>> -> memref<80x128xf32, #tpu.memory_space<hbm>>
      %dma_start3A_25 = arith.constant 0 : i32
      %dma_start3A_26 = arith.constant 0 : i32
      %dma_start3A_27 = tpu.memref_slice %arg5[%add3A, %run_scoped3A, %dma_start3A_25, %dma_start3A_26] : memref<32x3x80x128xf32, #tpu.memory_space<hbm>> -> memref<1x1x80x128xf32, #tpu.memory_space<hbm>>
      %dma_start3A_28 = tpu.memref_squeeze %dma_start3A_27 : memref<1x1x80x128xf32, #tpu.memory_space<hbm>> -> memref<80x128xf32, #tpu.memory_space<hbm>>
      tpu.enqueue_dma source(%arg9 : memref<80x128xf32, #tpu.memory_space<vmem>>) target(%dma_start3A_28 : memref<80x128xf32, #tpu.memory_space<hbm>>) target_semaphore(%run_scoped3A_21 : memref<!tpu.dma_semaphore, #tpu.memory_space<semaphore_mem>>)
      %dma_wait3A = arith.constant 0 : i32
      %dma_wait3A_29 = arith.constant 0 : i32
      %dma_wait3A_30 = tpu.memref_slice %arg5[%add3A, %run_scoped3A, %dma_wait3A, %dma_wait3A_29] : memref<32x3x80x128xf32, #tpu.memory_space<hbm>> -> memref<1x1x80x128xf32, #tpu.memory_space<hbm>>
      %dma_wait3A_31 = tpu.memref_squeeze %dma_wait3A_30 : memref<1x1x80x128xf32, #tpu.memory_space<hbm>> -> memref<80x128xf32, #tpu.memory_space<hbm>>
      %dma_wait3A_32 = arith.constant 0 : i32
      %dma_wait3A_33 = arith.constant 0 : i32
      %dma_wait3A_34 = tpu.memref_slice %arg5[%add3A, %run_scoped3A, %dma_wait3A_32, %dma_wait3A_33] : memref<32x3x80x128xf32, #tpu.memory_space<hbm>> -> memref<1x1x80x128xf32, #tpu.memory_space<hbm>>
      %dma_wait3A_35 = tpu.memref_squeeze %dma_wait3A_34 : memref<1x1x80x128xf32, #tpu.memory_space<hbm>> -> memref<80x128xf32, #tpu.memory_space<hbm>>
      tpu.wait_dma2 semaphore(%run_scoped3A_21 : memref<!tpu.dma_semaphore, #tpu.memory_space<semaphore_mem>>) src(%arg9 : memref<80x128xf32, #tpu.memory_space<vmem>>) dst(%dma_wait3A_35 : memref<80x128xf32, #tpu.memory_space<hbm>>)
      tpu.yield
    }) : () -> ()
    %run_scoped3A_19 = arith.constant 1 : i32
    "tpu.region"() ({
      %run_scoped3A_21 = tpu.sem_alloc : memref<!tpu.dma_semaphore, #tpu.memory_space<semaphore_mem>>
      %dma_start3A = arith.constant 0 : i32
      %dma_start3A_22 = arith.constant 0 : i32
      %dma_start3A_23 = tpu.memref_slice %arg5[%add3A, %run_scoped3A_19, %dma_start3A, %dma_start3A_22] : memref<32x3x80x128xf32, #tpu.memory_space<hbm>> -> memref<1x1x80x128xf32, #tpu.memory_space<hbm>>
      %dma_start3A_24 = tpu.memref_squeeze %dma_start3A_23 : memref<1x1x80x128xf32, #tpu.memory_space<hbm>> -> memref<80x128xf32, #tpu.memory_space<hbm>>
      %dma_start3A_25 = arith.constant 0 : i32
      %dma_start3A_26 = arith.constant 0 : i32
      %dma_start3A_27 = tpu.memref_slice %arg5[%add3A, %run_scoped3A_19, %dma_start3A_25, %dma_start3A_26] : memref<32x3x80x128xf32, #tpu.memory_space<hbm>> -> memref<1x1x80x128xf32, #tpu.memory_space<hbm>>
      %dma_start3A_28 = tpu.memref_squeeze %dma_start3A_27 : memref<1x1x80x128xf32, #tpu.memory_space<hbm>> -> memref<80x128xf32, #tpu.memory_space<hbm>>
      tpu.enqueue_dma source(%arg10 : memref<80x128xf32, #tpu.memory_space<vmem>>) target(%dma_start3A_28 : memref<80x128xf32, #tpu.memory_space<hbm>>) target_semaphore(%run_scoped3A_21 : memref<!tpu.dma_semaphore, #tpu.memory_space<semaphore_mem>>)
      %dma_wait3A = arith.constant 0 : i32
      %dma_wait3A_29 = arith.constant 0 : i32
      %dma_wait3A_30 = tpu.memref_slice %arg5[%add3A, %run_scoped3A_19, %dma_wait3A, %dma_wait3A_29] : memref<32x3x80x128xf32, #tpu.memory_space<hbm>> -> memref<1x1x80x128xf32, #tpu.memory_space<hbm>>
      %dma_wait3A_31 = tpu.memref_squeeze %dma_wait3A_30 : memref<1x1x80x128xf32, #tpu.memory_space<hbm>> -> memref<80x128xf32, #tpu.memory_space<hbm>>
      %dma_wait3A_32 = arith.constant 0 : i32
      %dma_wait3A_33 = arith.constant 0 : i32
      %dma_wait3A_34 = tpu.memref_slice %arg5[%add3A, %run_scoped3A_19, %dma_wait3A_32, %dma_wait3A_33] : memref<32x3x80x128xf32, #tpu.memory_space<hbm>> -> memref<1x1x80x128xf32, #tpu.memory_space<hbm>>
      %dma_wait3A_35 = tpu.memref_squeeze %dma_wait3A_34 : memref<1x1x80x128xf32, #tpu.memory_space<hbm>> -> memref<80x128xf32, #tpu.memory_space<hbm>>
      tpu.wait_dma2 semaphore(%run_scoped3A_21 : memref<!tpu.dma_semaphore, #tpu.memory_space<semaphore_mem>>) src(%arg10 : memref<80x128xf32, #tpu.memory_space<vmem>>) dst(%dma_wait3A_35 : memref<80x128xf32, #tpu.memory_space<hbm>>)
      tpu.yield
    }) : () -> ()
    %run_scoped3A_20 = arith.constant 2 : i32
    "tpu.region"() ({
      %run_scoped3A_21 = tpu.sem_alloc : memref<!tpu.dma_semaphore, #tpu.memory_space<semaphore_mem>>
      %dma_start3A = arith.constant 0 : i32
      %dma_start3A_22 = arith.constant 0 : i32
      %dma_start3A_23 = tpu.memref_slice %arg5[%add3A, %run_scoped3A_20, %dma_start3A, %dma_start3A_22] : memref<32x3x80x128xf32, #tpu.memory_space<hbm>> -> memref<1x1x80x128xf32, #tpu.memory_space<hbm>>
      %dma_start3A_24 = tpu.memref_squeeze %dma_start3A_23 : memref<1x1x80x128xf32, #tpu.memory_space<hbm>> -> memref<80x128xf32, #tpu.memory_space<hbm>>
      %dma_start3A_25 = arith.constant 0 : i32
      %dma_start3A_26 = arith.constant 0 : i32
      %dma_start3A_27 = tpu.memref_slice %arg5[%add3A, %run_scoped3A_20, %dma_start3A_25, %dma_start3A_26] : memref<32x3x80x128xf32, #tpu.memory_space<hbm>> -> memref<1x1x80x128xf32, #tpu.memory_space<hbm>>
      %dma_start3A_28 = tpu.memref_squeeze %dma_start3A_27 : memref<1x1x80x128xf32, #tpu.memory_space<hbm>> -> memref<80x128xf32, #tpu.memory_space<hbm>>
      tpu.enqueue_dma source(%arg11 : memref<80x128xf32, #tpu.memory_space<vmem>>) target(%dma_start3A_28 : memref<80x128xf32, #tpu.memory_space<hbm>>) target_semaphore(%run_scoped3A_21 : memref<!tpu.dma_semaphore, #tpu.memory_space<semaphore_mem>>)
      %dma_wait3A = arith.constant 0 : i32
      %dma_wait3A_29 = arith.constant 0 : i32
      %dma_wait3A_30 = tpu.memref_slice %arg5[%add3A, %run_scoped3A_20, %dma_wait3A, %dma_wait3A_29] : memref<32x3x80x128xf32, #tpu.memory_space<hbm>> -> memref<1x1x80x128xf32, #tpu.memory_space<hbm>>
      %dma_wait3A_31 = tpu.memref_squeeze %dma_wait3A_30 : memref<1x1x80x128xf32, #tpu.memory_space<hbm>> -> memref<80x128xf32, #tpu.memory_space<hbm>>
      %dma_wait3A_32 = arith.constant 0 : i32
      %dma_wait3A_33 = arith.constant 0 : i32
      %dma_wait3A_34 = tpu.memref_slice %arg5[%add3A, %run_scoped3A_20, %dma_wait3A_32, %dma_wait3A_33] : memref<32x3x80x128xf32, #tpu.memory_space<hbm>> -> memref<1x1x80x128xf32, #tpu.memory_space<hbm>>
      %dma_wait3A_35 = tpu.memref_squeeze %dma_wait3A_34 : memref<1x1x80x128xf32, #tpu.memory_space<hbm>> -> memref<80x128xf32, #tpu.memory_space<hbm>>
      tpu.wait_dma2 semaphore(%run_scoped3A_21 : memref<!tpu.dma_semaphore, #tpu.memory_space<semaphore_mem>>) src(%arg11 : memref<80x128xf32, #tpu.memory_space<vmem>>) dst(%dma_wait3A_35 : memref<80x128xf32, #tpu.memory_space<hbm>>)
      tpu.yield
    }) : () -> ()
    return
  }
}

#map = affine_map<(d0, d1) -> (0, 0)>
#map1 = affine_map<(d0, d1) -> (0, 0, 0)>
module attributes {stable_mosaic.version = 14 : i64} {
  func.func @_sc_agg_body(%arg0: i32, %arg1: i32, %arg2: memref<40960x128xf32, #tpu.memory_space<hbm>>, %arg3: memref<4x1280x128xi32, #tpu.memory_space<hbm>>, %arg4: memref<1280x128xi32, #tpu.memory_space<hbm>>, %arg5: memref<4x10240x128xf32, #tpu.memory_space<hbm>>, %arg6: memref<40x128xi32, #tpu.memory_space<vmem>>, %arg7: memref<40x128xi32, #tpu.memory_space<vmem>>, %arg8: memref<128x128xf32, #tpu.memory_space<vmem>>, %arg9: memref<128x128xf32, #tpu.memory_space<vmem>>, %arg10: memref<10240x128xf32, #tpu.memory_space<vmem_shared>>, %arg11: memref<!tpu.dma_semaphore, #tpu.memory_space<semaphore_mem>>, %arg12: memref<!tpu.dma_semaphore, #tpu.memory_space<semaphore_mem>>, %arg13: memref<!tpu.dma_semaphore, #tpu.memory_space<semaphore_mem>>, %arg14: memref<!tpu.dma_semaphore, #tpu.memory_space<semaphore_mem>>) attributes {dimension_semantics = [#tpu.dimension_semantics<core_parallel>, #tpu.dimension_semantics<subcore_parallel>], iteration_bounds = array<i64: 2, 16>, scalar_prefetch = 0 : i64, scratch_operands = 9 : i64, tpu.core_type = #tpu.core_type<sc_vector_subcore>, window_params = [{transform_indices = #map}, {transform_indices = #map1}, {transform_indices = #map}, {transform_indices = #map1}]} {
    %mul3A = arith.constant 80 : i32
    %mul3A_0 = arith.muli %arg1, %mul3A : i32
    %mul3A_1 = arith.constant 2 : i32
    %mul3A_2 = arith.muli %arg0, %mul3A_1 : i32
    %add3A = arith.constant 0 : i32
    %add3A_3 = arith.addi %mul3A_2, %add3A : i32
    %mul3A_4 = arith.constant 10240 : i32
    %mul3A_5 = arith.muli %add3A_3, %mul3A_4 : i32
    %mul3A_6 = arith.constant 640 : i32
    %mul3A_7 = arith.muli %arg1, %mul3A_6 : i32
    %add3A_8 = arith.addi %mul3A_5, %mul3A_7 : i32
    %mul3A_9 = arith.constant 640 : i32
    %mul3A_10 = arith.muli %arg1, %mul3A_9 : i32
    "tpu.region"() ({
      %run_scoped3A = tpu.sem_alloc : memref<!tpu.dma_semaphore, #tpu.memory_space<semaphore_mem>>
      %dma_start3A_105 = arith.constant 0 : i32
      %dma_start3A_106 = tpu.memref_slice %arg10[%mul3A_10, %dma_start3A_105] : memref<10240x128xf32, #tpu.memory_space<vmem_shared>> -> memref<640x128xf32, #tpu.memory_space<vmem_shared>>
      %dma_start3A_107 = arith.constant 0 : i32
      %dma_start3A_108 = tpu.memref_slice %arg2[%add3A_8, %dma_start3A_107] : memref<40960x128xf32, #tpu.memory_space<hbm>> -> memref<640x128xf32, #tpu.memory_space<hbm>>
      tpu.enqueue_dma source(%dma_start3A_108 : memref<640x128xf32, #tpu.memory_space<hbm>>) target(%dma_start3A_106 : memref<640x128xf32, #tpu.memory_space<vmem_shared>>) target_semaphore(%run_scoped3A : memref<!tpu.dma_semaphore, #tpu.memory_space<semaphore_mem>>)
      %dma_wait3A = arith.constant 0 : i32
      %dma_wait3A_109 = tpu.memref_slice %arg10[%mul3A_10, %dma_wait3A] : memref<10240x128xf32, #tpu.memory_space<vmem_shared>> -> memref<640x128xf32, #tpu.memory_space<vmem_shared>>
      %dma_wait3A_110 = arith.constant 0 : i32
      %dma_wait3A_111 = tpu.memref_slice %arg2[%add3A_8, %dma_wait3A_110] : memref<40960x128xf32, #tpu.memory_space<hbm>> -> memref<640x128xf32, #tpu.memory_space<hbm>>
      tpu.wait_dma2 semaphore(%run_scoped3A : memref<!tpu.dma_semaphore, #tpu.memory_space<semaphore_mem>>) src(%dma_wait3A_111 : memref<640x128xf32, #tpu.memory_space<hbm>>) dst(%dma_wait3A_109 : memref<640x128xf32, #tpu.memory_space<vmem_shared>>)
      tpu.yield
    }) : () -> ()
    %barrier3A = arith.constant 0 : index
    tpu.barrier barrier_id(%barrier3A)
    %add3A_11 = arith.constant 0 : i32
    %add3A_12 = arith.addi %mul3A_0, %add3A_11 : i32
    "tpu.region"() ({
      %run_scoped3A = tpu.sem_alloc : memref<!tpu.dma_semaphore, #tpu.memory_space<semaphore_mem>>
      %dma_start3A_105 = arith.constant 0 : i32
      %dma_start3A_106 = tpu.memref_slice %arg3[%add3A_3, %add3A_12, %dma_start3A_105] : memref<4x1280x128xi32, #tpu.memory_space<hbm>> -> memref<1x40x128xi32, #tpu.memory_space<hbm>>
      %dma_start3A_107 = tpu.memref_squeeze %dma_start3A_106 : memref<1x40x128xi32, #tpu.memory_space<hbm>> -> memref<40x128xi32, #tpu.memory_space<hbm>>
      %dma_start3A_108 = arith.constant 0 : i32
      %dma_start3A_109 = tpu.memref_slice %arg3[%add3A_3, %add3A_12, %dma_start3A_108] : memref<4x1280x128xi32, #tpu.memory_space<hbm>> -> memref<1x40x128xi32, #tpu.memory_space<hbm>>
      %dma_start3A_110 = tpu.memref_squeeze %dma_start3A_109 : memref<1x40x128xi32, #tpu.memory_space<hbm>> -> memref<40x128xi32, #tpu.memory_space<hbm>>
      tpu.enqueue_dma source(%dma_start3A_110 : memref<40x128xi32, #tpu.memory_space<hbm>>) target(%arg6 : memref<40x128xi32, #tpu.memory_space<vmem>>) target_semaphore(%run_scoped3A : memref<!tpu.dma_semaphore, #tpu.memory_space<semaphore_mem>>)
      %dma_wait3A = arith.constant 0 : i32
      %dma_wait3A_111 = tpu.memref_slice %arg3[%add3A_3, %add3A_12, %dma_wait3A] : memref<4x1280x128xi32, #tpu.memory_space<hbm>> -> memref<1x40x128xi32, #tpu.memory_space<hbm>>
      %dma_wait3A_112 = tpu.memref_squeeze %dma_wait3A_111 : memref<1x40x128xi32, #tpu.memory_space<hbm>> -> memref<40x128xi32, #tpu.memory_space<hbm>>
      %dma_wait3A_113 = arith.constant 0 : i32
      %dma_wait3A_114 = tpu.memref_slice %arg3[%add3A_3, %add3A_12, %dma_wait3A_113] : memref<4x1280x128xi32, #tpu.memory_space<hbm>> -> memref<1x40x128xi32, #tpu.memory_space<hbm>>
      %dma_wait3A_115 = tpu.memref_squeeze %dma_wait3A_114 : memref<1x40x128xi32, #tpu.memory_space<hbm>> -> memref<40x128xi32, #tpu.memory_space<hbm>>
      tpu.wait_dma2 semaphore(%run_scoped3A : memref<!tpu.dma_semaphore, #tpu.memory_space<semaphore_mem>>) src(%dma_wait3A_115 : memref<40x128xi32, #tpu.memory_space<hbm>>) dst(%arg6 : memref<40x128xi32, #tpu.memory_space<vmem>>)
      tpu.yield
    }) : () -> ()
    %add3A_13 = arith.constant 0 : i32
    %add3A_14 = arith.addi %mul3A_0, %add3A_13 : i32
    "tpu.region"() ({
      %run_scoped3A = tpu.sem_alloc : memref<!tpu.dma_semaphore, #tpu.memory_space<semaphore_mem>>
      %dma_start3A_105 = arith.constant 0 : i32
      %dma_start3A_106 = tpu.memref_slice %arg4[%add3A_14, %dma_start3A_105] : memref<1280x128xi32, #tpu.memory_space<hbm>> -> memref<40x128xi32, #tpu.memory_space<hbm>>
      %dma_start3A_107 = arith.constant 0 : i32
      %dma_start3A_108 = tpu.memref_slice %arg4[%add3A_14, %dma_start3A_107] : memref<1280x128xi32, #tpu.memory_space<hbm>> -> memref<40x128xi32, #tpu.memory_space<hbm>>
      tpu.enqueue_dma source(%dma_start3A_108 : memref<40x128xi32, #tpu.memory_space<hbm>>) target(%arg7 : memref<40x128xi32, #tpu.memory_space<vmem>>) target_semaphore(%run_scoped3A : memref<!tpu.dma_semaphore, #tpu.memory_space<semaphore_mem>>)
      %dma_wait3A = arith.constant 0 : i32
      %dma_wait3A_109 = tpu.memref_slice %arg4[%add3A_14, %dma_wait3A] : memref<1280x128xi32, #tpu.memory_space<hbm>> -> memref<40x128xi32, #tpu.memory_space<hbm>>
      %dma_wait3A_110 = arith.constant 0 : i32
      %dma_wait3A_111 = tpu.memref_slice %arg4[%add3A_14, %dma_wait3A_110] : memref<1280x128xi32, #tpu.memory_space<hbm>> -> memref<40x128xi32, #tpu.memory_space<hbm>>
      tpu.wait_dma2 semaphore(%run_scoped3A : memref<!tpu.dma_semaphore, #tpu.memory_space<semaphore_mem>>) src(%dma_wait3A_111 : memref<40x128xi32, #tpu.memory_space<hbm>>) dst(%arg7 : memref<40x128xi32, #tpu.memory_space<vmem>>)
      tpu.yield
    }) : () -> ()
    %dma_start3A = arith.constant 0 : i32
    %dma_start3A_15 = arith.constant 0 : i32
    %dma_start3A_16 = tpu.memref_slice %arg6[%dma_start3A, %dma_start3A_15] : memref<40x128xi32, #tpu.memory_space<vmem>> -> memref<1x128xi32, #tpu.memory_space<vmem>>
    %dma_start3A_17 = tpu.memref_squeeze %dma_start3A_16 : memref<1x128xi32, #tpu.memory_space<vmem>> -> memref<128xi32, #tpu.memory_space<vmem>>
    %dma_start3A_18 = arith.constant 0 : i32
    %dma_start3A_19 = arith.constant 0 : i32
    %dma_start3A_20 = tpu.memref_slice %arg2[%dma_start3A_18, %dma_start3A_19] : memref<40960x128xf32, #tpu.memory_space<hbm>> -> memref<40960x128xf32, #tpu.memory_space<hbm>>
    tpu.enqueue_indirect_dma source(%dma_start3A_20 : memref<40960x128xf32, #tpu.memory_space<hbm>>) target(%arg8 : memref<128x128xf32, #tpu.memory_space<vmem>>) offsets(%dma_start3A_17 : memref<128xi32, #tpu.memory_space<vmem>>) semaphore(%arg11 : memref<!tpu.dma_semaphore, #tpu.memory_space<semaphore_mem>>)
    %scan3A = arith.constant 0 : i32
    %scan3A_21 = arith.constant 0 : i32
    %scan3A_22 = arith.constant 20 : i32
    %scan3A_23 = arith.addi %scan3A_21, %scan3A_22 : i32
    %scan3A_24 = arith.constant 1 : i32
    %scan3A_25 = scf.for %scan3A_105 = %scan3A_21 to %scan3A_23 step %scan3A_24 iter_args(%scan3A_106 = %scan3A) -> (i32)  : i32 {
      %mul3A_107 = arith.constant 2 : i32
      %mul3A_108 = arith.muli %mul3A_107, %scan3A_105 : i32
      %mul3A_109 = arith.constant 2 : i32
      %mul3A_110 = arith.muli %mul3A_109, %scan3A_105 : i32
      %add3A_111 = arith.constant 1 : i32
      %add3A_112 = arith.addi %mul3A_110, %add3A_111 : i32
      %dma_start3A_113 = arith.constant 0 : i32
      %dma_start3A_114 = tpu.memref_slice %arg6[%add3A_112, %dma_start3A_113] : memref<40x128xi32, #tpu.memory_space<vmem>> -> memref<1x128xi32, #tpu.memory_space<vmem>>
      %dma_start3A_115 = tpu.memref_squeeze %dma_start3A_114 : memref<1x128xi32, #tpu.memory_space<vmem>> -> memref<128xi32, #tpu.memory_space<vmem>>
      %dma_start3A_116 = arith.constant 0 : i32
      %dma_start3A_117 = arith.constant 0 : i32
      %dma_start3A_118 = tpu.memref_slice %arg2[%dma_start3A_116, %dma_start3A_117] : memref<40960x128xf32, #tpu.memory_space<hbm>> -> memref<40960x128xf32, #tpu.memory_space<hbm>>
      tpu.enqueue_indirect_dma source(%dma_start3A_118 : memref<40960x128xf32, #tpu.memory_space<hbm>>) target(%arg9 : memref<128x128xf32, #tpu.memory_space<vmem>>) offsets(%dma_start3A_115 : memref<128xi32, #tpu.memory_space<vmem>>) semaphore(%arg12 : memref<!tpu.dma_semaphore, #tpu.memory_space<semaphore_mem>>)
      %dma_wait3A = arith.constant 0 : i32
      %dma_wait3A_119 = tpu.memref_slice %arg6[%mul3A_108, %dma_wait3A] : memref<40x128xi32, #tpu.memory_space<vmem>> -> memref<1x128xi32, #tpu.memory_space<vmem>>
      %dma_wait3A_120 = tpu.memref_squeeze %dma_wait3A_119 : memref<1x128xi32, #tpu.memory_space<vmem>> -> memref<128xi32, #tpu.memory_space<vmem>>
      %dma_wait3A_121 = arith.constant 0 : i32
      %dma_wait3A_122 = arith.constant 0 : i32
      %dma_wait3A_123 = tpu.memref_slice %arg2[%dma_wait3A_121, %dma_wait3A_122] : memref<40960x128xf32, #tpu.memory_space<hbm>> -> memref<40960x128xf32, #tpu.memory_space<hbm>>
      tpu.wait_indirect_dma semaphore(%arg11 : memref<!tpu.dma_semaphore, #tpu.memory_space<semaphore_mem>>) src(%dma_wait3A_123 : memref<40960x128xf32, #tpu.memory_space<hbm>>) dst(%arg8 : memref<128x128xf32, #tpu.memory_space<vmem>>)
      "tpu.region"() ({
        %run_scoped3A = tpu.sem_alloc : memref<!tpu.dma_semaphore, #tpu.memory_space<semaphore_mem>>
        %dma_start3A_133 = arith.constant 0 : i32
        %dma_start3A_134 = tpu.memref_slice %arg7[%mul3A_108, %dma_start3A_133] : memref<40x128xi32, #tpu.memory_space<vmem>> -> memref<1x128xi32, #tpu.memory_space<vmem>>
        %dma_start3A_135 = tpu.memref_squeeze %dma_start3A_134 : memref<1x128xi32, #tpu.memory_space<vmem>> -> memref<128xi32, #tpu.memory_space<vmem>>
        %dma_start3A_136 = arith.constant 0 : i32
        %dma_start3A_137 = arith.constant 0 : i32
        %dma_start3A_138 = tpu.memref_slice %arg10[%dma_start3A_136, %dma_start3A_137] : memref<10240x128xf32, #tpu.memory_space<vmem_shared>> -> memref<10240x128xf32, #tpu.memory_space<vmem_shared>>
        tpu.enqueue_indirect_dma source(%arg8 : memref<128x128xf32, #tpu.memory_space<vmem>>) target(%dma_start3A_138 : memref<10240x128xf32, #tpu.memory_space<vmem_shared>>) offsets(%dma_start3A_135 : memref<128xi32, #tpu.memory_space<vmem>>) semaphore(%run_scoped3A : memref<!tpu.dma_semaphore, #tpu.memory_space<semaphore_mem>>) {add = true}
        %dma_wait3A_139 = arith.constant 0 : i32
        %dma_wait3A_140 = tpu.memref_slice %arg7[%mul3A_108, %dma_wait3A_139] : memref<40x128xi32, #tpu.memory_space<vmem>> -> memref<1x128xi32, #tpu.memory_space<vmem>>
        %dma_wait3A_141 = tpu.memref_squeeze %dma_wait3A_140 : memref<1x128xi32, #tpu.memory_space<vmem>> -> memref<128xi32, #tpu.memory_space<vmem>>
        %dma_wait3A_142 = arith.constant 0 : i32
        %dma_wait3A_143 = arith.constant 0 : i32
        %dma_wait3A_144 = tpu.memref_slice %arg10[%dma_wait3A_142, %dma_wait3A_143] : memref<10240x128xf32, #tpu.memory_space<vmem_shared>> -> memref<10240x128xf32, #tpu.memory_space<vmem_shared>>
        tpu.wait_indirect_dma semaphore(%run_scoped3A : memref<!tpu.dma_semaphore, #tpu.memory_space<semaphore_mem>>) src(%arg8 : memref<128x128xf32, #tpu.memory_space<vmem>>) dst(%dma_wait3A_144 : memref<10240x128xf32, #tpu.memory_space<vmem_shared>>)
        tpu.yield
      }) : () -> ()
      %lt3A = arith.constant 19 : i32
      %lt3A_124 = arith.cmpi slt, %scan3A_105, %lt3A : i32
      %convert_element_type3A = arith.extui %lt3A_124 : i1 to i32
      %cond3A = arith.constant 0 : i32
      %cond3A_125 = arith.cmpi ne, %convert_element_type3A, %cond3A : i32
      scf.if %cond3A_125 {
        %add3A_133 = arith.constant 2 : i32
        %add3A_134 = arith.addi %mul3A_108, %add3A_133 : i32
        %dma_start3A_135 = arith.constant 0 : i32
        %dma_start3A_136 = tpu.memref_slice %arg6[%add3A_134, %dma_start3A_135] : memref<40x128xi32, #tpu.memory_space<vmem>> -> memref<1x128xi32, #tpu.memory_space<vmem>>
        %dma_start3A_137 = tpu.memref_squeeze %dma_start3A_136 : memref<1x128xi32, #tpu.memory_space<vmem>> -> memref<128xi32, #tpu.memory_space<vmem>>
        %dma_start3A_138 = arith.constant 0 : i32
        %dma_start3A_139 = arith.constant 0 : i32
        %dma_start3A_140 = tpu.memref_slice %arg2[%dma_start3A_138, %dma_start3A_139] : memref<40960x128xf32, #tpu.memory_space<hbm>> -> memref<40960x128xf32, #tpu.memory_space<hbm>>
        tpu.enqueue_indirect_dma source(%dma_start3A_140 : memref<40960x128xf32, #tpu.memory_space<hbm>>) target(%arg8 : memref<128x128xf32, #tpu.memory_space<vmem>>) offsets(%dma_start3A_137 : memref<128xi32, #tpu.memory_space<vmem>>) semaphore(%arg11 : memref<!tpu.dma_semaphore, #tpu.memory_space<semaphore_mem>>)
      } else {
      }
      %dma_wait3A_126 = arith.constant 0 : i32
      %dma_wait3A_127 = tpu.memref_slice %arg6[%add3A_112, %dma_wait3A_126] : memref<40x128xi32, #tpu.memory_space<vmem>> -> memref<1x128xi32, #tpu.memory_space<vmem>>
      %dma_wait3A_128 = tpu.memref_squeeze %dma_wait3A_127 : memref<1x128xi32, #tpu.memory_space<vmem>> -> memref<128xi32, #tpu.memory_space<vmem>>
      %dma_wait3A_129 = arith.constant 0 : i32
      %dma_wait3A_130 = arith.constant 0 : i32
      %dma_wait3A_131 = tpu.memref_slice %arg2[%dma_wait3A_129, %dma_wait3A_130] : memref<40960x128xf32, #tpu.memory_space<hbm>> -> memref<40960x128xf32, #tpu.memory_space<hbm>>
      tpu.wait_indirect_dma semaphore(%arg12 : memref<!tpu.dma_semaphore, #tpu.memory_space<semaphore_mem>>) src(%dma_wait3A_131 : memref<40960x128xf32, #tpu.memory_space<hbm>>) dst(%arg9 : memref<128x128xf32, #tpu.memory_space<vmem>>)
      "tpu.region"() ({
        %run_scoped3A = tpu.sem_alloc : memref<!tpu.dma_semaphore, #tpu.memory_space<semaphore_mem>>
        %dma_start3A_133 = arith.constant 0 : i32
        %dma_start3A_134 = tpu.memref_slice %arg7[%add3A_112, %dma_start3A_133] : memref<40x128xi32, #tpu.memory_space<vmem>> -> memref<1x128xi32, #tpu.memory_space<vmem>>
        %dma_start3A_135 = tpu.memref_squeeze %dma_start3A_134 : memref<1x128xi32, #tpu.memory_space<vmem>> -> memref<128xi32, #tpu.memory_space<vmem>>
        %dma_start3A_136 = arith.constant 0 : i32
        %dma_start3A_137 = arith.constant 0 : i32
        %dma_start3A_138 = tpu.memref_slice %arg10[%dma_start3A_136, %dma_start3A_137] : memref<10240x128xf32, #tpu.memory_space<vmem_shared>> -> memref<10240x128xf32, #tpu.memory_space<vmem_shared>>
        tpu.enqueue_indirect_dma source(%arg9 : memref<128x128xf32, #tpu.memory_space<vmem>>) target(%dma_start3A_138 : memref<10240x128xf32, #tpu.memory_space<vmem_shared>>) offsets(%dma_start3A_135 : memref<128xi32, #tpu.memory_space<vmem>>) semaphore(%run_scoped3A : memref<!tpu.dma_semaphore, #tpu.memory_space<semaphore_mem>>) {add = true}
        %dma_wait3A_139 = arith.constant 0 : i32
        %dma_wait3A_140 = tpu.memref_slice %arg7[%add3A_112, %dma_wait3A_139] : memref<40x128xi32, #tpu.memory_space<vmem>> -> memref<1x128xi32, #tpu.memory_space<vmem>>
        %dma_wait3A_141 = tpu.memref_squeeze %dma_wait3A_140 : memref<1x128xi32, #tpu.memory_space<vmem>> -> memref<128xi32, #tpu.memory_space<vmem>>
        %dma_wait3A_142 = arith.constant 0 : i32
        %dma_wait3A_143 = arith.constant 0 : i32
        %dma_wait3A_144 = tpu.memref_slice %arg10[%dma_wait3A_142, %dma_wait3A_143] : memref<10240x128xf32, #tpu.memory_space<vmem_shared>> -> memref<10240x128xf32, #tpu.memory_space<vmem_shared>>
        tpu.wait_indirect_dma semaphore(%run_scoped3A : memref<!tpu.dma_semaphore, #tpu.memory_space<semaphore_mem>>) src(%arg9 : memref<128x128xf32, #tpu.memory_space<vmem>>) dst(%dma_wait3A_144 : memref<10240x128xf32, #tpu.memory_space<vmem_shared>>)
        tpu.yield
      }) : () -> ()
      %scan3A_132 = arith.constant 0 : i32
      scf.yield %scan3A_132 : i32
    }
    %scan3A_26 = arith.constant 20 : i32
    %add3A_27 = arith.constant 40 : i32
    %add3A_28 = arith.addi %mul3A_0, %add3A_27 : i32
    "tpu.region"() ({
      %run_scoped3A = tpu.sem_alloc : memref<!tpu.dma_semaphore, #tpu.memory_space<semaphore_mem>>
      %dma_start3A_105 = arith.constant 0 : i32
      %dma_start3A_106 = tpu.memref_slice %arg3[%add3A_3, %add3A_28, %dma_start3A_105] : memref<4x1280x128xi32, #tpu.memory_space<hbm>> -> memref<1x40x128xi32, #tpu.memory_space<hbm>>
      %dma_start3A_107 = tpu.memref_squeeze %dma_start3A_106 : memref<1x40x128xi32, #tpu.memory_space<hbm>> -> memref<40x128xi32, #tpu.memory_space<hbm>>
      %dma_start3A_108 = arith.constant 0 : i32
      %dma_start3A_109 = tpu.memref_slice %arg3[%add3A_3, %add3A_28, %dma_start3A_108] : memref<4x1280x128xi32, #tpu.memory_space<hbm>> -> memref<1x40x128xi32, #tpu.memory_space<hbm>>
      %dma_start3A_110 = tpu.memref_squeeze %dma_start3A_109 : memref<1x40x128xi32, #tpu.memory_space<hbm>> -> memref<40x128xi32, #tpu.memory_space<hbm>>
      tpu.enqueue_dma source(%dma_start3A_110 : memref<40x128xi32, #tpu.memory_space<hbm>>) target(%arg6 : memref<40x128xi32, #tpu.memory_space<vmem>>) target_semaphore(%run_scoped3A : memref<!tpu.dma_semaphore, #tpu.memory_space<semaphore_mem>>)
      %dma_wait3A = arith.constant 0 : i32
      %dma_wait3A_111 = tpu.memref_slice %arg3[%add3A_3, %add3A_28, %dma_wait3A] : memref<4x1280x128xi32, #tpu.memory_space<hbm>> -> memref<1x40x128xi32, #tpu.memory_space<hbm>>
      %dma_wait3A_112 = tpu.memref_squeeze %dma_wait3A_111 : memref<1x40x128xi32, #tpu.memory_space<hbm>> -> memref<40x128xi32, #tpu.memory_space<hbm>>
      %dma_wait3A_113 = arith.constant 0 : i32
      %dma_wait3A_114 = tpu.memref_slice %arg3[%add3A_3, %add3A_28, %dma_wait3A_113] : memref<4x1280x128xi32, #tpu.memory_space<hbm>> -> memref<1x40x128xi32, #tpu.memory_space<hbm>>
      %dma_wait3A_115 = tpu.memref_squeeze %dma_wait3A_114 : memref<1x40x128xi32, #tpu.memory_space<hbm>> -> memref<40x128xi32, #tpu.memory_space<hbm>>
      tpu.wait_dma2 semaphore(%run_scoped3A : memref<!tpu.dma_semaphore, #tpu.memory_space<semaphore_mem>>) src(%dma_wait3A_115 : memref<40x128xi32, #tpu.memory_space<hbm>>) dst(%arg6 : memref<40x128xi32, #tpu.memory_space<vmem>>)
      tpu.yield
    }) : () -> ()
    %add3A_29 = arith.constant 40 : i32
    %add3A_30 = arith.addi %mul3A_0, %add3A_29 : i32
    "tpu.region"() ({
      %run_scoped3A = tpu.sem_alloc : memref<!tpu.dma_semaphore, #tpu.memory_space<semaphore_mem>>
      %dma_start3A_105 = arith.constant 0 : i32
      %dma_start3A_106 = tpu.memref_slice %arg4[%add3A_30, %dma_start3A_105] : memref<1280x128xi32, #tpu.memory_space<hbm>> -> memref<40x128xi32, #tpu.memory_space<hbm>>
      %dma_start3A_107 = arith.constant 0 : i32
      %dma_start3A_108 = tpu.memref_slice %arg4[%add3A_30, %dma_start3A_107] : memref<1280x128xi32, #tpu.memory_space<hbm>> -> memref<40x128xi32, #tpu.memory_space<hbm>>
      tpu.enqueue_dma source(%dma_start3A_108 : memref<40x128xi32, #tpu.memory_space<hbm>>) target(%arg7 : memref<40x128xi32, #tpu.memory_space<vmem>>) target_semaphore(%run_scoped3A : memref<!tpu.dma_semaphore, #tpu.memory_space<semaphore_mem>>)
      %dma_wait3A = arith.constant 0 : i32
      %dma_wait3A_109 = tpu.memref_slice %arg4[%add3A_30, %dma_wait3A] : memref<1280x128xi32, #tpu.memory_space<hbm>> -> memref<40x128xi32, #tpu.memory_space<hbm>>
      %dma_wait3A_110 = arith.constant 0 : i32
      %dma_wait3A_111 = tpu.memref_slice %arg4[%add3A_30, %dma_wait3A_110] : memref<1280x128xi32, #tpu.memory_space<hbm>> -> memref<40x128xi32, #tpu.memory_space<hbm>>
      tpu.wait_dma2 semaphore(%run_scoped3A : memref<!tpu.dma_semaphore, #tpu.memory_space<semaphore_mem>>) src(%dma_wait3A_111 : memref<40x128xi32, #tpu.memory_space<hbm>>) dst(%arg7 : memref<40x128xi32, #tpu.memory_space<vmem>>)
      tpu.yield
    }) : () -> ()
    %dma_start3A_31 = arith.constant 0 : i32
    %dma_start3A_32 = arith.constant 0 : i32
    %dma_start3A_33 = tpu.memref_slice %arg6[%dma_start3A_31, %dma_start3A_32] : memref<40x128xi32, #tpu.memory_space<vmem>> -> memref<1x128xi32, #tpu.memory_space<vmem>>
    %dma_start3A_34 = tpu.memref_squeeze %dma_start3A_33 : memref<1x128xi32, #tpu.memory_space<vmem>> -> memref<128xi32, #tpu.memory_space<vmem>>
    %dma_start3A_35 = arith.constant 0 : i32
    %dma_start3A_36 = arith.constant 0 : i32
    %dma_start3A_37 = tpu.memref_slice %arg2[%dma_start3A_35, %dma_start3A_36] : memref<40960x128xf32, #tpu.memory_space<hbm>> -> memref<40960x128xf32, #tpu.memory_space<hbm>>
    tpu.enqueue_indirect_dma source(%dma_start3A_37 : memref<40960x128xf32, #tpu.memory_space<hbm>>) target(%arg8 : memref<128x128xf32, #tpu.memory_space<vmem>>) offsets(%dma_start3A_34 : memref<128xi32, #tpu.memory_space<vmem>>) semaphore(%arg11 : memref<!tpu.dma_semaphore, #tpu.memory_space<semaphore_mem>>)
    %scan3A_38 = arith.constant 0 : i32
    %scan3A_39 = arith.constant 0 : i32
    %scan3A_40 = arith.constant 20 : i32
    %scan3A_41 = arith.addi %scan3A_39, %scan3A_40 : i32
    %scan3A_42 = arith.constant 1 : i32
    %scan3A_43 = scf.for %scan3A_105 = %scan3A_39 to %scan3A_41 step %scan3A_42 iter_args(%scan3A_106 = %scan3A_38) -> (i32)  : i32 {
      %mul3A_107 = arith.constant 2 : i32
      %mul3A_108 = arith.muli %mul3A_107, %scan3A_105 : i32
      %mul3A_109 = arith.constant 2 : i32
      %mul3A_110 = arith.muli %mul3A_109, %scan3A_105 : i32
      %add3A_111 = arith.constant 1 : i32
      %add3A_112 = arith.addi %mul3A_110, %add3A_111 : i32
      %dma_start3A_113 = arith.constant 0 : i32
      %dma_start3A_114 = tpu.memref_slice %arg6[%add3A_112, %dma_start3A_113] : memref<40x128xi32, #tpu.memory_space<vmem>> -> memref<1x128xi32, #tpu.memory_space<vmem>>
      %dma_start3A_115 = tpu.memref_squeeze %dma_start3A_114 : memref<1x128xi32, #tpu.memory_space<vmem>> -> memref<128xi32, #tpu.memory_space<vmem>>
      %dma_start3A_116 = arith.constant 0 : i32
      %dma_start3A_117 = arith.constant 0 : i32
      %dma_start3A_118 = tpu.memref_slice %arg2[%dma_start3A_116, %dma_start3A_117] : memref<40960x128xf32, #tpu.memory_space<hbm>> -> memref<40960x128xf32, #tpu.memory_space<hbm>>
      tpu.enqueue_indirect_dma source(%dma_start3A_118 : memref<40960x128xf32, #tpu.memory_space<hbm>>) target(%arg9 : memref<128x128xf32, #tpu.memory_space<vmem>>) offsets(%dma_start3A_115 : memref<128xi32, #tpu.memory_space<vmem>>) semaphore(%arg12 : memref<!tpu.dma_semaphore, #tpu.memory_space<semaphore_mem>>)
      %dma_wait3A = arith.constant 0 : i32
      %dma_wait3A_119 = tpu.memref_slice %arg6[%mul3A_108, %dma_wait3A] : memref<40x128xi32, #tpu.memory_space<vmem>> -> memref<1x128xi32, #tpu.memory_space<vmem>>
      %dma_wait3A_120 = tpu.memref_squeeze %dma_wait3A_119 : memref<1x128xi32, #tpu.memory_space<vmem>> -> memref<128xi32, #tpu.memory_space<vmem>>
      %dma_wait3A_121 = arith.constant 0 : i32
      %dma_wait3A_122 = arith.constant 0 : i32
      %dma_wait3A_123 = tpu.memref_slice %arg2[%dma_wait3A_121, %dma_wait3A_122] : memref<40960x128xf32, #tpu.memory_space<hbm>> -> memref<40960x128xf32, #tpu.memory_space<hbm>>
      tpu.wait_indirect_dma semaphore(%arg11 : memref<!tpu.dma_semaphore, #tpu.memory_space<semaphore_mem>>) src(%dma_wait3A_123 : memref<40960x128xf32, #tpu.memory_space<hbm>>) dst(%arg8 : memref<128x128xf32, #tpu.memory_space<vmem>>)
      "tpu.region"() ({
        %run_scoped3A = tpu.sem_alloc : memref<!tpu.dma_semaphore, #tpu.memory_space<semaphore_mem>>
        %dma_start3A_133 = arith.constant 0 : i32
        %dma_start3A_134 = tpu.memref_slice %arg7[%mul3A_108, %dma_start3A_133] : memref<40x128xi32, #tpu.memory_space<vmem>> -> memref<1x128xi32, #tpu.memory_space<vmem>>
        %dma_start3A_135 = tpu.memref_squeeze %dma_start3A_134 : memref<1x128xi32, #tpu.memory_space<vmem>> -> memref<128xi32, #tpu.memory_space<vmem>>
        %dma_start3A_136 = arith.constant 0 : i32
        %dma_start3A_137 = arith.constant 0 : i32
        %dma_start3A_138 = tpu.memref_slice %arg10[%dma_start3A_136, %dma_start3A_137] : memref<10240x128xf32, #tpu.memory_space<vmem_shared>> -> memref<10240x128xf32, #tpu.memory_space<vmem_shared>>
        tpu.enqueue_indirect_dma source(%arg8 : memref<128x128xf32, #tpu.memory_space<vmem>>) target(%dma_start3A_138 : memref<10240x128xf32, #tpu.memory_space<vmem_shared>>) offsets(%dma_start3A_135 : memref<128xi32, #tpu.memory_space<vmem>>) semaphore(%run_scoped3A : memref<!tpu.dma_semaphore, #tpu.memory_space<semaphore_mem>>) {add = true}
        %dma_wait3A_139 = arith.constant 0 : i32
        %dma_wait3A_140 = tpu.memref_slice %arg7[%mul3A_108, %dma_wait3A_139] : memref<40x128xi32, #tpu.memory_space<vmem>> -> memref<1x128xi32, #tpu.memory_space<vmem>>
        %dma_wait3A_141 = tpu.memref_squeeze %dma_wait3A_140 : memref<1x128xi32, #tpu.memory_space<vmem>> -> memref<128xi32, #tpu.memory_space<vmem>>
        %dma_wait3A_142 = arith.constant 0 : i32
        %dma_wait3A_143 = arith.constant 0 : i32
        %dma_wait3A_144 = tpu.memref_slice %arg10[%dma_wait3A_142, %dma_wait3A_143] : memref<10240x128xf32, #tpu.memory_space<vmem_shared>> -> memref<10240x128xf32, #tpu.memory_space<vmem_shared>>
        tpu.wait_indirect_dma semaphore(%run_scoped3A : memref<!tpu.dma_semaphore, #tpu.memory_space<semaphore_mem>>) src(%arg8 : memref<128x128xf32, #tpu.memory_space<vmem>>) dst(%dma_wait3A_144 : memref<10240x128xf32, #tpu.memory_space<vmem_shared>>)
        tpu.yield
      }) : () -> ()
      %lt3A = arith.constant 19 : i32
      %lt3A_124 = arith.cmpi slt, %scan3A_105, %lt3A : i32
      %convert_element_type3A = arith.extui %lt3A_124 : i1 to i32
      %cond3A = arith.constant 0 : i32
      %cond3A_125 = arith.cmpi ne, %convert_element_type3A, %cond3A : i32
      scf.if %cond3A_125 {
        %add3A_133 = arith.constant 2 : i32
        %add3A_134 = arith.addi %mul3A_108, %add3A_133 : i32
        %dma_start3A_135 = arith.constant 0 : i32
        %dma_start3A_136 = tpu.memref_slice %arg6[%add3A_134, %dma_start3A_135] : memref<40x128xi32, #tpu.memory_space<vmem>> -> memref<1x128xi32, #tpu.memory_space<vmem>>
        %dma_start3A_137 = tpu.memref_squeeze %dma_start3A_136 : memref<1x128xi32, #tpu.memory_space<vmem>> -> memref<128xi32, #tpu.memory_space<vmem>>
        %dma_start3A_138 = arith.constant 0 : i32
        %dma_start3A_139 = arith.constant 0 : i32
        %dma_start3A_140 = tpu.memref_slice %arg2[%dma_start3A_138, %dma_start3A_139] : memref<40960x128xf32, #tpu.memory_space<hbm>> -> memref<40960x128xf32, #tpu.memory_space<hbm>>
        tpu.enqueue_indirect_dma source(%dma_start3A_140 : memref<40960x128xf32, #tpu.memory_space<hbm>>) target(%arg8 : memref<128x128xf32, #tpu.memory_space<vmem>>) offsets(%dma_start3A_137 : memref<128xi32, #tpu.memory_space<vmem>>) semaphore(%arg11 : memref<!tpu.dma_semaphore, #tpu.memory_space<semaphore_mem>>)
      } else {
      }
      %dma_wait3A_126 = arith.constant 0 : i32
      %dma_wait3A_127 = tpu.memref_slice %arg6[%add3A_112, %dma_wait3A_126] : memref<40x128xi32, #tpu.memory_space<vmem>> -> memref<1x128xi32, #tpu.memory_space<vmem>>
      %dma_wait3A_128 = tpu.memref_squeeze %dma_wait3A_127 : memref<1x128xi32, #tpu.memory_space<vmem>> -> memref<128xi32, #tpu.memory_space<vmem>>
      %dma_wait3A_129 = arith.constant 0 : i32
      %dma_wait3A_130 = arith.constant 0 : i32
      %dma_wait3A_131 = tpu.memref_slice %arg2[%dma_wait3A_129, %dma_wait3A_130] : memref<40960x128xf32, #tpu.memory_space<hbm>> -> memref<40960x128xf32, #tpu.memory_space<hbm>>
      tpu.wait_indirect_dma semaphore(%arg12 : memref<!tpu.dma_semaphore, #tpu.memory_space<semaphore_mem>>) src(%dma_wait3A_131 : memref<40960x128xf32, #tpu.memory_space<hbm>>) dst(%arg9 : memref<128x128xf32, #tpu.memory_space<vmem>>)
      "tpu.region"() ({
        %run_scoped3A = tpu.sem_alloc : memref<!tpu.dma_semaphore, #tpu.memory_space<semaphore_mem>>
        %dma_start3A_133 = arith.constant 0 : i32
        %dma_start3A_134 = tpu.memref_slice %arg7[%add3A_112, %dma_start3A_133] : memref<40x128xi32, #tpu.memory_space<vmem>> -> memref<1x128xi32, #tpu.memory_space<vmem>>
        %dma_start3A_135 = tpu.memref_squeeze %dma_start3A_134 : memref<1x128xi32, #tpu.memory_space<vmem>> -> memref<128xi32, #tpu.memory_space<vmem>>
        %dma_start3A_136 = arith.constant 0 : i32
        %dma_start3A_137 = arith.constant 0 : i32
        %dma_start3A_138 = tpu.memref_slice %arg10[%dma_start3A_136, %dma_start3A_137] : memref<10240x128xf32, #tpu.memory_space<vmem_shared>> -> memref<10240x128xf32, #tpu.memory_space<vmem_shared>>
        tpu.enqueue_indirect_dma source(%arg9 : memref<128x128xf32, #tpu.memory_space<vmem>>) target(%dma_start3A_138 : memref<10240x128xf32, #tpu.memory_space<vmem_shared>>) offsets(%dma_start3A_135 : memref<128xi32, #tpu.memory_space<vmem>>) semaphore(%run_scoped3A : memref<!tpu.dma_semaphore, #tpu.memory_space<semaphore_mem>>) {add = true}
        %dma_wait3A_139 = arith.constant 0 : i32
        %dma_wait3A_140 = tpu.memref_slice %arg7[%add3A_112, %dma_wait3A_139] : memref<40x128xi32, #tpu.memory_space<vmem>> -> memref<1x128xi32, #tpu.memory_space<vmem>>
        %dma_wait3A_141 = tpu.memref_squeeze %dma_wait3A_140 : memref<1x128xi32, #tpu.memory_space<vmem>> -> memref<128xi32, #tpu.memory_space<vmem>>
        %dma_wait3A_142 = arith.constant 0 : i32
        %dma_wait3A_143 = arith.constant 0 : i32
        %dma_wait3A_144 = tpu.memref_slice %arg10[%dma_wait3A_142, %dma_wait3A_143] : memref<10240x128xf32, #tpu.memory_space<vmem_shared>> -> memref<10240x128xf32, #tpu.memory_space<vmem_shared>>
        tpu.wait_indirect_dma semaphore(%run_scoped3A : memref<!tpu.dma_semaphore, #tpu.memory_space<semaphore_mem>>) src(%arg9 : memref<128x128xf32, #tpu.memory_space<vmem>>) dst(%dma_wait3A_144 : memref<10240x128xf32, #tpu.memory_space<vmem_shared>>)
        tpu.yield
      }) : () -> ()
      %scan3A_132 = arith.constant 0 : i32
      scf.yield %scan3A_132 : i32
    }
    %scan3A_44 = arith.constant 20 : i32
    %barrier3A_45 = arith.constant 0 : index
    tpu.barrier barrier_id(%barrier3A_45)
    %mul3A_46 = arith.constant 640 : i32
    %mul3A_47 = arith.muli %arg1, %mul3A_46 : i32
    %mul3A_48 = arith.constant 640 : i32
    %mul3A_49 = arith.muli %arg1, %mul3A_48 : i32
    "tpu.region"() ({
      %run_scoped3A = tpu.sem_alloc : memref<!tpu.dma_semaphore, #tpu.memory_space<semaphore_mem>>
      %dma_start3A_105 = arith.constant 0 : i32
      %dma_start3A_106 = tpu.memref_slice %arg5[%add3A_3, %mul3A_49, %dma_start3A_105] : memref<4x10240x128xf32, #tpu.memory_space<hbm>> -> memref<1x640x128xf32, #tpu.memory_space<hbm>>
      %dma_start3A_107 = tpu.memref_squeeze %dma_start3A_106 : memref<1x640x128xf32, #tpu.memory_space<hbm>> -> memref<640x128xf32, #tpu.memory_space<hbm>>
      %dma_start3A_108 = arith.constant 0 : i32
      %dma_start3A_109 = tpu.memref_slice %arg10[%mul3A_47, %dma_start3A_108] : memref<10240x128xf32, #tpu.memory_space<vmem_shared>> -> memref<640x128xf32, #tpu.memory_space<vmem_shared>>
      tpu.enqueue_dma source(%dma_start3A_109 : memref<640x128xf32, #tpu.memory_space<vmem_shared>>) target(%dma_start3A_107 : memref<640x128xf32, #tpu.memory_space<hbm>>) target_semaphore(%run_scoped3A : memref<!tpu.dma_semaphore, #tpu.memory_space<semaphore_mem>>)
      %dma_wait3A = arith.constant 0 : i32
      %dma_wait3A_110 = tpu.memref_slice %arg5[%add3A_3, %mul3A_49, %dma_wait3A] : memref<4x10240x128xf32, #tpu.memory_space<hbm>> -> memref<1x640x128xf32, #tpu.memory_space<hbm>>
      %dma_wait3A_111 = tpu.memref_squeeze %dma_wait3A_110 : memref<1x640x128xf32, #tpu.memory_space<hbm>> -> memref<640x128xf32, #tpu.memory_space<hbm>>
      %dma_wait3A_112 = arith.constant 0 : i32
      %dma_wait3A_113 = tpu.memref_slice %arg10[%mul3A_47, %dma_wait3A_112] : memref<10240x128xf32, #tpu.memory_space<vmem_shared>> -> memref<640x128xf32, #tpu.memory_space<vmem_shared>>
      tpu.wait_dma2 semaphore(%run_scoped3A : memref<!tpu.dma_semaphore, #tpu.memory_space<semaphore_mem>>) src(%dma_wait3A_113 : memref<640x128xf32, #tpu.memory_space<vmem_shared>>) dst(%dma_wait3A_111 : memref<640x128xf32, #tpu.memory_space<hbm>>)
      tpu.yield
    }) : () -> ()
    %barrier3A_50 = arith.constant 0 : index
    tpu.barrier barrier_id(%barrier3A_50)
    %mul3A_51 = arith.constant 2 : i32
    %mul3A_52 = arith.muli %arg0, %mul3A_51 : i32
    %add3A_53 = arith.constant 1 : i32
    %add3A_54 = arith.addi %mul3A_52, %add3A_53 : i32
    %mul3A_55 = arith.constant 10240 : i32
    %mul3A_56 = arith.muli %add3A_54, %mul3A_55 : i32
    %mul3A_57 = arith.constant 640 : i32
    %mul3A_58 = arith.muli %arg1, %mul3A_57 : i32
    %add3A_59 = arith.addi %mul3A_56, %mul3A_58 : i32
    %mul3A_60 = arith.constant 640 : i32
    %mul3A_61 = arith.muli %arg1, %mul3A_60 : i32
    "tpu.region"() ({
      %run_scoped3A = tpu.sem_alloc : memref<!tpu.dma_semaphore, #tpu.memory_space<semaphore_mem>>
      %dma_start3A_105 = arith.constant 0 : i32
      %dma_start3A_106 = tpu.memref_slice %arg10[%mul3A_61, %dma_start3A_105] : memref<10240x128xf32, #tpu.memory_space<vmem_shared>> -> memref<640x128xf32, #tpu.memory_space<vmem_shared>>
      %dma_start3A_107 = arith.constant 0 : i32
      %dma_start3A_108 = tpu.memref_slice %arg2[%add3A_59, %dma_start3A_107] : memref<40960x128xf32, #tpu.memory_space<hbm>> -> memref<640x128xf32, #tpu.memory_space<hbm>>
      tpu.enqueue_dma source(%dma_start3A_108 : memref<640x128xf32, #tpu.memory_space<hbm>>) target(%dma_start3A_106 : memref<640x128xf32, #tpu.memory_space<vmem_shared>>) target_semaphore(%run_scoped3A : memref<!tpu.dma_semaphore, #tpu.memory_space<semaphore_mem>>)
      %dma_wait3A = arith.constant 0 : i32
      %dma_wait3A_109 = tpu.memref_slice %arg10[%mul3A_61, %dma_wait3A] : memref<10240x128xf32, #tpu.memory_space<vmem_shared>> -> memref<640x128xf32, #tpu.memory_space<vmem_shared>>
      %dma_wait3A_110 = arith.constant 0 : i32
      %dma_wait3A_111 = tpu.memref_slice %arg2[%add3A_59, %dma_wait3A_110] : memref<40960x128xf32, #tpu.memory_space<hbm>> -> memref<640x128xf32, #tpu.memory_space<hbm>>
      tpu.wait_dma2 semaphore(%run_scoped3A : memref<!tpu.dma_semaphore, #tpu.memory_space<semaphore_mem>>) src(%dma_wait3A_111 : memref<640x128xf32, #tpu.memory_space<hbm>>) dst(%dma_wait3A_109 : memref<640x128xf32, #tpu.memory_space<vmem_shared>>)
      tpu.yield
    }) : () -> ()
    %barrier3A_62 = arith.constant 0 : index
    tpu.barrier barrier_id(%barrier3A_62)
    %add3A_63 = arith.constant 0 : i32
    %add3A_64 = arith.addi %mul3A_0, %add3A_63 : i32
    "tpu.region"() ({
      %run_scoped3A = tpu.sem_alloc : memref<!tpu.dma_semaphore, #tpu.memory_space<semaphore_mem>>
      %dma_start3A_105 = arith.constant 0 : i32
      %dma_start3A_106 = tpu.memref_slice %arg3[%add3A_54, %add3A_64, %dma_start3A_105] : memref<4x1280x128xi32, #tpu.memory_space<hbm>> -> memref<1x40x128xi32, #tpu.memory_space<hbm>>
      %dma_start3A_107 = tpu.memref_squeeze %dma_start3A_106 : memref<1x40x128xi32, #tpu.memory_space<hbm>> -> memref<40x128xi32, #tpu.memory_space<hbm>>
      %dma_start3A_108 = arith.constant 0 : i32
      %dma_start3A_109 = tpu.memref_slice %arg3[%add3A_54, %add3A_64, %dma_start3A_108] : memref<4x1280x128xi32, #tpu.memory_space<hbm>> -> memref<1x40x128xi32, #tpu.memory_space<hbm>>
      %dma_start3A_110 = tpu.memref_squeeze %dma_start3A_109 : memref<1x40x128xi32, #tpu.memory_space<hbm>> -> memref<40x128xi32, #tpu.memory_space<hbm>>
      tpu.enqueue_dma source(%dma_start3A_110 : memref<40x128xi32, #tpu.memory_space<hbm>>) target(%arg6 : memref<40x128xi32, #tpu.memory_space<vmem>>) target_semaphore(%run_scoped3A : memref<!tpu.dma_semaphore, #tpu.memory_space<semaphore_mem>>)
      %dma_wait3A = arith.constant 0 : i32
      %dma_wait3A_111 = tpu.memref_slice %arg3[%add3A_54, %add3A_64, %dma_wait3A] : memref<4x1280x128xi32, #tpu.memory_space<hbm>> -> memref<1x40x128xi32, #tpu.memory_space<hbm>>
      %dma_wait3A_112 = tpu.memref_squeeze %dma_wait3A_111 : memref<1x40x128xi32, #tpu.memory_space<hbm>> -> memref<40x128xi32, #tpu.memory_space<hbm>>
      %dma_wait3A_113 = arith.constant 0 : i32
      %dma_wait3A_114 = tpu.memref_slice %arg3[%add3A_54, %add3A_64, %dma_wait3A_113] : memref<4x1280x128xi32, #tpu.memory_space<hbm>> -> memref<1x40x128xi32, #tpu.memory_space<hbm>>
      %dma_wait3A_115 = tpu.memref_squeeze %dma_wait3A_114 : memref<1x40x128xi32, #tpu.memory_space<hbm>> -> memref<40x128xi32, #tpu.memory_space<hbm>>
      tpu.wait_dma2 semaphore(%run_scoped3A : memref<!tpu.dma_semaphore, #tpu.memory_space<semaphore_mem>>) src(%dma_wait3A_115 : memref<40x128xi32, #tpu.memory_space<hbm>>) dst(%arg6 : memref<40x128xi32, #tpu.memory_space<vmem>>)
      tpu.yield
    }) : () -> ()
    %add3A_65 = arith.constant 0 : i32
    %add3A_66 = arith.addi %mul3A_0, %add3A_65 : i32
    "tpu.region"() ({
      %run_scoped3A = tpu.sem_alloc : memref<!tpu.dma_semaphore, #tpu.memory_space<semaphore_mem>>
      %dma_start3A_105 = arith.constant 0 : i32
      %dma_start3A_106 = tpu.memref_slice %arg4[%add3A_66, %dma_start3A_105] : memref<1280x128xi32, #tpu.memory_space<hbm>> -> memref<40x128xi32, #tpu.memory_space<hbm>>
      %dma_start3A_107 = arith.constant 0 : i32
      %dma_start3A_108 = tpu.memref_slice %arg4[%add3A_66, %dma_start3A_107] : memref<1280x128xi32, #tpu.memory_space<hbm>> -> memref<40x128xi32, #tpu.memory_space<hbm>>
      tpu.enqueue_dma source(%dma_start3A_108 : memref<40x128xi32, #tpu.memory_space<hbm>>) target(%arg7 : memref<40x128xi32, #tpu.memory_space<vmem>>) target_semaphore(%run_scoped3A : memref<!tpu.dma_semaphore, #tpu.memory_space<semaphore_mem>>)
      %dma_wait3A = arith.constant 0 : i32
      %dma_wait3A_109 = tpu.memref_slice %arg4[%add3A_66, %dma_wait3A] : memref<1280x128xi32, #tpu.memory_space<hbm>> -> memref<40x128xi32, #tpu.memory_space<hbm>>
      %dma_wait3A_110 = arith.constant 0 : i32
      %dma_wait3A_111 = tpu.memref_slice %arg4[%add3A_66, %dma_wait3A_110] : memref<1280x128xi32, #tpu.memory_space<hbm>> -> memref<40x128xi32, #tpu.memory_space<hbm>>
      tpu.wait_dma2 semaphore(%run_scoped3A : memref<!tpu.dma_semaphore, #tpu.memory_space<semaphore_mem>>) src(%dma_wait3A_111 : memref<40x128xi32, #tpu.memory_space<hbm>>) dst(%arg7 : memref<40x128xi32, #tpu.memory_space<vmem>>)
      tpu.yield
    }) : () -> ()
    %dma_start3A_67 = arith.constant 0 : i32
    %dma_start3A_68 = arith.constant 0 : i32
    %dma_start3A_69 = tpu.memref_slice %arg6[%dma_start3A_67, %dma_start3A_68] : memref<40x128xi32, #tpu.memory_space<vmem>> -> memref<1x128xi32, #tpu.memory_space<vmem>>
    %dma_start3A_70 = tpu.memref_squeeze %dma_start3A_69 : memref<1x128xi32, #tpu.memory_space<vmem>> -> memref<128xi32, #tpu.memory_space<vmem>>
    %dma_start3A_71 = arith.constant 0 : i32
    %dma_start3A_72 = arith.constant 0 : i32
    %dma_start3A_73 = tpu.memref_slice %arg2[%dma_start3A_71, %dma_start3A_72] : memref<40960x128xf32, #tpu.memory_space<hbm>> -> memref<40960x128xf32, #tpu.memory_space<hbm>>
    tpu.enqueue_indirect_dma source(%dma_start3A_73 : memref<40960x128xf32, #tpu.memory_space<hbm>>) target(%arg8 : memref<128x128xf32, #tpu.memory_space<vmem>>) offsets(%dma_start3A_70 : memref<128xi32, #tpu.memory_space<vmem>>) semaphore(%arg11 : memref<!tpu.dma_semaphore, #tpu.memory_space<semaphore_mem>>)
    %scan3A_74 = arith.constant 0 : i32
    %scan3A_75 = arith.constant 0 : i32
    %scan3A_76 = arith.constant 20 : i32
    %scan3A_77 = arith.addi %scan3A_75, %scan3A_76 : i32
    %scan3A_78 = arith.constant 1 : i32
    %scan3A_79 = scf.for %scan3A_105 = %scan3A_75 to %scan3A_77 step %scan3A_78 iter_args(%scan3A_106 = %scan3A_74) -> (i32)  : i32 {
      %mul3A_107 = arith.constant 2 : i32
      %mul3A_108 = arith.muli %mul3A_107, %scan3A_105 : i32
      %mul3A_109 = arith.constant 2 : i32
      %mul3A_110 = arith.muli %mul3A_109, %scan3A_105 : i32
      %add3A_111 = arith.constant 1 : i32
      %add3A_112 = arith.addi %mul3A_110, %add3A_111 : i32
      %dma_start3A_113 = arith.constant 0 : i32
      %dma_start3A_114 = tpu.memref_slice %arg6[%add3A_112, %dma_start3A_113] : memref<40x128xi32, #tpu.memory_space<vmem>> -> memref<1x128xi32, #tpu.memory_space<vmem>>
      %dma_start3A_115 = tpu.memref_squeeze %dma_start3A_114 : memref<1x128xi32, #tpu.memory_space<vmem>> -> memref<128xi32, #tpu.memory_space<vmem>>
      %dma_start3A_116 = arith.constant 0 : i32
      %dma_start3A_117 = arith.constant 0 : i32
      %dma_start3A_118 = tpu.memref_slice %arg2[%dma_start3A_116, %dma_start3A_117] : memref<40960x128xf32, #tpu.memory_space<hbm>> -> memref<40960x128xf32, #tpu.memory_space<hbm>>
      tpu.enqueue_indirect_dma source(%dma_start3A_118 : memref<40960x128xf32, #tpu.memory_space<hbm>>) target(%arg9 : memref<128x128xf32, #tpu.memory_space<vmem>>) offsets(%dma_start3A_115 : memref<128xi32, #tpu.memory_space<vmem>>) semaphore(%arg12 : memref<!tpu.dma_semaphore, #tpu.memory_space<semaphore_mem>>)
      %dma_wait3A = arith.constant 0 : i32
      %dma_wait3A_119 = tpu.memref_slice %arg6[%mul3A_108, %dma_wait3A] : memref<40x128xi32, #tpu.memory_space<vmem>> -> memref<1x128xi32, #tpu.memory_space<vmem>>
      %dma_wait3A_120 = tpu.memref_squeeze %dma_wait3A_119 : memref<1x128xi32, #tpu.memory_space<vmem>> -> memref<128xi32, #tpu.memory_space<vmem>>
      %dma_wait3A_121 = arith.constant 0 : i32
      %dma_wait3A_122 = arith.constant 0 : i32
      %dma_wait3A_123 = tpu.memref_slice %arg2[%dma_wait3A_121, %dma_wait3A_122] : memref<40960x128xf32, #tpu.memory_space<hbm>> -> memref<40960x128xf32, #tpu.memory_space<hbm>>
      tpu.wait_indirect_dma semaphore(%arg11 : memref<!tpu.dma_semaphore, #tpu.memory_space<semaphore_mem>>) src(%dma_wait3A_123 : memref<40960x128xf32, #tpu.memory_space<hbm>>) dst(%arg8 : memref<128x128xf32, #tpu.memory_space<vmem>>)
      "tpu.region"() ({
        %run_scoped3A = tpu.sem_alloc : memref<!tpu.dma_semaphore, #tpu.memory_space<semaphore_mem>>
        %dma_start3A_133 = arith.constant 0 : i32
        %dma_start3A_134 = tpu.memref_slice %arg7[%mul3A_108, %dma_start3A_133] : memref<40x128xi32, #tpu.memory_space<vmem>> -> memref<1x128xi32, #tpu.memory_space<vmem>>
        %dma_start3A_135 = tpu.memref_squeeze %dma_start3A_134 : memref<1x128xi32, #tpu.memory_space<vmem>> -> memref<128xi32, #tpu.memory_space<vmem>>
        %dma_start3A_136 = arith.constant 0 : i32
        %dma_start3A_137 = arith.constant 0 : i32
        %dma_start3A_138 = tpu.memref_slice %arg10[%dma_start3A_136, %dma_start3A_137] : memref<10240x128xf32, #tpu.memory_space<vmem_shared>> -> memref<10240x128xf32, #tpu.memory_space<vmem_shared>>
        tpu.enqueue_indirect_dma source(%arg8 : memref<128x128xf32, #tpu.memory_space<vmem>>) target(%dma_start3A_138 : memref<10240x128xf32, #tpu.memory_space<vmem_shared>>) offsets(%dma_start3A_135 : memref<128xi32, #tpu.memory_space<vmem>>) semaphore(%run_scoped3A : memref<!tpu.dma_semaphore, #tpu.memory_space<semaphore_mem>>) {add = true}
        %dma_wait3A_139 = arith.constant 0 : i32
        %dma_wait3A_140 = tpu.memref_slice %arg7[%mul3A_108, %dma_wait3A_139] : memref<40x128xi32, #tpu.memory_space<vmem>> -> memref<1x128xi32, #tpu.memory_space<vmem>>
        %dma_wait3A_141 = tpu.memref_squeeze %dma_wait3A_140 : memref<1x128xi32, #tpu.memory_space<vmem>> -> memref<128xi32, #tpu.memory_space<vmem>>
        %dma_wait3A_142 = arith.constant 0 : i32
        %dma_wait3A_143 = arith.constant 0 : i32
        %dma_wait3A_144 = tpu.memref_slice %arg10[%dma_wait3A_142, %dma_wait3A_143] : memref<10240x128xf32, #tpu.memory_space<vmem_shared>> -> memref<10240x128xf32, #tpu.memory_space<vmem_shared>>
        tpu.wait_indirect_dma semaphore(%run_scoped3A : memref<!tpu.dma_semaphore, #tpu.memory_space<semaphore_mem>>) src(%arg8 : memref<128x128xf32, #tpu.memory_space<vmem>>) dst(%dma_wait3A_144 : memref<10240x128xf32, #tpu.memory_space<vmem_shared>>)
        tpu.yield
      }) : () -> ()
      %lt3A = arith.constant 19 : i32
      %lt3A_124 = arith.cmpi slt, %scan3A_105, %lt3A : i32
      %convert_element_type3A = arith.extui %lt3A_124 : i1 to i32
      %cond3A = arith.constant 0 : i32
      %cond3A_125 = arith.cmpi ne, %convert_element_type3A, %cond3A : i32
      scf.if %cond3A_125 {
        %add3A_133 = arith.constant 2 : i32
        %add3A_134 = arith.addi %mul3A_108, %add3A_133 : i32
        %dma_start3A_135 = arith.constant 0 : i32
        %dma_start3A_136 = tpu.memref_slice %arg6[%add3A_134, %dma_start3A_135] : memref<40x128xi32, #tpu.memory_space<vmem>> -> memref<1x128xi32, #tpu.memory_space<vmem>>
        %dma_start3A_137 = tpu.memref_squeeze %dma_start3A_136 : memref<1x128xi32, #tpu.memory_space<vmem>> -> memref<128xi32, #tpu.memory_space<vmem>>
        %dma_start3A_138 = arith.constant 0 : i32
        %dma_start3A_139 = arith.constant 0 : i32
        %dma_start3A_140 = tpu.memref_slice %arg2[%dma_start3A_138, %dma_start3A_139] : memref<40960x128xf32, #tpu.memory_space<hbm>> -> memref<40960x128xf32, #tpu.memory_space<hbm>>
        tpu.enqueue_indirect_dma source(%dma_start3A_140 : memref<40960x128xf32, #tpu.memory_space<hbm>>) target(%arg8 : memref<128x128xf32, #tpu.memory_space<vmem>>) offsets(%dma_start3A_137 : memref<128xi32, #tpu.memory_space<vmem>>) semaphore(%arg11 : memref<!tpu.dma_semaphore, #tpu.memory_space<semaphore_mem>>)
      } else {
      }
      %dma_wait3A_126 = arith.constant 0 : i32
      %dma_wait3A_127 = tpu.memref_slice %arg6[%add3A_112, %dma_wait3A_126] : memref<40x128xi32, #tpu.memory_space<vmem>> -> memref<1x128xi32, #tpu.memory_space<vmem>>
      %dma_wait3A_128 = tpu.memref_squeeze %dma_wait3A_127 : memref<1x128xi32, #tpu.memory_space<vmem>> -> memref<128xi32, #tpu.memory_space<vmem>>
      %dma_wait3A_129 = arith.constant 0 : i32
      %dma_wait3A_130 = arith.constant 0 : i32
      %dma_wait3A_131 = tpu.memref_slice %arg2[%dma_wait3A_129, %dma_wait3A_130] : memref<40960x128xf32, #tpu.memory_space<hbm>> -> memref<40960x128xf32, #tpu.memory_space<hbm>>
      tpu.wait_indirect_dma semaphore(%arg12 : memref<!tpu.dma_semaphore, #tpu.memory_space<semaphore_mem>>) src(%dma_wait3A_131 : memref<40960x128xf32, #tpu.memory_space<hbm>>) dst(%arg9 : memref<128x128xf32, #tpu.memory_space<vmem>>)
      "tpu.region"() ({
        %run_scoped3A = tpu.sem_alloc : memref<!tpu.dma_semaphore, #tpu.memory_space<semaphore_mem>>
        %dma_start3A_133 = arith.constant 0 : i32
        %dma_start3A_134 = tpu.memref_slice %arg7[%add3A_112, %dma_start3A_133] : memref<40x128xi32, #tpu.memory_space<vmem>> -> memref<1x128xi32, #tpu.memory_space<vmem>>
        %dma_start3A_135 = tpu.memref_squeeze %dma_start3A_134 : memref<1x128xi32, #tpu.memory_space<vmem>> -> memref<128xi32, #tpu.memory_space<vmem>>
        %dma_start3A_136 = arith.constant 0 : i32
        %dma_start3A_137 = arith.constant 0 : i32
        %dma_start3A_138 = tpu.memref_slice %arg10[%dma_start3A_136, %dma_start3A_137] : memref<10240x128xf32, #tpu.memory_space<vmem_shared>> -> memref<10240x128xf32, #tpu.memory_space<vmem_shared>>
        tpu.enqueue_indirect_dma source(%arg9 : memref<128x128xf32, #tpu.memory_space<vmem>>) target(%dma_start3A_138 : memref<10240x128xf32, #tpu.memory_space<vmem_shared>>) offsets(%dma_start3A_135 : memref<128xi32, #tpu.memory_space<vmem>>) semaphore(%run_scoped3A : memref<!tpu.dma_semaphore, #tpu.memory_space<semaphore_mem>>) {add = true}
        %dma_wait3A_139 = arith.constant 0 : i32
        %dma_wait3A_140 = tpu.memref_slice %arg7[%add3A_112, %dma_wait3A_139] : memref<40x128xi32, #tpu.memory_space<vmem>> -> memref<1x128xi32, #tpu.memory_space<vmem>>
        %dma_wait3A_141 = tpu.memref_squeeze %dma_wait3A_140 : memref<1x128xi32, #tpu.memory_space<vmem>> -> memref<128xi32, #tpu.memory_space<vmem>>
        %dma_wait3A_142 = arith.constant 0 : i32
        %dma_wait3A_143 = arith.constant 0 : i32
        %dma_wait3A_144 = tpu.memref_slice %arg10[%dma_wait3A_142, %dma_wait3A_143] : memref<10240x128xf32, #tpu.memory_space<vmem_shared>> -> memref<10240x128xf32, #tpu.memory_space<vmem_shared>>
        tpu.wait_indirect_dma semaphore(%run_scoped3A : memref<!tpu.dma_semaphore, #tpu.memory_space<semaphore_mem>>) src(%arg9 : memref<128x128xf32, #tpu.memory_space<vmem>>) dst(%dma_wait3A_144 : memref<10240x128xf32, #tpu.memory_space<vmem_shared>>)
        tpu.yield
      }) : () -> ()
      %scan3A_132 = arith.constant 0 : i32
      scf.yield %scan3A_132 : i32
    }
    %scan3A_80 = arith.constant 20 : i32
    %add3A_81 = arith.constant 40 : i32
    %add3A_82 = arith.addi %mul3A_0, %add3A_81 : i32
    "tpu.region"() ({
      %run_scoped3A = tpu.sem_alloc : memref<!tpu.dma_semaphore, #tpu.memory_space<semaphore_mem>>
      %dma_start3A_105 = arith.constant 0 : i32
      %dma_start3A_106 = tpu.memref_slice %arg3[%add3A_54, %add3A_82, %dma_start3A_105] : memref<4x1280x128xi32, #tpu.memory_space<hbm>> -> memref<1x40x128xi32, #tpu.memory_space<hbm>>
      %dma_start3A_107 = tpu.memref_squeeze %dma_start3A_106 : memref<1x40x128xi32, #tpu.memory_space<hbm>> -> memref<40x128xi32, #tpu.memory_space<hbm>>
      %dma_start3A_108 = arith.constant 0 : i32
      %dma_start3A_109 = tpu.memref_slice %arg3[%add3A_54, %add3A_82, %dma_start3A_108] : memref<4x1280x128xi32, #tpu.memory_space<hbm>> -> memref<1x40x128xi32, #tpu.memory_space<hbm>>
      %dma_start3A_110 = tpu.memref_squeeze %dma_start3A_109 : memref<1x40x128xi32, #tpu.memory_space<hbm>> -> memref<40x128xi32, #tpu.memory_space<hbm>>
      tpu.enqueue_dma source(%dma_start3A_110 : memref<40x128xi32, #tpu.memory_space<hbm>>) target(%arg6 : memref<40x128xi32, #tpu.memory_space<vmem>>) target_semaphore(%run_scoped3A : memref<!tpu.dma_semaphore, #tpu.memory_space<semaphore_mem>>)
      %dma_wait3A = arith.constant 0 : i32
      %dma_wait3A_111 = tpu.memref_slice %arg3[%add3A_54, %add3A_82, %dma_wait3A] : memref<4x1280x128xi32, #tpu.memory_space<hbm>> -> memref<1x40x128xi32, #tpu.memory_space<hbm>>
      %dma_wait3A_112 = tpu.memref_squeeze %dma_wait3A_111 : memref<1x40x128xi32, #tpu.memory_space<hbm>> -> memref<40x128xi32, #tpu.memory_space<hbm>>
      %dma_wait3A_113 = arith.constant 0 : i32
      %dma_wait3A_114 = tpu.memref_slice %arg3[%add3A_54, %add3A_82, %dma_wait3A_113] : memref<4x1280x128xi32, #tpu.memory_space<hbm>> -> memref<1x40x128xi32, #tpu.memory_space<hbm>>
      %dma_wait3A_115 = tpu.memref_squeeze %dma_wait3A_114 : memref<1x40x128xi32, #tpu.memory_space<hbm>> -> memref<40x128xi32, #tpu.memory_space<hbm>>
      tpu.wait_dma2 semaphore(%run_scoped3A : memref<!tpu.dma_semaphore, #tpu.memory_space<semaphore_mem>>) src(%dma_wait3A_115 : memref<40x128xi32, #tpu.memory_space<hbm>>) dst(%arg6 : memref<40x128xi32, #tpu.memory_space<vmem>>)
      tpu.yield
    }) : () -> ()
    %add3A_83 = arith.constant 40 : i32
    %add3A_84 = arith.addi %mul3A_0, %add3A_83 : i32
    "tpu.region"() ({
      %run_scoped3A = tpu.sem_alloc : memref<!tpu.dma_semaphore, #tpu.memory_space<semaphore_mem>>
      %dma_start3A_105 = arith.constant 0 : i32
      %dma_start3A_106 = tpu.memref_slice %arg4[%add3A_84, %dma_start3A_105] : memref<1280x128xi32, #tpu.memory_space<hbm>> -> memref<40x128xi32, #tpu.memory_space<hbm>>
      %dma_start3A_107 = arith.constant 0 : i32
      %dma_start3A_108 = tpu.memref_slice %arg4[%add3A_84, %dma_start3A_107] : memref<1280x128xi32, #tpu.memory_space<hbm>> -> memref<40x128xi32, #tpu.memory_space<hbm>>
      tpu.enqueue_dma source(%dma_start3A_108 : memref<40x128xi32, #tpu.memory_space<hbm>>) target(%arg7 : memref<40x128xi32, #tpu.memory_space<vmem>>) target_semaphore(%run_scoped3A : memref<!tpu.dma_semaphore, #tpu.memory_space<semaphore_mem>>)
      %dma_wait3A = arith.constant 0 : i32
      %dma_wait3A_109 = tpu.memref_slice %arg4[%add3A_84, %dma_wait3A] : memref<1280x128xi32, #tpu.memory_space<hbm>> -> memref<40x128xi32, #tpu.memory_space<hbm>>
      %dma_wait3A_110 = arith.constant 0 : i32
      %dma_wait3A_111 = tpu.memref_slice %arg4[%add3A_84, %dma_wait3A_110] : memref<1280x128xi32, #tpu.memory_space<hbm>> -> memref<40x128xi32, #tpu.memory_space<hbm>>
      tpu.wait_dma2 semaphore(%run_scoped3A : memref<!tpu.dma_semaphore, #tpu.memory_space<semaphore_mem>>) src(%dma_wait3A_111 : memref<40x128xi32, #tpu.memory_space<hbm>>) dst(%arg7 : memref<40x128xi32, #tpu.memory_space<vmem>>)
      tpu.yield
    }) : () -> ()
    %dma_start3A_85 = arith.constant 0 : i32
    %dma_start3A_86 = arith.constant 0 : i32
    %dma_start3A_87 = tpu.memref_slice %arg6[%dma_start3A_85, %dma_start3A_86] : memref<40x128xi32, #tpu.memory_space<vmem>> -> memref<1x128xi32, #tpu.memory_space<vmem>>
    %dma_start3A_88 = tpu.memref_squeeze %dma_start3A_87 : memref<1x128xi32, #tpu.memory_space<vmem>> -> memref<128xi32, #tpu.memory_space<vmem>>
    %dma_start3A_89 = arith.constant 0 : i32
    %dma_start3A_90 = arith.constant 0 : i32
    %dma_start3A_91 = tpu.memref_slice %arg2[%dma_start3A_89, %dma_start3A_90] : memref<40960x128xf32, #tpu.memory_space<hbm>> -> memref<40960x128xf32, #tpu.memory_space<hbm>>
    tpu.enqueue_indirect_dma source(%dma_start3A_91 : memref<40960x128xf32, #tpu.memory_space<hbm>>) target(%arg8 : memref<128x128xf32, #tpu.memory_space<vmem>>) offsets(%dma_start3A_88 : memref<128xi32, #tpu.memory_space<vmem>>) semaphore(%arg11 : memref<!tpu.dma_semaphore, #tpu.memory_space<semaphore_mem>>)
    %scan3A_92 = arith.constant 0 : i32
    %scan3A_93 = arith.constant 0 : i32
    %scan3A_94 = arith.constant 20 : i32
    %scan3A_95 = arith.addi %scan3A_93, %scan3A_94 : i32
    %scan3A_96 = arith.constant 1 : i32
    %scan3A_97 = scf.for %scan3A_105 = %scan3A_93 to %scan3A_95 step %scan3A_96 iter_args(%scan3A_106 = %scan3A_92) -> (i32)  : i32 {
      %mul3A_107 = arith.constant 2 : i32
      %mul3A_108 = arith.muli %mul3A_107, %scan3A_105 : i32
      %mul3A_109 = arith.constant 2 : i32
      %mul3A_110 = arith.muli %mul3A_109, %scan3A_105 : i32
      %add3A_111 = arith.constant 1 : i32
      %add3A_112 = arith.addi %mul3A_110, %add3A_111 : i32
      %dma_start3A_113 = arith.constant 0 : i32
      %dma_start3A_114 = tpu.memref_slice %arg6[%add3A_112, %dma_start3A_113] : memref<40x128xi32, #tpu.memory_space<vmem>> -> memref<1x128xi32, #tpu.memory_space<vmem>>
      %dma_start3A_115 = tpu.memref_squeeze %dma_start3A_114 : memref<1x128xi32, #tpu.memory_space<vmem>> -> memref<128xi32, #tpu.memory_space<vmem>>
      %dma_start3A_116 = arith.constant 0 : i32
      %dma_start3A_117 = arith.constant 0 : i32
      %dma_start3A_118 = tpu.memref_slice %arg2[%dma_start3A_116, %dma_start3A_117] : memref<40960x128xf32, #tpu.memory_space<hbm>> -> memref<40960x128xf32, #tpu.memory_space<hbm>>
      tpu.enqueue_indirect_dma source(%dma_start3A_118 : memref<40960x128xf32, #tpu.memory_space<hbm>>) target(%arg9 : memref<128x128xf32, #tpu.memory_space<vmem>>) offsets(%dma_start3A_115 : memref<128xi32, #tpu.memory_space<vmem>>) semaphore(%arg12 : memref<!tpu.dma_semaphore, #tpu.memory_space<semaphore_mem>>)
      %dma_wait3A = arith.constant 0 : i32
      %dma_wait3A_119 = tpu.memref_slice %arg6[%mul3A_108, %dma_wait3A] : memref<40x128xi32, #tpu.memory_space<vmem>> -> memref<1x128xi32, #tpu.memory_space<vmem>>
      %dma_wait3A_120 = tpu.memref_squeeze %dma_wait3A_119 : memref<1x128xi32, #tpu.memory_space<vmem>> -> memref<128xi32, #tpu.memory_space<vmem>>
      %dma_wait3A_121 = arith.constant 0 : i32
      %dma_wait3A_122 = arith.constant 0 : i32
      %dma_wait3A_123 = tpu.memref_slice %arg2[%dma_wait3A_121, %dma_wait3A_122] : memref<40960x128xf32, #tpu.memory_space<hbm>> -> memref<40960x128xf32, #tpu.memory_space<hbm>>
      tpu.wait_indirect_dma semaphore(%arg11 : memref<!tpu.dma_semaphore, #tpu.memory_space<semaphore_mem>>) src(%dma_wait3A_123 : memref<40960x128xf32, #tpu.memory_space<hbm>>) dst(%arg8 : memref<128x128xf32, #tpu.memory_space<vmem>>)
      "tpu.region"() ({
        %run_scoped3A = tpu.sem_alloc : memref<!tpu.dma_semaphore, #tpu.memory_space<semaphore_mem>>
        %dma_start3A_133 = arith.constant 0 : i32
        %dma_start3A_134 = tpu.memref_slice %arg7[%mul3A_108, %dma_start3A_133] : memref<40x128xi32, #tpu.memory_space<vmem>> -> memref<1x128xi32, #tpu.memory_space<vmem>>
        %dma_start3A_135 = tpu.memref_squeeze %dma_start3A_134 : memref<1x128xi32, #tpu.memory_space<vmem>> -> memref<128xi32, #tpu.memory_space<vmem>>
        %dma_start3A_136 = arith.constant 0 : i32
        %dma_start3A_137 = arith.constant 0 : i32
        %dma_start3A_138 = tpu.memref_slice %arg10[%dma_start3A_136, %dma_start3A_137] : memref<10240x128xf32, #tpu.memory_space<vmem_shared>> -> memref<10240x128xf32, #tpu.memory_space<vmem_shared>>
        tpu.enqueue_indirect_dma source(%arg8 : memref<128x128xf32, #tpu.memory_space<vmem>>) target(%dma_start3A_138 : memref<10240x128xf32, #tpu.memory_space<vmem_shared>>) offsets(%dma_start3A_135 : memref<128xi32, #tpu.memory_space<vmem>>) semaphore(%run_scoped3A : memref<!tpu.dma_semaphore, #tpu.memory_space<semaphore_mem>>) {add = true}
        %dma_wait3A_139 = arith.constant 0 : i32
        %dma_wait3A_140 = tpu.memref_slice %arg7[%mul3A_108, %dma_wait3A_139] : memref<40x128xi32, #tpu.memory_space<vmem>> -> memref<1x128xi32, #tpu.memory_space<vmem>>
        %dma_wait3A_141 = tpu.memref_squeeze %dma_wait3A_140 : memref<1x128xi32, #tpu.memory_space<vmem>> -> memref<128xi32, #tpu.memory_space<vmem>>
        %dma_wait3A_142 = arith.constant 0 : i32
        %dma_wait3A_143 = arith.constant 0 : i32
        %dma_wait3A_144 = tpu.memref_slice %arg10[%dma_wait3A_142, %dma_wait3A_143] : memref<10240x128xf32, #tpu.memory_space<vmem_shared>> -> memref<10240x128xf32, #tpu.memory_space<vmem_shared>>
        tpu.wait_indirect_dma semaphore(%run_scoped3A : memref<!tpu.dma_semaphore, #tpu.memory_space<semaphore_mem>>) src(%arg8 : memref<128x128xf32, #tpu.memory_space<vmem>>) dst(%dma_wait3A_144 : memref<10240x128xf32, #tpu.memory_space<vmem_shared>>)
        tpu.yield
      }) : () -> ()
      %lt3A = arith.constant 19 : i32
      %lt3A_124 = arith.cmpi slt, %scan3A_105, %lt3A : i32
      %convert_element_type3A = arith.extui %lt3A_124 : i1 to i32
      %cond3A = arith.constant 0 : i32
      %cond3A_125 = arith.cmpi ne, %convert_element_type3A, %cond3A : i32
      scf.if %cond3A_125 {
        %add3A_133 = arith.constant 2 : i32
        %add3A_134 = arith.addi %mul3A_108, %add3A_133 : i32
        %dma_start3A_135 = arith.constant 0 : i32
        %dma_start3A_136 = tpu.memref_slice %arg6[%add3A_134, %dma_start3A_135] : memref<40x128xi32, #tpu.memory_space<vmem>> -> memref<1x128xi32, #tpu.memory_space<vmem>>
        %dma_start3A_137 = tpu.memref_squeeze %dma_start3A_136 : memref<1x128xi32, #tpu.memory_space<vmem>> -> memref<128xi32, #tpu.memory_space<vmem>>
        %dma_start3A_138 = arith.constant 0 : i32
        %dma_start3A_139 = arith.constant 0 : i32
        %dma_start3A_140 = tpu.memref_slice %arg2[%dma_start3A_138, %dma_start3A_139] : memref<40960x128xf32, #tpu.memory_space<hbm>> -> memref<40960x128xf32, #tpu.memory_space<hbm>>
        tpu.enqueue_indirect_dma source(%dma_start3A_140 : memref<40960x128xf32, #tpu.memory_space<hbm>>) target(%arg8 : memref<128x128xf32, #tpu.memory_space<vmem>>) offsets(%dma_start3A_137 : memref<128xi32, #tpu.memory_space<vmem>>) semaphore(%arg11 : memref<!tpu.dma_semaphore, #tpu.memory_space<semaphore_mem>>)
      } else {
      }
      %dma_wait3A_126 = arith.constant 0 : i32
      %dma_wait3A_127 = tpu.memref_slice %arg6[%add3A_112, %dma_wait3A_126] : memref<40x128xi32, #tpu.memory_space<vmem>> -> memref<1x128xi32, #tpu.memory_space<vmem>>
      %dma_wait3A_128 = tpu.memref_squeeze %dma_wait3A_127 : memref<1x128xi32, #tpu.memory_space<vmem>> -> memref<128xi32, #tpu.memory_space<vmem>>
      %dma_wait3A_129 = arith.constant 0 : i32
      %dma_wait3A_130 = arith.constant 0 : i32
      %dma_wait3A_131 = tpu.memref_slice %arg2[%dma_wait3A_129, %dma_wait3A_130] : memref<40960x128xf32, #tpu.memory_space<hbm>> -> memref<40960x128xf32, #tpu.memory_space<hbm>>
      tpu.wait_indirect_dma semaphore(%arg12 : memref<!tpu.dma_semaphore, #tpu.memory_space<semaphore_mem>>) src(%dma_wait3A_131 : memref<40960x128xf32, #tpu.memory_space<hbm>>) dst(%arg9 : memref<128x128xf32, #tpu.memory_space<vmem>>)
      "tpu.region"() ({
        %run_scoped3A = tpu.sem_alloc : memref<!tpu.dma_semaphore, #tpu.memory_space<semaphore_mem>>
        %dma_start3A_133 = arith.constant 0 : i32
        %dma_start3A_134 = tpu.memref_slice %arg7[%add3A_112, %dma_start3A_133] : memref<40x128xi32, #tpu.memory_space<vmem>> -> memref<1x128xi32, #tpu.memory_space<vmem>>
        %dma_start3A_135 = tpu.memref_squeeze %dma_start3A_134 : memref<1x128xi32, #tpu.memory_space<vmem>> -> memref<128xi32, #tpu.memory_space<vmem>>
        %dma_start3A_136 = arith.constant 0 : i32
        %dma_start3A_137 = arith.constant 0 : i32
        %dma_start3A_138 = tpu.memref_slice %arg10[%dma_start3A_136, %dma_start3A_137] : memref<10240x128xf32, #tpu.memory_space<vmem_shared>> -> memref<10240x128xf32, #tpu.memory_space<vmem_shared>>
        tpu.enqueue_indirect_dma source(%arg9 : memref<128x128xf32, #tpu.memory_space<vmem>>) target(%dma_start3A_138 : memref<10240x128xf32, #tpu.memory_space<vmem_shared>>) offsets(%dma_start3A_135 : memref<128xi32, #tpu.memory_space<vmem>>) semaphore(%run_scoped3A : memref<!tpu.dma_semaphore, #tpu.memory_space<semaphore_mem>>) {add = true}
        %dma_wait3A_139 = arith.constant 0 : i32
        %dma_wait3A_140 = tpu.memref_slice %arg7[%add3A_112, %dma_wait3A_139] : memref<40x128xi32, #tpu.memory_space<vmem>> -> memref<1x128xi32, #tpu.memory_space<vmem>>
        %dma_wait3A_141 = tpu.memref_squeeze %dma_wait3A_140 : memref<1x128xi32, #tpu.memory_space<vmem>> -> memref<128xi32, #tpu.memory_space<vmem>>
        %dma_wait3A_142 = arith.constant 0 : i32
        %dma_wait3A_143 = arith.constant 0 : i32
        %dma_wait3A_144 = tpu.memref_slice %arg10[%dma_wait3A_142, %dma_wait3A_143] : memref<10240x128xf32, #tpu.memory_space<vmem_shared>> -> memref<10240x128xf32, #tpu.memory_space<vmem_shared>>
        tpu.wait_indirect_dma semaphore(%run_scoped3A : memref<!tpu.dma_semaphore, #tpu.memory_space<semaphore_mem>>) src(%arg9 : memref<128x128xf32, #tpu.memory_space<vmem>>) dst(%dma_wait3A_144 : memref<10240x128xf32, #tpu.memory_space<vmem_shared>>)
        tpu.yield
      }) : () -> ()
      %scan3A_132 = arith.constant 0 : i32
      scf.yield %scan3A_132 : i32
    }
    %scan3A_98 = arith.constant 20 : i32
    %barrier3A_99 = arith.constant 0 : index
    tpu.barrier barrier_id(%barrier3A_99)
    %mul3A_100 = arith.constant 640 : i32
    %mul3A_101 = arith.muli %arg1, %mul3A_100 : i32
    %mul3A_102 = arith.constant 640 : i32
    %mul3A_103 = arith.muli %arg1, %mul3A_102 : i32
    "tpu.region"() ({
      %run_scoped3A = tpu.sem_alloc : memref<!tpu.dma_semaphore, #tpu.memory_space<semaphore_mem>>
      %dma_start3A_105 = arith.constant 0 : i32
      %dma_start3A_106 = tpu.memref_slice %arg5[%add3A_54, %mul3A_103, %dma_start3A_105] : memref<4x10240x128xf32, #tpu.memory_space<hbm>> -> memref<1x640x128xf32, #tpu.memory_space<hbm>>
      %dma_start3A_107 = tpu.memref_squeeze %dma_start3A_106 : memref<1x640x128xf32, #tpu.memory_space<hbm>> -> memref<640x128xf32, #tpu.memory_space<hbm>>
      %dma_start3A_108 = arith.constant 0 : i32
      %dma_start3A_109 = tpu.memref_slice %arg10[%mul3A_101, %dma_start3A_108] : memref<10240x128xf32, #tpu.memory_space<vmem_shared>> -> memref<640x128xf32, #tpu.memory_space<vmem_shared>>
      tpu.enqueue_dma source(%dma_start3A_109 : memref<640x128xf32, #tpu.memory_space<vmem_shared>>) target(%dma_start3A_107 : memref<640x128xf32, #tpu.memory_space<hbm>>) target_semaphore(%run_scoped3A : memref<!tpu.dma_semaphore, #tpu.memory_space<semaphore_mem>>)
      %dma_wait3A = arith.constant 0 : i32
      %dma_wait3A_110 = tpu.memref_slice %arg5[%add3A_54, %mul3A_103, %dma_wait3A] : memref<4x10240x128xf32, #tpu.memory_space<hbm>> -> memref<1x640x128xf32, #tpu.memory_space<hbm>>
      %dma_wait3A_111 = tpu.memref_squeeze %dma_wait3A_110 : memref<1x640x128xf32, #tpu.memory_space<hbm>> -> memref<640x128xf32, #tpu.memory_space<hbm>>
      %dma_wait3A_112 = arith.constant 0 : i32
      %dma_wait3A_113 = tpu.memref_slice %arg10[%mul3A_101, %dma_wait3A_112] : memref<10240x128xf32, #tpu.memory_space<vmem_shared>> -> memref<640x128xf32, #tpu.memory_space<vmem_shared>>
      tpu.wait_dma2 semaphore(%run_scoped3A : memref<!tpu.dma_semaphore, #tpu.memory_space<semaphore_mem>>) src(%dma_wait3A_113 : memref<640x128xf32, #tpu.memory_space<vmem_shared>>) dst(%dma_wait3A_111 : memref<640x128xf32, #tpu.memory_space<hbm>>)
      tpu.yield
    }) : () -> ()
    %barrier3A_104 = arith.constant 0 : index
    tpu.barrier barrier_id(%barrier3A_104)
    return
  }
}

#map = affine_map<(d0, d1) -> (0, 0)>
#map1 = affine_map<(d0, d1) -> (0, 0, 0)>
module attributes {stable_mosaic.version = 14 : i64} {
  func.func @_sc_agg_body(%arg0: i32, %arg1: i32, %arg2: memref<40960x128xf32, #tpu.memory_space<hbm>>, %arg3: memref<4x1280x128xi32, #tpu.memory_space<hbm>>, %arg4: memref<1280x128xi32, #tpu.memory_space<hbm>>, %arg5: memref<4x10240x128xf32, #tpu.memory_space<hbm>>, %arg6: memref<40x128xi32, #tpu.memory_space<vmem>>, %arg7: memref<40x128xi32, #tpu.memory_space<vmem>>, %arg8: memref<128x128xf32, #tpu.memory_space<vmem>>, %arg9: memref<128x128xf32, #tpu.memory_space<vmem>>, %arg10: memref<10240x128xf32, #tpu.memory_space<vmem_shared>>, %arg11: memref<!tpu.dma_semaphore, #tpu.memory_space<semaphore_mem>>, %arg12: memref<!tpu.dma_semaphore, #tpu.memory_space<semaphore_mem>>, %arg13: memref<!tpu.dma_semaphore, #tpu.memory_space<semaphore_mem>>, %arg14: memref<!tpu.dma_semaphore, #tpu.memory_space<semaphore_mem>>) attributes {dimension_semantics = [#tpu.dimension_semantics<core_parallel>, #tpu.dimension_semantics<subcore_parallel>], iteration_bounds = array<i64: 2, 16>, scalar_prefetch = 0 : i64, scratch_operands = 9 : i64, tpu.core_type = #tpu.core_type<sc_vector_subcore>, window_params = [{transform_indices = #map}, {transform_indices = #map1}, {transform_indices = #map}, {transform_indices = #map1}]} {
    %mul3A = arith.constant 80 : i32
    %mul3A_0 = arith.muli %arg1, %mul3A : i32
    %mul3A_1 = arith.constant 2 : i32
    %mul3A_2 = arith.muli %arg0, %mul3A_1 : i32
    %add3A = arith.constant 0 : i32
    %add3A_3 = arith.addi %mul3A_2, %add3A : i32
    %mul3A_4 = arith.constant 10240 : i32
    %mul3A_5 = arith.muli %add3A_3, %mul3A_4 : i32
    %mul3A_6 = arith.constant 640 : i32
    %mul3A_7 = arith.muli %arg1, %mul3A_6 : i32
    %add3A_8 = arith.addi %mul3A_5, %mul3A_7 : i32
    %mul3A_9 = arith.constant 640 : i32
    %mul3A_10 = arith.muli %arg1, %mul3A_9 : i32
    "tpu.region"() ({
      %run_scoped3A = tpu.sem_alloc : memref<!tpu.dma_semaphore, #tpu.memory_space<semaphore_mem>>
      %dma_start3A_105 = arith.constant 0 : i32
      %dma_start3A_106 = tpu.memref_slice %arg10[%mul3A_10, %dma_start3A_105] : memref<10240x128xf32, #tpu.memory_space<vmem_shared>> -> memref<640x128xf32, #tpu.memory_space<vmem_shared>>
      %dma_start3A_107 = arith.constant 0 : i32
      %dma_start3A_108 = tpu.memref_slice %arg2[%add3A_8, %dma_start3A_107] : memref<40960x128xf32, #tpu.memory_space<hbm>> -> memref<640x128xf32, #tpu.memory_space<hbm>>
      tpu.enqueue_dma source(%dma_start3A_108 : memref<640x128xf32, #tpu.memory_space<hbm>>) target(%dma_start3A_106 : memref<640x128xf32, #tpu.memory_space<vmem_shared>>) target_semaphore(%run_scoped3A : memref<!tpu.dma_semaphore, #tpu.memory_space<semaphore_mem>>)
      %dma_wait3A = arith.constant 0 : i32
      %dma_wait3A_109 = tpu.memref_slice %arg10[%mul3A_10, %dma_wait3A] : memref<10240x128xf32, #tpu.memory_space<vmem_shared>> -> memref<640x128xf32, #tpu.memory_space<vmem_shared>>
      %dma_wait3A_110 = arith.constant 0 : i32
      %dma_wait3A_111 = tpu.memref_slice %arg2[%add3A_8, %dma_wait3A_110] : memref<40960x128xf32, #tpu.memory_space<hbm>> -> memref<640x128xf32, #tpu.memory_space<hbm>>
      tpu.wait_dma2 semaphore(%run_scoped3A : memref<!tpu.dma_semaphore, #tpu.memory_space<semaphore_mem>>) src(%dma_wait3A_111 : memref<640x128xf32, #tpu.memory_space<hbm>>) dst(%dma_wait3A_109 : memref<640x128xf32, #tpu.memory_space<vmem_shared>>)
      tpu.yield
    }) : () -> ()
    %barrier3A = arith.constant 0 : index
    tpu.barrier barrier_id(%barrier3A)
    %add3A_11 = arith.constant 0 : i32
    %add3A_12 = arith.addi %mul3A_0, %add3A_11 : i32
    "tpu.region"() ({
      %run_scoped3A = tpu.sem_alloc : memref<!tpu.dma_semaphore, #tpu.memory_space<semaphore_mem>>
      %dma_start3A_105 = arith.constant 0 : i32
      %dma_start3A_106 = tpu.memref_slice %arg3[%add3A_3, %add3A_12, %dma_start3A_105] : memref<4x1280x128xi32, #tpu.memory_space<hbm>> -> memref<1x40x128xi32, #tpu.memory_space<hbm>>
      %dma_start3A_107 = tpu.memref_squeeze %dma_start3A_106 : memref<1x40x128xi32, #tpu.memory_space<hbm>> -> memref<40x128xi32, #tpu.memory_space<hbm>>
      %dma_start3A_108 = arith.constant 0 : i32
      %dma_start3A_109 = tpu.memref_slice %arg3[%add3A_3, %add3A_12, %dma_start3A_108] : memref<4x1280x128xi32, #tpu.memory_space<hbm>> -> memref<1x40x128xi32, #tpu.memory_space<hbm>>
      %dma_start3A_110 = tpu.memref_squeeze %dma_start3A_109 : memref<1x40x128xi32, #tpu.memory_space<hbm>> -> memref<40x128xi32, #tpu.memory_space<hbm>>
      tpu.enqueue_dma source(%dma_start3A_110 : memref<40x128xi32, #tpu.memory_space<hbm>>) target(%arg6 : memref<40x128xi32, #tpu.memory_space<vmem>>) target_semaphore(%run_scoped3A : memref<!tpu.dma_semaphore, #tpu.memory_space<semaphore_mem>>)
      %dma_wait3A = arith.constant 0 : i32
      %dma_wait3A_111 = tpu.memref_slice %arg3[%add3A_3, %add3A_12, %dma_wait3A] : memref<4x1280x128xi32, #tpu.memory_space<hbm>> -> memref<1x40x128xi32, #tpu.memory_space<hbm>>
      %dma_wait3A_112 = tpu.memref_squeeze %dma_wait3A_111 : memref<1x40x128xi32, #tpu.memory_space<hbm>> -> memref<40x128xi32, #tpu.memory_space<hbm>>
      %dma_wait3A_113 = arith.constant 0 : i32
      %dma_wait3A_114 = tpu.memref_slice %arg3[%add3A_3, %add3A_12, %dma_wait3A_113] : memref<4x1280x128xi32, #tpu.memory_space<hbm>> -> memref<1x40x128xi32, #tpu.memory_space<hbm>>
      %dma_wait3A_115 = tpu.memref_squeeze %dma_wait3A_114 : memref<1x40x128xi32, #tpu.memory_space<hbm>> -> memref<40x128xi32, #tpu.memory_space<hbm>>
      tpu.wait_dma2 semaphore(%run_scoped3A : memref<!tpu.dma_semaphore, #tpu.memory_space<semaphore_mem>>) src(%dma_wait3A_115 : memref<40x128xi32, #tpu.memory_space<hbm>>) dst(%arg6 : memref<40x128xi32, #tpu.memory_space<vmem>>)
      tpu.yield
    }) : () -> ()
    %add3A_13 = arith.constant 0 : i32
    %add3A_14 = arith.addi %mul3A_0, %add3A_13 : i32
    "tpu.region"() ({
      %run_scoped3A = tpu.sem_alloc : memref<!tpu.dma_semaphore, #tpu.memory_space<semaphore_mem>>
      %dma_start3A_105 = arith.constant 0 : i32
      %dma_start3A_106 = tpu.memref_slice %arg4[%add3A_14, %dma_start3A_105] : memref<1280x128xi32, #tpu.memory_space<hbm>> -> memref<40x128xi32, #tpu.memory_space<hbm>>
      %dma_start3A_107 = arith.constant 0 : i32
      %dma_start3A_108 = tpu.memref_slice %arg4[%add3A_14, %dma_start3A_107] : memref<1280x128xi32, #tpu.memory_space<hbm>> -> memref<40x128xi32, #tpu.memory_space<hbm>>
      tpu.enqueue_dma source(%dma_start3A_108 : memref<40x128xi32, #tpu.memory_space<hbm>>) target(%arg7 : memref<40x128xi32, #tpu.memory_space<vmem>>) target_semaphore(%run_scoped3A : memref<!tpu.dma_semaphore, #tpu.memory_space<semaphore_mem>>)
      %dma_wait3A = arith.constant 0 : i32
      %dma_wait3A_109 = tpu.memref_slice %arg4[%add3A_14, %dma_wait3A] : memref<1280x128xi32, #tpu.memory_space<hbm>> -> memref<40x128xi32, #tpu.memory_space<hbm>>
      %dma_wait3A_110 = arith.constant 0 : i32
      %dma_wait3A_111 = tpu.memref_slice %arg4[%add3A_14, %dma_wait3A_110] : memref<1280x128xi32, #tpu.memory_space<hbm>> -> memref<40x128xi32, #tpu.memory_space<hbm>>
      tpu.wait_dma2 semaphore(%run_scoped3A : memref<!tpu.dma_semaphore, #tpu.memory_space<semaphore_mem>>) src(%dma_wait3A_111 : memref<40x128xi32, #tpu.memory_space<hbm>>) dst(%arg7 : memref<40x128xi32, #tpu.memory_space<vmem>>)
      tpu.yield
    }) : () -> ()
    %dma_start3A = arith.constant 0 : i32
    %dma_start3A_15 = arith.constant 0 : i32
    %dma_start3A_16 = tpu.memref_slice %arg6[%dma_start3A, %dma_start3A_15] : memref<40x128xi32, #tpu.memory_space<vmem>> -> memref<1x128xi32, #tpu.memory_space<vmem>>
    %dma_start3A_17 = tpu.memref_squeeze %dma_start3A_16 : memref<1x128xi32, #tpu.memory_space<vmem>> -> memref<128xi32, #tpu.memory_space<vmem>>
    %dma_start3A_18 = arith.constant 0 : i32
    %dma_start3A_19 = arith.constant 0 : i32
    %dma_start3A_20 = tpu.memref_slice %arg2[%dma_start3A_18, %dma_start3A_19] : memref<40960x128xf32, #tpu.memory_space<hbm>> -> memref<40960x128xf32, #tpu.memory_space<hbm>>
    tpu.enqueue_indirect_dma source(%dma_start3A_20 : memref<40960x128xf32, #tpu.memory_space<hbm>>) target(%arg8 : memref<128x128xf32, #tpu.memory_space<vmem>>) offsets(%dma_start3A_17 : memref<128xi32, #tpu.memory_space<vmem>>) semaphore(%arg11 : memref<!tpu.dma_semaphore, #tpu.memory_space<semaphore_mem>>)
    %scan3A = arith.constant 0 : i32
    %scan3A_21 = arith.constant 0 : i32
    %scan3A_22 = arith.constant 20 : i32
    %scan3A_23 = arith.addi %scan3A_21, %scan3A_22 : i32
    %scan3A_24 = arith.constant 1 : i32
    %scan3A_25 = scf.for %scan3A_105 = %scan3A_21 to %scan3A_23 step %scan3A_24 iter_args(%scan3A_106 = %scan3A) -> (i32)  : i32 {
      %mul3A_107 = arith.constant 2 : i32
      %mul3A_108 = arith.muli %mul3A_107, %scan3A_105 : i32
      %mul3A_109 = arith.constant 2 : i32
      %mul3A_110 = arith.muli %mul3A_109, %scan3A_105 : i32
      %add3A_111 = arith.constant 1 : i32
      %add3A_112 = arith.addi %mul3A_110, %add3A_111 : i32
      %dma_start3A_113 = arith.constant 0 : i32
      %dma_start3A_114 = tpu.memref_slice %arg6[%add3A_112, %dma_start3A_113] : memref<40x128xi32, #tpu.memory_space<vmem>> -> memref<1x128xi32, #tpu.memory_space<vmem>>
      %dma_start3A_115 = tpu.memref_squeeze %dma_start3A_114 : memref<1x128xi32, #tpu.memory_space<vmem>> -> memref<128xi32, #tpu.memory_space<vmem>>
      %dma_start3A_116 = arith.constant 0 : i32
      %dma_start3A_117 = arith.constant 0 : i32
      %dma_start3A_118 = tpu.memref_slice %arg2[%dma_start3A_116, %dma_start3A_117] : memref<40960x128xf32, #tpu.memory_space<hbm>> -> memref<40960x128xf32, #tpu.memory_space<hbm>>
      tpu.enqueue_indirect_dma source(%dma_start3A_118 : memref<40960x128xf32, #tpu.memory_space<hbm>>) target(%arg9 : memref<128x128xf32, #tpu.memory_space<vmem>>) offsets(%dma_start3A_115 : memref<128xi32, #tpu.memory_space<vmem>>) semaphore(%arg12 : memref<!tpu.dma_semaphore, #tpu.memory_space<semaphore_mem>>)
      %dma_wait3A = arith.constant 0 : i32
      %dma_wait3A_119 = tpu.memref_slice %arg6[%mul3A_108, %dma_wait3A] : memref<40x128xi32, #tpu.memory_space<vmem>> -> memref<1x128xi32, #tpu.memory_space<vmem>>
      %dma_wait3A_120 = tpu.memref_squeeze %dma_wait3A_119 : memref<1x128xi32, #tpu.memory_space<vmem>> -> memref<128xi32, #tpu.memory_space<vmem>>
      %dma_wait3A_121 = arith.constant 0 : i32
      %dma_wait3A_122 = arith.constant 0 : i32
      %dma_wait3A_123 = tpu.memref_slice %arg2[%dma_wait3A_121, %dma_wait3A_122] : memref<40960x128xf32, #tpu.memory_space<hbm>> -> memref<40960x128xf32, #tpu.memory_space<hbm>>
      tpu.wait_indirect_dma semaphore(%arg11 : memref<!tpu.dma_semaphore, #tpu.memory_space<semaphore_mem>>) src(%dma_wait3A_123 : memref<40960x128xf32, #tpu.memory_space<hbm>>) dst(%arg8 : memref<128x128xf32, #tpu.memory_space<vmem>>)
      "tpu.region"() ({
        %run_scoped3A = tpu.sem_alloc : memref<!tpu.dma_semaphore, #tpu.memory_space<semaphore_mem>>
        %dma_start3A_133 = arith.constant 0 : i32
        %dma_start3A_134 = tpu.memref_slice %arg7[%mul3A_108, %dma_start3A_133] : memref<40x128xi32, #tpu.memory_space<vmem>> -> memref<1x128xi32, #tpu.memory_space<vmem>>
        %dma_start3A_135 = tpu.memref_squeeze %dma_start3A_134 : memref<1x128xi32, #tpu.memory_space<vmem>> -> memref<128xi32, #tpu.memory_space<vmem>>
        %dma_start3A_136 = arith.constant 0 : i32
        %dma_start3A_137 = arith.constant 0 : i32
        %dma_start3A_138 = tpu.memref_slice %arg10[%dma_start3A_136, %dma_start3A_137] : memref<10240x128xf32, #tpu.memory_space<vmem_shared>> -> memref<10240x128xf32, #tpu.memory_space<vmem_shared>>
        tpu.enqueue_indirect_dma source(%arg8 : memref<128x128xf32, #tpu.memory_space<vmem>>) target(%dma_start3A_138 : memref<10240x128xf32, #tpu.memory_space<vmem_shared>>) offsets(%dma_start3A_135 : memref<128xi32, #tpu.memory_space<vmem>>) semaphore(%run_scoped3A : memref<!tpu.dma_semaphore, #tpu.memory_space<semaphore_mem>>) {add = true}
        %dma_wait3A_139 = arith.constant 0 : i32
        %dma_wait3A_140 = tpu.memref_slice %arg7[%mul3A_108, %dma_wait3A_139] : memref<40x128xi32, #tpu.memory_space<vmem>> -> memref<1x128xi32, #tpu.memory_space<vmem>>
        %dma_wait3A_141 = tpu.memref_squeeze %dma_wait3A_140 : memref<1x128xi32, #tpu.memory_space<vmem>> -> memref<128xi32, #tpu.memory_space<vmem>>
        %dma_wait3A_142 = arith.constant 0 : i32
        %dma_wait3A_143 = arith.constant 0 : i32
        %dma_wait3A_144 = tpu.memref_slice %arg10[%dma_wait3A_142, %dma_wait3A_143] : memref<10240x128xf32, #tpu.memory_space<vmem_shared>> -> memref<10240x128xf32, #tpu.memory_space<vmem_shared>>
        tpu.wait_indirect_dma semaphore(%run_scoped3A : memref<!tpu.dma_semaphore, #tpu.memory_space<semaphore_mem>>) src(%arg8 : memref<128x128xf32, #tpu.memory_space<vmem>>) dst(%dma_wait3A_144 : memref<10240x128xf32, #tpu.memory_space<vmem_shared>>)
        tpu.yield
      }) : () -> ()
      %lt3A = arith.constant 19 : i32
      %lt3A_124 = arith.cmpi slt, %scan3A_105, %lt3A : i32
      %convert_element_type3A = arith.extui %lt3A_124 : i1 to i32
      %cond3A = arith.constant 0 : i32
      %cond3A_125 = arith.cmpi ne, %convert_element_type3A, %cond3A : i32
      scf.if %cond3A_125 {
        %add3A_133 = arith.constant 2 : i32
        %add3A_134 = arith.addi %mul3A_108, %add3A_133 : i32
        %dma_start3A_135 = arith.constant 0 : i32
        %dma_start3A_136 = tpu.memref_slice %arg6[%add3A_134, %dma_start3A_135] : memref<40x128xi32, #tpu.memory_space<vmem>> -> memref<1x128xi32, #tpu.memory_space<vmem>>
        %dma_start3A_137 = tpu.memref_squeeze %dma_start3A_136 : memref<1x128xi32, #tpu.memory_space<vmem>> -> memref<128xi32, #tpu.memory_space<vmem>>
        %dma_start3A_138 = arith.constant 0 : i32
        %dma_start3A_139 = arith.constant 0 : i32
        %dma_start3A_140 = tpu.memref_slice %arg2[%dma_start3A_138, %dma_start3A_139] : memref<40960x128xf32, #tpu.memory_space<hbm>> -> memref<40960x128xf32, #tpu.memory_space<hbm>>
        tpu.enqueue_indirect_dma source(%dma_start3A_140 : memref<40960x128xf32, #tpu.memory_space<hbm>>) target(%arg8 : memref<128x128xf32, #tpu.memory_space<vmem>>) offsets(%dma_start3A_137 : memref<128xi32, #tpu.memory_space<vmem>>) semaphore(%arg11 : memref<!tpu.dma_semaphore, #tpu.memory_space<semaphore_mem>>)
      } else {
      }
      %dma_wait3A_126 = arith.constant 0 : i32
      %dma_wait3A_127 = tpu.memref_slice %arg6[%add3A_112, %dma_wait3A_126] : memref<40x128xi32, #tpu.memory_space<vmem>> -> memref<1x128xi32, #tpu.memory_space<vmem>>
      %dma_wait3A_128 = tpu.memref_squeeze %dma_wait3A_127 : memref<1x128xi32, #tpu.memory_space<vmem>> -> memref<128xi32, #tpu.memory_space<vmem>>
      %dma_wait3A_129 = arith.constant 0 : i32
      %dma_wait3A_130 = arith.constant 0 : i32
      %dma_wait3A_131 = tpu.memref_slice %arg2[%dma_wait3A_129, %dma_wait3A_130] : memref<40960x128xf32, #tpu.memory_space<hbm>> -> memref<40960x128xf32, #tpu.memory_space<hbm>>
      tpu.wait_indirect_dma semaphore(%arg12 : memref<!tpu.dma_semaphore, #tpu.memory_space<semaphore_mem>>) src(%dma_wait3A_131 : memref<40960x128xf32, #tpu.memory_space<hbm>>) dst(%arg9 : memref<128x128xf32, #tpu.memory_space<vmem>>)
      "tpu.region"() ({
        %run_scoped3A = tpu.sem_alloc : memref<!tpu.dma_semaphore, #tpu.memory_space<semaphore_mem>>
        %dma_start3A_133 = arith.constant 0 : i32
        %dma_start3A_134 = tpu.memref_slice %arg7[%add3A_112, %dma_start3A_133] : memref<40x128xi32, #tpu.memory_space<vmem>> -> memref<1x128xi32, #tpu.memory_space<vmem>>
        %dma_start3A_135 = tpu.memref_squeeze %dma_start3A_134 : memref<1x128xi32, #tpu.memory_space<vmem>> -> memref<128xi32, #tpu.memory_space<vmem>>
        %dma_start3A_136 = arith.constant 0 : i32
        %dma_start3A_137 = arith.constant 0 : i32
        %dma_start3A_138 = tpu.memref_slice %arg10[%dma_start3A_136, %dma_start3A_137] : memref<10240x128xf32, #tpu.memory_space<vmem_shared>> -> memref<10240x128xf32, #tpu.memory_space<vmem_shared>>
        tpu.enqueue_indirect_dma source(%arg9 : memref<128x128xf32, #tpu.memory_space<vmem>>) target(%dma_start3A_138 : memref<10240x128xf32, #tpu.memory_space<vmem_shared>>) offsets(%dma_start3A_135 : memref<128xi32, #tpu.memory_space<vmem>>) semaphore(%run_scoped3A : memref<!tpu.dma_semaphore, #tpu.memory_space<semaphore_mem>>) {add = true}
        %dma_wait3A_139 = arith.constant 0 : i32
        %dma_wait3A_140 = tpu.memref_slice %arg7[%add3A_112, %dma_wait3A_139] : memref<40x128xi32, #tpu.memory_space<vmem>> -> memref<1x128xi32, #tpu.memory_space<vmem>>
        %dma_wait3A_141 = tpu.memref_squeeze %dma_wait3A_140 : memref<1x128xi32, #tpu.memory_space<vmem>> -> memref<128xi32, #tpu.memory_space<vmem>>
        %dma_wait3A_142 = arith.constant 0 : i32
        %dma_wait3A_143 = arith.constant 0 : i32
        %dma_wait3A_144 = tpu.memref_slice %arg10[%dma_wait3A_142, %dma_wait3A_143] : memref<10240x128xf32, #tpu.memory_space<vmem_shared>> -> memref<10240x128xf32, #tpu.memory_space<vmem_shared>>
        tpu.wait_indirect_dma semaphore(%run_scoped3A : memref<!tpu.dma_semaphore, #tpu.memory_space<semaphore_mem>>) src(%arg9 : memref<128x128xf32, #tpu.memory_space<vmem>>) dst(%dma_wait3A_144 : memref<10240x128xf32, #tpu.memory_space<vmem_shared>>)
        tpu.yield
      }) : () -> ()
      %scan3A_132 = arith.constant 0 : i32
      scf.yield %scan3A_132 : i32
    }
    %scan3A_26 = arith.constant 20 : i32
    %add3A_27 = arith.constant 40 : i32
    %add3A_28 = arith.addi %mul3A_0, %add3A_27 : i32
    "tpu.region"() ({
      %run_scoped3A = tpu.sem_alloc : memref<!tpu.dma_semaphore, #tpu.memory_space<semaphore_mem>>
      %dma_start3A_105 = arith.constant 0 : i32
      %dma_start3A_106 = tpu.memref_slice %arg3[%add3A_3, %add3A_28, %dma_start3A_105] : memref<4x1280x128xi32, #tpu.memory_space<hbm>> -> memref<1x40x128xi32, #tpu.memory_space<hbm>>
      %dma_start3A_107 = tpu.memref_squeeze %dma_start3A_106 : memref<1x40x128xi32, #tpu.memory_space<hbm>> -> memref<40x128xi32, #tpu.memory_space<hbm>>
      %dma_start3A_108 = arith.constant 0 : i32
      %dma_start3A_109 = tpu.memref_slice %arg3[%add3A_3, %add3A_28, %dma_start3A_108] : memref<4x1280x128xi32, #tpu.memory_space<hbm>> -> memref<1x40x128xi32, #tpu.memory_space<hbm>>
      %dma_start3A_110 = tpu.memref_squeeze %dma_start3A_109 : memref<1x40x128xi32, #tpu.memory_space<hbm>> -> memref<40x128xi32, #tpu.memory_space<hbm>>
      tpu.enqueue_dma source(%dma_start3A_110 : memref<40x128xi32, #tpu.memory_space<hbm>>) target(%arg6 : memref<40x128xi32, #tpu.memory_space<vmem>>) target_semaphore(%run_scoped3A : memref<!tpu.dma_semaphore, #tpu.memory_space<semaphore_mem>>)
      %dma_wait3A = arith.constant 0 : i32
      %dma_wait3A_111 = tpu.memref_slice %arg3[%add3A_3, %add3A_28, %dma_wait3A] : memref<4x1280x128xi32, #tpu.memory_space<hbm>> -> memref<1x40x128xi32, #tpu.memory_space<hbm>>
      %dma_wait3A_112 = tpu.memref_squeeze %dma_wait3A_111 : memref<1x40x128xi32, #tpu.memory_space<hbm>> -> memref<40x128xi32, #tpu.memory_space<hbm>>
      %dma_wait3A_113 = arith.constant 0 : i32
      %dma_wait3A_114 = tpu.memref_slice %arg3[%add3A_3, %add3A_28, %dma_wait3A_113] : memref<4x1280x128xi32, #tpu.memory_space<hbm>> -> memref<1x40x128xi32, #tpu.memory_space<hbm>>
      %dma_wait3A_115 = tpu.memref_squeeze %dma_wait3A_114 : memref<1x40x128xi32, #tpu.memory_space<hbm>> -> memref<40x128xi32, #tpu.memory_space<hbm>>
      tpu.wait_dma2 semaphore(%run_scoped3A : memref<!tpu.dma_semaphore, #tpu.memory_space<semaphore_mem>>) src(%dma_wait3A_115 : memref<40x128xi32, #tpu.memory_space<hbm>>) dst(%arg6 : memref<40x128xi32, #tpu.memory_space<vmem>>)
      tpu.yield
    }) : () -> ()
    %add3A_29 = arith.constant 40 : i32
    %add3A_30 = arith.addi %mul3A_0, %add3A_29 : i32
    "tpu.region"() ({
      %run_scoped3A = tpu.sem_alloc : memref<!tpu.dma_semaphore, #tpu.memory_space<semaphore_mem>>
      %dma_start3A_105 = arith.constant 0 : i32
      %dma_start3A_106 = tpu.memref_slice %arg4[%add3A_30, %dma_start3A_105] : memref<1280x128xi32, #tpu.memory_space<hbm>> -> memref<40x128xi32, #tpu.memory_space<hbm>>
      %dma_start3A_107 = arith.constant 0 : i32
      %dma_start3A_108 = tpu.memref_slice %arg4[%add3A_30, %dma_start3A_107] : memref<1280x128xi32, #tpu.memory_space<hbm>> -> memref<40x128xi32, #tpu.memory_space<hbm>>
      tpu.enqueue_dma source(%dma_start3A_108 : memref<40x128xi32, #tpu.memory_space<hbm>>) target(%arg7 : memref<40x128xi32, #tpu.memory_space<vmem>>) target_semaphore(%run_scoped3A : memref<!tpu.dma_semaphore, #tpu.memory_space<semaphore_mem>>)
      %dma_wait3A = arith.constant 0 : i32
      %dma_wait3A_109 = tpu.memref_slice %arg4[%add3A_30, %dma_wait3A] : memref<1280x128xi32, #tpu.memory_space<hbm>> -> memref<40x128xi32, #tpu.memory_space<hbm>>
      %dma_wait3A_110 = arith.constant 0 : i32
      %dma_wait3A_111 = tpu.memref_slice %arg4[%add3A_30, %dma_wait3A_110] : memref<1280x128xi32, #tpu.memory_space<hbm>> -> memref<40x128xi32, #tpu.memory_space<hbm>>
      tpu.wait_dma2 semaphore(%run_scoped3A : memref<!tpu.dma_semaphore, #tpu.memory_space<semaphore_mem>>) src(%dma_wait3A_111 : memref<40x128xi32, #tpu.memory_space<hbm>>) dst(%arg7 : memref<40x128xi32, #tpu.memory_space<vmem>>)
      tpu.yield
    }) : () -> ()
    %dma_start3A_31 = arith.constant 0 : i32
    %dma_start3A_32 = arith.constant 0 : i32
    %dma_start3A_33 = tpu.memref_slice %arg6[%dma_start3A_31, %dma_start3A_32] : memref<40x128xi32, #tpu.memory_space<vmem>> -> memref<1x128xi32, #tpu.memory_space<vmem>>
    %dma_start3A_34 = tpu.memref_squeeze %dma_start3A_33 : memref<1x128xi32, #tpu.memory_space<vmem>> -> memref<128xi32, #tpu.memory_space<vmem>>
    %dma_start3A_35 = arith.constant 0 : i32
    %dma_start3A_36 = arith.constant 0 : i32
    %dma_start3A_37 = tpu.memref_slice %arg2[%dma_start3A_35, %dma_start3A_36] : memref<40960x128xf32, #tpu.memory_space<hbm>> -> memref<40960x128xf32, #tpu.memory_space<hbm>>
    tpu.enqueue_indirect_dma source(%dma_start3A_37 : memref<40960x128xf32, #tpu.memory_space<hbm>>) target(%arg8 : memref<128x128xf32, #tpu.memory_space<vmem>>) offsets(%dma_start3A_34 : memref<128xi32, #tpu.memory_space<vmem>>) semaphore(%arg11 : memref<!tpu.dma_semaphore, #tpu.memory_space<semaphore_mem>>)
    %scan3A_38 = arith.constant 0 : i32
    %scan3A_39 = arith.constant 0 : i32
    %scan3A_40 = arith.constant 20 : i32
    %scan3A_41 = arith.addi %scan3A_39, %scan3A_40 : i32
    %scan3A_42 = arith.constant 1 : i32
    %scan3A_43 = scf.for %scan3A_105 = %scan3A_39 to %scan3A_41 step %scan3A_42 iter_args(%scan3A_106 = %scan3A_38) -> (i32)  : i32 {
      %mul3A_107 = arith.constant 2 : i32
      %mul3A_108 = arith.muli %mul3A_107, %scan3A_105 : i32
      %mul3A_109 = arith.constant 2 : i32
      %mul3A_110 = arith.muli %mul3A_109, %scan3A_105 : i32
      %add3A_111 = arith.constant 1 : i32
      %add3A_112 = arith.addi %mul3A_110, %add3A_111 : i32
      %dma_start3A_113 = arith.constant 0 : i32
      %dma_start3A_114 = tpu.memref_slice %arg6[%add3A_112, %dma_start3A_113] : memref<40x128xi32, #tpu.memory_space<vmem>> -> memref<1x128xi32, #tpu.memory_space<vmem>>
      %dma_start3A_115 = tpu.memref_squeeze %dma_start3A_114 : memref<1x128xi32, #tpu.memory_space<vmem>> -> memref<128xi32, #tpu.memory_space<vmem>>
      %dma_start3A_116 = arith.constant 0 : i32
      %dma_start3A_117 = arith.constant 0 : i32
      %dma_start3A_118 = tpu.memref_slice %arg2[%dma_start3A_116, %dma_start3A_117] : memref<40960x128xf32, #tpu.memory_space<hbm>> -> memref<40960x128xf32, #tpu.memory_space<hbm>>
      tpu.enqueue_indirect_dma source(%dma_start3A_118 : memref<40960x128xf32, #tpu.memory_space<hbm>>) target(%arg9 : memref<128x128xf32, #tpu.memory_space<vmem>>) offsets(%dma_start3A_115 : memref<128xi32, #tpu.memory_space<vmem>>) semaphore(%arg12 : memref<!tpu.dma_semaphore, #tpu.memory_space<semaphore_mem>>)
      %dma_wait3A = arith.constant 0 : i32
      %dma_wait3A_119 = tpu.memref_slice %arg6[%mul3A_108, %dma_wait3A] : memref<40x128xi32, #tpu.memory_space<vmem>> -> memref<1x128xi32, #tpu.memory_space<vmem>>
      %dma_wait3A_120 = tpu.memref_squeeze %dma_wait3A_119 : memref<1x128xi32, #tpu.memory_space<vmem>> -> memref<128xi32, #tpu.memory_space<vmem>>
      %dma_wait3A_121 = arith.constant 0 : i32
      %dma_wait3A_122 = arith.constant 0 : i32
      %dma_wait3A_123 = tpu.memref_slice %arg2[%dma_wait3A_121, %dma_wait3A_122] : memref<40960x128xf32, #tpu.memory_space<hbm>> -> memref<40960x128xf32, #tpu.memory_space<hbm>>
      tpu.wait_indirect_dma semaphore(%arg11 : memref<!tpu.dma_semaphore, #tpu.memory_space<semaphore_mem>>) src(%dma_wait3A_123 : memref<40960x128xf32, #tpu.memory_space<hbm>>) dst(%arg8 : memref<128x128xf32, #tpu.memory_space<vmem>>)
      "tpu.region"() ({
        %run_scoped3A = tpu.sem_alloc : memref<!tpu.dma_semaphore, #tpu.memory_space<semaphore_mem>>
        %dma_start3A_133 = arith.constant 0 : i32
        %dma_start3A_134 = tpu.memref_slice %arg7[%mul3A_108, %dma_start3A_133] : memref<40x128xi32, #tpu.memory_space<vmem>> -> memref<1x128xi32, #tpu.memory_space<vmem>>
        %dma_start3A_135 = tpu.memref_squeeze %dma_start3A_134 : memref<1x128xi32, #tpu.memory_space<vmem>> -> memref<128xi32, #tpu.memory_space<vmem>>
        %dma_start3A_136 = arith.constant 0 : i32
        %dma_start3A_137 = arith.constant 0 : i32
        %dma_start3A_138 = tpu.memref_slice %arg10[%dma_start3A_136, %dma_start3A_137] : memref<10240x128xf32, #tpu.memory_space<vmem_shared>> -> memref<10240x128xf32, #tpu.memory_space<vmem_shared>>
        tpu.enqueue_indirect_dma source(%arg8 : memref<128x128xf32, #tpu.memory_space<vmem>>) target(%dma_start3A_138 : memref<10240x128xf32, #tpu.memory_space<vmem_shared>>) offsets(%dma_start3A_135 : memref<128xi32, #tpu.memory_space<vmem>>) semaphore(%run_scoped3A : memref<!tpu.dma_semaphore, #tpu.memory_space<semaphore_mem>>) {add = true}
        %dma_wait3A_139 = arith.constant 0 : i32
        %dma_wait3A_140 = tpu.memref_slice %arg7[%mul3A_108, %dma_wait3A_139] : memref<40x128xi32, #tpu.memory_space<vmem>> -> memref<1x128xi32, #tpu.memory_space<vmem>>
        %dma_wait3A_141 = tpu.memref_squeeze %dma_wait3A_140 : memref<1x128xi32, #tpu.memory_space<vmem>> -> memref<128xi32, #tpu.memory_space<vmem>>
        %dma_wait3A_142 = arith.constant 0 : i32
        %dma_wait3A_143 = arith.constant 0 : i32
        %dma_wait3A_144 = tpu.memref_slice %arg10[%dma_wait3A_142, %dma_wait3A_143] : memref<10240x128xf32, #tpu.memory_space<vmem_shared>> -> memref<10240x128xf32, #tpu.memory_space<vmem_shared>>
        tpu.wait_indirect_dma semaphore(%run_scoped3A : memref<!tpu.dma_semaphore, #tpu.memory_space<semaphore_mem>>) src(%arg8 : memref<128x128xf32, #tpu.memory_space<vmem>>) dst(%dma_wait3A_144 : memref<10240x128xf32, #tpu.memory_space<vmem_shared>>)
        tpu.yield
      }) : () -> ()
      %lt3A = arith.constant 19 : i32
      %lt3A_124 = arith.cmpi slt, %scan3A_105, %lt3A : i32
      %convert_element_type3A = arith.extui %lt3A_124 : i1 to i32
      %cond3A = arith.constant 0 : i32
      %cond3A_125 = arith.cmpi ne, %convert_element_type3A, %cond3A : i32
      scf.if %cond3A_125 {
        %add3A_133 = arith.constant 2 : i32
        %add3A_134 = arith.addi %mul3A_108, %add3A_133 : i32
        %dma_start3A_135 = arith.constant 0 : i32
        %dma_start3A_136 = tpu.memref_slice %arg6[%add3A_134, %dma_start3A_135] : memref<40x128xi32, #tpu.memory_space<vmem>> -> memref<1x128xi32, #tpu.memory_space<vmem>>
        %dma_start3A_137 = tpu.memref_squeeze %dma_start3A_136 : memref<1x128xi32, #tpu.memory_space<vmem>> -> memref<128xi32, #tpu.memory_space<vmem>>
        %dma_start3A_138 = arith.constant 0 : i32
        %dma_start3A_139 = arith.constant 0 : i32
        %dma_start3A_140 = tpu.memref_slice %arg2[%dma_start3A_138, %dma_start3A_139] : memref<40960x128xf32, #tpu.memory_space<hbm>> -> memref<40960x128xf32, #tpu.memory_space<hbm>>
        tpu.enqueue_indirect_dma source(%dma_start3A_140 : memref<40960x128xf32, #tpu.memory_space<hbm>>) target(%arg8 : memref<128x128xf32, #tpu.memory_space<vmem>>) offsets(%dma_start3A_137 : memref<128xi32, #tpu.memory_space<vmem>>) semaphore(%arg11 : memref<!tpu.dma_semaphore, #tpu.memory_space<semaphore_mem>>)
      } else {
      }
      %dma_wait3A_126 = arith.constant 0 : i32
      %dma_wait3A_127 = tpu.memref_slice %arg6[%add3A_112, %dma_wait3A_126] : memref<40x128xi32, #tpu.memory_space<vmem>> -> memref<1x128xi32, #tpu.memory_space<vmem>>
      %dma_wait3A_128 = tpu.memref_squeeze %dma_wait3A_127 : memref<1x128xi32, #tpu.memory_space<vmem>> -> memref<128xi32, #tpu.memory_space<vmem>>
      %dma_wait3A_129 = arith.constant 0 : i32
      %dma_wait3A_130 = arith.constant 0 : i32
      %dma_wait3A_131 = tpu.memref_slice %arg2[%dma_wait3A_129, %dma_wait3A_130] : memref<40960x128xf32, #tpu.memory_space<hbm>> -> memref<40960x128xf32, #tpu.memory_space<hbm>>
      tpu.wait_indirect_dma semaphore(%arg12 : memref<!tpu.dma_semaphore, #tpu.memory_space<semaphore_mem>>) src(%dma_wait3A_131 : memref<40960x128xf32, #tpu.memory_space<hbm>>) dst(%arg9 : memref<128x128xf32, #tpu.memory_space<vmem>>)
      "tpu.region"() ({
        %run_scoped3A = tpu.sem_alloc : memref<!tpu.dma_semaphore, #tpu.memory_space<semaphore_mem>>
        %dma_start3A_133 = arith.constant 0 : i32
        %dma_start3A_134 = tpu.memref_slice %arg7[%add3A_112, %dma_start3A_133] : memref<40x128xi32, #tpu.memory_space<vmem>> -> memref<1x128xi32, #tpu.memory_space<vmem>>
        %dma_start3A_135 = tpu.memref_squeeze %dma_start3A_134 : memref<1x128xi32, #tpu.memory_space<vmem>> -> memref<128xi32, #tpu.memory_space<vmem>>
        %dma_start3A_136 = arith.constant 0 : i32
        %dma_start3A_137 = arith.constant 0 : i32
        %dma_start3A_138 = tpu.memref_slice %arg10[%dma_start3A_136, %dma_start3A_137] : memref<10240x128xf32, #tpu.memory_space<vmem_shared>> -> memref<10240x128xf32, #tpu.memory_space<vmem_shared>>
        tpu.enqueue_indirect_dma source(%arg9 : memref<128x128xf32, #tpu.memory_space<vmem>>) target(%dma_start3A_138 : memref<10240x128xf32, #tpu.memory_space<vmem_shared>>) offsets(%dma_start3A_135 : memref<128xi32, #tpu.memory_space<vmem>>) semaphore(%run_scoped3A : memref<!tpu.dma_semaphore, #tpu.memory_space<semaphore_mem>>) {add = true}
        %dma_wait3A_139 = arith.constant 0 : i32
        %dma_wait3A_140 = tpu.memref_slice %arg7[%add3A_112, %dma_wait3A_139] : memref<40x128xi32, #tpu.memory_space<vmem>> -> memref<1x128xi32, #tpu.memory_space<vmem>>
        %dma_wait3A_141 = tpu.memref_squeeze %dma_wait3A_140 : memref<1x128xi32, #tpu.memory_space<vmem>> -> memref<128xi32, #tpu.memory_space<vmem>>
        %dma_wait3A_142 = arith.constant 0 : i32
        %dma_wait3A_143 = arith.constant 0 : i32
        %dma_wait3A_144 = tpu.memref_slice %arg10[%dma_wait3A_142, %dma_wait3A_143] : memref<10240x128xf32, #tpu.memory_space<vmem_shared>> -> memref<10240x128xf32, #tpu.memory_space<vmem_shared>>
        tpu.wait_indirect_dma semaphore(%run_scoped3A : memref<!tpu.dma_semaphore, #tpu.memory_space<semaphore_mem>>) src(%arg9 : memref<128x128xf32, #tpu.memory_space<vmem>>) dst(%dma_wait3A_144 : memref<10240x128xf32, #tpu.memory_space<vmem_shared>>)
        tpu.yield
      }) : () -> ()
      %scan3A_132 = arith.constant 0 : i32
      scf.yield %scan3A_132 : i32
    }
    %scan3A_44 = arith.constant 20 : i32
    %barrier3A_45 = arith.constant 0 : index
    tpu.barrier barrier_id(%barrier3A_45)
    %mul3A_46 = arith.constant 640 : i32
    %mul3A_47 = arith.muli %arg1, %mul3A_46 : i32
    %mul3A_48 = arith.constant 640 : i32
    %mul3A_49 = arith.muli %arg1, %mul3A_48 : i32
    "tpu.region"() ({
      %run_scoped3A = tpu.sem_alloc : memref<!tpu.dma_semaphore, #tpu.memory_space<semaphore_mem>>
      %dma_start3A_105 = arith.constant 0 : i32
      %dma_start3A_106 = tpu.memref_slice %arg5[%add3A_3, %mul3A_49, %dma_start3A_105] : memref<4x10240x128xf32, #tpu.memory_space<hbm>> -> memref<1x640x128xf32, #tpu.memory_space<hbm>>
      %dma_start3A_107 = tpu.memref_squeeze %dma_start3A_106 : memref<1x640x128xf32, #tpu.memory_space<hbm>> -> memref<640x128xf32, #tpu.memory_space<hbm>>
      %dma_start3A_108 = arith.constant 0 : i32
      %dma_start3A_109 = tpu.memref_slice %arg10[%mul3A_47, %dma_start3A_108] : memref<10240x128xf32, #tpu.memory_space<vmem_shared>> -> memref<640x128xf32, #tpu.memory_space<vmem_shared>>
      tpu.enqueue_dma source(%dma_start3A_109 : memref<640x128xf32, #tpu.memory_space<vmem_shared>>) target(%dma_start3A_107 : memref<640x128xf32, #tpu.memory_space<hbm>>) target_semaphore(%run_scoped3A : memref<!tpu.dma_semaphore, #tpu.memory_space<semaphore_mem>>)
      %dma_wait3A = arith.constant 0 : i32
      %dma_wait3A_110 = tpu.memref_slice %arg5[%add3A_3, %mul3A_49, %dma_wait3A] : memref<4x10240x128xf32, #tpu.memory_space<hbm>> -> memref<1x640x128xf32, #tpu.memory_space<hbm>>
      %dma_wait3A_111 = tpu.memref_squeeze %dma_wait3A_110 : memref<1x640x128xf32, #tpu.memory_space<hbm>> -> memref<640x128xf32, #tpu.memory_space<hbm>>
      %dma_wait3A_112 = arith.constant 0 : i32
      %dma_wait3A_113 = tpu.memref_slice %arg10[%mul3A_47, %dma_wait3A_112] : memref<10240x128xf32, #tpu.memory_space<vmem_shared>> -> memref<640x128xf32, #tpu.memory_space<vmem_shared>>
      tpu.wait_dma2 semaphore(%run_scoped3A : memref<!tpu.dma_semaphore, #tpu.memory_space<semaphore_mem>>) src(%dma_wait3A_113 : memref<640x128xf32, #tpu.memory_space<vmem_shared>>) dst(%dma_wait3A_111 : memref<640x128xf32, #tpu.memory_space<hbm>>)
      tpu.yield
    }) : () -> ()
    %barrier3A_50 = arith.constant 0 : index
    tpu.barrier barrier_id(%barrier3A_50)
    %mul3A_51 = arith.constant 2 : i32
    %mul3A_52 = arith.muli %arg0, %mul3A_51 : i32
    %add3A_53 = arith.constant 1 : i32
    %add3A_54 = arith.addi %mul3A_52, %add3A_53 : i32
    %mul3A_55 = arith.constant 10240 : i32
    %mul3A_56 = arith.muli %add3A_54, %mul3A_55 : i32
    %mul3A_57 = arith.constant 640 : i32
    %mul3A_58 = arith.muli %arg1, %mul3A_57 : i32
    %add3A_59 = arith.addi %mul3A_56, %mul3A_58 : i32
    %mul3A_60 = arith.constant 640 : i32
    %mul3A_61 = arith.muli %arg1, %mul3A_60 : i32
    "tpu.region"() ({
      %run_scoped3A = tpu.sem_alloc : memref<!tpu.dma_semaphore, #tpu.memory_space<semaphore_mem>>
      %dma_start3A_105 = arith.constant 0 : i32
      %dma_start3A_106 = tpu.memref_slice %arg10[%mul3A_61, %dma_start3A_105] : memref<10240x128xf32, #tpu.memory_space<vmem_shared>> -> memref<640x128xf32, #tpu.memory_space<vmem_shared>>
      %dma_start3A_107 = arith.constant 0 : i32
      %dma_start3A_108 = tpu.memref_slice %arg2[%add3A_59, %dma_start3A_107] : memref<40960x128xf32, #tpu.memory_space<hbm>> -> memref<640x128xf32, #tpu.memory_space<hbm>>
      tpu.enqueue_dma source(%dma_start3A_108 : memref<640x128xf32, #tpu.memory_space<hbm>>) target(%dma_start3A_106 : memref<640x128xf32, #tpu.memory_space<vmem_shared>>) target_semaphore(%run_scoped3A : memref<!tpu.dma_semaphore, #tpu.memory_space<semaphore_mem>>)
      %dma_wait3A = arith.constant 0 : i32
      %dma_wait3A_109 = tpu.memref_slice %arg10[%mul3A_61, %dma_wait3A] : memref<10240x128xf32, #tpu.memory_space<vmem_shared>> -> memref<640x128xf32, #tpu.memory_space<vmem_shared>>
      %dma_wait3A_110 = arith.constant 0 : i32
      %dma_wait3A_111 = tpu.memref_slice %arg2[%add3A_59, %dma_wait3A_110] : memref<40960x128xf32, #tpu.memory_space<hbm>> -> memref<640x128xf32, #tpu.memory_space<hbm>>
      tpu.wait_dma2 semaphore(%run_scoped3A : memref<!tpu.dma_semaphore, #tpu.memory_space<semaphore_mem>>) src(%dma_wait3A_111 : memref<640x128xf32, #tpu.memory_space<hbm>>) dst(%dma_wait3A_109 : memref<640x128xf32, #tpu.memory_space<vmem_shared>>)
      tpu.yield
    }) : () -> ()
    %barrier3A_62 = arith.constant 0 : index
    tpu.barrier barrier_id(%barrier3A_62)
    %add3A_63 = arith.constant 0 : i32
    %add3A_64 = arith.addi %mul3A_0, %add3A_63 : i32
    "tpu.region"() ({
      %run_scoped3A = tpu.sem_alloc : memref<!tpu.dma_semaphore, #tpu.memory_space<semaphore_mem>>
      %dma_start3A_105 = arith.constant 0 : i32
      %dma_start3A_106 = tpu.memref_slice %arg3[%add3A_54, %add3A_64, %dma_start3A_105] : memref<4x1280x128xi32, #tpu.memory_space<hbm>> -> memref<1x40x128xi32, #tpu.memory_space<hbm>>
      %dma_start3A_107 = tpu.memref_squeeze %dma_start3A_106 : memref<1x40x128xi32, #tpu.memory_space<hbm>> -> memref<40x128xi32, #tpu.memory_space<hbm>>
      %dma_start3A_108 = arith.constant 0 : i32
      %dma_start3A_109 = tpu.memref_slice %arg3[%add3A_54, %add3A_64, %dma_start3A_108] : memref<4x1280x128xi32, #tpu.memory_space<hbm>> -> memref<1x40x128xi32, #tpu.memory_space<hbm>>
      %dma_start3A_110 = tpu.memref_squeeze %dma_start3A_109 : memref<1x40x128xi32, #tpu.memory_space<hbm>> -> memref<40x128xi32, #tpu.memory_space<hbm>>
      tpu.enqueue_dma source(%dma_start3A_110 : memref<40x128xi32, #tpu.memory_space<hbm>>) target(%arg6 : memref<40x128xi32, #tpu.memory_space<vmem>>) target_semaphore(%run_scoped3A : memref<!tpu.dma_semaphore, #tpu.memory_space<semaphore_mem>>)
      %dma_wait3A = arith.constant 0 : i32
      %dma_wait3A_111 = tpu.memref_slice %arg3[%add3A_54, %add3A_64, %dma_wait3A] : memref<4x1280x128xi32, #tpu.memory_space<hbm>> -> memref<1x40x128xi32, #tpu.memory_space<hbm>>
      %dma_wait3A_112 = tpu.memref_squeeze %dma_wait3A_111 : memref<1x40x128xi32, #tpu.memory_space<hbm>> -> memref<40x128xi32, #tpu.memory_space<hbm>>
      %dma_wait3A_113 = arith.constant 0 : i32
      %dma_wait3A_114 = tpu.memref_slice %arg3[%add3A_54, %add3A_64, %dma_wait3A_113] : memref<4x1280x128xi32, #tpu.memory_space<hbm>> -> memref<1x40x128xi32, #tpu.memory_space<hbm>>
      %dma_wait3A_115 = tpu.memref_squeeze %dma_wait3A_114 : memref<1x40x128xi32, #tpu.memory_space<hbm>> -> memref<40x128xi32, #tpu.memory_space<hbm>>
      tpu.wait_dma2 semaphore(%run_scoped3A : memref<!tpu.dma_semaphore, #tpu.memory_space<semaphore_mem>>) src(%dma_wait3A_115 : memref<40x128xi32, #tpu.memory_space<hbm>>) dst(%arg6 : memref<40x128xi32, #tpu.memory_space<vmem>>)
      tpu.yield
    }) : () -> ()
    %add3A_65 = arith.constant 0 : i32
    %add3A_66 = arith.addi %mul3A_0, %add3A_65 : i32
    "tpu.region"() ({
      %run_scoped3A = tpu.sem_alloc : memref<!tpu.dma_semaphore, #tpu.memory_space<semaphore_mem>>
      %dma_start3A_105 = arith.constant 0 : i32
      %dma_start3A_106 = tpu.memref_slice %arg4[%add3A_66, %dma_start3A_105] : memref<1280x128xi32, #tpu.memory_space<hbm>> -> memref<40x128xi32, #tpu.memory_space<hbm>>
      %dma_start3A_107 = arith.constant 0 : i32
      %dma_start3A_108 = tpu.memref_slice %arg4[%add3A_66, %dma_start3A_107] : memref<1280x128xi32, #tpu.memory_space<hbm>> -> memref<40x128xi32, #tpu.memory_space<hbm>>
      tpu.enqueue_dma source(%dma_start3A_108 : memref<40x128xi32, #tpu.memory_space<hbm>>) target(%arg7 : memref<40x128xi32, #tpu.memory_space<vmem>>) target_semaphore(%run_scoped3A : memref<!tpu.dma_semaphore, #tpu.memory_space<semaphore_mem>>)
      %dma_wait3A = arith.constant 0 : i32
      %dma_wait3A_109 = tpu.memref_slice %arg4[%add3A_66, %dma_wait3A] : memref<1280x128xi32, #tpu.memory_space<hbm>> -> memref<40x128xi32, #tpu.memory_space<hbm>>
      %dma_wait3A_110 = arith.constant 0 : i32
      %dma_wait3A_111 = tpu.memref_slice %arg4[%add3A_66, %dma_wait3A_110] : memref<1280x128xi32, #tpu.memory_space<hbm>> -> memref<40x128xi32, #tpu.memory_space<hbm>>
      tpu.wait_dma2 semaphore(%run_scoped3A : memref<!tpu.dma_semaphore, #tpu.memory_space<semaphore_mem>>) src(%dma_wait3A_111 : memref<40x128xi32, #tpu.memory_space<hbm>>) dst(%arg7 : memref<40x128xi32, #tpu.memory_space<vmem>>)
      tpu.yield
    }) : () -> ()
    %dma_start3A_67 = arith.constant 0 : i32
    %dma_start3A_68 = arith.constant 0 : i32
    %dma_start3A_69 = tpu.memref_slice %arg6[%dma_start3A_67, %dma_start3A_68] : memref<40x128xi32, #tpu.memory_space<vmem>> -> memref<1x128xi32, #tpu.memory_space<vmem>>
    %dma_start3A_70 = tpu.memref_squeeze %dma_start3A_69 : memref<1x128xi32, #tpu.memory_space<vmem>> -> memref<128xi32, #tpu.memory_space<vmem>>
    %dma_start3A_71 = arith.constant 0 : i32
    %dma_start3A_72 = arith.constant 0 : i32
    %dma_start3A_73 = tpu.memref_slice %arg2[%dma_start3A_71, %dma_start3A_72] : memref<40960x128xf32, #tpu.memory_space<hbm>> -> memref<40960x128xf32, #tpu.memory_space<hbm>>
    tpu.enqueue_indirect_dma source(%dma_start3A_73 : memref<40960x128xf32, #tpu.memory_space<hbm>>) target(%arg8 : memref<128x128xf32, #tpu.memory_space<vmem>>) offsets(%dma_start3A_70 : memref<128xi32, #tpu.memory_space<vmem>>) semaphore(%arg11 : memref<!tpu.dma_semaphore, #tpu.memory_space<semaphore_mem>>)
    %scan3A_74 = arith.constant 0 : i32
    %scan3A_75 = arith.constant 0 : i32
    %scan3A_76 = arith.constant 20 : i32
    %scan3A_77 = arith.addi %scan3A_75, %scan3A_76 : i32
    %scan3A_78 = arith.constant 1 : i32
    %scan3A_79 = scf.for %scan3A_105 = %scan3A_75 to %scan3A_77 step %scan3A_78 iter_args(%scan3A_106 = %scan3A_74) -> (i32)  : i32 {
      %mul3A_107 = arith.constant 2 : i32
      %mul3A_108 = arith.muli %mul3A_107, %scan3A_105 : i32
      %mul3A_109 = arith.constant 2 : i32
      %mul3A_110 = arith.muli %mul3A_109, %scan3A_105 : i32
      %add3A_111 = arith.constant 1 : i32
      %add3A_112 = arith.addi %mul3A_110, %add3A_111 : i32
      %dma_start3A_113 = arith.constant 0 : i32
      %dma_start3A_114 = tpu.memref_slice %arg6[%add3A_112, %dma_start3A_113] : memref<40x128xi32, #tpu.memory_space<vmem>> -> memref<1x128xi32, #tpu.memory_space<vmem>>
      %dma_start3A_115 = tpu.memref_squeeze %dma_start3A_114 : memref<1x128xi32, #tpu.memory_space<vmem>> -> memref<128xi32, #tpu.memory_space<vmem>>
      %dma_start3A_116 = arith.constant 0 : i32
      %dma_start3A_117 = arith.constant 0 : i32
      %dma_start3A_118 = tpu.memref_slice %arg2[%dma_start3A_116, %dma_start3A_117] : memref<40960x128xf32, #tpu.memory_space<hbm>> -> memref<40960x128xf32, #tpu.memory_space<hbm>>
      tpu.enqueue_indirect_dma source(%dma_start3A_118 : memref<40960x128xf32, #tpu.memory_space<hbm>>) target(%arg9 : memref<128x128xf32, #tpu.memory_space<vmem>>) offsets(%dma_start3A_115 : memref<128xi32, #tpu.memory_space<vmem>>) semaphore(%arg12 : memref<!tpu.dma_semaphore, #tpu.memory_space<semaphore_mem>>)
      %dma_wait3A = arith.constant 0 : i32
      %dma_wait3A_119 = tpu.memref_slice %arg6[%mul3A_108, %dma_wait3A] : memref<40x128xi32, #tpu.memory_space<vmem>> -> memref<1x128xi32, #tpu.memory_space<vmem>>
      %dma_wait3A_120 = tpu.memref_squeeze %dma_wait3A_119 : memref<1x128xi32, #tpu.memory_space<vmem>> -> memref<128xi32, #tpu.memory_space<vmem>>
      %dma_wait3A_121 = arith.constant 0 : i32
      %dma_wait3A_122 = arith.constant 0 : i32
      %dma_wait3A_123 = tpu.memref_slice %arg2[%dma_wait3A_121, %dma_wait3A_122] : memref<40960x128xf32, #tpu.memory_space<hbm>> -> memref<40960x128xf32, #tpu.memory_space<hbm>>
      tpu.wait_indirect_dma semaphore(%arg11 : memref<!tpu.dma_semaphore, #tpu.memory_space<semaphore_mem>>) src(%dma_wait3A_123 : memref<40960x128xf32, #tpu.memory_space<hbm>>) dst(%arg8 : memref<128x128xf32, #tpu.memory_space<vmem>>)
      "tpu.region"() ({
        %run_scoped3A = tpu.sem_alloc : memref<!tpu.dma_semaphore, #tpu.memory_space<semaphore_mem>>
        %dma_start3A_133 = arith.constant 0 : i32
        %dma_start3A_134 = tpu.memref_slice %arg7[%mul3A_108, %dma_start3A_133] : memref<40x128xi32, #tpu.memory_space<vmem>> -> memref<1x128xi32, #tpu.memory_space<vmem>>
        %dma_start3A_135 = tpu.memref_squeeze %dma_start3A_134 : memref<1x128xi32, #tpu.memory_space<vmem>> -> memref<128xi32, #tpu.memory_space<vmem>>
        %dma_start3A_136 = arith.constant 0 : i32
        %dma_start3A_137 = arith.constant 0 : i32
        %dma_start3A_138 = tpu.memref_slice %arg10[%dma_start3A_136, %dma_start3A_137] : memref<10240x128xf32, #tpu.memory_space<vmem_shared>> -> memref<10240x128xf32, #tpu.memory_space<vmem_shared>>
        tpu.enqueue_indirect_dma source(%arg8 : memref<128x128xf32, #tpu.memory_space<vmem>>) target(%dma_start3A_138 : memref<10240x128xf32, #tpu.memory_space<vmem_shared>>) offsets(%dma_start3A_135 : memref<128xi32, #tpu.memory_space<vmem>>) semaphore(%run_scoped3A : memref<!tpu.dma_semaphore, #tpu.memory_space<semaphore_mem>>) {add = true}
        %dma_wait3A_139 = arith.constant 0 : i32
        %dma_wait3A_140 = tpu.memref_slice %arg7[%mul3A_108, %dma_wait3A_139] : memref<40x128xi32, #tpu.memory_space<vmem>> -> memref<1x128xi32, #tpu.memory_space<vmem>>
        %dma_wait3A_141 = tpu.memref_squeeze %dma_wait3A_140 : memref<1x128xi32, #tpu.memory_space<vmem>> -> memref<128xi32, #tpu.memory_space<vmem>>
        %dma_wait3A_142 = arith.constant 0 : i32
        %dma_wait3A_143 = arith.constant 0 : i32
        %dma_wait3A_144 = tpu.memref_slice %arg10[%dma_wait3A_142, %dma_wait3A_143] : memref<10240x128xf32, #tpu.memory_space<vmem_shared>> -> memref<10240x128xf32, #tpu.memory_space<vmem_shared>>
        tpu.wait_indirect_dma semaphore(%run_scoped3A : memref<!tpu.dma_semaphore, #tpu.memory_space<semaphore_mem>>) src(%arg8 : memref<128x128xf32, #tpu.memory_space<vmem>>) dst(%dma_wait3A_144 : memref<10240x128xf32, #tpu.memory_space<vmem_shared>>)
        tpu.yield
      }) : () -> ()
      %lt3A = arith.constant 19 : i32
      %lt3A_124 = arith.cmpi slt, %scan3A_105, %lt3A : i32
      %convert_element_type3A = arith.extui %lt3A_124 : i1 to i32
      %cond3A = arith.constant 0 : i32
      %cond3A_125 = arith.cmpi ne, %convert_element_type3A, %cond3A : i32
      scf.if %cond3A_125 {
        %add3A_133 = arith.constant 2 : i32
        %add3A_134 = arith.addi %mul3A_108, %add3A_133 : i32
        %dma_start3A_135 = arith.constant 0 : i32
        %dma_start3A_136 = tpu.memref_slice %arg6[%add3A_134, %dma_start3A_135] : memref<40x128xi32, #tpu.memory_space<vmem>> -> memref<1x128xi32, #tpu.memory_space<vmem>>
        %dma_start3A_137 = tpu.memref_squeeze %dma_start3A_136 : memref<1x128xi32, #tpu.memory_space<vmem>> -> memref<128xi32, #tpu.memory_space<vmem>>
        %dma_start3A_138 = arith.constant 0 : i32
        %dma_start3A_139 = arith.constant 0 : i32
        %dma_start3A_140 = tpu.memref_slice %arg2[%dma_start3A_138, %dma_start3A_139] : memref<40960x128xf32, #tpu.memory_space<hbm>> -> memref<40960x128xf32, #tpu.memory_space<hbm>>
        tpu.enqueue_indirect_dma source(%dma_start3A_140 : memref<40960x128xf32, #tpu.memory_space<hbm>>) target(%arg8 : memref<128x128xf32, #tpu.memory_space<vmem>>) offsets(%dma_start3A_137 : memref<128xi32, #tpu.memory_space<vmem>>) semaphore(%arg11 : memref<!tpu.dma_semaphore, #tpu.memory_space<semaphore_mem>>)
      } else {
      }
      %dma_wait3A_126 = arith.constant 0 : i32
      %dma_wait3A_127 = tpu.memref_slice %arg6[%add3A_112, %dma_wait3A_126] : memref<40x128xi32, #tpu.memory_space<vmem>> -> memref<1x128xi32, #tpu.memory_space<vmem>>
      %dma_wait3A_128 = tpu.memref_squeeze %dma_wait3A_127 : memref<1x128xi32, #tpu.memory_space<vmem>> -> memref<128xi32, #tpu.memory_space<vmem>>
      %dma_wait3A_129 = arith.constant 0 : i32
      %dma_wait3A_130 = arith.constant 0 : i32
      %dma_wait3A_131 = tpu.memref_slice %arg2[%dma_wait3A_129, %dma_wait3A_130] : memref<40960x128xf32, #tpu.memory_space<hbm>> -> memref<40960x128xf32, #tpu.memory_space<hbm>>
      tpu.wait_indirect_dma semaphore(%arg12 : memref<!tpu.dma_semaphore, #tpu.memory_space<semaphore_mem>>) src(%dma_wait3A_131 : memref<40960x128xf32, #tpu.memory_space<hbm>>) dst(%arg9 : memref<128x128xf32, #tpu.memory_space<vmem>>)
      "tpu.region"() ({
        %run_scoped3A = tpu.sem_alloc : memref<!tpu.dma_semaphore, #tpu.memory_space<semaphore_mem>>
        %dma_start3A_133 = arith.constant 0 : i32
        %dma_start3A_134 = tpu.memref_slice %arg7[%add3A_112, %dma_start3A_133] : memref<40x128xi32, #tpu.memory_space<vmem>> -> memref<1x128xi32, #tpu.memory_space<vmem>>
        %dma_start3A_135 = tpu.memref_squeeze %dma_start3A_134 : memref<1x128xi32, #tpu.memory_space<vmem>> -> memref<128xi32, #tpu.memory_space<vmem>>
        %dma_start3A_136 = arith.constant 0 : i32
        %dma_start3A_137 = arith.constant 0 : i32
        %dma_start3A_138 = tpu.memref_slice %arg10[%dma_start3A_136, %dma_start3A_137] : memref<10240x128xf32, #tpu.memory_space<vmem_shared>> -> memref<10240x128xf32, #tpu.memory_space<vmem_shared>>
        tpu.enqueue_indirect_dma source(%arg9 : memref<128x128xf32, #tpu.memory_space<vmem>>) target(%dma_start3A_138 : memref<10240x128xf32, #tpu.memory_space<vmem_shared>>) offsets(%dma_start3A_135 : memref<128xi32, #tpu.memory_space<vmem>>) semaphore(%run_scoped3A : memref<!tpu.dma_semaphore, #tpu.memory_space<semaphore_mem>>) {add = true}
        %dma_wait3A_139 = arith.constant 0 : i32
        %dma_wait3A_140 = tpu.memref_slice %arg7[%add3A_112, %dma_wait3A_139] : memref<40x128xi32, #tpu.memory_space<vmem>> -> memref<1x128xi32, #tpu.memory_space<vmem>>
        %dma_wait3A_141 = tpu.memref_squeeze %dma_wait3A_140 : memref<1x128xi32, #tpu.memory_space<vmem>> -> memref<128xi32, #tpu.memory_space<vmem>>
        %dma_wait3A_142 = arith.constant 0 : i32
        %dma_wait3A_143 = arith.constant 0 : i32
        %dma_wait3A_144 = tpu.memref_slice %arg10[%dma_wait3A_142, %dma_wait3A_143] : memref<10240x128xf32, #tpu.memory_space<vmem_shared>> -> memref<10240x128xf32, #tpu.memory_space<vmem_shared>>
        tpu.wait_indirect_dma semaphore(%run_scoped3A : memref<!tpu.dma_semaphore, #tpu.memory_space<semaphore_mem>>) src(%arg9 : memref<128x128xf32, #tpu.memory_space<vmem>>) dst(%dma_wait3A_144 : memref<10240x128xf32, #tpu.memory_space<vmem_shared>>)
        tpu.yield
      }) : () -> ()
      %scan3A_132 = arith.constant 0 : i32
      scf.yield %scan3A_132 : i32
    }
    %scan3A_80 = arith.constant 20 : i32
    %add3A_81 = arith.constant 40 : i32
    %add3A_82 = arith.addi %mul3A_0, %add3A_81 : i32
    "tpu.region"() ({
      %run_scoped3A = tpu.sem_alloc : memref<!tpu.dma_semaphore, #tpu.memory_space<semaphore_mem>>
      %dma_start3A_105 = arith.constant 0 : i32
      %dma_start3A_106 = tpu.memref_slice %arg3[%add3A_54, %add3A_82, %dma_start3A_105] : memref<4x1280x128xi32, #tpu.memory_space<hbm>> -> memref<1x40x128xi32, #tpu.memory_space<hbm>>
      %dma_start3A_107 = tpu.memref_squeeze %dma_start3A_106 : memref<1x40x128xi32, #tpu.memory_space<hbm>> -> memref<40x128xi32, #tpu.memory_space<hbm>>
      %dma_start3A_108 = arith.constant 0 : i32
      %dma_start3A_109 = tpu.memref_slice %arg3[%add3A_54, %add3A_82, %dma_start3A_108] : memref<4x1280x128xi32, #tpu.memory_space<hbm>> -> memref<1x40x128xi32, #tpu.memory_space<hbm>>
      %dma_start3A_110 = tpu.memref_squeeze %dma_start3A_109 : memref<1x40x128xi32, #tpu.memory_space<hbm>> -> memref<40x128xi32, #tpu.memory_space<hbm>>
      tpu.enqueue_dma source(%dma_start3A_110 : memref<40x128xi32, #tpu.memory_space<hbm>>) target(%arg6 : memref<40x128xi32, #tpu.memory_space<vmem>>) target_semaphore(%run_scoped3A : memref<!tpu.dma_semaphore, #tpu.memory_space<semaphore_mem>>)
      %dma_wait3A = arith.constant 0 : i32
      %dma_wait3A_111 = tpu.memref_slice %arg3[%add3A_54, %add3A_82, %dma_wait3A] : memref<4x1280x128xi32, #tpu.memory_space<hbm>> -> memref<1x40x128xi32, #tpu.memory_space<hbm>>
      %dma_wait3A_112 = tpu.memref_squeeze %dma_wait3A_111 : memref<1x40x128xi32, #tpu.memory_space<hbm>> -> memref<40x128xi32, #tpu.memory_space<hbm>>
      %dma_wait3A_113 = arith.constant 0 : i32
      %dma_wait3A_114 = tpu.memref_slice %arg3[%add3A_54, %add3A_82, %dma_wait3A_113] : memref<4x1280x128xi32, #tpu.memory_space<hbm>> -> memref<1x40x128xi32, #tpu.memory_space<hbm>>
      %dma_wait3A_115 = tpu.memref_squeeze %dma_wait3A_114 : memref<1x40x128xi32, #tpu.memory_space<hbm>> -> memref<40x128xi32, #tpu.memory_space<hbm>>
      tpu.wait_dma2 semaphore(%run_scoped3A : memref<!tpu.dma_semaphore, #tpu.memory_space<semaphore_mem>>) src(%dma_wait3A_115 : memref<40x128xi32, #tpu.memory_space<hbm>>) dst(%arg6 : memref<40x128xi32, #tpu.memory_space<vmem>>)
      tpu.yield
    }) : () -> ()
    %add3A_83 = arith.constant 40 : i32
    %add3A_84 = arith.addi %mul3A_0, %add3A_83 : i32
    "tpu.region"() ({
      %run_scoped3A = tpu.sem_alloc : memref<!tpu.dma_semaphore, #tpu.memory_space<semaphore_mem>>
      %dma_start3A_105 = arith.constant 0 : i32
      %dma_start3A_106 = tpu.memref_slice %arg4[%add3A_84, %dma_start3A_105] : memref<1280x128xi32, #tpu.memory_space<hbm>> -> memref<40x128xi32, #tpu.memory_space<hbm>>
      %dma_start3A_107 = arith.constant 0 : i32
      %dma_start3A_108 = tpu.memref_slice %arg4[%add3A_84, %dma_start3A_107] : memref<1280x128xi32, #tpu.memory_space<hbm>> -> memref<40x128xi32, #tpu.memory_space<hbm>>
      tpu.enqueue_dma source(%dma_start3A_108 : memref<40x128xi32, #tpu.memory_space<hbm>>) target(%arg7 : memref<40x128xi32, #tpu.memory_space<vmem>>) target_semaphore(%run_scoped3A : memref<!tpu.dma_semaphore, #tpu.memory_space<semaphore_mem>>)
      %dma_wait3A = arith.constant 0 : i32
      %dma_wait3A_109 = tpu.memref_slice %arg4[%add3A_84, %dma_wait3A] : memref<1280x128xi32, #tpu.memory_space<hbm>> -> memref<40x128xi32, #tpu.memory_space<hbm>>
      %dma_wait3A_110 = arith.constant 0 : i32
      %dma_wait3A_111 = tpu.memref_slice %arg4[%add3A_84, %dma_wait3A_110] : memref<1280x128xi32, #tpu.memory_space<hbm>> -> memref<40x128xi32, #tpu.memory_space<hbm>>
      tpu.wait_dma2 semaphore(%run_scoped3A : memref<!tpu.dma_semaphore, #tpu.memory_space<semaphore_mem>>) src(%dma_wait3A_111 : memref<40x128xi32, #tpu.memory_space<hbm>>) dst(%arg7 : memref<40x128xi32, #tpu.memory_space<vmem>>)
      tpu.yield
    }) : () -> ()
    %dma_start3A_85 = arith.constant 0 : i32
    %dma_start3A_86 = arith.constant 0 : i32
    %dma_start3A_87 = tpu.memref_slice %arg6[%dma_start3A_85, %dma_start3A_86] : memref<40x128xi32, #tpu.memory_space<vmem>> -> memref<1x128xi32, #tpu.memory_space<vmem>>
    %dma_start3A_88 = tpu.memref_squeeze %dma_start3A_87 : memref<1x128xi32, #tpu.memory_space<vmem>> -> memref<128xi32, #tpu.memory_space<vmem>>
    %dma_start3A_89 = arith.constant 0 : i32
    %dma_start3A_90 = arith.constant 0 : i32
    %dma_start3A_91 = tpu.memref_slice %arg2[%dma_start3A_89, %dma_start3A_90] : memref<40960x128xf32, #tpu.memory_space<hbm>> -> memref<40960x128xf32, #tpu.memory_space<hbm>>
    tpu.enqueue_indirect_dma source(%dma_start3A_91 : memref<40960x128xf32, #tpu.memory_space<hbm>>) target(%arg8 : memref<128x128xf32, #tpu.memory_space<vmem>>) offsets(%dma_start3A_88 : memref<128xi32, #tpu.memory_space<vmem>>) semaphore(%arg11 : memref<!tpu.dma_semaphore, #tpu.memory_space<semaphore_mem>>)
    %scan3A_92 = arith.constant 0 : i32
    %scan3A_93 = arith.constant 0 : i32
    %scan3A_94 = arith.constant 20 : i32
    %scan3A_95 = arith.addi %scan3A_93, %scan3A_94 : i32
    %scan3A_96 = arith.constant 1 : i32
    %scan3A_97 = scf.for %scan3A_105 = %scan3A_93 to %scan3A_95 step %scan3A_96 iter_args(%scan3A_106 = %scan3A_92) -> (i32)  : i32 {
      %mul3A_107 = arith.constant 2 : i32
      %mul3A_108 = arith.muli %mul3A_107, %scan3A_105 : i32
      %mul3A_109 = arith.constant 2 : i32
      %mul3A_110 = arith.muli %mul3A_109, %scan3A_105 : i32
      %add3A_111 = arith.constant 1 : i32
      %add3A_112 = arith.addi %mul3A_110, %add3A_111 : i32
      %dma_start3A_113 = arith.constant 0 : i32
      %dma_start3A_114 = tpu.memref_slice %arg6[%add3A_112, %dma_start3A_113] : memref<40x128xi32, #tpu.memory_space<vmem>> -> memref<1x128xi32, #tpu.memory_space<vmem>>
      %dma_start3A_115 = tpu.memref_squeeze %dma_start3A_114 : memref<1x128xi32, #tpu.memory_space<vmem>> -> memref<128xi32, #tpu.memory_space<vmem>>
      %dma_start3A_116 = arith.constant 0 : i32
      %dma_start3A_117 = arith.constant 0 : i32
      %dma_start3A_118 = tpu.memref_slice %arg2[%dma_start3A_116, %dma_start3A_117] : memref<40960x128xf32, #tpu.memory_space<hbm>> -> memref<40960x128xf32, #tpu.memory_space<hbm>>
      tpu.enqueue_indirect_dma source(%dma_start3A_118 : memref<40960x128xf32, #tpu.memory_space<hbm>>) target(%arg9 : memref<128x128xf32, #tpu.memory_space<vmem>>) offsets(%dma_start3A_115 : memref<128xi32, #tpu.memory_space<vmem>>) semaphore(%arg12 : memref<!tpu.dma_semaphore, #tpu.memory_space<semaphore_mem>>)
      %dma_wait3A = arith.constant 0 : i32
      %dma_wait3A_119 = tpu.memref_slice %arg6[%mul3A_108, %dma_wait3A] : memref<40x128xi32, #tpu.memory_space<vmem>> -> memref<1x128xi32, #tpu.memory_space<vmem>>
      %dma_wait3A_120 = tpu.memref_squeeze %dma_wait3A_119 : memref<1x128xi32, #tpu.memory_space<vmem>> -> memref<128xi32, #tpu.memory_space<vmem>>
      %dma_wait3A_121 = arith.constant 0 : i32
      %dma_wait3A_122 = arith.constant 0 : i32
      %dma_wait3A_123 = tpu.memref_slice %arg2[%dma_wait3A_121, %dma_wait3A_122] : memref<40960x128xf32, #tpu.memory_space<hbm>> -> memref<40960x128xf32, #tpu.memory_space<hbm>>
      tpu.wait_indirect_dma semaphore(%arg11 : memref<!tpu.dma_semaphore, #tpu.memory_space<semaphore_mem>>) src(%dma_wait3A_123 : memref<40960x128xf32, #tpu.memory_space<hbm>>) dst(%arg8 : memref<128x128xf32, #tpu.memory_space<vmem>>)
      "tpu.region"() ({
        %run_scoped3A = tpu.sem_alloc : memref<!tpu.dma_semaphore, #tpu.memory_space<semaphore_mem>>
        %dma_start3A_133 = arith.constant 0 : i32
        %dma_start3A_134 = tpu.memref_slice %arg7[%mul3A_108, %dma_start3A_133] : memref<40x128xi32, #tpu.memory_space<vmem>> -> memref<1x128xi32, #tpu.memory_space<vmem>>
        %dma_start3A_135 = tpu.memref_squeeze %dma_start3A_134 : memref<1x128xi32, #tpu.memory_space<vmem>> -> memref<128xi32, #tpu.memory_space<vmem>>
        %dma_start3A_136 = arith.constant 0 : i32
        %dma_start3A_137 = arith.constant 0 : i32
        %dma_start3A_138 = tpu.memref_slice %arg10[%dma_start3A_136, %dma_start3A_137] : memref<10240x128xf32, #tpu.memory_space<vmem_shared>> -> memref<10240x128xf32, #tpu.memory_space<vmem_shared>>
        tpu.enqueue_indirect_dma source(%arg8 : memref<128x128xf32, #tpu.memory_space<vmem>>) target(%dma_start3A_138 : memref<10240x128xf32, #tpu.memory_space<vmem_shared>>) offsets(%dma_start3A_135 : memref<128xi32, #tpu.memory_space<vmem>>) semaphore(%run_scoped3A : memref<!tpu.dma_semaphore, #tpu.memory_space<semaphore_mem>>) {add = true}
        %dma_wait3A_139 = arith.constant 0 : i32
        %dma_wait3A_140 = tpu.memref_slice %arg7[%mul3A_108, %dma_wait3A_139] : memref<40x128xi32, #tpu.memory_space<vmem>> -> memref<1x128xi32, #tpu.memory_space<vmem>>
        %dma_wait3A_141 = tpu.memref_squeeze %dma_wait3A_140 : memref<1x128xi32, #tpu.memory_space<vmem>> -> memref<128xi32, #tpu.memory_space<vmem>>
        %dma_wait3A_142 = arith.constant 0 : i32
        %dma_wait3A_143 = arith.constant 0 : i32
        %dma_wait3A_144 = tpu.memref_slice %arg10[%dma_wait3A_142, %dma_wait3A_143] : memref<10240x128xf32, #tpu.memory_space<vmem_shared>> -> memref<10240x128xf32, #tpu.memory_space<vmem_shared>>
        tpu.wait_indirect_dma semaphore(%run_scoped3A : memref<!tpu.dma_semaphore, #tpu.memory_space<semaphore_mem>>) src(%arg8 : memref<128x128xf32, #tpu.memory_space<vmem>>) dst(%dma_wait3A_144 : memref<10240x128xf32, #tpu.memory_space<vmem_shared>>)
        tpu.yield
      }) : () -> ()
      %lt3A = arith.constant 19 : i32
      %lt3A_124 = arith.cmpi slt, %scan3A_105, %lt3A : i32
      %convert_element_type3A = arith.extui %lt3A_124 : i1 to i32
      %cond3A = arith.constant 0 : i32
      %cond3A_125 = arith.cmpi ne, %convert_element_type3A, %cond3A : i32
      scf.if %cond3A_125 {
        %add3A_133 = arith.constant 2 : i32
        %add3A_134 = arith.addi %mul3A_108, %add3A_133 : i32
        %dma_start3A_135 = arith.constant 0 : i32
        %dma_start3A_136 = tpu.memref_slice %arg6[%add3A_134, %dma_start3A_135] : memref<40x128xi32, #tpu.memory_space<vmem>> -> memref<1x128xi32, #tpu.memory_space<vmem>>
        %dma_start3A_137 = tpu.memref_squeeze %dma_start3A_136 : memref<1x128xi32, #tpu.memory_space<vmem>> -> memref<128xi32, #tpu.memory_space<vmem>>
        %dma_start3A_138 = arith.constant 0 : i32
        %dma_start3A_139 = arith.constant 0 : i32
        %dma_start3A_140 = tpu.memref_slice %arg2[%dma_start3A_138, %dma_start3A_139] : memref<40960x128xf32, #tpu.memory_space<hbm>> -> memref<40960x128xf32, #tpu.memory_space<hbm>>
        tpu.enqueue_indirect_dma source(%dma_start3A_140 : memref<40960x128xf32, #tpu.memory_space<hbm>>) target(%arg8 : memref<128x128xf32, #tpu.memory_space<vmem>>) offsets(%dma_start3A_137 : memref<128xi32, #tpu.memory_space<vmem>>) semaphore(%arg11 : memref<!tpu.dma_semaphore, #tpu.memory_space<semaphore_mem>>)
      } else {
      }
      %dma_wait3A_126 = arith.constant 0 : i32
      %dma_wait3A_127 = tpu.memref_slice %arg6[%add3A_112, %dma_wait3A_126] : memref<40x128xi32, #tpu.memory_space<vmem>> -> memref<1x128xi32, #tpu.memory_space<vmem>>
      %dma_wait3A_128 = tpu.memref_squeeze %dma_wait3A_127 : memref<1x128xi32, #tpu.memory_space<vmem>> -> memref<128xi32, #tpu.memory_space<vmem>>
      %dma_wait3A_129 = arith.constant 0 : i32
      %dma_wait3A_130 = arith.constant 0 : i32
      %dma_wait3A_131 = tpu.memref_slice %arg2[%dma_wait3A_129, %dma_wait3A_130] : memref<40960x128xf32, #tpu.memory_space<hbm>> -> memref<40960x128xf32, #tpu.memory_space<hbm>>
      tpu.wait_indirect_dma semaphore(%arg12 : memref<!tpu.dma_semaphore, #tpu.memory_space<semaphore_mem>>) src(%dma_wait3A_131 : memref<40960x128xf32, #tpu.memory_space<hbm>>) dst(%arg9 : memref<128x128xf32, #tpu.memory_space<vmem>>)
      "tpu.region"() ({
        %run_scoped3A = tpu.sem_alloc : memref<!tpu.dma_semaphore, #tpu.memory_space<semaphore_mem>>
        %dma_start3A_133 = arith.constant 0 : i32
        %dma_start3A_134 = tpu.memref_slice %arg7[%add3A_112, %dma_start3A_133] : memref<40x128xi32, #tpu.memory_space<vmem>> -> memref<1x128xi32, #tpu.memory_space<vmem>>
        %dma_start3A_135 = tpu.memref_squeeze %dma_start3A_134 : memref<1x128xi32, #tpu.memory_space<vmem>> -> memref<128xi32, #tpu.memory_space<vmem>>
        %dma_start3A_136 = arith.constant 0 : i32
        %dma_start3A_137 = arith.constant 0 : i32
        %dma_start3A_138 = tpu.memref_slice %arg10[%dma_start3A_136, %dma_start3A_137] : memref<10240x128xf32, #tpu.memory_space<vmem_shared>> -> memref<10240x128xf32, #tpu.memory_space<vmem_shared>>
        tpu.enqueue_indirect_dma source(%arg9 : memref<128x128xf32, #tpu.memory_space<vmem>>) target(%dma_start3A_138 : memref<10240x128xf32, #tpu.memory_space<vmem_shared>>) offsets(%dma_start3A_135 : memref<128xi32, #tpu.memory_space<vmem>>) semaphore(%run_scoped3A : memref<!tpu.dma_semaphore, #tpu.memory_space<semaphore_mem>>) {add = true}
        %dma_wait3A_139 = arith.constant 0 : i32
        %dma_wait3A_140 = tpu.memref_slice %arg7[%add3A_112, %dma_wait3A_139] : memref<40x128xi32, #tpu.memory_space<vmem>> -> memref<1x128xi32, #tpu.memory_space<vmem>>
        %dma_wait3A_141 = tpu.memref_squeeze %dma_wait3A_140 : memref<1x128xi32, #tpu.memory_space<vmem>> -> memref<128xi32, #tpu.memory_space<vmem>>
        %dma_wait3A_142 = arith.constant 0 : i32
        %dma_wait3A_143 = arith.constant 0 : i32
        %dma_wait3A_144 = tpu.memref_slice %arg10[%dma_wait3A_142, %dma_wait3A_143] : memref<10240x128xf32, #tpu.memory_space<vmem_shared>> -> memref<10240x128xf32, #tpu.memory_space<vmem_shared>>
        tpu.wait_indirect_dma semaphore(%run_scoped3A : memref<!tpu.dma_semaphore, #tpu.memory_space<semaphore_mem>>) src(%arg9 : memref<128x128xf32, #tpu.memory_space<vmem>>) dst(%dma_wait3A_144 : memref<10240x128xf32, #tpu.memory_space<vmem_shared>>)
        tpu.yield
      }) : () -> ()
      %scan3A_132 = arith.constant 0 : i32
      scf.yield %scan3A_132 : i32
    }
    %scan3A_98 = arith.constant 20 : i32
    %barrier3A_99 = arith.constant 0 : index
    tpu.barrier barrier_id(%barrier3A_99)
    %mul3A_100 = arith.constant 640 : i32
    %mul3A_101 = arith.muli %arg1, %mul3A_100 : i32
    %mul3A_102 = arith.constant 640 : i32
    %mul3A_103 = arith.muli %arg1, %mul3A_102 : i32
    "tpu.region"() ({
      %run_scoped3A = tpu.sem_alloc : memref<!tpu.dma_semaphore, #tpu.memory_space<semaphore_mem>>
      %dma_start3A_105 = arith.constant 0 : i32
      %dma_start3A_106 = tpu.memref_slice %arg5[%add3A_54, %mul3A_103, %dma_start3A_105] : memref<4x10240x128xf32, #tpu.memory_space<hbm>> -> memref<1x640x128xf32, #tpu.memory_space<hbm>>
      %dma_start3A_107 = tpu.memref_squeeze %dma_start3A_106 : memref<1x640x128xf32, #tpu.memory_space<hbm>> -> memref<640x128xf32, #tpu.memory_space<hbm>>
      %dma_start3A_108 = arith.constant 0 : i32
      %dma_start3A_109 = tpu.memref_slice %arg10[%mul3A_101, %dma_start3A_108] : memref<10240x128xf32, #tpu.memory_space<vmem_shared>> -> memref<640x128xf32, #tpu.memory_space<vmem_shared>>
      tpu.enqueue_dma source(%dma_start3A_109 : memref<640x128xf32, #tpu.memory_space<vmem_shared>>) target(%dma_start3A_107 : memref<640x128xf32, #tpu.memory_space<hbm>>) target_semaphore(%run_scoped3A : memref<!tpu.dma_semaphore, #tpu.memory_space<semaphore_mem>>)
      %dma_wait3A = arith.constant 0 : i32
      %dma_wait3A_110 = tpu.memref_slice %arg5[%add3A_54, %mul3A_103, %dma_wait3A] : memref<4x10240x128xf32, #tpu.memory_space<hbm>> -> memref<1x640x128xf32, #tpu.memory_space<hbm>>
      %dma_wait3A_111 = tpu.memref_squeeze %dma_wait3A_110 : memref<1x640x128xf32, #tpu.memory_space<hbm>> -> memref<640x128xf32, #tpu.memory_space<hbm>>
      %dma_wait3A_112 = arith.constant 0 : i32
      %dma_wait3A_113 = tpu.memref_slice %arg10[%mul3A_101, %dma_wait3A_112] : memref<10240x128xf32, #tpu.memory_space<vmem_shared>> -> memref<640x128xf32, #tpu.memory_space<vmem_shared>>
      tpu.wait_dma2 semaphore(%run_scoped3A : memref<!tpu.dma_semaphore, #tpu.memory_space<semaphore_mem>>) src(%dma_wait3A_113 : memref<640x128xf32, #tpu.memory_space<vmem_shared>>) dst(%dma_wait3A_111 : memref<640x128xf32, #tpu.memory_space<hbm>>)
      tpu.yield
    }) : () -> ()
    %barrier3A_104 = arith.constant 0 : index
    tpu.barrier barrier_id(%barrier3A_104)
    return
  }
}

#map = affine_map<(d0, d1) -> (0, 0)>
#map1 = affine_map<(d0, d1) -> (0, 0, 0)>
module attributes {stable_mosaic.version = 14 : i64} {
  func.func @_sc_agg_body(%arg0: i32, %arg1: i32, %arg2: memref<40960x128xf32, #tpu.memory_space<hbm>>, %arg3: memref<4x1280x128xi32, #tpu.memory_space<hbm>>, %arg4: memref<1280x128xi32, #tpu.memory_space<hbm>>, %arg5: memref<4x10240x128xf32, #tpu.memory_space<hbm>>, %arg6: memref<40x128xi32, #tpu.memory_space<vmem>>, %arg7: memref<40x128xi32, #tpu.memory_space<vmem>>, %arg8: memref<128x128xf32, #tpu.memory_space<vmem>>, %arg9: memref<128x128xf32, #tpu.memory_space<vmem>>, %arg10: memref<10240x128xf32, #tpu.memory_space<vmem_shared>>, %arg11: memref<!tpu.dma_semaphore, #tpu.memory_space<semaphore_mem>>, %arg12: memref<!tpu.dma_semaphore, #tpu.memory_space<semaphore_mem>>, %arg13: memref<!tpu.dma_semaphore, #tpu.memory_space<semaphore_mem>>, %arg14: memref<!tpu.dma_semaphore, #tpu.memory_space<semaphore_mem>>) attributes {dimension_semantics = [#tpu.dimension_semantics<core_parallel>, #tpu.dimension_semantics<subcore_parallel>], iteration_bounds = array<i64: 2, 16>, scalar_prefetch = 0 : i64, scratch_operands = 9 : i64, tpu.core_type = #tpu.core_type<sc_vector_subcore>, window_params = [{transform_indices = #map}, {transform_indices = #map1}, {transform_indices = #map}, {transform_indices = #map1}]} {
    %mul3A = arith.constant 80 : i32
    %mul3A_0 = arith.muli %arg1, %mul3A : i32
    %mul3A_1 = arith.constant 2 : i32
    %mul3A_2 = arith.muli %arg0, %mul3A_1 : i32
    %add3A = arith.constant 0 : i32
    %add3A_3 = arith.addi %mul3A_2, %add3A : i32
    %mul3A_4 = arith.constant 10240 : i32
    %mul3A_5 = arith.muli %add3A_3, %mul3A_4 : i32
    %mul3A_6 = arith.constant 640 : i32
    %mul3A_7 = arith.muli %arg1, %mul3A_6 : i32
    %add3A_8 = arith.addi %mul3A_5, %mul3A_7 : i32
    %mul3A_9 = arith.constant 640 : i32
    %mul3A_10 = arith.muli %arg1, %mul3A_9 : i32
    "tpu.region"() ({
      %run_scoped3A = tpu.sem_alloc : memref<!tpu.dma_semaphore, #tpu.memory_space<semaphore_mem>>
      %dma_start3A_105 = arith.constant 0 : i32
      %dma_start3A_106 = tpu.memref_slice %arg10[%mul3A_10, %dma_start3A_105] : memref<10240x128xf32, #tpu.memory_space<vmem_shared>> -> memref<640x128xf32, #tpu.memory_space<vmem_shared>>
      %dma_start3A_107 = arith.constant 0 : i32
      %dma_start3A_108 = tpu.memref_slice %arg2[%add3A_8, %dma_start3A_107] : memref<40960x128xf32, #tpu.memory_space<hbm>> -> memref<640x128xf32, #tpu.memory_space<hbm>>
      tpu.enqueue_dma source(%dma_start3A_108 : memref<640x128xf32, #tpu.memory_space<hbm>>) target(%dma_start3A_106 : memref<640x128xf32, #tpu.memory_space<vmem_shared>>) target_semaphore(%run_scoped3A : memref<!tpu.dma_semaphore, #tpu.memory_space<semaphore_mem>>)
      %dma_wait3A = arith.constant 0 : i32
      %dma_wait3A_109 = tpu.memref_slice %arg10[%mul3A_10, %dma_wait3A] : memref<10240x128xf32, #tpu.memory_space<vmem_shared>> -> memref<640x128xf32, #tpu.memory_space<vmem_shared>>
      %dma_wait3A_110 = arith.constant 0 : i32
      %dma_wait3A_111 = tpu.memref_slice %arg2[%add3A_8, %dma_wait3A_110] : memref<40960x128xf32, #tpu.memory_space<hbm>> -> memref<640x128xf32, #tpu.memory_space<hbm>>
      tpu.wait_dma2 semaphore(%run_scoped3A : memref<!tpu.dma_semaphore, #tpu.memory_space<semaphore_mem>>) src(%dma_wait3A_111 : memref<640x128xf32, #tpu.memory_space<hbm>>) dst(%dma_wait3A_109 : memref<640x128xf32, #tpu.memory_space<vmem_shared>>)
      tpu.yield
    }) : () -> ()
    %barrier3A = arith.constant 0 : index
    tpu.barrier barrier_id(%barrier3A)
    %add3A_11 = arith.constant 0 : i32
    %add3A_12 = arith.addi %mul3A_0, %add3A_11 : i32
    "tpu.region"() ({
      %run_scoped3A = tpu.sem_alloc : memref<!tpu.dma_semaphore, #tpu.memory_space<semaphore_mem>>
      %dma_start3A_105 = arith.constant 0 : i32
      %dma_start3A_106 = tpu.memref_slice %arg3[%add3A_3, %add3A_12, %dma_start3A_105] : memref<4x1280x128xi32, #tpu.memory_space<hbm>> -> memref<1x40x128xi32, #tpu.memory_space<hbm>>
      %dma_start3A_107 = tpu.memref_squeeze %dma_start3A_106 : memref<1x40x128xi32, #tpu.memory_space<hbm>> -> memref<40x128xi32, #tpu.memory_space<hbm>>
      %dma_start3A_108 = arith.constant 0 : i32
      %dma_start3A_109 = tpu.memref_slice %arg3[%add3A_3, %add3A_12, %dma_start3A_108] : memref<4x1280x128xi32, #tpu.memory_space<hbm>> -> memref<1x40x128xi32, #tpu.memory_space<hbm>>
      %dma_start3A_110 = tpu.memref_squeeze %dma_start3A_109 : memref<1x40x128xi32, #tpu.memory_space<hbm>> -> memref<40x128xi32, #tpu.memory_space<hbm>>
      tpu.enqueue_dma source(%dma_start3A_110 : memref<40x128xi32, #tpu.memory_space<hbm>>) target(%arg6 : memref<40x128xi32, #tpu.memory_space<vmem>>) target_semaphore(%run_scoped3A : memref<!tpu.dma_semaphore, #tpu.memory_space<semaphore_mem>>)
      %dma_wait3A = arith.constant 0 : i32
      %dma_wait3A_111 = tpu.memref_slice %arg3[%add3A_3, %add3A_12, %dma_wait3A] : memref<4x1280x128xi32, #tpu.memory_space<hbm>> -> memref<1x40x128xi32, #tpu.memory_space<hbm>>
      %dma_wait3A_112 = tpu.memref_squeeze %dma_wait3A_111 : memref<1x40x128xi32, #tpu.memory_space<hbm>> -> memref<40x128xi32, #tpu.memory_space<hbm>>
      %dma_wait3A_113 = arith.constant 0 : i32
      %dma_wait3A_114 = tpu.memref_slice %arg3[%add3A_3, %add3A_12, %dma_wait3A_113] : memref<4x1280x128xi32, #tpu.memory_space<hbm>> -> memref<1x40x128xi32, #tpu.memory_space<hbm>>
      %dma_wait3A_115 = tpu.memref_squeeze %dma_wait3A_114 : memref<1x40x128xi32, #tpu.memory_space<hbm>> -> memref<40x128xi32, #tpu.memory_space<hbm>>
      tpu.wait_dma2 semaphore(%run_scoped3A : memref<!tpu.dma_semaphore, #tpu.memory_space<semaphore_mem>>) src(%dma_wait3A_115 : memref<40x128xi32, #tpu.memory_space<hbm>>) dst(%arg6 : memref<40x128xi32, #tpu.memory_space<vmem>>)
      tpu.yield
    }) : () -> ()
    %add3A_13 = arith.constant 0 : i32
    %add3A_14 = arith.addi %mul3A_0, %add3A_13 : i32
    "tpu.region"() ({
      %run_scoped3A = tpu.sem_alloc : memref<!tpu.dma_semaphore, #tpu.memory_space<semaphore_mem>>
      %dma_start3A_105 = arith.constant 0 : i32
      %dma_start3A_106 = tpu.memref_slice %arg4[%add3A_14, %dma_start3A_105] : memref<1280x128xi32, #tpu.memory_space<hbm>> -> memref<40x128xi32, #tpu.memory_space<hbm>>
      %dma_start3A_107 = arith.constant 0 : i32
      %dma_start3A_108 = tpu.memref_slice %arg4[%add3A_14, %dma_start3A_107] : memref<1280x128xi32, #tpu.memory_space<hbm>> -> memref<40x128xi32, #tpu.memory_space<hbm>>
      tpu.enqueue_dma source(%dma_start3A_108 : memref<40x128xi32, #tpu.memory_space<hbm>>) target(%arg7 : memref<40x128xi32, #tpu.memory_space<vmem>>) target_semaphore(%run_scoped3A : memref<!tpu.dma_semaphore, #tpu.memory_space<semaphore_mem>>)
      %dma_wait3A = arith.constant 0 : i32
      %dma_wait3A_109 = tpu.memref_slice %arg4[%add3A_14, %dma_wait3A] : memref<1280x128xi32, #tpu.memory_space<hbm>> -> memref<40x128xi32, #tpu.memory_space<hbm>>
      %dma_wait3A_110 = arith.constant 0 : i32
      %dma_wait3A_111 = tpu.memref_slice %arg4[%add3A_14, %dma_wait3A_110] : memref<1280x128xi32, #tpu.memory_space<hbm>> -> memref<40x128xi32, #tpu.memory_space<hbm>>
      tpu.wait_dma2 semaphore(%run_scoped3A : memref<!tpu.dma_semaphore, #tpu.memory_space<semaphore_mem>>) src(%dma_wait3A_111 : memref<40x128xi32, #tpu.memory_space<hbm>>) dst(%arg7 : memref<40x128xi32, #tpu.memory_space<vmem>>)
      tpu.yield
    }) : () -> ()
    %dma_start3A = arith.constant 0 : i32
    %dma_start3A_15 = arith.constant 0 : i32
    %dma_start3A_16 = tpu.memref_slice %arg6[%dma_start3A, %dma_start3A_15] : memref<40x128xi32, #tpu.memory_space<vmem>> -> memref<1x128xi32, #tpu.memory_space<vmem>>
    %dma_start3A_17 = tpu.memref_squeeze %dma_start3A_16 : memref<1x128xi32, #tpu.memory_space<vmem>> -> memref<128xi32, #tpu.memory_space<vmem>>
    %dma_start3A_18 = arith.constant 0 : i32
    %dma_start3A_19 = arith.constant 0 : i32
    %dma_start3A_20 = tpu.memref_slice %arg2[%dma_start3A_18, %dma_start3A_19] : memref<40960x128xf32, #tpu.memory_space<hbm>> -> memref<40960x128xf32, #tpu.memory_space<hbm>>
    tpu.enqueue_indirect_dma source(%dma_start3A_20 : memref<40960x128xf32, #tpu.memory_space<hbm>>) target(%arg8 : memref<128x128xf32, #tpu.memory_space<vmem>>) offsets(%dma_start3A_17 : memref<128xi32, #tpu.memory_space<vmem>>) semaphore(%arg11 : memref<!tpu.dma_semaphore, #tpu.memory_space<semaphore_mem>>)
    %scan3A = arith.constant 0 : i32
    %scan3A_21 = arith.constant 0 : i32
    %scan3A_22 = arith.constant 20 : i32
    %scan3A_23 = arith.addi %scan3A_21, %scan3A_22 : i32
    %scan3A_24 = arith.constant 1 : i32
    %scan3A_25 = scf.for %scan3A_105 = %scan3A_21 to %scan3A_23 step %scan3A_24 iter_args(%scan3A_106 = %scan3A) -> (i32)  : i32 {
      %mul3A_107 = arith.constant 2 : i32
      %mul3A_108 = arith.muli %mul3A_107, %scan3A_105 : i32
      %mul3A_109 = arith.constant 2 : i32
      %mul3A_110 = arith.muli %mul3A_109, %scan3A_105 : i32
      %add3A_111 = arith.constant 1 : i32
      %add3A_112 = arith.addi %mul3A_110, %add3A_111 : i32
      %dma_start3A_113 = arith.constant 0 : i32
      %dma_start3A_114 = tpu.memref_slice %arg6[%add3A_112, %dma_start3A_113] : memref<40x128xi32, #tpu.memory_space<vmem>> -> memref<1x128xi32, #tpu.memory_space<vmem>>
      %dma_start3A_115 = tpu.memref_squeeze %dma_start3A_114 : memref<1x128xi32, #tpu.memory_space<vmem>> -> memref<128xi32, #tpu.memory_space<vmem>>
      %dma_start3A_116 = arith.constant 0 : i32
      %dma_start3A_117 = arith.constant 0 : i32
      %dma_start3A_118 = tpu.memref_slice %arg2[%dma_start3A_116, %dma_start3A_117] : memref<40960x128xf32, #tpu.memory_space<hbm>> -> memref<40960x128xf32, #tpu.memory_space<hbm>>
      tpu.enqueue_indirect_dma source(%dma_start3A_118 : memref<40960x128xf32, #tpu.memory_space<hbm>>) target(%arg9 : memref<128x128xf32, #tpu.memory_space<vmem>>) offsets(%dma_start3A_115 : memref<128xi32, #tpu.memory_space<vmem>>) semaphore(%arg12 : memref<!tpu.dma_semaphore, #tpu.memory_space<semaphore_mem>>)
      %dma_wait3A = arith.constant 0 : i32
      %dma_wait3A_119 = tpu.memref_slice %arg6[%mul3A_108, %dma_wait3A] : memref<40x128xi32, #tpu.memory_space<vmem>> -> memref<1x128xi32, #tpu.memory_space<vmem>>
      %dma_wait3A_120 = tpu.memref_squeeze %dma_wait3A_119 : memref<1x128xi32, #tpu.memory_space<vmem>> -> memref<128xi32, #tpu.memory_space<vmem>>
      %dma_wait3A_121 = arith.constant 0 : i32
      %dma_wait3A_122 = arith.constant 0 : i32
      %dma_wait3A_123 = tpu.memref_slice %arg2[%dma_wait3A_121, %dma_wait3A_122] : memref<40960x128xf32, #tpu.memory_space<hbm>> -> memref<40960x128xf32, #tpu.memory_space<hbm>>
      tpu.wait_indirect_dma semaphore(%arg11 : memref<!tpu.dma_semaphore, #tpu.memory_space<semaphore_mem>>) src(%dma_wait3A_123 : memref<40960x128xf32, #tpu.memory_space<hbm>>) dst(%arg8 : memref<128x128xf32, #tpu.memory_space<vmem>>)
      "tpu.region"() ({
        %run_scoped3A = tpu.sem_alloc : memref<!tpu.dma_semaphore, #tpu.memory_space<semaphore_mem>>
        %dma_start3A_133 = arith.constant 0 : i32
        %dma_start3A_134 = tpu.memref_slice %arg7[%mul3A_108, %dma_start3A_133] : memref<40x128xi32, #tpu.memory_space<vmem>> -> memref<1x128xi32, #tpu.memory_space<vmem>>
        %dma_start3A_135 = tpu.memref_squeeze %dma_start3A_134 : memref<1x128xi32, #tpu.memory_space<vmem>> -> memref<128xi32, #tpu.memory_space<vmem>>
        %dma_start3A_136 = arith.constant 0 : i32
        %dma_start3A_137 = arith.constant 0 : i32
        %dma_start3A_138 = tpu.memref_slice %arg10[%dma_start3A_136, %dma_start3A_137] : memref<10240x128xf32, #tpu.memory_space<vmem_shared>> -> memref<10240x128xf32, #tpu.memory_space<vmem_shared>>
        tpu.enqueue_indirect_dma source(%arg8 : memref<128x128xf32, #tpu.memory_space<vmem>>) target(%dma_start3A_138 : memref<10240x128xf32, #tpu.memory_space<vmem_shared>>) offsets(%dma_start3A_135 : memref<128xi32, #tpu.memory_space<vmem>>) semaphore(%run_scoped3A : memref<!tpu.dma_semaphore, #tpu.memory_space<semaphore_mem>>) {add = true}
        %dma_wait3A_139 = arith.constant 0 : i32
        %dma_wait3A_140 = tpu.memref_slice %arg7[%mul3A_108, %dma_wait3A_139] : memref<40x128xi32, #tpu.memory_space<vmem>> -> memref<1x128xi32, #tpu.memory_space<vmem>>
        %dma_wait3A_141 = tpu.memref_squeeze %dma_wait3A_140 : memref<1x128xi32, #tpu.memory_space<vmem>> -> memref<128xi32, #tpu.memory_space<vmem>>
        %dma_wait3A_142 = arith.constant 0 : i32
        %dma_wait3A_143 = arith.constant 0 : i32
        %dma_wait3A_144 = tpu.memref_slice %arg10[%dma_wait3A_142, %dma_wait3A_143] : memref<10240x128xf32, #tpu.memory_space<vmem_shared>> -> memref<10240x128xf32, #tpu.memory_space<vmem_shared>>
        tpu.wait_indirect_dma semaphore(%run_scoped3A : memref<!tpu.dma_semaphore, #tpu.memory_space<semaphore_mem>>) src(%arg8 : memref<128x128xf32, #tpu.memory_space<vmem>>) dst(%dma_wait3A_144 : memref<10240x128xf32, #tpu.memory_space<vmem_shared>>)
        tpu.yield
      }) : () -> ()
      %lt3A = arith.constant 19 : i32
      %lt3A_124 = arith.cmpi slt, %scan3A_105, %lt3A : i32
      %convert_element_type3A = arith.extui %lt3A_124 : i1 to i32
      %cond3A = arith.constant 0 : i32
      %cond3A_125 = arith.cmpi ne, %convert_element_type3A, %cond3A : i32
      scf.if %cond3A_125 {
        %add3A_133 = arith.constant 2 : i32
        %add3A_134 = arith.addi %mul3A_108, %add3A_133 : i32
        %dma_start3A_135 = arith.constant 0 : i32
        %dma_start3A_136 = tpu.memref_slice %arg6[%add3A_134, %dma_start3A_135] : memref<40x128xi32, #tpu.memory_space<vmem>> -> memref<1x128xi32, #tpu.memory_space<vmem>>
        %dma_start3A_137 = tpu.memref_squeeze %dma_start3A_136 : memref<1x128xi32, #tpu.memory_space<vmem>> -> memref<128xi32, #tpu.memory_space<vmem>>
        %dma_start3A_138 = arith.constant 0 : i32
        %dma_start3A_139 = arith.constant 0 : i32
        %dma_start3A_140 = tpu.memref_slice %arg2[%dma_start3A_138, %dma_start3A_139] : memref<40960x128xf32, #tpu.memory_space<hbm>> -> memref<40960x128xf32, #tpu.memory_space<hbm>>
        tpu.enqueue_indirect_dma source(%dma_start3A_140 : memref<40960x128xf32, #tpu.memory_space<hbm>>) target(%arg8 : memref<128x128xf32, #tpu.memory_space<vmem>>) offsets(%dma_start3A_137 : memref<128xi32, #tpu.memory_space<vmem>>) semaphore(%arg11 : memref<!tpu.dma_semaphore, #tpu.memory_space<semaphore_mem>>)
      } else {
      }
      %dma_wait3A_126 = arith.constant 0 : i32
      %dma_wait3A_127 = tpu.memref_slice %arg6[%add3A_112, %dma_wait3A_126] : memref<40x128xi32, #tpu.memory_space<vmem>> -> memref<1x128xi32, #tpu.memory_space<vmem>>
      %dma_wait3A_128 = tpu.memref_squeeze %dma_wait3A_127 : memref<1x128xi32, #tpu.memory_space<vmem>> -> memref<128xi32, #tpu.memory_space<vmem>>
      %dma_wait3A_129 = arith.constant 0 : i32
      %dma_wait3A_130 = arith.constant 0 : i32
      %dma_wait3A_131 = tpu.memref_slice %arg2[%dma_wait3A_129, %dma_wait3A_130] : memref<40960x128xf32, #tpu.memory_space<hbm>> -> memref<40960x128xf32, #tpu.memory_space<hbm>>
      tpu.wait_indirect_dma semaphore(%arg12 : memref<!tpu.dma_semaphore, #tpu.memory_space<semaphore_mem>>) src(%dma_wait3A_131 : memref<40960x128xf32, #tpu.memory_space<hbm>>) dst(%arg9 : memref<128x128xf32, #tpu.memory_space<vmem>>)
      "tpu.region"() ({
        %run_scoped3A = tpu.sem_alloc : memref<!tpu.dma_semaphore, #tpu.memory_space<semaphore_mem>>
        %dma_start3A_133 = arith.constant 0 : i32
        %dma_start3A_134 = tpu.memref_slice %arg7[%add3A_112, %dma_start3A_133] : memref<40x128xi32, #tpu.memory_space<vmem>> -> memref<1x128xi32, #tpu.memory_space<vmem>>
        %dma_start3A_135 = tpu.memref_squeeze %dma_start3A_134 : memref<1x128xi32, #tpu.memory_space<vmem>> -> memref<128xi32, #tpu.memory_space<vmem>>
        %dma_start3A_136 = arith.constant 0 : i32
        %dma_start3A_137 = arith.constant 0 : i32
        %dma_start3A_138 = tpu.memref_slice %arg10[%dma_start3A_136, %dma_start3A_137] : memref<10240x128xf32, #tpu.memory_space<vmem_shared>> -> memref<10240x128xf32, #tpu.memory_space<vmem_shared>>
        tpu.enqueue_indirect_dma source(%arg9 : memref<128x128xf32, #tpu.memory_space<vmem>>) target(%dma_start3A_138 : memref<10240x128xf32, #tpu.memory_space<vmem_shared>>) offsets(%dma_start3A_135 : memref<128xi32, #tpu.memory_space<vmem>>) semaphore(%run_scoped3A : memref<!tpu.dma_semaphore, #tpu.memory_space<semaphore_mem>>) {add = true}
        %dma_wait3A_139 = arith.constant 0 : i32
        %dma_wait3A_140 = tpu.memref_slice %arg7[%add3A_112, %dma_wait3A_139] : memref<40x128xi32, #tpu.memory_space<vmem>> -> memref<1x128xi32, #tpu.memory_space<vmem>>
        %dma_wait3A_141 = tpu.memref_squeeze %dma_wait3A_140 : memref<1x128xi32, #tpu.memory_space<vmem>> -> memref<128xi32, #tpu.memory_space<vmem>>
        %dma_wait3A_142 = arith.constant 0 : i32
        %dma_wait3A_143 = arith.constant 0 : i32
        %dma_wait3A_144 = tpu.memref_slice %arg10[%dma_wait3A_142, %dma_wait3A_143] : memref<10240x128xf32, #tpu.memory_space<vmem_shared>> -> memref<10240x128xf32, #tpu.memory_space<vmem_shared>>
        tpu.wait_indirect_dma semaphore(%run_scoped3A : memref<!tpu.dma_semaphore, #tpu.memory_space<semaphore_mem>>) src(%arg9 : memref<128x128xf32, #tpu.memory_space<vmem>>) dst(%dma_wait3A_144 : memref<10240x128xf32, #tpu.memory_space<vmem_shared>>)
        tpu.yield
      }) : () -> ()
      %scan3A_132 = arith.constant 0 : i32
      scf.yield %scan3A_132 : i32
    }
    %scan3A_26 = arith.constant 20 : i32
    %add3A_27 = arith.constant 40 : i32
    %add3A_28 = arith.addi %mul3A_0, %add3A_27 : i32
    "tpu.region"() ({
      %run_scoped3A = tpu.sem_alloc : memref<!tpu.dma_semaphore, #tpu.memory_space<semaphore_mem>>
      %dma_start3A_105 = arith.constant 0 : i32
      %dma_start3A_106 = tpu.memref_slice %arg3[%add3A_3, %add3A_28, %dma_start3A_105] : memref<4x1280x128xi32, #tpu.memory_space<hbm>> -> memref<1x40x128xi32, #tpu.memory_space<hbm>>
      %dma_start3A_107 = tpu.memref_squeeze %dma_start3A_106 : memref<1x40x128xi32, #tpu.memory_space<hbm>> -> memref<40x128xi32, #tpu.memory_space<hbm>>
      %dma_start3A_108 = arith.constant 0 : i32
      %dma_start3A_109 = tpu.memref_slice %arg3[%add3A_3, %add3A_28, %dma_start3A_108] : memref<4x1280x128xi32, #tpu.memory_space<hbm>> -> memref<1x40x128xi32, #tpu.memory_space<hbm>>
      %dma_start3A_110 = tpu.memref_squeeze %dma_start3A_109 : memref<1x40x128xi32, #tpu.memory_space<hbm>> -> memref<40x128xi32, #tpu.memory_space<hbm>>
      tpu.enqueue_dma source(%dma_start3A_110 : memref<40x128xi32, #tpu.memory_space<hbm>>) target(%arg6 : memref<40x128xi32, #tpu.memory_space<vmem>>) target_semaphore(%run_scoped3A : memref<!tpu.dma_semaphore, #tpu.memory_space<semaphore_mem>>)
      %dma_wait3A = arith.constant 0 : i32
      %dma_wait3A_111 = tpu.memref_slice %arg3[%add3A_3, %add3A_28, %dma_wait3A] : memref<4x1280x128xi32, #tpu.memory_space<hbm>> -> memref<1x40x128xi32, #tpu.memory_space<hbm>>
      %dma_wait3A_112 = tpu.memref_squeeze %dma_wait3A_111 : memref<1x40x128xi32, #tpu.memory_space<hbm>> -> memref<40x128xi32, #tpu.memory_space<hbm>>
      %dma_wait3A_113 = arith.constant 0 : i32
      %dma_wait3A_114 = tpu.memref_slice %arg3[%add3A_3, %add3A_28, %dma_wait3A_113] : memref<4x1280x128xi32, #tpu.memory_space<hbm>> -> memref<1x40x128xi32, #tpu.memory_space<hbm>>
      %dma_wait3A_115 = tpu.memref_squeeze %dma_wait3A_114 : memref<1x40x128xi32, #tpu.memory_space<hbm>> -> memref<40x128xi32, #tpu.memory_space<hbm>>
      tpu.wait_dma2 semaphore(%run_scoped3A : memref<!tpu.dma_semaphore, #tpu.memory_space<semaphore_mem>>) src(%dma_wait3A_115 : memref<40x128xi32, #tpu.memory_space<hbm>>) dst(%arg6 : memref<40x128xi32, #tpu.memory_space<vmem>>)
      tpu.yield
    }) : () -> ()
    %add3A_29 = arith.constant 40 : i32
    %add3A_30 = arith.addi %mul3A_0, %add3A_29 : i32
    "tpu.region"() ({
      %run_scoped3A = tpu.sem_alloc : memref<!tpu.dma_semaphore, #tpu.memory_space<semaphore_mem>>
      %dma_start3A_105 = arith.constant 0 : i32
      %dma_start3A_106 = tpu.memref_slice %arg4[%add3A_30, %dma_start3A_105] : memref<1280x128xi32, #tpu.memory_space<hbm>> -> memref<40x128xi32, #tpu.memory_space<hbm>>
      %dma_start3A_107 = arith.constant 0 : i32
      %dma_start3A_108 = tpu.memref_slice %arg4[%add3A_30, %dma_start3A_107] : memref<1280x128xi32, #tpu.memory_space<hbm>> -> memref<40x128xi32, #tpu.memory_space<hbm>>
      tpu.enqueue_dma source(%dma_start3A_108 : memref<40x128xi32, #tpu.memory_space<hbm>>) target(%arg7 : memref<40x128xi32, #tpu.memory_space<vmem>>) target_semaphore(%run_scoped3A : memref<!tpu.dma_semaphore, #tpu.memory_space<semaphore_mem>>)
      %dma_wait3A = arith.constant 0 : i32
      %dma_wait3A_109 = tpu.memref_slice %arg4[%add3A_30, %dma_wait3A] : memref<1280x128xi32, #tpu.memory_space<hbm>> -> memref<40x128xi32, #tpu.memory_space<hbm>>
      %dma_wait3A_110 = arith.constant 0 : i32
      %dma_wait3A_111 = tpu.memref_slice %arg4[%add3A_30, %dma_wait3A_110] : memref<1280x128xi32, #tpu.memory_space<hbm>> -> memref<40x128xi32, #tpu.memory_space<hbm>>
      tpu.wait_dma2 semaphore(%run_scoped3A : memref<!tpu.dma_semaphore, #tpu.memory_space<semaphore_mem>>) src(%dma_wait3A_111 : memref<40x128xi32, #tpu.memory_space<hbm>>) dst(%arg7 : memref<40x128xi32, #tpu.memory_space<vmem>>)
      tpu.yield
    }) : () -> ()
    %dma_start3A_31 = arith.constant 0 : i32
    %dma_start3A_32 = arith.constant 0 : i32
    %dma_start3A_33 = tpu.memref_slice %arg6[%dma_start3A_31, %dma_start3A_32] : memref<40x128xi32, #tpu.memory_space<vmem>> -> memref<1x128xi32, #tpu.memory_space<vmem>>
    %dma_start3A_34 = tpu.memref_squeeze %dma_start3A_33 : memref<1x128xi32, #tpu.memory_space<vmem>> -> memref<128xi32, #tpu.memory_space<vmem>>
    %dma_start3A_35 = arith.constant 0 : i32
    %dma_start3A_36 = arith.constant 0 : i32
    %dma_start3A_37 = tpu.memref_slice %arg2[%dma_start3A_35, %dma_start3A_36] : memref<40960x128xf32, #tpu.memory_space<hbm>> -> memref<40960x128xf32, #tpu.memory_space<hbm>>
    tpu.enqueue_indirect_dma source(%dma_start3A_37 : memref<40960x128xf32, #tpu.memory_space<hbm>>) target(%arg8 : memref<128x128xf32, #tpu.memory_space<vmem>>) offsets(%dma_start3A_34 : memref<128xi32, #tpu.memory_space<vmem>>) semaphore(%arg11 : memref<!tpu.dma_semaphore, #tpu.memory_space<semaphore_mem>>)
    %scan3A_38 = arith.constant 0 : i32
    %scan3A_39 = arith.constant 0 : i32
    %scan3A_40 = arith.constant 20 : i32
    %scan3A_41 = arith.addi %scan3A_39, %scan3A_40 : i32
    %scan3A_42 = arith.constant 1 : i32
    %scan3A_43 = scf.for %scan3A_105 = %scan3A_39 to %scan3A_41 step %scan3A_42 iter_args(%scan3A_106 = %scan3A_38) -> (i32)  : i32 {
      %mul3A_107 = arith.constant 2 : i32
      %mul3A_108 = arith.muli %mul3A_107, %scan3A_105 : i32
      %mul3A_109 = arith.constant 2 : i32
      %mul3A_110 = arith.muli %mul3A_109, %scan3A_105 : i32
      %add3A_111 = arith.constant 1 : i32
      %add3A_112 = arith.addi %mul3A_110, %add3A_111 : i32
      %dma_start3A_113 = arith.constant 0 : i32
      %dma_start3A_114 = tpu.memref_slice %arg6[%add3A_112, %dma_start3A_113] : memref<40x128xi32, #tpu.memory_space<vmem>> -> memref<1x128xi32, #tpu.memory_space<vmem>>
      %dma_start3A_115 = tpu.memref_squeeze %dma_start3A_114 : memref<1x128xi32, #tpu.memory_space<vmem>> -> memref<128xi32, #tpu.memory_space<vmem>>
      %dma_start3A_116 = arith.constant 0 : i32
      %dma_start3A_117 = arith.constant 0 : i32
      %dma_start3A_118 = tpu.memref_slice %arg2[%dma_start3A_116, %dma_start3A_117] : memref<40960x128xf32, #tpu.memory_space<hbm>> -> memref<40960x128xf32, #tpu.memory_space<hbm>>
      tpu.enqueue_indirect_dma source(%dma_start3A_118 : memref<40960x128xf32, #tpu.memory_space<hbm>>) target(%arg9 : memref<128x128xf32, #tpu.memory_space<vmem>>) offsets(%dma_start3A_115 : memref<128xi32, #tpu.memory_space<vmem>>) semaphore(%arg12 : memref<!tpu.dma_semaphore, #tpu.memory_space<semaphore_mem>>)
      %dma_wait3A = arith.constant 0 : i32
      %dma_wait3A_119 = tpu.memref_slice %arg6[%mul3A_108, %dma_wait3A] : memref<40x128xi32, #tpu.memory_space<vmem>> -> memref<1x128xi32, #tpu.memory_space<vmem>>
      %dma_wait3A_120 = tpu.memref_squeeze %dma_wait3A_119 : memref<1x128xi32, #tpu.memory_space<vmem>> -> memref<128xi32, #tpu.memory_space<vmem>>
      %dma_wait3A_121 = arith.constant 0 : i32
      %dma_wait3A_122 = arith.constant 0 : i32
      %dma_wait3A_123 = tpu.memref_slice %arg2[%dma_wait3A_121, %dma_wait3A_122] : memref<40960x128xf32, #tpu.memory_space<hbm>> -> memref<40960x128xf32, #tpu.memory_space<hbm>>
      tpu.wait_indirect_dma semaphore(%arg11 : memref<!tpu.dma_semaphore, #tpu.memory_space<semaphore_mem>>) src(%dma_wait3A_123 : memref<40960x128xf32, #tpu.memory_space<hbm>>) dst(%arg8 : memref<128x128xf32, #tpu.memory_space<vmem>>)
      "tpu.region"() ({
        %run_scoped3A = tpu.sem_alloc : memref<!tpu.dma_semaphore, #tpu.memory_space<semaphore_mem>>
        %dma_start3A_133 = arith.constant 0 : i32
        %dma_start3A_134 = tpu.memref_slice %arg7[%mul3A_108, %dma_start3A_133] : memref<40x128xi32, #tpu.memory_space<vmem>> -> memref<1x128xi32, #tpu.memory_space<vmem>>
        %dma_start3A_135 = tpu.memref_squeeze %dma_start3A_134 : memref<1x128xi32, #tpu.memory_space<vmem>> -> memref<128xi32, #tpu.memory_space<vmem>>
        %dma_start3A_136 = arith.constant 0 : i32
        %dma_start3A_137 = arith.constant 0 : i32
        %dma_start3A_138 = tpu.memref_slice %arg10[%dma_start3A_136, %dma_start3A_137] : memref<10240x128xf32, #tpu.memory_space<vmem_shared>> -> memref<10240x128xf32, #tpu.memory_space<vmem_shared>>
        tpu.enqueue_indirect_dma source(%arg8 : memref<128x128xf32, #tpu.memory_space<vmem>>) target(%dma_start3A_138 : memref<10240x128xf32, #tpu.memory_space<vmem_shared>>) offsets(%dma_start3A_135 : memref<128xi32, #tpu.memory_space<vmem>>) semaphore(%run_scoped3A : memref<!tpu.dma_semaphore, #tpu.memory_space<semaphore_mem>>) {add = true}
        %dma_wait3A_139 = arith.constant 0 : i32
        %dma_wait3A_140 = tpu.memref_slice %arg7[%mul3A_108, %dma_wait3A_139] : memref<40x128xi32, #tpu.memory_space<vmem>> -> memref<1x128xi32, #tpu.memory_space<vmem>>
        %dma_wait3A_141 = tpu.memref_squeeze %dma_wait3A_140 : memref<1x128xi32, #tpu.memory_space<vmem>> -> memref<128xi32, #tpu.memory_space<vmem>>
        %dma_wait3A_142 = arith.constant 0 : i32
        %dma_wait3A_143 = arith.constant 0 : i32
        %dma_wait3A_144 = tpu.memref_slice %arg10[%dma_wait3A_142, %dma_wait3A_143] : memref<10240x128xf32, #tpu.memory_space<vmem_shared>> -> memref<10240x128xf32, #tpu.memory_space<vmem_shared>>
        tpu.wait_indirect_dma semaphore(%run_scoped3A : memref<!tpu.dma_semaphore, #tpu.memory_space<semaphore_mem>>) src(%arg8 : memref<128x128xf32, #tpu.memory_space<vmem>>) dst(%dma_wait3A_144 : memref<10240x128xf32, #tpu.memory_space<vmem_shared>>)
        tpu.yield
      }) : () -> ()
      %lt3A = arith.constant 19 : i32
      %lt3A_124 = arith.cmpi slt, %scan3A_105, %lt3A : i32
      %convert_element_type3A = arith.extui %lt3A_124 : i1 to i32
      %cond3A = arith.constant 0 : i32
      %cond3A_125 = arith.cmpi ne, %convert_element_type3A, %cond3A : i32
      scf.if %cond3A_125 {
        %add3A_133 = arith.constant 2 : i32
        %add3A_134 = arith.addi %mul3A_108, %add3A_133 : i32
        %dma_start3A_135 = arith.constant 0 : i32
        %dma_start3A_136 = tpu.memref_slice %arg6[%add3A_134, %dma_start3A_135] : memref<40x128xi32, #tpu.memory_space<vmem>> -> memref<1x128xi32, #tpu.memory_space<vmem>>
        %dma_start3A_137 = tpu.memref_squeeze %dma_start3A_136 : memref<1x128xi32, #tpu.memory_space<vmem>> -> memref<128xi32, #tpu.memory_space<vmem>>
        %dma_start3A_138 = arith.constant 0 : i32
        %dma_start3A_139 = arith.constant 0 : i32
        %dma_start3A_140 = tpu.memref_slice %arg2[%dma_start3A_138, %dma_start3A_139] : memref<40960x128xf32, #tpu.memory_space<hbm>> -> memref<40960x128xf32, #tpu.memory_space<hbm>>
        tpu.enqueue_indirect_dma source(%dma_start3A_140 : memref<40960x128xf32, #tpu.memory_space<hbm>>) target(%arg8 : memref<128x128xf32, #tpu.memory_space<vmem>>) offsets(%dma_start3A_137 : memref<128xi32, #tpu.memory_space<vmem>>) semaphore(%arg11 : memref<!tpu.dma_semaphore, #tpu.memory_space<semaphore_mem>>)
      } else {
      }
      %dma_wait3A_126 = arith.constant 0 : i32
      %dma_wait3A_127 = tpu.memref_slice %arg6[%add3A_112, %dma_wait3A_126] : memref<40x128xi32, #tpu.memory_space<vmem>> -> memref<1x128xi32, #tpu.memory_space<vmem>>
      %dma_wait3A_128 = tpu.memref_squeeze %dma_wait3A_127 : memref<1x128xi32, #tpu.memory_space<vmem>> -> memref<128xi32, #tpu.memory_space<vmem>>
      %dma_wait3A_129 = arith.constant 0 : i32
      %dma_wait3A_130 = arith.constant 0 : i32
      %dma_wait3A_131 = tpu.memref_slice %arg2[%dma_wait3A_129, %dma_wait3A_130] : memref<40960x128xf32, #tpu.memory_space<hbm>> -> memref<40960x128xf32, #tpu.memory_space<hbm>>
      tpu.wait_indirect_dma semaphore(%arg12 : memref<!tpu.dma_semaphore, #tpu.memory_space<semaphore_mem>>) src(%dma_wait3A_131 : memref<40960x128xf32, #tpu.memory_space<hbm>>) dst(%arg9 : memref<128x128xf32, #tpu.memory_space<vmem>>)
      "tpu.region"() ({
        %run_scoped3A = tpu.sem_alloc : memref<!tpu.dma_semaphore, #tpu.memory_space<semaphore_mem>>
        %dma_start3A_133 = arith.constant 0 : i32
        %dma_start3A_134 = tpu.memref_slice %arg7[%add3A_112, %dma_start3A_133] : memref<40x128xi32, #tpu.memory_space<vmem>> -> memref<1x128xi32, #tpu.memory_space<vmem>>
        %dma_start3A_135 = tpu.memref_squeeze %dma_start3A_134 : memref<1x128xi32, #tpu.memory_space<vmem>> -> memref<128xi32, #tpu.memory_space<vmem>>
        %dma_start3A_136 = arith.constant 0 : i32
        %dma_start3A_137 = arith.constant 0 : i32
        %dma_start3A_138 = tpu.memref_slice %arg10[%dma_start3A_136, %dma_start3A_137] : memref<10240x128xf32, #tpu.memory_space<vmem_shared>> -> memref<10240x128xf32, #tpu.memory_space<vmem_shared>>
        tpu.enqueue_indirect_dma source(%arg9 : memref<128x128xf32, #tpu.memory_space<vmem>>) target(%dma_start3A_138 : memref<10240x128xf32, #tpu.memory_space<vmem_shared>>) offsets(%dma_start3A_135 : memref<128xi32, #tpu.memory_space<vmem>>) semaphore(%run_scoped3A : memref<!tpu.dma_semaphore, #tpu.memory_space<semaphore_mem>>) {add = true}
        %dma_wait3A_139 = arith.constant 0 : i32
        %dma_wait3A_140 = tpu.memref_slice %arg7[%add3A_112, %dma_wait3A_139] : memref<40x128xi32, #tpu.memory_space<vmem>> -> memref<1x128xi32, #tpu.memory_space<vmem>>
        %dma_wait3A_141 = tpu.memref_squeeze %dma_wait3A_140 : memref<1x128xi32, #tpu.memory_space<vmem>> -> memref<128xi32, #tpu.memory_space<vmem>>
        %dma_wait3A_142 = arith.constant 0 : i32
        %dma_wait3A_143 = arith.constant 0 : i32
        %dma_wait3A_144 = tpu.memref_slice %arg10[%dma_wait3A_142, %dma_wait3A_143] : memref<10240x128xf32, #tpu.memory_space<vmem_shared>> -> memref<10240x128xf32, #tpu.memory_space<vmem_shared>>
        tpu.wait_indirect_dma semaphore(%run_scoped3A : memref<!tpu.dma_semaphore, #tpu.memory_space<semaphore_mem>>) src(%arg9 : memref<128x128xf32, #tpu.memory_space<vmem>>) dst(%dma_wait3A_144 : memref<10240x128xf32, #tpu.memory_space<vmem_shared>>)
        tpu.yield
      }) : () -> ()
      %scan3A_132 = arith.constant 0 : i32
      scf.yield %scan3A_132 : i32
    }
    %scan3A_44 = arith.constant 20 : i32
    %barrier3A_45 = arith.constant 0 : index
    tpu.barrier barrier_id(%barrier3A_45)
    %mul3A_46 = arith.constant 640 : i32
    %mul3A_47 = arith.muli %arg1, %mul3A_46 : i32
    %mul3A_48 = arith.constant 640 : i32
    %mul3A_49 = arith.muli %arg1, %mul3A_48 : i32
    "tpu.region"() ({
      %run_scoped3A = tpu.sem_alloc : memref<!tpu.dma_semaphore, #tpu.memory_space<semaphore_mem>>
      %dma_start3A_105 = arith.constant 0 : i32
      %dma_start3A_106 = tpu.memref_slice %arg5[%add3A_3, %mul3A_49, %dma_start3A_105] : memref<4x10240x128xf32, #tpu.memory_space<hbm>> -> memref<1x640x128xf32, #tpu.memory_space<hbm>>
      %dma_start3A_107 = tpu.memref_squeeze %dma_start3A_106 : memref<1x640x128xf32, #tpu.memory_space<hbm>> -> memref<640x128xf32, #tpu.memory_space<hbm>>
      %dma_start3A_108 = arith.constant 0 : i32
      %dma_start3A_109 = tpu.memref_slice %arg10[%mul3A_47, %dma_start3A_108] : memref<10240x128xf32, #tpu.memory_space<vmem_shared>> -> memref<640x128xf32, #tpu.memory_space<vmem_shared>>
      tpu.enqueue_dma source(%dma_start3A_109 : memref<640x128xf32, #tpu.memory_space<vmem_shared>>) target(%dma_start3A_107 : memref<640x128xf32, #tpu.memory_space<hbm>>) target_semaphore(%run_scoped3A : memref<!tpu.dma_semaphore, #tpu.memory_space<semaphore_mem>>)
      %dma_wait3A = arith.constant 0 : i32
      %dma_wait3A_110 = tpu.memref_slice %arg5[%add3A_3, %mul3A_49, %dma_wait3A] : memref<4x10240x128xf32, #tpu.memory_space<hbm>> -> memref<1x640x128xf32, #tpu.memory_space<hbm>>
      %dma_wait3A_111 = tpu.memref_squeeze %dma_wait3A_110 : memref<1x640x128xf32, #tpu.memory_space<hbm>> -> memref<640x128xf32, #tpu.memory_space<hbm>>
      %dma_wait3A_112 = arith.constant 0 : i32
      %dma_wait3A_113 = tpu.memref_slice %arg10[%mul3A_47, %dma_wait3A_112] : memref<10240x128xf32, #tpu.memory_space<vmem_shared>> -> memref<640x128xf32, #tpu.memory_space<vmem_shared>>
      tpu.wait_dma2 semaphore(%run_scoped3A : memref<!tpu.dma_semaphore, #tpu.memory_space<semaphore_mem>>) src(%dma_wait3A_113 : memref<640x128xf32, #tpu.memory_space<vmem_shared>>) dst(%dma_wait3A_111 : memref<640x128xf32, #tpu.memory_space<hbm>>)
      tpu.yield
    }) : () -> ()
    %barrier3A_50 = arith.constant 0 : index
    tpu.barrier barrier_id(%barrier3A_50)
    %mul3A_51 = arith.constant 2 : i32
    %mul3A_52 = arith.muli %arg0, %mul3A_51 : i32
    %add3A_53 = arith.constant 1 : i32
    %add3A_54 = arith.addi %mul3A_52, %add3A_53 : i32
    %mul3A_55 = arith.constant 10240 : i32
    %mul3A_56 = arith.muli %add3A_54, %mul3A_55 : i32
    %mul3A_57 = arith.constant 640 : i32
    %mul3A_58 = arith.muli %arg1, %mul3A_57 : i32
    %add3A_59 = arith.addi %mul3A_56, %mul3A_58 : i32
    %mul3A_60 = arith.constant 640 : i32
    %mul3A_61 = arith.muli %arg1, %mul3A_60 : i32
    "tpu.region"() ({
      %run_scoped3A = tpu.sem_alloc : memref<!tpu.dma_semaphore, #tpu.memory_space<semaphore_mem>>
      %dma_start3A_105 = arith.constant 0 : i32
      %dma_start3A_106 = tpu.memref_slice %arg10[%mul3A_61, %dma_start3A_105] : memref<10240x128xf32, #tpu.memory_space<vmem_shared>> -> memref<640x128xf32, #tpu.memory_space<vmem_shared>>
      %dma_start3A_107 = arith.constant 0 : i32
      %dma_start3A_108 = tpu.memref_slice %arg2[%add3A_59, %dma_start3A_107] : memref<40960x128xf32, #tpu.memory_space<hbm>> -> memref<640x128xf32, #tpu.memory_space<hbm>>
      tpu.enqueue_dma source(%dma_start3A_108 : memref<640x128xf32, #tpu.memory_space<hbm>>) target(%dma_start3A_106 : memref<640x128xf32, #tpu.memory_space<vmem_shared>>) target_semaphore(%run_scoped3A : memref<!tpu.dma_semaphore, #tpu.memory_space<semaphore_mem>>)
      %dma_wait3A = arith.constant 0 : i32
      %dma_wait3A_109 = tpu.memref_slice %arg10[%mul3A_61, %dma_wait3A] : memref<10240x128xf32, #tpu.memory_space<vmem_shared>> -> memref<640x128xf32, #tpu.memory_space<vmem_shared>>
      %dma_wait3A_110 = arith.constant 0 : i32
      %dma_wait3A_111 = tpu.memref_slice %arg2[%add3A_59, %dma_wait3A_110] : memref<40960x128xf32, #tpu.memory_space<hbm>> -> memref<640x128xf32, #tpu.memory_space<hbm>>
      tpu.wait_dma2 semaphore(%run_scoped3A : memref<!tpu.dma_semaphore, #tpu.memory_space<semaphore_mem>>) src(%dma_wait3A_111 : memref<640x128xf32, #tpu.memory_space<hbm>>) dst(%dma_wait3A_109 : memref<640x128xf32, #tpu.memory_space<vmem_shared>>)
      tpu.yield
    }) : () -> ()
    %barrier3A_62 = arith.constant 0 : index
    tpu.barrier barrier_id(%barrier3A_62)
    %add3A_63 = arith.constant 0 : i32
    %add3A_64 = arith.addi %mul3A_0, %add3A_63 : i32
    "tpu.region"() ({
      %run_scoped3A = tpu.sem_alloc : memref<!tpu.dma_semaphore, #tpu.memory_space<semaphore_mem>>
      %dma_start3A_105 = arith.constant 0 : i32
      %dma_start3A_106 = tpu.memref_slice %arg3[%add3A_54, %add3A_64, %dma_start3A_105] : memref<4x1280x128xi32, #tpu.memory_space<hbm>> -> memref<1x40x128xi32, #tpu.memory_space<hbm>>
      %dma_start3A_107 = tpu.memref_squeeze %dma_start3A_106 : memref<1x40x128xi32, #tpu.memory_space<hbm>> -> memref<40x128xi32, #tpu.memory_space<hbm>>
      %dma_start3A_108 = arith.constant 0 : i32
      %dma_start3A_109 = tpu.memref_slice %arg3[%add3A_54, %add3A_64, %dma_start3A_108] : memref<4x1280x128xi32, #tpu.memory_space<hbm>> -> memref<1x40x128xi32, #tpu.memory_space<hbm>>
      %dma_start3A_110 = tpu.memref_squeeze %dma_start3A_109 : memref<1x40x128xi32, #tpu.memory_space<hbm>> -> memref<40x128xi32, #tpu.memory_space<hbm>>
      tpu.enqueue_dma source(%dma_start3A_110 : memref<40x128xi32, #tpu.memory_space<hbm>>) target(%arg6 : memref<40x128xi32, #tpu.memory_space<vmem>>) target_semaphore(%run_scoped3A : memref<!tpu.dma_semaphore, #tpu.memory_space<semaphore_mem>>)
      %dma_wait3A = arith.constant 0 : i32
      %dma_wait3A_111 = tpu.memref_slice %arg3[%add3A_54, %add3A_64, %dma_wait3A] : memref<4x1280x128xi32, #tpu.memory_space<hbm>> -> memref<1x40x128xi32, #tpu.memory_space<hbm>>
      %dma_wait3A_112 = tpu.memref_squeeze %dma_wait3A_111 : memref<1x40x128xi32, #tpu.memory_space<hbm>> -> memref<40x128xi32, #tpu.memory_space<hbm>>
      %dma_wait3A_113 = arith.constant 0 : i32
      %dma_wait3A_114 = tpu.memref_slice %arg3[%add3A_54, %add3A_64, %dma_wait3A_113] : memref<4x1280x128xi32, #tpu.memory_space<hbm>> -> memref<1x40x128xi32, #tpu.memory_space<hbm>>
      %dma_wait3A_115 = tpu.memref_squeeze %dma_wait3A_114 : memref<1x40x128xi32, #tpu.memory_space<hbm>> -> memref<40x128xi32, #tpu.memory_space<hbm>>
      tpu.wait_dma2 semaphore(%run_scoped3A : memref<!tpu.dma_semaphore, #tpu.memory_space<semaphore_mem>>) src(%dma_wait3A_115 : memref<40x128xi32, #tpu.memory_space<hbm>>) dst(%arg6 : memref<40x128xi32, #tpu.memory_space<vmem>>)
      tpu.yield
    }) : () -> ()
    %add3A_65 = arith.constant 0 : i32
    %add3A_66 = arith.addi %mul3A_0, %add3A_65 : i32
    "tpu.region"() ({
      %run_scoped3A = tpu.sem_alloc : memref<!tpu.dma_semaphore, #tpu.memory_space<semaphore_mem>>
      %dma_start3A_105 = arith.constant 0 : i32
      %dma_start3A_106 = tpu.memref_slice %arg4[%add3A_66, %dma_start3A_105] : memref<1280x128xi32, #tpu.memory_space<hbm>> -> memref<40x128xi32, #tpu.memory_space<hbm>>
      %dma_start3A_107 = arith.constant 0 : i32
      %dma_start3A_108 = tpu.memref_slice %arg4[%add3A_66, %dma_start3A_107] : memref<1280x128xi32, #tpu.memory_space<hbm>> -> memref<40x128xi32, #tpu.memory_space<hbm>>
      tpu.enqueue_dma source(%dma_start3A_108 : memref<40x128xi32, #tpu.memory_space<hbm>>) target(%arg7 : memref<40x128xi32, #tpu.memory_space<vmem>>) target_semaphore(%run_scoped3A : memref<!tpu.dma_semaphore, #tpu.memory_space<semaphore_mem>>)
      %dma_wait3A = arith.constant 0 : i32
      %dma_wait3A_109 = tpu.memref_slice %arg4[%add3A_66, %dma_wait3A] : memref<1280x128xi32, #tpu.memory_space<hbm>> -> memref<40x128xi32, #tpu.memory_space<hbm>>
      %dma_wait3A_110 = arith.constant 0 : i32
      %dma_wait3A_111 = tpu.memref_slice %arg4[%add3A_66, %dma_wait3A_110] : memref<1280x128xi32, #tpu.memory_space<hbm>> -> memref<40x128xi32, #tpu.memory_space<hbm>>
      tpu.wait_dma2 semaphore(%run_scoped3A : memref<!tpu.dma_semaphore, #tpu.memory_space<semaphore_mem>>) src(%dma_wait3A_111 : memref<40x128xi32, #tpu.memory_space<hbm>>) dst(%arg7 : memref<40x128xi32, #tpu.memory_space<vmem>>)
      tpu.yield
    }) : () -> ()
    %dma_start3A_67 = arith.constant 0 : i32
    %dma_start3A_68 = arith.constant 0 : i32
    %dma_start3A_69 = tpu.memref_slice %arg6[%dma_start3A_67, %dma_start3A_68] : memref<40x128xi32, #tpu.memory_space<vmem>> -> memref<1x128xi32, #tpu.memory_space<vmem>>
    %dma_start3A_70 = tpu.memref_squeeze %dma_start3A_69 : memref<1x128xi32, #tpu.memory_space<vmem>> -> memref<128xi32, #tpu.memory_space<vmem>>
    %dma_start3A_71 = arith.constant 0 : i32
    %dma_start3A_72 = arith.constant 0 : i32
    %dma_start3A_73 = tpu.memref_slice %arg2[%dma_start3A_71, %dma_start3A_72] : memref<40960x128xf32, #tpu.memory_space<hbm>> -> memref<40960x128xf32, #tpu.memory_space<hbm>>
    tpu.enqueue_indirect_dma source(%dma_start3A_73 : memref<40960x128xf32, #tpu.memory_space<hbm>>) target(%arg8 : memref<128x128xf32, #tpu.memory_space<vmem>>) offsets(%dma_start3A_70 : memref<128xi32, #tpu.memory_space<vmem>>) semaphore(%arg11 : memref<!tpu.dma_semaphore, #tpu.memory_space<semaphore_mem>>)
    %scan3A_74 = arith.constant 0 : i32
    %scan3A_75 = arith.constant 0 : i32
    %scan3A_76 = arith.constant 20 : i32
    %scan3A_77 = arith.addi %scan3A_75, %scan3A_76 : i32
    %scan3A_78 = arith.constant 1 : i32
    %scan3A_79 = scf.for %scan3A_105 = %scan3A_75 to %scan3A_77 step %scan3A_78 iter_args(%scan3A_106 = %scan3A_74) -> (i32)  : i32 {
      %mul3A_107 = arith.constant 2 : i32
      %mul3A_108 = arith.muli %mul3A_107, %scan3A_105 : i32
      %mul3A_109 = arith.constant 2 : i32
      %mul3A_110 = arith.muli %mul3A_109, %scan3A_105 : i32
      %add3A_111 = arith.constant 1 : i32
      %add3A_112 = arith.addi %mul3A_110, %add3A_111 : i32
      %dma_start3A_113 = arith.constant 0 : i32
      %dma_start3A_114 = tpu.memref_slice %arg6[%add3A_112, %dma_start3A_113] : memref<40x128xi32, #tpu.memory_space<vmem>> -> memref<1x128xi32, #tpu.memory_space<vmem>>
      %dma_start3A_115 = tpu.memref_squeeze %dma_start3A_114 : memref<1x128xi32, #tpu.memory_space<vmem>> -> memref<128xi32, #tpu.memory_space<vmem>>
      %dma_start3A_116 = arith.constant 0 : i32
      %dma_start3A_117 = arith.constant 0 : i32
      %dma_start3A_118 = tpu.memref_slice %arg2[%dma_start3A_116, %dma_start3A_117] : memref<40960x128xf32, #tpu.memory_space<hbm>> -> memref<40960x128xf32, #tpu.memory_space<hbm>>
      tpu.enqueue_indirect_dma source(%dma_start3A_118 : memref<40960x128xf32, #tpu.memory_space<hbm>>) target(%arg9 : memref<128x128xf32, #tpu.memory_space<vmem>>) offsets(%dma_start3A_115 : memref<128xi32, #tpu.memory_space<vmem>>) semaphore(%arg12 : memref<!tpu.dma_semaphore, #tpu.memory_space<semaphore_mem>>)
      %dma_wait3A = arith.constant 0 : i32
      %dma_wait3A_119 = tpu.memref_slice %arg6[%mul3A_108, %dma_wait3A] : memref<40x128xi32, #tpu.memory_space<vmem>> -> memref<1x128xi32, #tpu.memory_space<vmem>>
      %dma_wait3A_120 = tpu.memref_squeeze %dma_wait3A_119 : memref<1x128xi32, #tpu.memory_space<vmem>> -> memref<128xi32, #tpu.memory_space<vmem>>
      %dma_wait3A_121 = arith.constant 0 : i32
      %dma_wait3A_122 = arith.constant 0 : i32
      %dma_wait3A_123 = tpu.memref_slice %arg2[%dma_wait3A_121, %dma_wait3A_122] : memref<40960x128xf32, #tpu.memory_space<hbm>> -> memref<40960x128xf32, #tpu.memory_space<hbm>>
      tpu.wait_indirect_dma semaphore(%arg11 : memref<!tpu.dma_semaphore, #tpu.memory_space<semaphore_mem>>) src(%dma_wait3A_123 : memref<40960x128xf32, #tpu.memory_space<hbm>>) dst(%arg8 : memref<128x128xf32, #tpu.memory_space<vmem>>)
      "tpu.region"() ({
        %run_scoped3A = tpu.sem_alloc : memref<!tpu.dma_semaphore, #tpu.memory_space<semaphore_mem>>
        %dma_start3A_133 = arith.constant 0 : i32
        %dma_start3A_134 = tpu.memref_slice %arg7[%mul3A_108, %dma_start3A_133] : memref<40x128xi32, #tpu.memory_space<vmem>> -> memref<1x128xi32, #tpu.memory_space<vmem>>
        %dma_start3A_135 = tpu.memref_squeeze %dma_start3A_134 : memref<1x128xi32, #tpu.memory_space<vmem>> -> memref<128xi32, #tpu.memory_space<vmem>>
        %dma_start3A_136 = arith.constant 0 : i32
        %dma_start3A_137 = arith.constant 0 : i32
        %dma_start3A_138 = tpu.memref_slice %arg10[%dma_start3A_136, %dma_start3A_137] : memref<10240x128xf32, #tpu.memory_space<vmem_shared>> -> memref<10240x128xf32, #tpu.memory_space<vmem_shared>>
        tpu.enqueue_indirect_dma source(%arg8 : memref<128x128xf32, #tpu.memory_space<vmem>>) target(%dma_start3A_138 : memref<10240x128xf32, #tpu.memory_space<vmem_shared>>) offsets(%dma_start3A_135 : memref<128xi32, #tpu.memory_space<vmem>>) semaphore(%run_scoped3A : memref<!tpu.dma_semaphore, #tpu.memory_space<semaphore_mem>>) {add = true}
        %dma_wait3A_139 = arith.constant 0 : i32
        %dma_wait3A_140 = tpu.memref_slice %arg7[%mul3A_108, %dma_wait3A_139] : memref<40x128xi32, #tpu.memory_space<vmem>> -> memref<1x128xi32, #tpu.memory_space<vmem>>
        %dma_wait3A_141 = tpu.memref_squeeze %dma_wait3A_140 : memref<1x128xi32, #tpu.memory_space<vmem>> -> memref<128xi32, #tpu.memory_space<vmem>>
        %dma_wait3A_142 = arith.constant 0 : i32
        %dma_wait3A_143 = arith.constant 0 : i32
        %dma_wait3A_144 = tpu.memref_slice %arg10[%dma_wait3A_142, %dma_wait3A_143] : memref<10240x128xf32, #tpu.memory_space<vmem_shared>> -> memref<10240x128xf32, #tpu.memory_space<vmem_shared>>
        tpu.wait_indirect_dma semaphore(%run_scoped3A : memref<!tpu.dma_semaphore, #tpu.memory_space<semaphore_mem>>) src(%arg8 : memref<128x128xf32, #tpu.memory_space<vmem>>) dst(%dma_wait3A_144 : memref<10240x128xf32, #tpu.memory_space<vmem_shared>>)
        tpu.yield
      }) : () -> ()
      %lt3A = arith.constant 19 : i32
      %lt3A_124 = arith.cmpi slt, %scan3A_105, %lt3A : i32
      %convert_element_type3A = arith.extui %lt3A_124 : i1 to i32
      %cond3A = arith.constant 0 : i32
      %cond3A_125 = arith.cmpi ne, %convert_element_type3A, %cond3A : i32
      scf.if %cond3A_125 {
        %add3A_133 = arith.constant 2 : i32
        %add3A_134 = arith.addi %mul3A_108, %add3A_133 : i32
        %dma_start3A_135 = arith.constant 0 : i32
        %dma_start3A_136 = tpu.memref_slice %arg6[%add3A_134, %dma_start3A_135] : memref<40x128xi32, #tpu.memory_space<vmem>> -> memref<1x128xi32, #tpu.memory_space<vmem>>
        %dma_start3A_137 = tpu.memref_squeeze %dma_start3A_136 : memref<1x128xi32, #tpu.memory_space<vmem>> -> memref<128xi32, #tpu.memory_space<vmem>>
        %dma_start3A_138 = arith.constant 0 : i32
        %dma_start3A_139 = arith.constant 0 : i32
        %dma_start3A_140 = tpu.memref_slice %arg2[%dma_start3A_138, %dma_start3A_139] : memref<40960x128xf32, #tpu.memory_space<hbm>> -> memref<40960x128xf32, #tpu.memory_space<hbm>>
        tpu.enqueue_indirect_dma source(%dma_start3A_140 : memref<40960x128xf32, #tpu.memory_space<hbm>>) target(%arg8 : memref<128x128xf32, #tpu.memory_space<vmem>>) offsets(%dma_start3A_137 : memref<128xi32, #tpu.memory_space<vmem>>) semaphore(%arg11 : memref<!tpu.dma_semaphore, #tpu.memory_space<semaphore_mem>>)
      } else {
      }
      %dma_wait3A_126 = arith.constant 0 : i32
      %dma_wait3A_127 = tpu.memref_slice %arg6[%add3A_112, %dma_wait3A_126] : memref<40x128xi32, #tpu.memory_space<vmem>> -> memref<1x128xi32, #tpu.memory_space<vmem>>
      %dma_wait3A_128 = tpu.memref_squeeze %dma_wait3A_127 : memref<1x128xi32, #tpu.memory_space<vmem>> -> memref<128xi32, #tpu.memory_space<vmem>>
      %dma_wait3A_129 = arith.constant 0 : i32
      %dma_wait3A_130 = arith.constant 0 : i32
      %dma_wait3A_131 = tpu.memref_slice %arg2[%dma_wait3A_129, %dma_wait3A_130] : memref<40960x128xf32, #tpu.memory_space<hbm>> -> memref<40960x128xf32, #tpu.memory_space<hbm>>
      tpu.wait_indirect_dma semaphore(%arg12 : memref<!tpu.dma_semaphore, #tpu.memory_space<semaphore_mem>>) src(%dma_wait3A_131 : memref<40960x128xf32, #tpu.memory_space<hbm>>) dst(%arg9 : memref<128x128xf32, #tpu.memory_space<vmem>>)
      "tpu.region"() ({
        %run_scoped3A = tpu.sem_alloc : memref<!tpu.dma_semaphore, #tpu.memory_space<semaphore_mem>>
        %dma_start3A_133 = arith.constant 0 : i32
        %dma_start3A_134 = tpu.memref_slice %arg7[%add3A_112, %dma_start3A_133] : memref<40x128xi32, #tpu.memory_space<vmem>> -> memref<1x128xi32, #tpu.memory_space<vmem>>
        %dma_start3A_135 = tpu.memref_squeeze %dma_start3A_134 : memref<1x128xi32, #tpu.memory_space<vmem>> -> memref<128xi32, #tpu.memory_space<vmem>>
        %dma_start3A_136 = arith.constant 0 : i32
        %dma_start3A_137 = arith.constant 0 : i32
        %dma_start3A_138 = tpu.memref_slice %arg10[%dma_start3A_136, %dma_start3A_137] : memref<10240x128xf32, #tpu.memory_space<vmem_shared>> -> memref<10240x128xf32, #tpu.memory_space<vmem_shared>>
        tpu.enqueue_indirect_dma source(%arg9 : memref<128x128xf32, #tpu.memory_space<vmem>>) target(%dma_start3A_138 : memref<10240x128xf32, #tpu.memory_space<vmem_shared>>) offsets(%dma_start3A_135 : memref<128xi32, #tpu.memory_space<vmem>>) semaphore(%run_scoped3A : memref<!tpu.dma_semaphore, #tpu.memory_space<semaphore_mem>>) {add = true}
        %dma_wait3A_139 = arith.constant 0 : i32
        %dma_wait3A_140 = tpu.memref_slice %arg7[%add3A_112, %dma_wait3A_139] : memref<40x128xi32, #tpu.memory_space<vmem>> -> memref<1x128xi32, #tpu.memory_space<vmem>>
        %dma_wait3A_141 = tpu.memref_squeeze %dma_wait3A_140 : memref<1x128xi32, #tpu.memory_space<vmem>> -> memref<128xi32, #tpu.memory_space<vmem>>
        %dma_wait3A_142 = arith.constant 0 : i32
        %dma_wait3A_143 = arith.constant 0 : i32
        %dma_wait3A_144 = tpu.memref_slice %arg10[%dma_wait3A_142, %dma_wait3A_143] : memref<10240x128xf32, #tpu.memory_space<vmem_shared>> -> memref<10240x128xf32, #tpu.memory_space<vmem_shared>>
        tpu.wait_indirect_dma semaphore(%run_scoped3A : memref<!tpu.dma_semaphore, #tpu.memory_space<semaphore_mem>>) src(%arg9 : memref<128x128xf32, #tpu.memory_space<vmem>>) dst(%dma_wait3A_144 : memref<10240x128xf32, #tpu.memory_space<vmem_shared>>)
        tpu.yield
      }) : () -> ()
      %scan3A_132 = arith.constant 0 : i32
      scf.yield %scan3A_132 : i32
    }
    %scan3A_80 = arith.constant 20 : i32
    %add3A_81 = arith.constant 40 : i32
    %add3A_82 = arith.addi %mul3A_0, %add3A_81 : i32
    "tpu.region"() ({
      %run_scoped3A = tpu.sem_alloc : memref<!tpu.dma_semaphore, #tpu.memory_space<semaphore_mem>>
      %dma_start3A_105 = arith.constant 0 : i32
      %dma_start3A_106 = tpu.memref_slice %arg3[%add3A_54, %add3A_82, %dma_start3A_105] : memref<4x1280x128xi32, #tpu.memory_space<hbm>> -> memref<1x40x128xi32, #tpu.memory_space<hbm>>
      %dma_start3A_107 = tpu.memref_squeeze %dma_start3A_106 : memref<1x40x128xi32, #tpu.memory_space<hbm>> -> memref<40x128xi32, #tpu.memory_space<hbm>>
      %dma_start3A_108 = arith.constant 0 : i32
      %dma_start3A_109 = tpu.memref_slice %arg3[%add3A_54, %add3A_82, %dma_start3A_108] : memref<4x1280x128xi32, #tpu.memory_space<hbm>> -> memref<1x40x128xi32, #tpu.memory_space<hbm>>
      %dma_start3A_110 = tpu.memref_squeeze %dma_start3A_109 : memref<1x40x128xi32, #tpu.memory_space<hbm>> -> memref<40x128xi32, #tpu.memory_space<hbm>>
      tpu.enqueue_dma source(%dma_start3A_110 : memref<40x128xi32, #tpu.memory_space<hbm>>) target(%arg6 : memref<40x128xi32, #tpu.memory_space<vmem>>) target_semaphore(%run_scoped3A : memref<!tpu.dma_semaphore, #tpu.memory_space<semaphore_mem>>)
      %dma_wait3A = arith.constant 0 : i32
      %dma_wait3A_111 = tpu.memref_slice %arg3[%add3A_54, %add3A_82, %dma_wait3A] : memref<4x1280x128xi32, #tpu.memory_space<hbm>> -> memref<1x40x128xi32, #tpu.memory_space<hbm>>
      %dma_wait3A_112 = tpu.memref_squeeze %dma_wait3A_111 : memref<1x40x128xi32, #tpu.memory_space<hbm>> -> memref<40x128xi32, #tpu.memory_space<hbm>>
      %dma_wait3A_113 = arith.constant 0 : i32
      %dma_wait3A_114 = tpu.memref_slice %arg3[%add3A_54, %add3A_82, %dma_wait3A_113] : memref<4x1280x128xi32, #tpu.memory_space<hbm>> -> memref<1x40x128xi32, #tpu.memory_space<hbm>>
      %dma_wait3A_115 = tpu.memref_squeeze %dma_wait3A_114 : memref<1x40x128xi32, #tpu.memory_space<hbm>> -> memref<40x128xi32, #tpu.memory_space<hbm>>
      tpu.wait_dma2 semaphore(%run_scoped3A : memref<!tpu.dma_semaphore, #tpu.memory_space<semaphore_mem>>) src(%dma_wait3A_115 : memref<40x128xi32, #tpu.memory_space<hbm>>) dst(%arg6 : memref<40x128xi32, #tpu.memory_space<vmem>>)
      tpu.yield
    }) : () -> ()
    %add3A_83 = arith.constant 40 : i32
    %add3A_84 = arith.addi %mul3A_0, %add3A_83 : i32
    "tpu.region"() ({
      %run_scoped3A = tpu.sem_alloc : memref<!tpu.dma_semaphore, #tpu.memory_space<semaphore_mem>>
      %dma_start3A_105 = arith.constant 0 : i32
      %dma_start3A_106 = tpu.memref_slice %arg4[%add3A_84, %dma_start3A_105] : memref<1280x128xi32, #tpu.memory_space<hbm>> -> memref<40x128xi32, #tpu.memory_space<hbm>>
      %dma_start3A_107 = arith.constant 0 : i32
      %dma_start3A_108 = tpu.memref_slice %arg4[%add3A_84, %dma_start3A_107] : memref<1280x128xi32, #tpu.memory_space<hbm>> -> memref<40x128xi32, #tpu.memory_space<hbm>>
      tpu.enqueue_dma source(%dma_start3A_108 : memref<40x128xi32, #tpu.memory_space<hbm>>) target(%arg7 : memref<40x128xi32, #tpu.memory_space<vmem>>) target_semaphore(%run_scoped3A : memref<!tpu.dma_semaphore, #tpu.memory_space<semaphore_mem>>)
      %dma_wait3A = arith.constant 0 : i32
      %dma_wait3A_109 = tpu.memref_slice %arg4[%add3A_84, %dma_wait3A] : memref<1280x128xi32, #tpu.memory_space<hbm>> -> memref<40x128xi32, #tpu.memory_space<hbm>>
      %dma_wait3A_110 = arith.constant 0 : i32
      %dma_wait3A_111 = tpu.memref_slice %arg4[%add3A_84, %dma_wait3A_110] : memref<1280x128xi32, #tpu.memory_space<hbm>> -> memref<40x128xi32, #tpu.memory_space<hbm>>
      tpu.wait_dma2 semaphore(%run_scoped3A : memref<!tpu.dma_semaphore, #tpu.memory_space<semaphore_mem>>) src(%dma_wait3A_111 : memref<40x128xi32, #tpu.memory_space<hbm>>) dst(%arg7 : memref<40x128xi32, #tpu.memory_space<vmem>>)
      tpu.yield
    }) : () -> ()
    %dma_start3A_85 = arith.constant 0 : i32
    %dma_start3A_86 = arith.constant 0 : i32
    %dma_start3A_87 = tpu.memref_slice %arg6[%dma_start3A_85, %dma_start3A_86] : memref<40x128xi32, #tpu.memory_space<vmem>> -> memref<1x128xi32, #tpu.memory_space<vmem>>
    %dma_start3A_88 = tpu.memref_squeeze %dma_start3A_87 : memref<1x128xi32, #tpu.memory_space<vmem>> -> memref<128xi32, #tpu.memory_space<vmem>>
    %dma_start3A_89 = arith.constant 0 : i32
    %dma_start3A_90 = arith.constant 0 : i32
    %dma_start3A_91 = tpu.memref_slice %arg2[%dma_start3A_89, %dma_start3A_90] : memref<40960x128xf32, #tpu.memory_space<hbm>> -> memref<40960x128xf32, #tpu.memory_space<hbm>>
    tpu.enqueue_indirect_dma source(%dma_start3A_91 : memref<40960x128xf32, #tpu.memory_space<hbm>>) target(%arg8 : memref<128x128xf32, #tpu.memory_space<vmem>>) offsets(%dma_start3A_88 : memref<128xi32, #tpu.memory_space<vmem>>) semaphore(%arg11 : memref<!tpu.dma_semaphore, #tpu.memory_space<semaphore_mem>>)
    %scan3A_92 = arith.constant 0 : i32
    %scan3A_93 = arith.constant 0 : i32
    %scan3A_94 = arith.constant 20 : i32
    %scan3A_95 = arith.addi %scan3A_93, %scan3A_94 : i32
    %scan3A_96 = arith.constant 1 : i32
    %scan3A_97 = scf.for %scan3A_105 = %scan3A_93 to %scan3A_95 step %scan3A_96 iter_args(%scan3A_106 = %scan3A_92) -> (i32)  : i32 {
      %mul3A_107 = arith.constant 2 : i32
      %mul3A_108 = arith.muli %mul3A_107, %scan3A_105 : i32
      %mul3A_109 = arith.constant 2 : i32
      %mul3A_110 = arith.muli %mul3A_109, %scan3A_105 : i32
      %add3A_111 = arith.constant 1 : i32
      %add3A_112 = arith.addi %mul3A_110, %add3A_111 : i32
      %dma_start3A_113 = arith.constant 0 : i32
      %dma_start3A_114 = tpu.memref_slice %arg6[%add3A_112, %dma_start3A_113] : memref<40x128xi32, #tpu.memory_space<vmem>> -> memref<1x128xi32, #tpu.memory_space<vmem>>
      %dma_start3A_115 = tpu.memref_squeeze %dma_start3A_114 : memref<1x128xi32, #tpu.memory_space<vmem>> -> memref<128xi32, #tpu.memory_space<vmem>>
      %dma_start3A_116 = arith.constant 0 : i32
      %dma_start3A_117 = arith.constant 0 : i32
      %dma_start3A_118 = tpu.memref_slice %arg2[%dma_start3A_116, %dma_start3A_117] : memref<40960x128xf32, #tpu.memory_space<hbm>> -> memref<40960x128xf32, #tpu.memory_space<hbm>>
      tpu.enqueue_indirect_dma source(%dma_start3A_118 : memref<40960x128xf32, #tpu.memory_space<hbm>>) target(%arg9 : memref<128x128xf32, #tpu.memory_space<vmem>>) offsets(%dma_start3A_115 : memref<128xi32, #tpu.memory_space<vmem>>) semaphore(%arg12 : memref<!tpu.dma_semaphore, #tpu.memory_space<semaphore_mem>>)
      %dma_wait3A = arith.constant 0 : i32
      %dma_wait3A_119 = tpu.memref_slice %arg6[%mul3A_108, %dma_wait3A] : memref<40x128xi32, #tpu.memory_space<vmem>> -> memref<1x128xi32, #tpu.memory_space<vmem>>
      %dma_wait3A_120 = tpu.memref_squeeze %dma_wait3A_119 : memref<1x128xi32, #tpu.memory_space<vmem>> -> memref<128xi32, #tpu.memory_space<vmem>>
      %dma_wait3A_121 = arith.constant 0 : i32
      %dma_wait3A_122 = arith.constant 0 : i32
      %dma_wait3A_123 = tpu.memref_slice %arg2[%dma_wait3A_121, %dma_wait3A_122] : memref<40960x128xf32, #tpu.memory_space<hbm>> -> memref<40960x128xf32, #tpu.memory_space<hbm>>
      tpu.wait_indirect_dma semaphore(%arg11 : memref<!tpu.dma_semaphore, #tpu.memory_space<semaphore_mem>>) src(%dma_wait3A_123 : memref<40960x128xf32, #tpu.memory_space<hbm>>) dst(%arg8 : memref<128x128xf32, #tpu.memory_space<vmem>>)
      "tpu.region"() ({
        %run_scoped3A = tpu.sem_alloc : memref<!tpu.dma_semaphore, #tpu.memory_space<semaphore_mem>>
        %dma_start3A_133 = arith.constant 0 : i32
        %dma_start3A_134 = tpu.memref_slice %arg7[%mul3A_108, %dma_start3A_133] : memref<40x128xi32, #tpu.memory_space<vmem>> -> memref<1x128xi32, #tpu.memory_space<vmem>>
        %dma_start3A_135 = tpu.memref_squeeze %dma_start3A_134 : memref<1x128xi32, #tpu.memory_space<vmem>> -> memref<128xi32, #tpu.memory_space<vmem>>
        %dma_start3A_136 = arith.constant 0 : i32
        %dma_start3A_137 = arith.constant 0 : i32
        %dma_start3A_138 = tpu.memref_slice %arg10[%dma_start3A_136, %dma_start3A_137] : memref<10240x128xf32, #tpu.memory_space<vmem_shared>> -> memref<10240x128xf32, #tpu.memory_space<vmem_shared>>
        tpu.enqueue_indirect_dma source(%arg8 : memref<128x128xf32, #tpu.memory_space<vmem>>) target(%dma_start3A_138 : memref<10240x128xf32, #tpu.memory_space<vmem_shared>>) offsets(%dma_start3A_135 : memref<128xi32, #tpu.memory_space<vmem>>) semaphore(%run_scoped3A : memref<!tpu.dma_semaphore, #tpu.memory_space<semaphore_mem>>) {add = true}
        %dma_wait3A_139 = arith.constant 0 : i32
        %dma_wait3A_140 = tpu.memref_slice %arg7[%mul3A_108, %dma_wait3A_139] : memref<40x128xi32, #tpu.memory_space<vmem>> -> memref<1x128xi32, #tpu.memory_space<vmem>>
        %dma_wait3A_141 = tpu.memref_squeeze %dma_wait3A_140 : memref<1x128xi32, #tpu.memory_space<vmem>> -> memref<128xi32, #tpu.memory_space<vmem>>
        %dma_wait3A_142 = arith.constant 0 : i32
        %dma_wait3A_143 = arith.constant 0 : i32
        %dma_wait3A_144 = tpu.memref_slice %arg10[%dma_wait3A_142, %dma_wait3A_143] : memref<10240x128xf32, #tpu.memory_space<vmem_shared>> -> memref<10240x128xf32, #tpu.memory_space<vmem_shared>>
        tpu.wait_indirect_dma semaphore(%run_scoped3A : memref<!tpu.dma_semaphore, #tpu.memory_space<semaphore_mem>>) src(%arg8 : memref<128x128xf32, #tpu.memory_space<vmem>>) dst(%dma_wait3A_144 : memref<10240x128xf32, #tpu.memory_space<vmem_shared>>)
        tpu.yield
      }) : () -> ()
      %lt3A = arith.constant 19 : i32
      %lt3A_124 = arith.cmpi slt, %scan3A_105, %lt3A : i32
      %convert_element_type3A = arith.extui %lt3A_124 : i1 to i32
      %cond3A = arith.constant 0 : i32
      %cond3A_125 = arith.cmpi ne, %convert_element_type3A, %cond3A : i32
      scf.if %cond3A_125 {
        %add3A_133 = arith.constant 2 : i32
        %add3A_134 = arith.addi %mul3A_108, %add3A_133 : i32
        %dma_start3A_135 = arith.constant 0 : i32
        %dma_start3A_136 = tpu.memref_slice %arg6[%add3A_134, %dma_start3A_135] : memref<40x128xi32, #tpu.memory_space<vmem>> -> memref<1x128xi32, #tpu.memory_space<vmem>>
        %dma_start3A_137 = tpu.memref_squeeze %dma_start3A_136 : memref<1x128xi32, #tpu.memory_space<vmem>> -> memref<128xi32, #tpu.memory_space<vmem>>
        %dma_start3A_138 = arith.constant 0 : i32
        %dma_start3A_139 = arith.constant 0 : i32
        %dma_start3A_140 = tpu.memref_slice %arg2[%dma_start3A_138, %dma_start3A_139] : memref<40960x128xf32, #tpu.memory_space<hbm>> -> memref<40960x128xf32, #tpu.memory_space<hbm>>
        tpu.enqueue_indirect_dma source(%dma_start3A_140 : memref<40960x128xf32, #tpu.memory_space<hbm>>) target(%arg8 : memref<128x128xf32, #tpu.memory_space<vmem>>) offsets(%dma_start3A_137 : memref<128xi32, #tpu.memory_space<vmem>>) semaphore(%arg11 : memref<!tpu.dma_semaphore, #tpu.memory_space<semaphore_mem>>)
      } else {
      }
      %dma_wait3A_126 = arith.constant 0 : i32
      %dma_wait3A_127 = tpu.memref_slice %arg6[%add3A_112, %dma_wait3A_126] : memref<40x128xi32, #tpu.memory_space<vmem>> -> memref<1x128xi32, #tpu.memory_space<vmem>>
      %dma_wait3A_128 = tpu.memref_squeeze %dma_wait3A_127 : memref<1x128xi32, #tpu.memory_space<vmem>> -> memref<128xi32, #tpu.memory_space<vmem>>
      %dma_wait3A_129 = arith.constant 0 : i32
      %dma_wait3A_130 = arith.constant 0 : i32
      %dma_wait3A_131 = tpu.memref_slice %arg2[%dma_wait3A_129, %dma_wait3A_130] : memref<40960x128xf32, #tpu.memory_space<hbm>> -> memref<40960x128xf32, #tpu.memory_space<hbm>>
      tpu.wait_indirect_dma semaphore(%arg12 : memref<!tpu.dma_semaphore, #tpu.memory_space<semaphore_mem>>) src(%dma_wait3A_131 : memref<40960x128xf32, #tpu.memory_space<hbm>>) dst(%arg9 : memref<128x128xf32, #tpu.memory_space<vmem>>)
      "tpu.region"() ({
        %run_scoped3A = tpu.sem_alloc : memref<!tpu.dma_semaphore, #tpu.memory_space<semaphore_mem>>
        %dma_start3A_133 = arith.constant 0 : i32
        %dma_start3A_134 = tpu.memref_slice %arg7[%add3A_112, %dma_start3A_133] : memref<40x128xi32, #tpu.memory_space<vmem>> -> memref<1x128xi32, #tpu.memory_space<vmem>>
        %dma_start3A_135 = tpu.memref_squeeze %dma_start3A_134 : memref<1x128xi32, #tpu.memory_space<vmem>> -> memref<128xi32, #tpu.memory_space<vmem>>
        %dma_start3A_136 = arith.constant 0 : i32
        %dma_start3A_137 = arith.constant 0 : i32
        %dma_start3A_138 = tpu.memref_slice %arg10[%dma_start3A_136, %dma_start3A_137] : memref<10240x128xf32, #tpu.memory_space<vmem_shared>> -> memref<10240x128xf32, #tpu.memory_space<vmem_shared>>
        tpu.enqueue_indirect_dma source(%arg9 : memref<128x128xf32, #tpu.memory_space<vmem>>) target(%dma_start3A_138 : memref<10240x128xf32, #tpu.memory_space<vmem_shared>>) offsets(%dma_start3A_135 : memref<128xi32, #tpu.memory_space<vmem>>) semaphore(%run_scoped3A : memref<!tpu.dma_semaphore, #tpu.memory_space<semaphore_mem>>) {add = true}
        %dma_wait3A_139 = arith.constant 0 : i32
        %dma_wait3A_140 = tpu.memref_slice %arg7[%add3A_112, %dma_wait3A_139] : memref<40x128xi32, #tpu.memory_space<vmem>> -> memref<1x128xi32, #tpu.memory_space<vmem>>
        %dma_wait3A_141 = tpu.memref_squeeze %dma_wait3A_140 : memref<1x128xi32, #tpu.memory_space<vmem>> -> memref<128xi32, #tpu.memory_space<vmem>>
        %dma_wait3A_142 = arith.constant 0 : i32
        %dma_wait3A_143 = arith.constant 0 : i32
        %dma_wait3A_144 = tpu.memref_slice %arg10[%dma_wait3A_142, %dma_wait3A_143] : memref<10240x128xf32, #tpu.memory_space<vmem_shared>> -> memref<10240x128xf32, #tpu.memory_space<vmem_shared>>
        tpu.wait_indirect_dma semaphore(%run_scoped3A : memref<!tpu.dma_semaphore, #tpu.memory_space<semaphore_mem>>) src(%arg9 : memref<128x128xf32, #tpu.memory_space<vmem>>) dst(%dma_wait3A_144 : memref<10240x128xf32, #tpu.memory_space<vmem_shared>>)
        tpu.yield
      }) : () -> ()
      %scan3A_132 = arith.constant 0 : i32
      scf.yield %scan3A_132 : i32
    }
    %scan3A_98 = arith.constant 20 : i32
    %barrier3A_99 = arith.constant 0 : index
    tpu.barrier barrier_id(%barrier3A_99)
    %mul3A_100 = arith.constant 640 : i32
    %mul3A_101 = arith.muli %arg1, %mul3A_100 : i32
    %mul3A_102 = arith.constant 640 : i32
    %mul3A_103 = arith.muli %arg1, %mul3A_102 : i32
    "tpu.region"() ({
      %run_scoped3A = tpu.sem_alloc : memref<!tpu.dma_semaphore, #tpu.memory_space<semaphore_mem>>
      %dma_start3A_105 = arith.constant 0 : i32
      %dma_start3A_106 = tpu.memref_slice %arg5[%add3A_54, %mul3A_103, %dma_start3A_105] : memref<4x10240x128xf32, #tpu.memory_space<hbm>> -> memref<1x640x128xf32, #tpu.memory_space<hbm>>
      %dma_start3A_107 = tpu.memref_squeeze %dma_start3A_106 : memref<1x640x128xf32, #tpu.memory_space<hbm>> -> memref<640x128xf32, #tpu.memory_space<hbm>>
      %dma_start3A_108 = arith.constant 0 : i32
      %dma_start3A_109 = tpu.memref_slice %arg10[%mul3A_101, %dma_start3A_108] : memref<10240x128xf32, #tpu.memory_space<vmem_shared>> -> memref<640x128xf32, #tpu.memory_space<vmem_shared>>
      tpu.enqueue_dma source(%dma_start3A_109 : memref<640x128xf32, #tpu.memory_space<vmem_shared>>) target(%dma_start3A_107 : memref<640x128xf32, #tpu.memory_space<hbm>>) target_semaphore(%run_scoped3A : memref<!tpu.dma_semaphore, #tpu.memory_space<semaphore_mem>>)
      %dma_wait3A = arith.constant 0 : i32
      %dma_wait3A_110 = tpu.memref_slice %arg5[%add3A_54, %mul3A_103, %dma_wait3A] : memref<4x10240x128xf32, #tpu.memory_space<hbm>> -> memref<1x640x128xf32, #tpu.memory_space<hbm>>
      %dma_wait3A_111 = tpu.memref_squeeze %dma_wait3A_110 : memref<1x640x128xf32, #tpu.memory_space<hbm>> -> memref<640x128xf32, #tpu.memory_space<hbm>>
      %dma_wait3A_112 = arith.constant 0 : i32
      %dma_wait3A_113 = tpu.memref_slice %arg10[%mul3A_101, %dma_wait3A_112] : memref<10240x128xf32, #tpu.memory_space<vmem_shared>> -> memref<640x128xf32, #tpu.memory_space<vmem_shared>>
      tpu.wait_dma2 semaphore(%run_scoped3A : memref<!tpu.dma_semaphore, #tpu.memory_space<semaphore_mem>>) src(%dma_wait3A_113 : memref<640x128xf32, #tpu.memory_space<vmem_shared>>) dst(%dma_wait3A_111 : memref<640x128xf32, #tpu.memory_space<hbm>>)
      tpu.yield
    }) : () -> ()
    %barrier3A_104 = arith.constant 0 : index
    tpu.barrier barrier_id(%barrier3A_104)
    return
  }
}

module attributes {stable_mosaic.version = 14 : i64} {
  func.func @_prep_body(%arg0: memref<32x3x80x128xf32, #tpu.memory_space<vmem>>, %arg1: memref<1250x128xf32, #tpu.memory_space<vmem>>, %arg2: memref<80x128xf32, #tpu.memory_space<vmem>>, %arg3: memref<80x128xf32, #tpu.memory_space<vmem>>) attributes {dimension_semantics = [], scalar_prefetch = 0 : i64, scratch_operands = 0 : i64, tpu.core_type = #tpu.core_type<tc>} {
    %get3A = arith.constant 0 : index
    %get3A_0 = arith.constant 0 : index
    %get3A_1 = arith.constant 0 : index
    %get3A_2 = arith.constant 0 : index
    %get3A_3 = vector.load %arg0[%get3A, %get3A_0, %get3A_1, %get3A_2] : memref<32x3x80x128xf32, #tpu.memory_space<vmem>>, vector<32x3x80x128xf32>
    %reduce_sum3A = arith.constant dense<0.000000e+00> : vector<3x80x128xf32>
    %reduce_sum3A_4 = vector.multi_reduction <add>, %get3A_3, %reduce_sum3A [0] : vector<32x3x80x128xf32> to vector<3x80x128xf32>
    %slice3A = vector.extract_strided_slice %reduce_sum3A_4 {offsets = [0, 0, 0], sizes = [1, 80, 128], strides = [1, 1, 1]} : vector<3x80x128xf32> to vector<1x80x128xf32>
    %squeeze3A = vector.shape_cast %slice3A : vector<1x80x128xf32> to vector<80x128xf32>
    %slice3A_5 = vector.extract_strided_slice %reduce_sum3A_4 {offsets = [1, 0, 0], sizes = [1, 80, 128], strides = [1, 1, 1]} : vector<3x80x128xf32> to vector<1x80x128xf32>
    %squeeze3A_6 = vector.shape_cast %slice3A_5 : vector<1x80x128xf32> to vector<80x128xf32>
    %slice3A_7 = vector.extract_strided_slice %reduce_sum3A_4 {offsets = [2, 0, 0], sizes = [1, 80, 128], strides = [1, 1, 1]} : vector<3x80x128xf32> to vector<1x80x128xf32>
    %squeeze3A_8 = vector.shape_cast %slice3A_7 : vector<1x80x128xf32> to vector<80x128xf32>
    %get3A_9 = arith.constant 0 : index
    %get3A_10 = arith.constant 0 : index
    %get3A_11 = vector.load %arg1[%get3A_9, %get3A_10] : memref<1250x128xf32, #tpu.memory_space<vmem>>, vector<1250x128xf32>
    %jit3A = arith.constant -1.000000e+03 : f32
    %jit3A_12 = arith.constant 1.000000e+03 : f32
    %max3A = vector.broadcast %jit3A : f32 to vector<1250x128xf32>
    %max3A_13 = arith.maximumf %max3A, %get3A_11 : vector<1250x128xf32>
    %min3A = vector.broadcast %jit3A_12 : f32 to vector<1250x128xf32>
    %min3A_14 = arith.minimumf %min3A, %max3A_13 : vector<1250x128xf32>
    %reduce_sum3A_15 = vector.shape_cast %min3A_14 : vector<1250x128xf32> to vector<1x1250x128xf32>
    %reduce_sum3A_16 = arith.constant dense<0.000000e+00> : vector<1xf32>
    %reduce_sum3A_17 = vector.multi_reduction <add>, %reduce_sum3A_15, %reduce_sum3A_16 [1, 2] : vector<1x1250x128xf32> to vector<1xf32>
    %reduce_sum3A_18 = vector.shape_cast %reduce_sum3A_17 : vector<1xf32> to vector<1x1x1xf32>
    %reduce_sum3A_19 = vector.extract %reduce_sum3A_18[0, 0, 0] : f32 from vector<1x1x1xf32>
    %mul3A = arith.mulf %min3A_14, %min3A_14 : vector<1250x128xf32>
    %reduce_sum3A_20 = vector.shape_cast %mul3A : vector<1250x128xf32> to vector<1x1250x128xf32>
    %reduce_sum3A_21 = arith.constant dense<0.000000e+00> : vector<1xf32>
    %reduce_sum3A_22 = vector.multi_reduction <add>, %reduce_sum3A_20, %reduce_sum3A_21 [1, 2] : vector<1x1250x128xf32> to vector<1xf32>
    %reduce_sum3A_23 = vector.shape_cast %reduce_sum3A_22 : vector<1xf32> to vector<1x1x1xf32>
    %reduce_sum3A_24 = vector.extract %reduce_sum3A_23[0, 0, 0] : f32 from vector<1x1x1xf32>
    %div3A = arith.constant 1.600000e+05 : f32
    %div3A_25 = arith.divf %reduce_sum3A_19, %div3A : f32
    %mul3A_26 = arith.constant 1.600000e+05 : f32
    %mul3A_27 = arith.mulf %mul3A_26, %div3A_25 : f32
    %mul3A_28 = arith.mulf %mul3A_27, %div3A_25 : f32
    %sub3A = arith.subf %reduce_sum3A_24, %mul3A_28 : f32
    %div3A_29 = arith.constant 1.599990e+05 : f32
    %div3A_30 = arith.divf %sub3A, %div3A_29 : f32
    %sqrt3A = math.sqrt %div3A_30 : f32
    %add3A = arith.constant 9.99999971E-10 : f32
    %add3A_31 = arith.addf %sqrt3A, %add3A : f32
    %add3A_32 = arith.addf %squeeze3A, %squeeze3A_6 : vector<80x128xf32>
    %mul3A_33 = vector.broadcast %div3A_25 : f32 to vector<80x128xf32>
    %mul3A_34 = arith.mulf %add3A_32, %mul3A_33 : vector<80x128xf32>
    %sub3A_35 = arith.subf %squeeze3A_8, %mul3A_34 : vector<80x128xf32>
    %div3A_36 = vector.broadcast %add3A_31 : f32 to vector<80x128xf32>
    %div3A_37 = arith.divf %sub3A_35, %div3A_36 : vector<80x128xf32>
    %max3A_38 = arith.constant 1.000000e+00 : f32
    %max3A_39 = vector.broadcast %max3A_38 : f32 to vector<80x128xf32>
    %max3A_40 = arith.maximumf %add3A_32, %max3A_39 : vector<80x128xf32>
    %div3A_41 = arith.divf %div3A_37, %max3A_40 : vector<80x128xf32>
    %swap3A = arith.constant 0 : index
    %swap3A_42 = arith.constant 0 : index
    %swap3A_43 = vector.load %arg3[%swap3A, %swap3A_42] : memref<80x128xf32, #tpu.memory_space<vmem>>, vector<80x128xf32>
    tpu.vector_store %arg3[%swap3A, %swap3A_42], %div3A_41 {strides = array<i32>} : memref<80x128xf32, #tpu.memory_space<vmem>>, vector<80x128xf32>,
    %add3A_44 = arith.constant 1.000000e+00 : f32
    %add3A_45 = vector.broadcast %add3A_44 : f32 to vector<80x128xf32>
    %add3A_46 = arith.addf %squeeze3A_6, %add3A_45 : vector<80x128xf32>
    %rsqrt3A = math.rsqrt %add3A_46 : vector<80x128xf32>
    %swap3A_47 = arith.constant 0 : index
    %swap3A_48 = arith.constant 0 : index
    %swap3A_49 = vector.load %arg2[%swap3A_47, %swap3A_48] : memref<80x128xf32, #tpu.memory_space<vmem>>, vector<80x128xf32>
    tpu.vector_store %arg2[%swap3A_47, %swap3A_48], %rsqrt3A {strides = array<i32>} : memref<80x128xf32, #tpu.memory_space<vmem>>, vector<80x128xf32>,
    return
  }
}

module attributes {stable_mosaic.version = 14 : i64} {
  func.func @_layer1a_body(%arg0: i32, %arg1: memref<1000x256xf32, #tpu.memory_space<vmem>>, %arg2: memref<256x512xf32, #tpu.memory_space<vmem>>, %arg3: memref<1000x1xf32, #tpu.memory_space<vmem>>, %arg4: memref<4x1000x128xf32, #tpu.memory_space<vmem>>) attributes {dimension_semantics = [#tpu.dimension_semantics<arbitrary>], iteration_bounds = array<i64: 10>, scalar_prefetch = 0 : i64, scratch_operands = 0 : i64, tpu.core_type = #tpu.core_type<tc>, window_params = [{transform_indices = @transform_0, window_bounds = array<i64: 1000, 256>}, {pipeline_mode = #tpu.pipeline_mode<synchronous>, transform_indices = @transform_1, window_bounds = array<i64: 256, 512>}, {transform_indices = @transform_2, window_bounds = array<i64: 1000, 1>}, {transform_indices = @transform_3, window_bounds = array<i64: 4, 1000, 128>}]} {
    %get3A = arith.constant 0 : index
    %get3A_0 = arith.constant 0 : index
    %get3A_1 = vector.load %arg1[%get3A, %get3A_0] : memref<1000x256xf32, #tpu.memory_space<vmem>>, vector<1000x256xf32>
    %get3A_2 = arith.constant 0 : index
    %get3A_3 = arith.constant 0 : index
    %get3A_4 = vector.load %arg2[%get3A_2, %get3A_3] : memref<256x512xf32, #tpu.memory_space<vmem>>, vector<256x512xf32>
    %dot_general3A = arith.constant dense<0.000000e+00> : vector<1000x512xf32>
    %dot_general3A_5 = tpu.matmul %get3A_1, %get3A_4, %dot_general3A {dimension_numbers = #tpu.dot_dimension_numbers<[1], [0], [0], [1], [0, 0, 1, 1], [], []>, transpose_lhs_hint = false} : vector<1000x256xf32>, vector<256x512xf32>, vector<1000x512xf32> -> vector<1000x512xf32>
    %get3A_6 = arith.constant 0 : index
    %get3A_7 = arith.constant 0 : index
    %get3A_8 = vector.load %arg3[%get3A_6, %get3A_7] : memref<1000x1xf32, #tpu.memory_space<vmem>>, vector<1000x1xf32>
    %mul3A = vector.broadcast %get3A_8 : vector<1000x1xf32> to vector<1000x512xf32>
    %mul3A_9 = arith.mulf %dot_general3A_5, %mul3A : vector<1000x512xf32>
    %slice3A = vector.extract_strided_slice %mul3A_9 {offsets = [0, 0], sizes = [1000, 128], strides = [1, 1]} : vector<1000x512xf32> to vector<1000x128xf32>
    %swap3A = arith.constant 0 : index
    %swap3A_10 = arith.constant 0 : index
    %swap3A_11 = arith.constant 0 : index
    %swap3A_12 = vector.load %arg4[%swap3A, %swap3A_10, %swap3A_11] : memref<4x1000x128xf32, #tpu.memory_space<vmem>>, vector<1x1000x128xf32>
    %swap3A_13 = vector.shape_cast %swap3A_12 : vector<1x1000x128xf32> to vector<1000x128xf32>
    %swap3A_14 = vector.shape_cast %slice3A : vector<1000x128xf32> to vector<1x1000x128xf32>
    tpu.vector_store %arg4[%swap3A, %swap3A_10, %swap3A_11], %swap3A_14 {strides = array<i32>} : memref<4x1000x128xf32, #tpu.memory_space<vmem>>, vector<1x1000x128xf32>,
    %slice3A_15 = vector.extract_strided_slice %mul3A_9 {offsets = [0, 128], sizes = [1000, 128], strides = [1, 1]} : vector<1000x512xf32> to vector<1000x128xf32>
    %swap3A_16 = arith.constant 1 : index
    %swap3A_17 = arith.constant 0 : index
    %swap3A_18 = arith.constant 0 : index
    %swap3A_19 = vector.load %arg4[%swap3A_16, %swap3A_17, %swap3A_18] : memref<4x1000x128xf32, #tpu.memory_space<vmem>>, vector<1x1000x128xf32>
    %swap3A_20 = vector.shape_cast %swap3A_19 : vector<1x1000x128xf32> to vector<1000x128xf32>
    %swap3A_21 = vector.shape_cast %slice3A_15 : vector<1000x128xf32> to vector<1x1000x128xf32>
    tpu.vector_store %arg4[%swap3A_16, %swap3A_17, %swap3A_18], %swap3A_21 {strides = array<i32>} : memref<4x1000x128xf32, #tpu.memory_space<vmem>>, vector<1x1000x128xf32>,
    %slice3A_22 = vector.extract_strided_slice %mul3A_9 {offsets = [0, 256], sizes = [1000, 128], strides = [1, 1]} : vector<1000x512xf32> to vector<1000x128xf32>
    %swap3A_23 = arith.constant 2 : index
    %swap3A_24 = arith.constant 0 : index
    %swap3A_25 = arith.constant 0 : index
    %swap3A_26 = vector.load %arg4[%swap3A_23, %swap3A_24, %swap3A_25] : memref<4x1000x128xf32, #tpu.memory_space<vmem>>, vector<1x1000x128xf32>
    %swap3A_27 = vector.shape_cast %swap3A_26 : vector<1x1000x128xf32> to vector<1000x128xf32>
    %swap3A_28 = vector.shape_cast %slice3A_22 : vector<1000x128xf32> to vector<1x1000x128xf32>
    tpu.vector_store %arg4[%swap3A_23, %swap3A_24, %swap3A_25], %swap3A_28 {strides = array<i32>} : memref<4x1000x128xf32, #tpu.memory_space<vmem>>, vector<1x1000x128xf32>,
    %slice3A_29 = vector.extract_strided_slice %mul3A_9 {offsets = [0, 384], sizes = [1000, 128], strides = [1, 1]} : vector<1000x512xf32> to vector<1000x128xf32>
    %swap3A_30 = arith.constant 3 : index
    %swap3A_31 = arith.constant 0 : index
    %swap3A_32 = arith.constant 0 : index
    %swap3A_33 = vector.load %arg4[%swap3A_30, %swap3A_31, %swap3A_32] : memref<4x1000x128xf32, #tpu.memory_space<vmem>>, vector<1x1000x128xf32>
    %swap3A_34 = vector.shape_cast %swap3A_33 : vector<1x1000x128xf32> to vector<1000x128xf32>
    %swap3A_35 = vector.shape_cast %slice3A_29 : vector<1000x128xf32> to vector<1x1000x128xf32>
    tpu.vector_store %arg4[%swap3A_30, %swap3A_31, %swap3A_32], %swap3A_35 {strides = array<i32>} : memref<4x1000x128xf32, #tpu.memory_space<vmem>>, vector<1x1000x128xf32>,
    return
  }
  func.func @transform_0(%arg0: i32) -> (i32, i32) {
    %c0_i32 = arith.constant 0 : i32
    %c0_i32_0 = arith.constant 0 : i32
    return %arg0, %c0_i32 : i32, i32
  }
  func.func @transform_1(%arg0: i32) -> (i32, i32) {
    %c0_i32 = arith.constant 0 : i32
    %c0_i32_0 = arith.constant 0 : i32
    %c0_i32_1 = arith.constant 0 : i32
    return %c0_i32, %c0_i32_0 : i32, i32
  }
  func.func @transform_2(%arg0: i32) -> (i32, i32) {
    %c0_i32 = arith.constant 0 : i32
    %c0_i32_0 = arith.constant 0 : i32
    return %arg0, %c0_i32 : i32, i32
  }
  func.func @transform_3(%arg0: i32) -> (i32, i32, i32) {
    %c0_i32 = arith.constant 0 : i32
    %c0_i32_0 = arith.constant 0 : i32
    %c0_i32_1 = arith.constant 0 : i32
    return %c0_i32, %arg0, %c0_i32_0 : i32, i32, i32
  }
}

module attributes {stable_mosaic.version = 14 : i64} {
  func.func @_post_body(%arg0: i32, %arg1: memref<4x1000x128xf32, #tpu.memory_space<vmem>>, %arg2: memref<1000x1xf32, #tpu.memory_space<vmem>>, %arg3: memref<1x512xf32, #tpu.memory_space<vmem>>, %arg4: memref<1000x512xf32, #tpu.memory_space<vmem>>, %arg5: memref<2x512xf32, #tpu.memory_space<vmem>>, %arg6: memref<2x512xf32, #tpu.memory_space<vmem>>) attributes {dimension_semantics = [#tpu.dimension_semantics<arbitrary>], iteration_bounds = array<i64: 10>, scalar_prefetch = 0 : i64, scratch_operands = 1 : i64, tpu.core_type = #tpu.core_type<tc>, window_params = [{transform_indices = @transform_0, window_bounds = array<i64: 4, 1000, 128>}, {transform_indices = @transform_1, window_bounds = array<i64: 1000, 1>}, {pipeline_mode = #tpu.pipeline_mode<synchronous>, transform_indices = @transform_2, window_bounds = array<i64: 1, 512>}, {transform_indices = @transform_3, window_bounds = array<i64: 1000, 512>}, {pipeline_mode = #tpu.pipeline_mode<synchronous>, transform_indices = @transform_4, window_bounds = array<i64: 2, 512>}]} {
    %get3A = arith.constant 0 : index
    %get3A_0 = arith.constant 0 : index
    %get3A_1 = arith.constant 0 : index
    %get3A_2 = vector.load %arg1[%get3A, %get3A_0, %get3A_1] : memref<4x1000x128xf32, #tpu.memory_space<vmem>>, vector<1x1000x128xf32>
    %get3A_3 = vector.shape_cast %get3A_2 : vector<1x1000x128xf32> to vector<1000x128xf32>
    %get3A_4 = arith.constant 1 : index
    %get3A_5 = arith.constant 0 : index
    %get3A_6 = arith.constant 0 : index
    %get3A_7 = vector.load %arg1[%get3A_4, %get3A_5, %get3A_6] : memref<4x1000x128xf32, #tpu.memory_space<vmem>>, vector<1x1000x128xf32>
    %get3A_8 = vector.shape_cast %get3A_7 : vector<1x1000x128xf32> to vector<1000x128xf32>
    %get3A_9 = arith.constant 2 : index
    %get3A_10 = arith.constant 0 : index
    %get3A_11 = arith.constant 0 : index
    %get3A_12 = vector.load %arg1[%get3A_9, %get3A_10, %get3A_11] : memref<4x1000x128xf32, #tpu.memory_space<vmem>>, vector<1x1000x128xf32>
    %get3A_13 = vector.shape_cast %get3A_12 : vector<1x1000x128xf32> to vector<1000x128xf32>
    %get3A_14 = arith.constant 3 : index
    %get3A_15 = arith.constant 0 : index
    %get3A_16 = arith.constant 0 : index
    %get3A_17 = vector.load %arg1[%get3A_14, %get3A_15, %get3A_16] : memref<4x1000x128xf32, #tpu.memory_space<vmem>>, vector<1x1000x128xf32>
    %get3A_18 = vector.shape_cast %get3A_17 : vector<1x1000x128xf32> to vector<1000x128xf32>
    %concatenate3A = tpu.concatenate %get3A_3, %get3A_8, %get3A_13, %get3A_18 in 1 : vector<1000x128xf32>, vector<1000x128xf32>, vector<1000x128xf32>, vector<1000x128xf32> -> vector<1000x512xf32>
    %get3A_19 = arith.constant 0 : index
    %get3A_20 = arith.constant 0 : index
    %get3A_21 = vector.load %arg2[%get3A_19, %get3A_20] : memref<1000x1xf32, #tpu.memory_space<vmem>>, vector<1000x1xf32>
    %mul3A = vector.broadcast %get3A_21 : vector<1000x1xf32> to vector<1000x512xf32>
    %mul3A_22 = arith.mulf %mul3A, %concatenate3A : vector<1000x512xf32>
    %get3A_23 = arith.constant 0 : index
    %get3A_24 = arith.constant 0 : index
    %get3A_25 = vector.load %arg3[%get3A_23, %get3A_24] : memref<1x512xf32, #tpu.memory_space<vmem>>, vector<1x512xf32>
    %add3A = vector.broadcast %get3A_25 : vector<1x512xf32> to vector<1000x512xf32>
    %add3A_26 = arith.addf %mul3A_22, %add3A : vector<1000x512xf32>
    %max3A = arith.constant 0.000000e+00 : f32
    %max3A_27 = vector.broadcast %max3A : f32 to vector<1000x512xf32>
    %max3A_28 = arith.maximumf %add3A_26, %max3A_27 : vector<1000x512xf32>
    %swap3A = arith.constant 0 : index
    %swap3A_29 = arith.constant 0 : index
    %swap3A_30 = vector.load %arg4[%swap3A, %swap3A_29] : memref<1000x512xf32, #tpu.memory_space<vmem>>, vector<1000x512xf32>
    tpu.vector_store %arg4[%swap3A, %swap3A_29], %max3A_28 {strides = array<i32>} : memref<1000x512xf32, #tpu.memory_space<vmem>>, vector<1000x512xf32>,
    %eq3A = arith.constant 0 : i32
    %eq3A_31 = arith.cmpi eq, %arg0, %eq3A : i32
    %convert_element_type3A = arith.extui %eq3A_31 : i1 to i32
    %cond3A = arith.constant 0 : i32
    %cond3A_32 = arith.cmpi ne, %convert_element_type3A, %cond3A : i32
    scf.if %cond3A_32 {
      %broadcast_in_dim3A_57 = arith.constant 0.000000e+00 : f32
      %broadcast_in_dim3A_58 = vector.broadcast %broadcast_in_dim3A_57 : f32 to vector<2x512xf32>
      %swap3A_59 = arith.constant 0 : index
      %swap3A_60 = arith.constant 0 : index
      %swap3A_61 = vector.load %arg6[%swap3A_59, %swap3A_60] : memref<2x512xf32, #tpu.memory_space<vmem>>, vector<2x512xf32>
      tpu.vector_store %arg6[%swap3A_59, %swap3A_60], %broadcast_in_dim3A_58 {strides = array<i32>} : memref<2x512xf32, #tpu.memory_space<vmem>>, vector<2x512xf32>,
    } else {
    }
    %get3A_33 = arith.constant 0 : index
    %get3A_34 = arith.constant 0 : index
    %get3A_35 = vector.load %arg6[%get3A_33, %get3A_34] : memref<2x512xf32, #tpu.memory_space<vmem>>, vector<1x512xf32>
    %reduce_sum3A = arith.constant dense<0.000000e+00> : vector<512xf32>
    %reduce_sum3A_36 = vector.multi_reduction <add>, %max3A_28, %reduce_sum3A [0] : vector<1000x512xf32> to vector<512xf32>
    %broadcast_in_dim3A = vector.shape_cast %reduce_sum3A_36 : vector<512xf32> to vector<1x512xf32>
    %add3A_37 = arith.addf %get3A_35, %broadcast_in_dim3A : vector<1x512xf32>
    %swap3A_38 = arith.constant 0 : index
    %swap3A_39 = arith.constant 0 : index
    %swap3A_40 = vector.load %arg6[%swap3A_38, %swap3A_39] : memref<2x512xf32, #tpu.memory_space<vmem>>, vector<1x512xf32>
    tpu.vector_store %arg6[%swap3A_38, %swap3A_39], %add3A_37 {strides = array<i32>} : memref<2x512xf32, #tpu.memory_space<vmem>>, vector<1x512xf32>,
    %get3A_41 = arith.constant 1 : index
    %get3A_42 = arith.constant 0 : index
    %get3A_43 = vector.load %arg6[%get3A_41, %get3A_42] : memref<2x512xf32, #tpu.memory_space<vmem>>, vector<1x512xf32>
    %mul3A_44 = arith.mulf %max3A_28, %max3A_28 : vector<1000x512xf32>
    %reduce_sum3A_45 = arith.constant dense<0.000000e+00> : vector<512xf32>
    %reduce_sum3A_46 = vector.multi_reduction <add>, %mul3A_44, %reduce_sum3A_45 [0] : vector<1000x512xf32> to vector<512xf32>
    %broadcast_in_dim3A_47 = vector.shape_cast %reduce_sum3A_46 : vector<512xf32> to vector<1x512xf32>
    %add3A_48 = arith.addf %get3A_43, %broadcast_in_dim3A_47 : vector<1x512xf32>
    %swap3A_49 = arith.constant 1 : index
    %swap3A_50 = arith.constant 0 : index
    %swap3A_51 = vector.load %arg6[%swap3A_49, %swap3A_50] : memref<2x512xf32, #tpu.memory_space<vmem>>, vector<1x512xf32>
    tpu.vector_store %arg6[%swap3A_49, %swap3A_50], %add3A_48 {strides = array<i32>} : memref<2x512xf32, #tpu.memory_space<vmem>>, vector<1x512xf32>,
    %eq3A_52 = arith.constant 9 : i32
    %eq3A_53 = arith.cmpi eq, %arg0, %eq3A_52 : i32
    %convert_element_type3A_54 = arith.extui %eq3A_53 : i1 to i32
    %cond3A_55 = arith.constant 0 : i32
    %cond3A_56 = arith.cmpi ne, %convert_element_type3A_54, %cond3A_55 : i32
    scf.if %cond3A_56 {
      %get3A_57 = arith.constant 0 : index
      %get3A_58 = arith.constant 0 : index
      %get3A_59 = vector.load %arg6[%get3A_57, %get3A_58] : memref<2x512xf32, #tpu.memory_space<vmem>>, vector<2x512xf32>
      %swap3A_60 = arith.constant 0 : index
      %swap3A_61 = arith.constant 0 : index
      %swap3A_62 = vector.load %arg5[%swap3A_60, %swap3A_61] : memref<2x512xf32, #tpu.memory_space<vmem>>, vector<2x512xf32>
      tpu.vector_store %arg5[%swap3A_60, %swap3A_61], %get3A_59 {strides = array<i32>} : memref<2x512xf32, #tpu.memory_space<vmem>>, vector<2x512xf32>,
    } else {
    }
    return
  }
  func.func @transform_0(%arg0: i32) -> (i32, i32, i32) {
    %c0_i32 = arith.constant 0 : i32
    %c0_i32_0 = arith.constant 0 : i32
    %c0_i32_1 = arith.constant 0 : i32
    return %c0_i32, %arg0, %c0_i32_0 : i32, i32, i32
  }
  func.func @transform_1(%arg0: i32) -> (i32, i32) {
    %c0_i32 = arith.constant 0 : i32
    %c0_i32_0 = arith.constant 0 : i32
    return %arg0, %c0_i32 : i32, i32
  }
  func.func @transform_2(%arg0: i32) -> (i32, i32) {
    %c0_i32 = arith.constant 0 : i32
    %c0_i32_0 = arith.constant 0 : i32
    %c0_i32_1 = arith.constant 0 : i32
    return %c0_i32, %c0_i32_0 : i32, i32
  }
  func.func @transform_3(%arg0: i32) -> (i32, i32) {
    %c0_i32 = arith.constant 0 : i32
    %c0_i32_0 = arith.constant 0 : i32
    return %arg0, %c0_i32 : i32, i32
  }
  func.func @transform_4(%arg0: i32) -> (i32, i32) {
    %c0_i32 = arith.constant 0 : i32
    %c0_i32_0 = arith.constant 0 : i32
    %c0_i32_1 = arith.constant 0 : i32
    return %c0_i32, %c0_i32_0 : i32, i32
  }
}

module attributes {stable_mosaic.version = 14 : i64} {
  func.func @_bn_mm_body(%arg0: i32, %arg1: memref<1000x512xf32, #tpu.memory_space<vmem>>, %arg2: memref<2x512xf32, #tpu.memory_space<vmem>>, %arg3: memref<1x512xf32, #tpu.memory_space<vmem>>, %arg4: memref<1x512xf32, #tpu.memory_space<vmem>>, %arg5: memref<512x512xf32, #tpu.memory_space<vmem>>, %arg6: memref<1000x1xf32, #tpu.memory_space<vmem>>, %arg7: memref<4x1000x128xf32, #tpu.memory_space<vmem>>) attributes {dimension_semantics = [#tpu.dimension_semantics<arbitrary>], iteration_bounds = array<i64: 10>, scalar_prefetch = 0 : i64, scratch_operands = 0 : i64, tpu.core_type = #tpu.core_type<tc>, window_params = [{transform_indices = @transform_0, window_bounds = array<i64: 1000, 512>}, {pipeline_mode = #tpu.pipeline_mode<synchronous>, transform_indices = @transform_1, window_bounds = array<i64: 2, 512>}, {pipeline_mode = #tpu.pipeline_mode<synchronous>, transform_indices = @transform_2, window_bounds = array<i64: 1, 512>}, {pipeline_mode = #tpu.pipeline_mode<synchronous>, transform_indices = @transform_3, window_bounds = array<i64: 1, 512>}, {pipeline_mode = #tpu.pipeline_mode<synchronous>, transform_indices = @transform_4, window_bounds = array<i64: 512, 512>}, {transform_indices = @transform_5, window_bounds = array<i64: 1000, 1>}, {transform_indices = @transform_6, window_bounds = array<i64: 4, 1000, 128>}]} {
    %get3A = arith.constant 0 : index
    %get3A_0 = arith.constant 0 : index
    %get3A_1 = vector.load %arg2[%get3A, %get3A_0] : memref<2x512xf32, #tpu.memory_space<vmem>>, vector<1x512xf32>
    %mul3A = arith.constant 9.99999974E-5 : f32
    %mul3A_2 = vector.broadcast %mul3A : f32 to vector<1x512xf32>
    %mul3A_3 = arith.mulf %get3A_1, %mul3A_2 : vector<1x512xf32>
    %get3A_4 = arith.constant 1 : index
    %get3A_5 = arith.constant 0 : index
    %get3A_6 = vector.load %arg2[%get3A_4, %get3A_5] : memref<2x512xf32, #tpu.memory_space<vmem>>, vector<1x512xf32>
    %mul3A_7 = arith.constant 9.99999974E-5 : f32
    %mul3A_8 = vector.broadcast %mul3A_7 : f32 to vector<1x512xf32>
    %mul3A_9 = arith.mulf %get3A_6, %mul3A_8 : vector<1x512xf32>
    %get3A_10 = arith.constant 0 : index
    %get3A_11 = arith.constant 0 : index
    %get3A_12 = vector.load %arg3[%get3A_10, %get3A_11] : memref<1x512xf32, #tpu.memory_space<vmem>>, vector<1x512xf32>
    %mul3A_13 = arith.mulf %mul3A_3, %mul3A_3 : vector<1x512xf32>
    %sub3A = arith.subf %mul3A_9, %mul3A_13 : vector<1x512xf32>
    %max3A = arith.constant 0.000000e+00 : f32
    %max3A_14 = vector.broadcast %max3A : f32 to vector<1x512xf32>
    %max3A_15 = arith.maximumf %sub3A, %max3A_14 : vector<1x512xf32>
    %add3A = arith.constant 9.99999974E-6 : f32
    %add3A_16 = vector.broadcast %add3A : f32 to vector<1x512xf32>
    %add3A_17 = arith.addf %max3A_15, %add3A_16 : vector<1x512xf32>
    %rsqrt3A = math.rsqrt %add3A_17 : vector<1x512xf32>
    %mul3A_18 = arith.mulf %get3A_12, %rsqrt3A : vector<1x512xf32>
    %get3A_19 = arith.constant 0 : index
    %get3A_20 = arith.constant 0 : index
    %get3A_21 = vector.load %arg1[%get3A_19, %get3A_20] : memref<1000x512xf32, #tpu.memory_space<vmem>>, vector<1000x512xf32>
    %sub3A_22 = vector.broadcast %mul3A_3 : vector<1x512xf32> to vector<1000x512xf32>
    %sub3A_23 = arith.subf %get3A_21, %sub3A_22 : vector<1000x512xf32>
    %mul3A_24 = vector.broadcast %mul3A_18 : vector<1x512xf32> to vector<1000x512xf32>
    %mul3A_25 = arith.mulf %sub3A_23, %mul3A_24 : vector<1000x512xf32>
    %get3A_26 = arith.constant 0 : index
    %get3A_27 = arith.constant 0 : index
    %get3A_28 = vector.load %arg4[%get3A_26, %get3A_27] : memref<1x512xf32, #tpu.memory_space<vmem>>, vector<1x512xf32>
    %add3A_29 = vector.broadcast %get3A_28 : vector<1x512xf32> to vector<1000x512xf32>
    %add3A_30 = arith.addf %mul3A_25, %add3A_29 : vector<1000x512xf32>
    %get3A_31 = arith.constant 0 : index
    %get3A_32 = arith.constant 0 : index
    %get3A_33 = vector.load %arg5[%get3A_31, %get3A_32] : memref<512x512xf32, #tpu.memory_space<vmem>>, vector<512x512xf32>
    %dot_general3A = arith.constant dense<0.000000e+00> : vector<1000x512xf32>
    %dot_general3A_34 = tpu.matmul %add3A_30, %get3A_33, %dot_general3A {dimension_numbers = #tpu.dot_dimension_numbers<[1], [0], [0], [1], [0, 0, 1, 1], [], []>, transpose_lhs_hint = false} : vector<1000x512xf32>, vector<512x512xf32>, vector<1000x512xf32> -> vector<1000x512xf32>
    %get3A_35 = arith.constant 0 : index
    %get3A_36 = arith.constant 0 : index
    %get3A_37 = vector.load %arg6[%get3A_35, %get3A_36] : memref<1000x1xf32, #tpu.memory_space<vmem>>, vector<1000x1xf32>
    %mul3A_38 = vector.broadcast %get3A_37 : vector<1000x1xf32> to vector<1000x512xf32>
    %mul3A_39 = arith.mulf %dot_general3A_34, %mul3A_38 : vector<1000x512xf32>
    %slice3A = vector.extract_strided_slice %mul3A_39 {offsets = [0, 0], sizes = [1000, 128], strides = [1, 1]} : vector<1000x512xf32> to vector<1000x128xf32>
    %swap3A = arith.constant 0 : index
    %swap3A_40 = arith.constant 0 : index
    %swap3A_41 = arith.constant 0 : index
    %swap3A_42 = vector.load %arg7[%swap3A, %swap3A_40, %swap3A_41] : memref<4x1000x128xf32, #tpu.memory_space<vmem>>, vector<1x1000x128xf32>
    %swap3A_43 = vector.shape_cast %swap3A_42 : vector<1x1000x128xf32> to vector<1000x128xf32>
    %swap3A_44 = vector.shape_cast %slice3A : vector<1000x128xf32> to vector<1x1000x128xf32>
    tpu.vector_store %arg7[%swap3A, %swap3A_40, %swap3A_41], %swap3A_44 {strides = array<i32>} : memref<4x1000x128xf32, #tpu.memory_space<vmem>>, vector<1x1000x128xf32>,
    %slice3A_45 = vector.extract_strided_slice %mul3A_39 {offsets = [0, 128], sizes = [1000, 128], strides = [1, 1]} : vector<1000x512xf32> to vector<1000x128xf32>
    %swap3A_46 = arith.constant 1 : index
    %swap3A_47 = arith.constant 0 : index
    %swap3A_48 = arith.constant 0 : index
    %swap3A_49 = vector.load %arg7[%swap3A_46, %swap3A_47, %swap3A_48] : memref<4x1000x128xf32, #tpu.memory_space<vmem>>, vector<1x1000x128xf32>
    %swap3A_50 = vector.shape_cast %swap3A_49 : vector<1x1000x128xf32> to vector<1000x128xf32>
    %swap3A_51 = vector.shape_cast %slice3A_45 : vector<1000x128xf32> to vector<1x1000x128xf32>
    tpu.vector_store %arg7[%swap3A_46, %swap3A_47, %swap3A_48], %swap3A_51 {strides = array<i32>} : memref<4x1000x128xf32, #tpu.memory_space<vmem>>, vector<1x1000x128xf32>,
    %slice3A_52 = vector.extract_strided_slice %mul3A_39 {offsets = [0, 256], sizes = [1000, 128], strides = [1, 1]} : vector<1000x512xf32> to vector<1000x128xf32>
    %swap3A_53 = arith.constant 2 : index
    %swap3A_54 = arith.constant 0 : index
    %swap3A_55 = arith.constant 0 : index
    %swap3A_56 = vector.load %arg7[%swap3A_53, %swap3A_54, %swap3A_55] : memref<4x1000x128xf32, #tpu.memory_space<vmem>>, vector<1x1000x128xf32>
    %swap3A_57 = vector.shape_cast %swap3A_56 : vector<1x1000x128xf32> to vector<1000x128xf32>
    %swap3A_58 = vector.shape_cast %slice3A_52 : vector<1000x128xf32> to vector<1x1000x128xf32>
    tpu.vector_store %arg7[%swap3A_53, %swap3A_54, %swap3A_55], %swap3A_58 {strides = array<i32>} : memref<4x1000x128xf32, #tpu.memory_space<vmem>>, vector<1x1000x128xf32>,
    %slice3A_59 = vector.extract_strided_slice %mul3A_39 {offsets = [0, 384], sizes = [1000, 128], strides = [1, 1]} : vector<1000x512xf32> to vector<1000x128xf32>
    %swap3A_60 = arith.constant 3 : index
    %swap3A_61 = arith.constant 0 : index
    %swap3A_62 = arith.constant 0 : index
    %swap3A_63 = vector.load %arg7[%swap3A_60, %swap3A_61, %swap3A_62] : memref<4x1000x128xf32, #tpu.memory_space<vmem>>, vector<1x1000x128xf32>
    %swap3A_64 = vector.shape_cast %swap3A_63 : vector<1x1000x128xf32> to vector<1000x128xf32>
    %swap3A_65 = vector.shape_cast %slice3A_59 : vector<1000x128xf32> to vector<1x1000x128xf32>
    tpu.vector_store %arg7[%swap3A_60, %swap3A_61, %swap3A_62], %swap3A_65 {strides = array<i32>} : memref<4x1000x128xf32, #tpu.memory_space<vmem>>, vector<1x1000x128xf32>,
    return
  }
  func.func @transform_0(%arg0: i32) -> (i32, i32) {
    %c0_i32 = arith.constant 0 : i32
    %c0_i32_0 = arith.constant 0 : i32
    return %arg0, %c0_i32 : i32, i32
  }
  func.func @transform_1(%arg0: i32) -> (i32, i32) {
    %c0_i32 = arith.constant 0 : i32
    %c0_i32_0 = arith.constant 0 : i32
    %c0_i32_1 = arith.constant 0 : i32
    return %c0_i32, %c0_i32_0 : i32, i32
  }
  func.func @transform_2(%arg0: i32) -> (i32, i32) {
    %c0_i32 = arith.constant 0 : i32
    %c0_i32_0 = arith.constant 0 : i32
    %c0_i32_1 = arith.constant 0 : i32
    return %c0_i32, %c0_i32_0 : i32, i32
  }
  func.func @transform_3(%arg0: i32) -> (i32, i32) {
    %c0_i32 = arith.constant 0 : i32
    %c0_i32_0 = arith.constant 0 : i32
    %c0_i32_1 = arith.constant 0 : i32
    return %c0_i32, %c0_i32_0 : i32, i32
  }
  func.func @transform_4(%arg0: i32) -> (i32, i32) {
    %c0_i32 = arith.constant 0 : i32
    %c0_i32_0 = arith.constant 0 : i32
    %c0_i32_1 = arith.constant 0 : i32
    return %c0_i32, %c0_i32_0 : i32, i32
  }
  func.func @transform_5(%arg0: i32) -> (i32, i32) {
    %c0_i32 = arith.constant 0 : i32
    %c0_i32_0 = arith.constant 0 : i32
    return %arg0, %c0_i32 : i32, i32
  }
  func.func @transform_6(%arg0: i32) -> (i32, i32, i32) {
    %c0_i32 = arith.constant 0 : i32
    %c0_i32_0 = arith.constant 0 : i32
    %c0_i32_1 = arith.constant 0 : i32
    return %c0_i32, %arg0, %c0_i32_0 : i32, i32, i32
  }
}

module attributes {stable_mosaic.version = 14 : i64} {
  func.func @_layer1b_body(%arg0: i32, %arg1: memref<1000x256xf32, #tpu.memory_space<vmem>>, %arg2: memref<256x512xf32, #tpu.memory_space<vmem>>, %arg3: memref<1x512xf32, #tpu.memory_space<vmem>>, %arg4: memref<1x512xf32, #tpu.memory_space<vmem>>, %arg5: memref<1000x1xf32, #tpu.memory_space<vmem>>, %arg6: memref<1000x1xi32, #tpu.memory_space<vmem>>, %arg7: memref<32x512xf32, #tpu.memory_space<vmem>>, %arg8: memref<512x1xf32, #tpu.memory_space<vmem>>, %arg9: memref<1000x512xf32, #tpu.memory_space<vmem>>, %arg10: memref<1000x512xf32, #tpu.memory_space<vmem>>, %arg11: memref<1000x1xf32, #tpu.memory_space<vmem>>, %arg12: memref<1000x1xf32, #tpu.memory_space<vmem>>, %arg13: memref<1x2xf32, #tpu.memory_space<vmem>>, %arg14: memref<1x2xf32, #tpu.memory_space<vmem>>) attributes {dimension_semantics = [#tpu.dimension_semantics<arbitrary>], iteration_bounds = array<i64: 10>, scalar_prefetch = 0 : i64, scratch_operands = 1 : i64, tpu.core_type = #tpu.core_type<tc>, window_params = [{transform_indices = @transform_0, window_bounds = array<i64: 1000, 256>}, {pipeline_mode = #tpu.pipeline_mode<synchronous>, transform_indices = @transform_1, window_bounds = array<i64: 256, 512>}, {pipeline_mode = #tpu.pipeline_mode<synchronous>, transform_indices = @transform_2, window_bounds = array<i64: 1, 512>}, {pipeline_mode = #tpu.pipeline_mode<synchronous>, transform_indices = @transform_3, window_bounds = array<i64: 1, 512>}, {transform_indices = @transform_4, window_bounds = array<i64: 1000, 1>}, {transform_indices = @transform_5, window_bounds = array<i64: 1000, 1>}, {pipeline_mode = #tpu.pipeline_mode<synchronous>, transform_indices = @transform_6, window_bounds = array<i64: 32, 512>}, {pipeline_mode = #tpu.pipeline_mode<synchronous>, transform_indices = @transform_7, window_bounds = array<i64: 512, 1>}, {transform_indices = @transform_8, window_bounds = array<i64: 1000, 512>}, {transform_indices = @transform_9, window_bounds = array<i64: 1000, 512>}, {transform_indices = @transform_10, window_bounds = array<i64: 1000, 1>}, {transform_indices = @transform_11, window_bounds = array<i64: 1000, 1>}, {pipeline_mode = #tpu.pipeline_mode<synchronous>, transform_indices = @transform_12, window_bounds = array<i64: 1, 2>}]} {
    %get3A = arith.constant 0 : index
    %get3A_0 = arith.constant 0 : index
    %get3A_1 = vector.load %arg1[%get3A, %get3A_0] : memref<1000x256xf32, #tpu.memory_space<vmem>>, vector<1000x256xf32>
    %get3A_2 = arith.constant 0 : index
    %get3A_3 = arith.constant 0 : index
    %get3A_4 = vector.load %arg2[%get3A_2, %get3A_3] : memref<256x512xf32, #tpu.memory_space<vmem>>, vector<256x512xf32>
    %dot_general3A = arith.constant dense<0.000000e+00> : vector<1000x512xf32>
    %dot_general3A_5 = tpu.matmul %get3A_1, %get3A_4, %dot_general3A {dimension_numbers = #tpu.dot_dimension_numbers<[1], [0], [0], [1], [0, 0, 1, 1], [], []>, transpose_lhs_hint = false} : vector<1000x256xf32>, vector<256x512xf32>, vector<1000x512xf32> -> vector<1000x512xf32>
    %get3A_6 = arith.constant 0 : index
    %get3A_7 = arith.constant 0 : index
    %get3A_8 = vector.load %arg5[%get3A_6, %get3A_7] : memref<1000x1xf32, #tpu.memory_space<vmem>>, vector<1000x1xf32>
    %get3A_9 = arith.constant 0 : index
    %get3A_10 = arith.constant 0 : index
    %get3A_11 = vector.load %arg3[%get3A_9, %get3A_10] : memref<1x512xf32, #tpu.memory_space<vmem>>, vector<1x512xf32>
    %mul3A = vector.broadcast %get3A_8 : vector<1000x1xf32> to vector<1000x512xf32>
    %mul3A_12 = vector.broadcast %get3A_11 : vector<1x512xf32> to vector<1000x512xf32>
    %mul3A_13 = arith.mulf %mul3A, %mul3A_12 : vector<1000x512xf32>
    %add3A = arith.addf %dot_general3A_5, %mul3A_13 : vector<1000x512xf32>
    %get3A_14 = arith.constant 0 : index
    %get3A_15 = arith.constant 0 : index
    %get3A_16 = vector.load %arg4[%get3A_14, %get3A_15] : memref<1x512xf32, #tpu.memory_space<vmem>>, vector<1x512xf32>
    %add3A_17 = vector.broadcast %get3A_16 : vector<1x512xf32> to vector<1000x512xf32>
    %add3A_18 = arith.addf %add3A, %add3A_17 : vector<1000x512xf32>
    %max3A = arith.constant 0.000000e+00 : f32
    %max3A_19 = vector.broadcast %max3A : f32 to vector<1000x512xf32>
    %max3A_20 = arith.maximumf %add3A_18, %max3A_19 : vector<1000x512xf32>
    %swap3A = arith.constant 0 : index
    %swap3A_21 = arith.constant 0 : index
    %swap3A_22 = vector.load %arg9[%swap3A, %swap3A_21] : memref<1000x512xf32, #tpu.memory_space<vmem>>, vector<1000x512xf32>
    tpu.vector_store %arg9[%swap3A, %swap3A_21], %max3A_20 {strides = array<i32>} : memref<1000x512xf32, #tpu.memory_space<vmem>>, vector<1000x512xf32>,
    %get3A_23 = arith.constant 0 : index
    %get3A_24 = arith.constant 0 : index
    %get3A_25 = vector.load %arg8[%get3A_23, %get3A_24] : memref<512x1xf32, #tpu.memory_space<vmem>>, vector<512x1xf32>
    %dot_general3A_26 = arith.constant dense<0.000000e+00> : vector<1000x1xf32>
    %dot_general3A_27 = tpu.matmul %max3A_20, %get3A_25, %dot_general3A_26 {dimension_numbers = #tpu.dot_dimension_numbers<[1], [0], [0], [1], [0, 0, 1, 1], [], []>, transpose_lhs_hint = false} : vector<1000x512xf32>, vector<512x1xf32>, vector<1000x1xf32> -> vector<1000x1xf32>
    %swap3A_28 = arith.constant 0 : index
    %swap3A_29 = arith.constant 0 : index
    %swap3A_30 = vector.load %arg11[%swap3A_28, %swap3A_29] : memref<1000x1xf32, #tpu.memory_space<vmem>>, vector<1000x1xf32>
    tpu.vector_store %arg11[%swap3A_28, %swap3A_29], %dot_general3A_27 {strides = array<i32>} : memref<1000x1xf32, #tpu.memory_space<vmem>>, vector<1000x1xf32>,
    %get3A_31 = arith.constant 0 : index
    %get3A_32 = arith.constant 0 : index
    %get3A_33 = vector.load %arg6[%get3A_31, %get3A_32] : memref<1000x1xi32, #tpu.memory_space<vmem>>, vector<1000x1xi32>
    %iota3A = tpu.iota {dimensions = array<i32: 1>} : vector<1000x32xi32>
    %eq3A = vector.broadcast %get3A_33 : vector<1000x1xi32> to vector<1000x32xi32>
    %eq3A_34 = arith.cmpi eq, %eq3A, %iota3A : vector<1000x32xi32>
    %convert_element_type3A = arith.extui %eq3A_34 : vector<1000x32xi1> to vector<1000x32xi32>
    %convert_element_type3A_35 = arith.sitofp %convert_element_type3A : vector<1000x32xi32> to vector<1000x32xf32>
    %get3A_36 = arith.constant 0 : index
    %get3A_37 = arith.constant 0 : index
    %get3A_38 = vector.load %arg7[%get3A_36, %get3A_37] : memref<32x512xf32, #tpu.memory_space<vmem>>, vector<32x512xf32>
    %dot_general3A_39 = arith.constant dense<0.000000e+00> : vector<1000x512xf32>
    %dot_general3A_40 = tpu.matmul %convert_element_type3A_35, %get3A_38, %dot_general3A_39 {dimension_numbers = #tpu.dot_dimension_numbers<[1], [0], [0], [1], [0, 0, 1, 1], [], []>, transpose_lhs_hint = false} : vector<1000x32xf32>, vector<32x512xf32>, vector<1000x512xf32> -> vector<1000x512xf32>
    %swap3A_41 = arith.constant 0 : index
    %swap3A_42 = arith.constant 0 : index
    %swap3A_43 = vector.load %arg10[%swap3A_41, %swap3A_42] : memref<1000x512xf32, #tpu.memory_space<vmem>>, vector<1000x512xf32>
    tpu.vector_store %arg10[%swap3A_41, %swap3A_42], %dot_general3A_40 {strides = array<i32>} : memref<1000x512xf32, #tpu.memory_space<vmem>>, vector<1000x512xf32>,
    %get3A_44 = arith.constant 0 : index
    %get3A_45 = arith.constant 0 : index
    %get3A_46 = vector.load %arg8[%get3A_44, %get3A_45] : memref<512x1xf32, #tpu.memory_space<vmem>>, vector<512x1xf32>
    %dot_general3A_47 = arith.constant dense<0.000000e+00> : vector<1000x1xf32>
    %dot_general3A_48 = tpu.matmul %dot_general3A_40, %get3A_46, %dot_general3A_47 {dimension_numbers = #tpu.dot_dimension_numbers<[1], [0], [0], [1], [0, 0, 1, 1], [], []>, transpose_lhs_hint = false} : vector<1000x512xf32>, vector<512x1xf32>, vector<1000x1xf32> -> vector<1000x1xf32>
    %swap3A_49 = arith.constant 0 : index
    %swap3A_50 = arith.constant 0 : index
    %swap3A_51 = vector.load %arg12[%swap3A_49, %swap3A_50] : memref<1000x1xf32, #tpu.memory_space<vmem>>, vector<1000x1xf32>
    tpu.vector_store %arg12[%swap3A_49, %swap3A_50], %dot_general3A_48 {strides = array<i32>} : memref<1000x1xf32, #tpu.memory_space<vmem>>, vector<1000x1xf32>,
    %eq3A_52 = arith.constant 0 : i32
    %eq3A_53 = arith.cmpi eq, %arg0, %eq3A_52 : i32
    %convert_element_type3A_54 = arith.extui %eq3A_53 : i1 to i32
    %cond3A = arith.constant 0 : i32
    %cond3A_55 = arith.cmpi ne, %convert_element_type3A_54, %cond3A : i32
    scf.if %cond3A_55 {
      %broadcast_in_dim3A = arith.constant 0.000000e+00 : f32
      %broadcast_in_dim3A_86 = vector.broadcast %broadcast_in_dim3A : f32 to vector<1x2xf32>
      %swap3A_87 = arith.constant 0 : index
      %swap3A_88 = arith.constant 0 : index
      %swap3A_89 = vector.load %arg14[%swap3A_87, %swap3A_88] : memref<1x2xf32, #tpu.memory_space<vmem>>, vector<1x2xf32>
      tpu.vector_store %arg14[%swap3A_87, %swap3A_88], %broadcast_in_dim3A_86 {strides = array<i32>} : memref<1x2xf32, #tpu.memory_space<vmem>>, vector<1x2xf32>,
    } else {
    }
    %get3A_56 = arith.constant 0 : index
    %get3A_57 = arith.constant 0 : index
    %get3A_58 = vector.load %arg14[%get3A_56, %get3A_57] : memref<1x2xf32, #tpu.memory_space<vmem>>, vector<1x1xf32>
    %exp3A = math.exp %dot_general3A_27 : vector<1000x1xf32>
    %reduce_sum3A = vector.shape_cast %exp3A : vector<1000x1xf32> to vector<1x1000x1xf32>
    %reduce_sum3A_59 = arith.constant dense<0.000000e+00> : vector<1xf32>
    %reduce_sum3A_60 = vector.multi_reduction <add>, %reduce_sum3A, %reduce_sum3A_59 [1, 2] : vector<1x1000x1xf32> to vector<1xf32>
    %reduce_sum3A_61 = vector.shape_cast %reduce_sum3A_60 : vector<1xf32> to vector<1x1x1xf32>
    %reduce_sum3A_62 = vector.extract %reduce_sum3A_61[0, 0, 0] : f32 from vector<1x1x1xf32>
    %reshape3A = vector.broadcast %reduce_sum3A_62 : f32 to vector<1x1xf32>
    %add3A_63 = arith.addf %get3A_58, %reshape3A : vector<1x1xf32>
    %swap3A_64 = arith.constant 0 : index
    %swap3A_65 = arith.constant 0 : index
    %swap3A_66 = vector.load %arg14[%swap3A_64, %swap3A_65] : memref<1x2xf32, #tpu.memory_space<vmem>>, vector<1x1xf32>
    tpu.vector_store %arg14[%swap3A_64, %swap3A_65], %add3A_63 {strides = array<i32>} : memref<1x2xf32, #tpu.memory_space<vmem>>, vector<1x1xf32>,
    %get3A_67 = arith.constant 0 : index
    %get3A_68 = arith.constant 1 : index
    %get3A_69 = vector.load %arg14[%get3A_67, %get3A_68] : memref<1x2xf32, #tpu.memory_space<vmem>>, vector<1x1xf32>
    %exp3A_70 = math.exp %dot_general3A_48 : vector<1000x1xf32>
    %reduce_sum3A_71 = vector.shape_cast %exp3A_70 : vector<1000x1xf32> to vector<1x1000x1xf32>
    %reduce_sum3A_72 = arith.constant dense<0.000000e+00> : vector<1xf32>
    %reduce_sum3A_73 = vector.multi_reduction <add>, %reduce_sum3A_71, %reduce_sum3A_72 [1, 2] : vector<1x1000x1xf32> to vector<1xf32>
    %reduce_sum3A_74 = vector.shape_cast %reduce_sum3A_73 : vector<1xf32> to vector<1x1x1xf32>
    %reduce_sum3A_75 = vector.extract %reduce_sum3A_74[0, 0, 0] : f32 from vector<1x1x1xf32>
    %reshape3A_76 = vector.broadcast %reduce_sum3A_75 : f32 to vector<1x1xf32>
    %add3A_77 = arith.addf %get3A_69, %reshape3A_76 : vector<1x1xf32>
    %swap3A_78 = arith.constant 0 : index
    %swap3A_79 = arith.constant 1 : index
    %swap3A_80 = vector.load %arg14[%swap3A_78, %swap3A_79] : memref<1x2xf32, #tpu.memory_space<vmem>>, vector<1x1xf32>
    tpu.vector_store %arg14[%swap3A_78, %swap3A_79], %add3A_77 {strides = array<i32>} : memref<1x2xf32, #tpu.memory_space<vmem>>, vector<1x1xf32>,
    %eq3A_81 = arith.constant 9 : i32
    %eq3A_82 = arith.cmpi eq, %arg0, %eq3A_81 : i32
    %convert_element_type3A_83 = arith.extui %eq3A_82 : i1 to i32
    %cond3A_84 = arith.constant 0 : i32
    %cond3A_85 = arith.cmpi ne, %convert_element_type3A_83, %cond3A_84 : i32
    scf.if %cond3A_85 {
      %get3A_86 = arith.constant 0 : index
      %get3A_87 = arith.constant 0 : index
      %get3A_88 = vector.load %arg14[%get3A_86, %get3A_87] : memref<1x2xf32, #tpu.memory_space<vmem>>, vector<1x2xf32>
      %swap3A_89 = arith.constant 0 : index
      %swap3A_90 = arith.constant 0 : index
      %swap3A_91 = vector.load %arg13[%swap3A_89, %swap3A_90] : memref<1x2xf32, #tpu.memory_space<vmem>>, vector<1x2xf32>
      tpu.vector_store %arg13[%swap3A_89, %swap3A_90], %get3A_88 {strides = array<i32>} : memref<1x2xf32, #tpu.memory_space<vmem>>, vector<1x2xf32>,
    } else {
    }
    return
  }
  func.func @transform_0(%arg0: i32) -> (i32, i32) {
    %c0_i32 = arith.constant 0 : i32
    %c0_i32_0 = arith.constant 0 : i32
    return %arg0, %c0_i32 : i32, i32
  }
  func.func @transform_1(%arg0: i32) -> (i32, i32) {
    %c0_i32 = arith.constant 0 : i32
    %c0_i32_0 = arith.constant 0 : i32
    %c0_i32_1 = arith.constant 0 : i32
    return %c0_i32, %c0_i32_0 : i32, i32
  }
  func.func @transform_2(%arg0: i32) -> (i32, i32) {
    %c0_i32 = arith.constant 0 : i32
    %c0_i32_0 = arith.constant 0 : i32
    %c0_i32_1 = arith.constant 0 : i32
    return %c0_i32, %c0_i32_0 : i32, i32
  }
  func.func @transform_3(%arg0: i32) -> (i32, i32) {
    %c0_i32 = arith.constant 0 : i32
    %c0_i32_0 = arith.constant 0 : i32
    %c0_i32_1 = arith.constant 0 : i32
    return %c0_i32, %c0_i32_0 : i32, i32
  }
  func.func @transform_4(%arg0: i32) -> (i32, i32) {
    %c0_i32 = arith.constant 0 : i32
    %c0_i32_0 = arith.constant 0 : i32
    return %arg0, %c0_i32 : i32, i32
  }
  func.func @transform_5(%arg0: i32) -> (i32, i32) {
    %c0_i32 = arith.constant 0 : i32
    %c0_i32_0 = arith.constant 0 : i32
    return %arg0, %c0_i32 : i32, i32
  }
  func.func @transform_6(%arg0: i32) -> (i32, i32) {
    %c0_i32 = arith.constant 0 : i32
    %c0_i32_0 = arith.constant 0 : i32
    %c0_i32_1 = arith.constant 0 : i32
    return %c0_i32, %c0_i32_0 : i32, i32
  }
  func.func @transform_7(%arg0: i32) -> (i32, i32) {
    %c0_i32 = arith.constant 0 : i32
    %c0_i32_0 = arith.constant 0 : i32
    %c0_i32_1 = arith.constant 0 : i32
    return %c0_i32, %c0_i32_0 : i32, i32
  }
  func.func @transform_8(%arg0: i32) -> (i32, i32) {
    %c0_i32 = arith.constant 0 : i32
    %c0_i32_0 = arith.constant 0 : i32
    return %arg0, %c0_i32 : i32, i32
  }
  func.func @transform_9(%arg0: i32) -> (i32, i32) {
    %c0_i32 = arith.constant 0 : i32
    %c0_i32_0 = arith.constant 0 : i32
    return %arg0, %c0_i32 : i32, i32
  }
  func.func @transform_10(%arg0: i32) -> (i32, i32) {
    %c0_i32 = arith.constant 0 : i32
    %c0_i32_0 = arith.constant 0 : i32
    return %arg0, %c0_i32 : i32, i32
  }
  func.func @transform_11(%arg0: i32) -> (i32, i32) {
    %c0_i32 = arith.constant 0 : i32
    %c0_i32_0 = arith.constant 0 : i32
    return %arg0, %c0_i32 : i32, i32
  }
  func.func @transform_12(%arg0: i32) -> (i32, i32) {
    %c0_i32 = arith.constant 0 : i32
    %c0_i32_0 = arith.constant 0 : i32
    %c0_i32_1 = arith.constant 0 : i32
    return %c0_i32, %c0_i32_0 : i32, i32
  }
}

module attributes {stable_mosaic.version = 14 : i64} {
  func.func @_bn_fin_body(%arg0: i32, %arg1: memref<1000x512xf32, #tpu.memory_space<vmem>>, %arg2: memref<2x512xf32, #tpu.memory_space<vmem>>, %arg3: memref<1x512xf32, #tpu.memory_space<vmem>>, %arg4: memref<1x512xf32, #tpu.memory_space<vmem>>, %arg5: memref<512x1xf32, #tpu.memory_space<vmem>>, %arg6: memref<1000x512xf32, #tpu.memory_space<vmem>>, %arg7: memref<1000x1xf32, #tpu.memory_space<vmem>>, %arg8: memref<1x1xf32, #tpu.memory_space<vmem>>, %arg9: memref<1x1xf32, #tpu.memory_space<vmem>>) attributes {dimension_semantics = [#tpu.dimension_semantics<arbitrary>], iteration_bounds = array<i64: 10>, scalar_prefetch = 0 : i64, scratch_operands = 1 : i64, tpu.core_type = #tpu.core_type<tc>, window_params = [{transform_indices = @transform_0, window_bounds = array<i64: 1000, 512>}, {pipeline_mode = #tpu.pipeline_mode<synchronous>, transform_indices = @transform_1, window_bounds = array<i64: 2, 512>}, {pipeline_mode = #tpu.pipeline_mode<synchronous>, transform_indices = @transform_2, window_bounds = array<i64: 1, 512>}, {pipeline_mode = #tpu.pipeline_mode<synchronous>, transform_indices = @transform_3, window_bounds = array<i64: 1, 512>}, {pipeline_mode = #tpu.pipeline_mode<synchronous>, transform_indices = @transform_4, window_bounds = array<i64: 512, 1>}, {transform_indices = @transform_5, window_bounds = array<i64: 1000, 512>}, {transform_indices = @transform_6, window_bounds = array<i64: 1000, 1>}, {pipeline_mode = #tpu.pipeline_mode<synchronous>, transform_indices = @transform_7, window_bounds = array<i64: 1, 1>}]} {
    %get3A = arith.constant 0 : index
    %get3A_0 = arith.constant 0 : index
    %get3A_1 = vector.load %arg2[%get3A, %get3A_0] : memref<2x512xf32, #tpu.memory_space<vmem>>, vector<1x512xf32>
    %mul3A = arith.constant 9.99999974E-5 : f32
    %mul3A_2 = vector.broadcast %mul3A : f32 to vector<1x512xf32>
    %mul3A_3 = arith.mulf %get3A_1, %mul3A_2 : vector<1x512xf32>
    %get3A_4 = arith.constant 1 : index
    %get3A_5 = arith.constant 0 : index
    %get3A_6 = vector.load %arg2[%get3A_4, %get3A_5] : memref<2x512xf32, #tpu.memory_space<vmem>>, vector<1x512xf32>
    %mul3A_7 = arith.constant 9.99999974E-5 : f32
    %mul3A_8 = vector.broadcast %mul3A_7 : f32 to vector<1x512xf32>
    %mul3A_9 = arith.mulf %get3A_6, %mul3A_8 : vector<1x512xf32>
    %get3A_10 = arith.constant 0 : index
    %get3A_11 = arith.constant 0 : index
    %get3A_12 = vector.load %arg3[%get3A_10, %get3A_11] : memref<1x512xf32, #tpu.memory_space<vmem>>, vector<1x512xf32>
    %mul3A_13 = arith.mulf %mul3A_3, %mul3A_3 : vector<1x512xf32>
    %sub3A = arith.subf %mul3A_9, %mul3A_13 : vector<1x512xf32>
    %max3A = arith.constant 0.000000e+00 : f32
    %max3A_14 = vector.broadcast %max3A : f32 to vector<1x512xf32>
    %max3A_15 = arith.maximumf %sub3A, %max3A_14 : vector<1x512xf32>
    %add3A = arith.constant 9.99999974E-6 : f32
    %add3A_16 = vector.broadcast %add3A : f32 to vector<1x512xf32>
    %add3A_17 = arith.addf %max3A_15, %add3A_16 : vector<1x512xf32>
    %rsqrt3A = math.rsqrt %add3A_17 : vector<1x512xf32>
    %mul3A_18 = arith.mulf %get3A_12, %rsqrt3A : vector<1x512xf32>
    %get3A_19 = arith.constant 0 : index
    %get3A_20 = arith.constant 0 : index
    %get3A_21 = vector.load %arg1[%get3A_19, %get3A_20] : memref<1000x512xf32, #tpu.memory_space<vmem>>, vector<1000x512xf32>
    %sub3A_22 = vector.broadcast %mul3A_3 : vector<1x512xf32> to vector<1000x512xf32>
    %sub3A_23 = arith.subf %get3A_21, %sub3A_22 : vector<1000x512xf32>
    %mul3A_24 = vector.broadcast %mul3A_18 : vector<1x512xf32> to vector<1000x512xf32>
    %mul3A_25 = arith.mulf %sub3A_23, %mul3A_24 : vector<1000x512xf32>
    %get3A_26 = arith.constant 0 : index
    %get3A_27 = arith.constant 0 : index
    %get3A_28 = vector.load %arg4[%get3A_26, %get3A_27] : memref<1x512xf32, #tpu.memory_space<vmem>>, vector<1x512xf32>
    %add3A_29 = vector.broadcast %get3A_28 : vector<1x512xf32> to vector<1000x512xf32>
    %add3A_30 = arith.addf %mul3A_25, %add3A_29 : vector<1000x512xf32>
    %swap3A = arith.constant 0 : index
    %swap3A_31 = arith.constant 0 : index
    %swap3A_32 = vector.load %arg6[%swap3A, %swap3A_31] : memref<1000x512xf32, #tpu.memory_space<vmem>>, vector<1000x512xf32>
    tpu.vector_store %arg6[%swap3A, %swap3A_31], %add3A_30 {strides = array<i32>} : memref<1000x512xf32, #tpu.memory_space<vmem>>, vector<1000x512xf32>,
    %get3A_33 = arith.constant 0 : index
    %get3A_34 = arith.constant 0 : index
    %get3A_35 = vector.load %arg5[%get3A_33, %get3A_34] : memref<512x1xf32, #tpu.memory_space<vmem>>, vector<512x1xf32>
    %dot_general3A = arith.constant dense<0.000000e+00> : vector<1000x1xf32>
    %dot_general3A_36 = tpu.matmul %add3A_30, %get3A_35, %dot_general3A {dimension_numbers = #tpu.dot_dimension_numbers<[1], [0], [0], [1], [0, 0, 1, 1], [], []>, transpose_lhs_hint = false} : vector<1000x512xf32>, vector<512x1xf32>, vector<1000x1xf32> -> vector<1000x1xf32>
    %swap3A_37 = arith.constant 0 : index
    %swap3A_38 = arith.constant 0 : index
    %swap3A_39 = vector.load %arg7[%swap3A_37, %swap3A_38] : memref<1000x1xf32, #tpu.memory_space<vmem>>, vector<1000x1xf32>
    tpu.vector_store %arg7[%swap3A_37, %swap3A_38], %dot_general3A_36 {strides = array<i32>} : memref<1000x1xf32, #tpu.memory_space<vmem>>, vector<1000x1xf32>,
    %eq3A = arith.constant 0 : i32
    %eq3A_40 = arith.cmpi eq, %arg0, %eq3A : i32
    %convert_element_type3A = arith.extui %eq3A_40 : i1 to i32
    %cond3A = arith.constant 0 : i32
    %cond3A_41 = arith.cmpi ne, %convert_element_type3A, %cond3A : i32
    scf.if %cond3A_41 {
      %broadcast_in_dim3A = arith.constant 0.000000e+00 : f32
      %broadcast_in_dim3A_58 = vector.broadcast %broadcast_in_dim3A : f32 to vector<1x1xf32>
      %swap3A_59 = arith.constant 0 : index
      %swap3A_60 = arith.constant 0 : index
      %swap3A_61 = vector.load %arg9[%swap3A_59, %swap3A_60] : memref<1x1xf32, #tpu.memory_space<vmem>>, vector<1x1xf32>
      tpu.vector_store %arg9[%swap3A_59, %swap3A_60], %broadcast_in_dim3A_58 {strides = array<i32>} : memref<1x1xf32, #tpu.memory_space<vmem>>, vector<1x1xf32>,
    } else {
    }
    %get3A_42 = arith.constant 0 : index
    %get3A_43 = arith.constant 0 : index
    %get3A_44 = vector.load %arg9[%get3A_42, %get3A_43] : memref<1x1xf32, #tpu.memory_space<vmem>>, vector<1x1xf32>
    %exp3A = math.exp %dot_general3A_36 : vector<1000x1xf32>
    %reduce_sum3A = vector.shape_cast %exp3A : vector<1000x1xf32> to vector<1x1000x1xf32>
    %reduce_sum3A_45 = arith.constant dense<0.000000e+00> : vector<1xf32>
    %reduce_sum3A_46 = vector.multi_reduction <add>, %reduce_sum3A, %reduce_sum3A_45 [1, 2] : vector<1x1000x1xf32> to vector<1xf32>
    %reduce_sum3A_47 = vector.shape_cast %reduce_sum3A_46 : vector<1xf32> to vector<1x1x1xf32>
    %reduce_sum3A_48 = vector.extract %reduce_sum3A_47[0, 0, 0] : f32 from vector<1x1x1xf32>
    %reshape3A = vector.broadcast %reduce_sum3A_48 : f32 to vector<1x1xf32>
    %add3A_49 = arith.addf %get3A_44, %reshape3A : vector<1x1xf32>
    %swap3A_50 = arith.constant 0 : index
    %swap3A_51 = arith.constant 0 : index
    %swap3A_52 = vector.load %arg9[%swap3A_50, %swap3A_51] : memref<1x1xf32, #tpu.memory_space<vmem>>, vector<1x1xf32>
    tpu.vector_store %arg9[%swap3A_50, %swap3A_51], %add3A_49 {strides = array<i32>} : memref<1x1xf32, #tpu.memory_space<vmem>>, vector<1x1xf32>,
    %eq3A_53 = arith.constant 9 : i32
    %eq3A_54 = arith.cmpi eq, %arg0, %eq3A_53 : i32
    %convert_element_type3A_55 = arith.extui %eq3A_54 : i1 to i32
    %cond3A_56 = arith.constant 0 : i32
    %cond3A_57 = arith.cmpi ne, %convert_element_type3A_55, %cond3A_56 : i32
    scf.if %cond3A_57 {
      %get3A_58 = arith.constant 0 : index
      %get3A_59 = arith.constant 0 : index
      %get3A_60 = vector.load %arg9[%get3A_58, %get3A_59] : memref<1x1xf32, #tpu.memory_space<vmem>>, vector<1x1xf32>
      %swap3A_61 = arith.constant 0 : index
      %swap3A_62 = arith.constant 0 : index
      %swap3A_63 = vector.load %arg8[%swap3A_61, %swap3A_62] : memref<1x1xf32, #tpu.memory_space<vmem>>, vector<1x1xf32>
      tpu.vector_store %arg8[%swap3A_61, %swap3A_62], %get3A_60 {strides = array<i32>} : memref<1x1xf32, #tpu.memory_space<vmem>>, vector<1x1xf32>,
    } else {
    }
    return
  }
  func.func @transform_0(%arg0: i32) -> (i32, i32) {
    %c0_i32 = arith.constant 0 : i32
    %c0_i32_0 = arith.constant 0 : i32
    return %arg0, %c0_i32 : i32, i32
  }
  func.func @transform_1(%arg0: i32) -> (i32, i32) {
    %c0_i32 = arith.constant 0 : i32
    %c0_i32_0 = arith.constant 0 : i32
    %c0_i32_1 = arith.constant 0 : i32
    return %c0_i32, %c0_i32_0 : i32, i32
  }
  func.func @transform_2(%arg0: i32) -> (i32, i32) {
    %c0_i32 = arith.constant 0 : i32
    %c0_i32_0 = arith.constant 0 : i32
    %c0_i32_1 = arith.constant 0 : i32
    return %c0_i32, %c0_i32_0 : i32, i32
  }
  func.func @transform_3(%arg0: i32) -> (i32, i32) {
    %c0_i32 = arith.constant 0 : i32
    %c0_i32_0 = arith.constant 0 : i32
    %c0_i32_1 = arith.constant 0 : i32
    return %c0_i32, %c0_i32_0 : i32, i32
  }
  func.func @transform_4(%arg0: i32) -> (i32, i32) {
    %c0_i32 = arith.constant 0 : i32
    %c0_i32_0 = arith.constant 0 : i32
    %c0_i32_1 = arith.constant 0 : i32
    return %c0_i32, %c0_i32_0 : i32, i32
  }
  func.func @transform_5(%arg0: i32) -> (i32, i32) {
    %c0_i32 = arith.constant 0 : i32
    %c0_i32_0 = arith.constant 0 : i32
    return %arg0, %c0_i32 : i32, i32
  }
  func.func @transform_6(%arg0: i32) -> (i32, i32) {
    %c0_i32 = arith.constant 0 : i32
    %c0_i32_0 = arith.constant 0 : i32
    return %arg0, %c0_i32 : i32, i32
  }
  func.func @transform_7(%arg0: i32) -> (i32, i32) {
    %c0_i32 = arith.constant 0 : i32
    %c0_i32_0 = arith.constant 0 : i32
    %c0_i32_1 = arith.constant 0 : i32
    return %c0_i32, %c0_i32_0 : i32, i32
  }
}

module attributes {stable_mosaic.version = 14 : i64} {
  func.func @_comb_body(%arg0: i32, %arg1: memref<1000x512xf32, #tpu.memory_space<vmem>>, %arg2: memref<1000x512xf32, #tpu.memory_space<vmem>>, %arg3: memref<1000x512xf32, #tpu.memory_space<vmem>>, %arg4: memref<1000x1xf32, #tpu.memory_space<vmem>>, %arg5: memref<1000x1xf32, #tpu.memory_space<vmem>>, %arg6: memref<1000x1xf32, #tpu.memory_space<vmem>>, %arg7: memref<1x1xf32, #tpu.memory_space<vmem>>, %arg8: memref<1x2xf32, #tpu.memory_space<vmem>>, %arg9: memref<512x2xf32, #tpu.memory_space<vmem>>, %arg10: memref<1x2xf32, #tpu.memory_space<vmem>>, %arg11: memref<1000x2xf32, #tpu.memory_space<vmem>>) attributes {dimension_semantics = [#tpu.dimension_semantics<arbitrary>], iteration_bounds = array<i64: 10>, scalar_prefetch = 0 : i64, scratch_operands = 0 : i64, tpu.core_type = #tpu.core_type<tc>, window_params = [{transform_indices = @transform_0, window_bounds = array<i64: 1000, 512>}, {transform_indices = @transform_1, window_bounds = array<i64: 1000, 512>}, {transform_indices = @transform_2, window_bounds = array<i64: 1000, 512>}, {transform_indices = @transform_3, window_bounds = array<i64: 1000, 1>}, {transform_indices = @transform_4, window_bounds = array<i64: 1000, 1>}, {transform_indices = @transform_5, window_bounds = array<i64: 1000, 1>}, {pipeline_mode = #tpu.pipeline_mode<synchronous>, transform_indices = @transform_6, window_bounds = array<i64: 1, 1>}, {pipeline_mode = #tpu.pipeline_mode<synchronous>, transform_indices = @transform_7, window_bounds = array<i64: 1, 2>}, {pipeline_mode = #tpu.pipeline_mode<synchronous>, transform_indices = @transform_8, window_bounds = array<i64: 512, 2>}, {pipeline_mode = #tpu.pipeline_mode<synchronous>, transform_indices = @transform_9, window_bounds = array<i64: 1, 2>}, {transform_indices = @transform_10, window_bounds = array<i64: 1000, 2>}]} {
    %get3A = arith.constant 0 : index
    %get3A_0 = arith.constant 0 : index
    %get3A_1 = vector.load %arg4[%get3A, %get3A_0] : memref<1000x1xf32, #tpu.memory_space<vmem>>, vector<1000x1xf32>
    %exp3A = math.exp %get3A_1 : vector<1000x1xf32>
    %get3A_2 = arith.constant 0 : index
    %get3A_3 = arith.constant 0 : index
    %get3A_4 = vector.load %arg7[%get3A_2, %get3A_3] : memref<1x1xf32, #tpu.memory_space<vmem>>, vector<1x1xf32>
    %get3A_5 = vector.extract %get3A_4[0, 0] : f32 from vector<1x1xf32>
    %div3A = vector.broadcast %get3A_5 : f32 to vector<1000x1xf32>
    %div3A_6 = arith.divf %exp3A, %div3A : vector<1000x1xf32>
    %get3A_7 = arith.constant 0 : index
    %get3A_8 = arith.constant 0 : index
    %get3A_9 = vector.load %arg5[%get3A_7, %get3A_8] : memref<1000x1xf32, #tpu.memory_space<vmem>>, vector<1000x1xf32>
    %exp3A_10 = math.exp %get3A_9 : vector<1000x1xf32>
    %get3A_11 = arith.constant 0 : index
    %get3A_12 = arith.constant 0 : index
    %get3A_13 = vector.load %arg8[%get3A_11, %get3A_12] : memref<1x2xf32, #tpu.memory_space<vmem>>, vector<1x1xf32>
    %get3A_14 = vector.extract %get3A_13[0, 0] : f32 from vector<1x1xf32>
    %div3A_15 = vector.broadcast %get3A_14 : f32 to vector<1000x1xf32>
    %div3A_16 = arith.divf %exp3A_10, %div3A_15 : vector<1000x1xf32>
    %get3A_17 = arith.constant 0 : index
    %get3A_18 = arith.constant 0 : index
    %get3A_19 = vector.load %arg6[%get3A_17, %get3A_18] : memref<1000x1xf32, #tpu.memory_space<vmem>>, vector<1000x1xf32>
    %exp3A_20 = math.exp %get3A_19 : vector<1000x1xf32>
    %get3A_21 = arith.constant 0 : index
    %get3A_22 = arith.constant 1 : index
    %get3A_23 = vector.load %arg8[%get3A_21, %get3A_22] : memref<1x2xf32, #tpu.memory_space<vmem>>, vector<1x1xf32>
    %get3A_24 = vector.extract %get3A_23[0, 0] : f32 from vector<1x1xf32>
    %div3A_25 = vector.broadcast %get3A_24 : f32 to vector<1000x1xf32>
    %div3A_26 = arith.divf %exp3A_20, %div3A_25 : vector<1000x1xf32>
    %get3A_27 = arith.constant 0 : index
    %get3A_28 = arith.constant 0 : index
    %get3A_29 = vector.load %arg1[%get3A_27, %get3A_28] : memref<1000x512xf32, #tpu.memory_space<vmem>>, vector<1000x512xf32>
    %mul3A = vector.broadcast %div3A_6 : vector<1000x1xf32> to vector<1000x512xf32>
    %mul3A_30 = arith.mulf %mul3A, %get3A_29 : vector<1000x512xf32>
    %get3A_31 = arith.constant 0 : index
    %get3A_32 = arith.constant 0 : index
    %get3A_33 = vector.load %arg2[%get3A_31, %get3A_32] : memref<1000x512xf32, #tpu.memory_space<vmem>>, vector<1000x512xf32>
    %mul3A_34 = vector.broadcast %div3A_16 : vector<1000x1xf32> to vector<1000x512xf32>
    %mul3A_35 = arith.mulf %mul3A_34, %get3A_33 : vector<1000x512xf32>
    %add3A = arith.addf %mul3A_30, %mul3A_35 : vector<1000x512xf32>
    %get3A_36 = arith.constant 0 : index
    %get3A_37 = arith.constant 0 : index
    %get3A_38 = vector.load %arg3[%get3A_36, %get3A_37] : memref<1000x512xf32, #tpu.memory_space<vmem>>, vector<1000x512xf32>
    %mul3A_39 = vector.broadcast %div3A_26 : vector<1000x1xf32> to vector<1000x512xf32>
    %mul3A_40 = arith.mulf %mul3A_39, %get3A_38 : vector<1000x512xf32>
    %add3A_41 = arith.addf %add3A, %mul3A_40 : vector<1000x512xf32>
    %get3A_42 = arith.constant 0 : index
    %get3A_43 = arith.constant 0 : index
    %get3A_44 = vector.load %arg9[%get3A_42, %get3A_43] : memref<512x2xf32, #tpu.memory_space<vmem>>, vector<512x2xf32>
    %dot_general3A = arith.constant dense<0.000000e+00> : vector<1000x2xf32>
    %dot_general3A_45 = tpu.matmul %add3A_41, %get3A_44, %dot_general3A {dimension_numbers = #tpu.dot_dimension_numbers<[1], [0], [0], [1], [0, 0, 1, 1], [], []>, transpose_lhs_hint = false} : vector<1000x512xf32>, vector<512x2xf32>, vector<1000x2xf32> -> vector<1000x2xf32>
    %get3A_46 = arith.constant 0 : index
    %get3A_47 = arith.constant 0 : index
    %get3A_48 = vector.load %arg10[%get3A_46, %get3A_47] : memref<1x2xf32, #tpu.memory_space<vmem>>, vector<1x2xf32>
    %add3A_49 = vector.broadcast %get3A_48 : vector<1x2xf32> to vector<1000x2xf32>
    %add3A_50 = arith.addf %dot_general3A_45, %add3A_49 : vector<1000x2xf32>
    %swap3A = arith.constant 0 : index
    %swap3A_51 = arith.constant 0 : index
    %swap3A_52 = vector.load %arg11[%swap3A, %swap3A_51] : memref<1000x2xf32, #tpu.memory_space<vmem>>, vector<1000x2xf32>
    tpu.vector_store %arg11[%swap3A, %swap3A_51], %add3A_50 {strides = array<i32>} : memref<1000x2xf32, #tpu.memory_space<vmem>>, vector<1000x2xf32>,
    return
  }
  func.func @transform_0(%arg0: i32) -> (i32, i32) {
    %c0_i32 = arith.constant 0 : i32
    %c0_i32_0 = arith.constant 0 : i32
    return %arg0, %c0_i32 : i32, i32
  }
  func.func @transform_1(%arg0: i32) -> (i32, i32) {
    %c0_i32 = arith.constant 0 : i32
    %c0_i32_0 = arith.constant 0 : i32
    return %arg0, %c0_i32 : i32, i32
  }
  func.func @transform_2(%arg0: i32) -> (i32, i32) {
    %c0_i32 = arith.constant 0 : i32
    %c0_i32_0 = arith.constant 0 : i32
    return %arg0, %c0_i32 : i32, i32
  }
  func.func @transform_3(%arg0: i32) -> (i32, i32) {
    %c0_i32 = arith.constant 0 : i32
    %c0_i32_0 = arith.constant 0 : i32
    return %arg0, %c0_i32 : i32, i32
  }
  func.func @transform_4(%arg0: i32) -> (i32, i32) {
    %c0_i32 = arith.constant 0 : i32
    %c0_i32_0 = arith.constant 0 : i32
    return %arg0, %c0_i32 : i32, i32
  }
  func.func @transform_5(%arg0: i32) -> (i32, i32) {
    %c0_i32 = arith.constant 0 : i32
    %c0_i32_0 = arith.constant 0 : i32
    return %arg0, %c0_i32 : i32, i32
  }
  func.func @transform_6(%arg0: i32) -> (i32, i32) {
    %c0_i32 = arith.constant 0 : i32
    %c0_i32_0 = arith.constant 0 : i32
    %c0_i32_1 = arith.constant 0 : i32
    return %c0_i32, %c0_i32_0 : i32, i32
  }
  func.func @transform_7(%arg0: i32) -> (i32, i32) {
    %c0_i32 = arith.constant 0 : i32
    %c0_i32_0 = arith.constant 0 : i32
    %c0_i32_1 = arith.constant 0 : i32
    return %c0_i32, %c0_i32_0 : i32, i32
  }
  func.func @transform_8(%arg0: i32) -> (i32, i32) {
    %c0_i32 = arith.constant 0 : i32
    %c0_i32_0 = arith.constant 0 : i32
    %c0_i32_1 = arith.constant 0 : i32
    return %c0_i32, %c0_i32_0 : i32, i32
  }
  func.func @transform_9(%arg0: i32) -> (i32, i32) {
    %c0_i32 = arith.constant 0 : i32
    %c0_i32_0 = arith.constant 0 : i32
    %c0_i32_1 = arith.constant 0 : i32
    return %c0_i32, %c0_i32_0 : i32, i32
  }
  func.func @transform_10(%arg0: i32) -> (i32, i32) {
    %c0_i32 = arith.constant 0 : i32
    %c0_i32_0 = arith.constant 0 : i32
    return %arg0, %c0_i32 : i32, i32
  }
}

</mosaic_0001>

<sc_bundles>
// kernel: kernel.16.cloned.1.call-start
scs
__scs_entry_jumppad:
0x0: {  	(pc) =	sbr.rel $0x88, $3  }
0x1: {  	(tag) =	ssettag $0x0;
	lr =	simm.s32 $0x1  }
0x2: {  	[smem:$0x3F8B] =	sst lr;
	_ =	strace $0xD0000000  }
0x3: {  	_ = 	snop  }
0x4: {  	_ = 	snop  }
0x5: {  	_ = 	snop  }
0x6: {  	_ = 	snop  }
0x7: {  	_ = 	snop  }
__scs_overlays_trampoline_lowered:
0x8: {  	[smem:$0x3F9A] =	sst s0  }
0x9: {  	[smem:$0x3F9B] =	sst s1  }
0xa: {  	[smem:$0x3F9C] =	sst s2  }
0xb: {  	[smem:$0x3F9D] =	sst s3  }
0xc: {  	[smem:$0x3F9E] =	sst s4  }
0xd: {  	[smem:$0x3F9F] =	sst s5  }
0xe: {  	[smem:$0x3FA0] =	sst s6  }
0xf: {  	[smem:$0x3FA1] =	sst s7  }
0x10: {  	[smem:$0x3FA2] =	sst s8  }
0x11: {  	[smem:$0x3FA3] =	sst s9;
	s0 =	simm.s32 @!p0 $0x0  }
0x12: {  	s1 =	sld [smem:$0x3F89];
	s0 =	simm.s32 @p0 $0x1  }
0x13: {  	[smem:$0x3FA4] =	sst s0;
	s0 =	simm.s32 @!p1 $0x0  }
0x14: {  	s2 =	sld [smem:$0x3F88];
	s0 =	simm.s32 @p1 $0x1  }
0x15: {  	[smem:$0x3FA5] =	sst s0;
	s0 =	simm.s32 @!p2 $0x0  }
0x16: {  	s3 =	sld [smem:$0x3FDB];
	s0 =	simm.s32 @p2 $0x1  }
0x17: {  	s4 =	simm.s32 $0x1BF5;
	[smem:$0x3FA7] =	sst s0  }
0x18: {  	s0 =	sld [smem:$0x3F8A];
	_ =	swait.ge [sflag:s4], $0x0  }
0x19: {  	s7 =	sld [smem:$0x3F8B]  }
0x1a: {  	s8 =	sadd.s32 $0xFFFFE003, lr  }
0x1b: {  	s9 =	sadd.s32 $0xFFFFFEF7, lr;
	s5 =	simm.s32 $0xFFFFFFFF;
	p2 =	slt.u32 s8, $0xFFFFF086  }
0x1c: {  	p1 =	slt.u32 s9, $0xF7A;
	s5 =	simm.s32 @!p2 $0x0  }
0x1d: {  	s5 =	simm.s32 @p1 $0x1;
	p0 =	seq.s32 s7, s2  }
0x1e: {  	s7 =	smul.u32 @!p0 $0xF7A, s2;
	p2 =	seq.s32 @!p0 s5, $0x0  }
0x1f: {  	s9 =	smul.u32 $0xF7A, s1;
	s8 =	simm.s32 @!p0 $0x1BF5;
	p2 =	por !p2, p0  }
0x20: {  	[sflag:s8] =	ssyncset.s32 @!p0 $0xFFFFF086;
	s6 =	sadd.s32 @!p0 s3, s7;
	s7 =	simm.s32 @!p0 $0x108  }
0x21: {  	s3 =	sadd.s32 s3, s9;
	s6 =	sadd.s32 @!p0 $0x88, s6;
	s7 =	simm.s32 @p2 $0x1082  }
0x22: {  	[simem:s7], [sflag:s8] =	dma.local @!p0 [hbm:s6], $0xF7A  }
0x23: {  	s9 =	sor.u32 $0xD0000000, s2;
	s6 =	simm.s32 $0x108;
	_ =	swait.ge @!p0 [sflag:s8], $0x0  }
0x24: {  	s3 =	sadd.s32 $0x88, s3;
	s6 =	simm.s32 @!p1 $0x1082;
	[sflag:s4] =	ssyncset.s32 $0xFFFFF086  }
0x25: {  	[simem:s6], [sflag:s4] =	dma.local [hbm:s3], $0xF7A  }
0x26: {  	[smem:$0x3F8B] =	sst s1;
	(tag) =	ssettag s2;
	_ =	strace s9  }
0x27: {  	s1 =	sld [smem:$0x3F9B]  }
0x28: {  	s2 =	sld [smem:$0x3F9C]  }
0x29: {  	s4 =	sld [smem:$0x3F9E]  }
0x2a: {  	p0 =	seq.s32 s5, $0x0;
	s5 =	sld [smem:$0x3F9F]  }
0x2b: {  	s6 =	sld [smem:$0x3FA0]  }
0x2c: {  	s7 =	sld [smem:$0x3FA1]  }
0x2d: {  	s3 =	simm.s32 $0x108;
	s8 =	sld [smem:$0x3FA2]  }
0x2e: {  	s3 =	simm.s32 @!p0 $0x1082;
	s9 =	sld [smem:$0x3FA3]  }
0x2f: {  	lr =	sadd.s32 s0, s3;
	s0 =	sld [smem:$0x3F9A]  }
0x30: {  	s3 =	sld [smem:$0x3F9D]  }
0x31: {  	[smem:$0x3FA6] =	sst s10  }
0x32: {  	s10 =	sld [smem:$0x3FA4];
	_ =	sdelay $0x3  }
0x33: {  	p0 =	seq.s32 s10, $0x1;
	s10 =	sld [smem:$0x3FA6];
	_ =	sdelay $0x3  }
0x34: {  	[smem:$0x3FA6] =	sst s10  }
0x35: {  	s10 =	sld [smem:$0x3FA5];
	_ =	sdelay $0x3  }
0x36: {  	p1 =	seq.s32 s10, $0x1;
	s10 =	sld [smem:$0x3FA6];
	_ =	sdelay $0x3  }
0x37: {  	[smem:$0x3FA6] =	sst s10  }
0x38: {  	s10 =	sld [smem:$0x3FA7]  }
0x39: {  	_ = 	snop;
	(pc) =	sbr.ind lr, $3  }
0x3a: {  	_ = 	snop  }
0x3b: {  	_ = 	snop  }
0x3c: {  	p2 =	seq.s32 s10, $0x1;
	s10 =	sld [smem:$0x3FA6]  }
0x3d: {  	_ =	shalt  }
0x3e: {  	_ =	shalt  }
0x3f: {  	_ =	shalt  }
0x40: {  	_ =	shalt  }
0x41: {  	_ =	shalt  }
0x42: {  	_ =	shalt  }
0x43: {  	_ =	shalt  }
0x44: {  	_ =	shalt  }
0x45: {  	_ =	shalt  }
0x46: {  	_ =	shalt  }
0x47: {  	_ =	shalt  }
0x48: {  	_ =	shalt  }
0x49: {  	_ =	shalt  }
0x4a: {  	_ =	shalt  }
0x4b: {  	_ =	shalt  }
0x4c: {  	_ =	shalt  }
0x4d: {  	_ =	shalt  }
0x4e: {  	_ =	shalt  }
0x4f: {  	_ =	shalt  }
0x50: {  	_ =	shalt  }
0x51: {  	_ =	shalt  }
0x52: {  	_ =	shalt  }
0x53: {  	_ =	shalt  }
0x54: {  	_ =	shalt  }
0x55: {  	_ =	shalt  }
0x56: {  	_ =	shalt  }
0x57: {  	_ =	shalt  }
0x58: {  	_ =	shalt  }
0x59: {  	_ =	shalt  }
0x5a: {  	_ =	shalt  }
0x5b: {  	_ =	shalt  }
0x5c: {  	_ =	shalt  }
0x5d: {  	_ =	shalt  }
0x5e: {  	_ =	shalt  }
0x5f: {  	_ =	shalt  }
0x60: {  	_ =	shalt  }
0x61: {  	_ =	shalt  }
0x62: {  	_ =	shalt  }
0x63: {  	_ =	shalt  }
0x64: {  	_ =	shalt  }
0x65: {  	_ =	shalt  }
0x66: {  	_ =	shalt  }
0x67: {  	_ =	shalt  }
0x68: {  	_ =	shalt  }
0x69: {  	_ =	shalt  }
0x6a: {  	_ =	shalt  }
0x6b: {  	_ =	shalt  }
0x6c: {  	_ =	shalt  }
0x6d: {  	_ =	shalt  }
0x6e: {  	_ =	shalt  }
0x6f: {  	_ =	shalt  }
0x70: {  	_ =	shalt  }
0x71: {  	_ =	shalt  }
0x72: {  	_ =	shalt  }
0x73: {  	_ =	shalt  }
0x74: {  	_ =	shalt  }
0x75: {  	_ =	shalt  }
0x76: {  	_ =	shalt  }
0x77: {  	_ =	shalt  }
0x78: {  	_ =	shalt  }
0x79: {  	_ =	shalt  }
0x7a: {  	_ =	shalt  }
0x7b: {  	_ =	shalt  }
0x7c: {  	_ =	shalt  }
0x7d: {  	_ =	shalt  }
0x7e: {  	_ =	shalt  }
0x7f: {  	_ =	shalt  }
0x80: {  	_ =	shalt  }
0x81: {  	_ =	shalt  }
0x82: {  	_ =	shalt  }
0x83: {  	_ =	shalt  }
0x84: {  	_ =	shalt  }
0x85: {  	_ =	shalt  }
0x86: {  	_ =	shalt  }
0x87: {  	_ =	shalt  }
.Lfunc_end0:
.L_simem_size_0:
called_computation_lowered:
.L_overlay_start_0:
0x88: {  	s2 =	sld [smem:$0x3FD9]  }
0x89: {  	s3 =	sld [smem:$0x3FFE];
	_ =	sdelay $0x1  }
0x8a: {  	s1 =	srdreg.scid  }
0x8b: {  	s0 =	sand.u32 $0x1, s1  }
0x8c: {  	s16 =	sshll.u32 s0, $0xA;
	s2 =	sadd.s32 s3, s2  }
0x8d: {  	s2 =	sadd.s32 s2, s16  }
0x8e: {  	[smem:$0x3FB2] =	sst s2  }
0x8f: {  	_ = 	snop  }
0x90: {  	(tm) =	ssettm $0x1  }
0x91: {  	s17 =	sld [smem:$0x3FFB];
	_ =	sdelay $0x3  }
0x92: {  	_ =	strace s17  }
0x93: {  	s2 =	sld [smem:$0x3FFC];
	_ =	sdelay $0x3  }
0x94: {  	_ =	strace s2  }
0x95: {  	s2 =	sld [smem:$0x3FFD];
	_ =	sdelay $0x3  }
0x96: {  	_ =	strace s2  }
0x97: {  	_ =	strace $0x8FFFFFFF  }
0x98: {  	s18 =	sld [smem:$0x3FDB];
	_ =	sdelay $0x1  }
0x99: {  	s19 =	simm.s32 $_scs_section_size  }
0x9a: {  	s4 =	simm.s32 $_size__tile_overlayer_lowered;
	s5 =	simm.s32 $_tile_overlayer_lowered  }
0x9b: {  	s22 =	simm.s32 $0x1BFF;
	s21 =	sshll.u32 s5, $0x1;
	s2 =	sadd.s32 s19, s18  }
0x9c: {  	s6 =	simm.s32 $0x0;
	s20 =	sshll.u32 s4, $0x1;
	s4 =	sadd.s32 s21, s2  }
0x9d: {  	[timem:s6], [sflag:s22] =	dma.local [hbm:s4], s20  }
0x9e: {  	_ =	swait.ge [sflag:s22], s20  }
0x9f: {  	s3 =	ssub.s32 $0x0, s20;
	[sflag:s22] =	ssyncset.done $0x0  }
0xa0: {  	[sflag:s22] =	ssyncadd.s32 s3;
	_ =	sdelay $0x1  }
0xa1: {  	s23 =	simm.s32 $0x1B8B  }
0xa2: {  	_ =	swait.ge [sflag:s23], $0x1  }
0xa3: {  	[sflag:s23] =	ssyncset.done $0x0  }
0xa4: {  	s25 =	simm.s32 $0x1B8E;
	s24 =	sld [smem:$0x3FFE];
	[sflag:s23] =	ssyncadd.s32 $0xFFFFFFFF  }
0xa5: {  	s26 =	simm.s32 $execute0_lowered;
	[smem:$0x3FD2] =	sst s25  }
0xa6: {  	s4 =	sshll.u32 s26, $0x1;
	_ =	strace $0x80000046;
	[dreg:$0x1] =	wrdreg $0xFFFFFFFF  }
0xa7: {  	s28 =	simm.s32 $_size_execute0_lowered;
	s2 =	sadd.s32 s2, s4;
	[dreg:$0x0] =	wrdreg $0x0  }
0xa8: {  	s4 =	sshll.u32 s28, $0x1;
	[dreg:$0x2] =	wrdreg s2  }
0xa9: {  	[dreg:$0x3] =	wrdreg s4  }
0xaa: {  	[dreg:$0x4] =	wrdreg $0xC0  }
0xab: {  	_ =	task [dreg:s6], $0x5FFFF  }
0xac: {  	[dreg:$0x1] =	wrdreg $0xFFFFFFFF  }
0xad: {  	[dreg:$0x0] =	wrdreg $0x60  }
0xae: {  	[dreg:$0x2] =	wrdreg s24  }
0xaf: {  	[dreg:$0x3] =	wrdreg $0x9  }
0xb0: {  	_ =	task.clear_ibuf [dreg:s6], $0x4FFFF;
	_ =	strace $0x90000046  }
0xb1: {  	s29 =	simm.s32 $0x9;
	_ =	strace $0x80000048  }
0xb2: {  	_ =	swait.ge [sflag:s29], $0x1  }
0xb3: {  	[sflag:s29] =	ssyncadd.s32 $0xFFFFFFFF  }
0xb4: {  	_ =	strace $0x90000048  }
0xb5: {  	_ =	sfence  }
0xb6: {  	s30 =	sld [smem:$0x0];
	_ =	sdelay $0x2  }
0xb7: {  	s31 =	sshll.u32 s1, $0xD;
	s1 =	sshrl.u32 s1, $0x2  }
0xb8: {  	s3 =	sand.u32 $0x4000, s31;
	s1 =	sadd.s32 s1, s30  }
0xb9: {  	s0 =	sor.u32 s3, s0;
	s1 =	sshll.u32 s1, $0x11  }
0xba: {  	s0 =	sor.u32 s1, s0  }
0xbb: {  	s0 =	sadd.s32 $0x8F2B, s0  }
0xbc: {  	[sflag:s0] =	ssyncadd.remote.s32 $0x1  }
0xbd: {  	_ =	sfence.sel $0xFFFF  }
0xbe: {  	[dreg:$0x0] =	wrdreg $0xFFFFFFFF;
	(pc) =	sbr.abs _section_cstart, $3  }
0xbf: {  	[dreg:$0x1] =	wrdreg $0xFFFFFFFF  }
0xc0: {  	_ =	task.clear_ibuf [dreg:s6], $0x2FFFF;
	_ =	strace $0x9FFFFFFF  }
0xc1: {  	(tm) =	ssettm $0x7FFFFFFF  }
tec
execute0_lowered:
.L_overlay_start_1:
0x0: {  	(tag) =	ssettag $0x1  }
0x1: {  	s0 =	srdreg.scid;
	s4 =	rddreg [dreg:$0x0]  }
0x2: {  	s2 =	simm.s32 $0x0;
	s10 =	simm.s32 $0x1;
	s11 =	simm.s32 $0x1400  }
0x3: {  	s12 =	simm.s32 $0x2800;
	s13 =	simm.s32 $0x3C00;
	s3 =	sand.u32 $0x1, s0  }
0x4: {  	s14 =	simm.s32 $0x6400;
	s0 =	stileid.u32;
	s1 =	sshll.u32 s3, $0x4  }
0x5: {  	s15 =	simm.s32 $0x8C00;
	s16 =	simm.s32 $0x0;
	s5 =	sor.u32 s0, s1  }
0x6: {  	[smem:$0x7FF] =	sst s2;
	s3 =	ssub.s32 $0x2, s3;
	s6 =	smul.u32 $0x7800, s5  }
0x7: {  	s1 =	rddreg [dreg:$0x1];
	s31 =	sshrl.u32 s3, $0x1;
	s5 =	smul.u32 $0x280, s5  }
0x8: {  	_ =	strace $0x80000047;
	s9 =	ssub.s32 s3, s31;
	s6 =	sshrl.u32 s6, $0x3  }
0x9: {  	s9 =	smax.u32 s9, $0x1;
	s5 =	sadd.s32 s5, s4;
	s8 =	sadd.s32 s6, s4  }
0xa: {  	s3 =	sadd.s32 $0x9E00, s5;
	s4 =	sadd.s32 $0xEE00, s5;
	s5 =	sadd.s32 $0x4E00, s5  }
0xb: {  	v0 =	vimm.f32 $0.0e+00;
	v1 =	vimm.f32 $1.000000000e+00;
	s6 =	sadd.s32 $0x13E00, s8;
	s7 =	sadd.s32 $0x14300, s8;
	s8 =	sadd.s32 $0x14800, s8  }
.LBB2_1:
0xc: {  	[tilespmem:s2], [sflag:$0x1] =	stream.linear.gather [hbm4b:s3+s2], $0x1400, $0x38;
	[tilespmem:$0xB400] =	vst v63  }
0xd: {  	_ =	swait.ge [sflag:s10], $0x1400  }
0xe: {  	[sflag:s10] =	ssyncset.done $0x0  }
0xf: {  	[sflag:s10] =	ssyncadd.s32 $0xFFFFEC00  }
0x10: {  	[tilespmem:s11], [sflag:$0x1] =	stream.linear.gather [hbm4b:s4+s2], $0x1400, $0x38;
	[tilespmem:$0xB400] =	vst v63  }
0x11: {  	_ =	swait.ge [sflag:s10], $0x1400  }
0x12: {  	[sflag:s10] =	ssyncset.done $0x0  }
0x13: {  	[sflag:s10] =	ssyncadd.s32 $0xFFFFEC00  }
0x14: {  	[tilespmem:s12], [sflag:$0x1] =	stream.linear.gather [hbm4b:s5+s2], $0x1400, $0x38;
	[tilespmem:$0xB400] =	vst v63  }
0x15: {  	_ =	swait.ge [sflag:s10], $0x1400  }
0x16: {  	[sflag:s10] =	ssyncset.done $0x0  }
0x17: {  	s17 =	simm.s32 $0x0;
	[sflag:s10] =	ssyncadd.s32 $0xFFFFEC00  }
.LBB2_2:
0x18: {  	p0 =	sne.s32 s17, $0x9FC0  }
.Ltmp0:
0x19: {  	_ = 	snop;
	(pc) =	sbr.rel @p0 .LBB2_2-.Ltmp0, $4  }
0x1a: {  	s18 =	sshra.s32 s17, $0x2  }
0x1b: {  	[tilespmem:s18+$0x3C00] =	vst v0  }
0x1c: {  	[tilespmem:s18+$0x6400] =	vst v0  }
0x1d: {  	s17 =	sadd.s32 $0x40, s17;
	[tilespmem:s18+$0x8C00] =	vst v0  }
0x1e: {  	s17 =	simm.s32 $0x0  }
0x1f: {  	v4 =	vld [tilespmem:s17+$0x0]  }
0x20: {  	v2 =	vld [tilespmem:s17+$0x1400];
	_ =	sdelay $0x1  }
0x21: {  	v3 =	vld [tilespmem:s17+$0x2800];
	_ =	sdelay $0x4  }
0x22: {  	v3 =	vmax.f32 v3, $-1.000000000e+03;
	[tilespmem:v4+s13+$0x0] =	vst.idx.add.f32.msk $0xffff, v1  }
0x23: {  	v3 =	vmin.f32 v3, $1.000000000e+03;
	[tilespmem:v2+s14+$0x0] =	vst.idx.add.f32.msk $0xffff, v1  }
0x24: {  	s18 =	simm.s32 $0x80;
	s17 =	simm.s32 $0x40;
	[tilespmem:v4+s15+$0x0] =	vst.idx.add.f32.msk $0xffff, v3  }
.LBB2_4:
0x25: {  	p0 =	sne.s32 s18, $0x4FC0  }
0x26: {  	s19 =	sshra.s32 s17, $0x2;
	[tilespmem:v2+s15+$0x0] =	vst.idx.add.f32.msk $0xffff, v3;
	s17 =	smov.u32 s18;
	s18 =	sadd.s32 $0x40, s18  }
0x27: {  	v4 =	vld [tilespmem:s19+$0x0]  }
0x28: {  	v2 =	vld [tilespmem:s19+$0x1400];
	_ =	sdelay $0x1  }
0x29: {  	v3 =	vld [tilespmem:s19+$0x2800];
	_ =	sdelay $0x2  }
.Ltmp1:
0x2a: {  	(pc) =	sbr.rel @p0 .LBB2_4-.Ltmp1, $4  }
0x2b: {  	_ = 	snop  }
0x2c: {  	v3 =	vmax.f32 v3, $-1.000000000e+03;
	[tilespmem:v4+s13+$0x0] =	vst.idx.add.f32.msk $0xffff, v1  }
0x2d: {  	v3 =	vmin.f32 v3, $1.000000000e+03;
	[tilespmem:v2+s14+$0x0] =	vst.idx.add.f32.msk $0xffff, v1  }
0x2e: {  	[tilespmem:v4+s15+$0x0] =	vst.idx.add.f32.msk $0xffff, v3  }
0x2f: {  	_ =	sdelay $0x3  }
0x30: {  	s17 =	sshra.s32 s17, $0x2;
	[tilespmem:v2+s15+$0x0] =	vst.idx.add.f32.msk $0xffff, v3  }
0x31: {  	v2 =	vld [tilespmem:s17+$0x0]  }
0x32: {  	v3 =	vld [tilespmem:s17+$0x1400];
	_ =	sdelay $0x1  }
0x33: {  	v4 =	vld [tilespmem:s17+$0x2800];
	_ =	sdelay $0x4  }
0x34: {  	v4 =	vmax.f32 v4, $-1.000000000e+03;
	[tilespmem:v2+s13+$0x0] =	vst.idx.add.f32.msk $0xffff, v1  }
0x35: {  	v4 =	vmin.f32 v4, $1.000000000e+03;
	[tilespmem:v3+s14+$0x0] =	vst.idx.add.f32.msk $0xffff, v1  }
0x36: {  	[tilespmem:v2+s15+$0x0] =	vst.idx.add.f32.msk $0xffff, v4  }
0x37: {  	[tilespmem:v3+s15+$0x0] =	vst.idx.add.f32.msk $0xffff, v4  }
0x38: {  	[hbm4b:s6+s2] =	stream.linear.scatter [tilespmem:s13], [sflag:$0x1], $0x2800, $0x38;
	[tilespmem:$0xB400] =	vst v63  }
0x39: {  	_ =	swait.ge [sflag:s10], $0x2800  }
0x3a: {  	[sflag:s10] =	ssyncset.done $0x0  }
0x3b: {  	[sflag:s10] =	ssyncadd.s32 $0xFFFFD800  }
0x3c: {  	[hbm4b:s7+s2] =	stream.linear.scatter [tilespmem:s14], [sflag:$0x1], $0x2800, $0x38;
	[tilespmem:$0xB400] =	vst v63  }
0x3d: {  	s16 =	sadd.s32 $0x1, s16;
	_ =	swait.ge [sflag:s10], $0x2800  }
0x3e: {  	p0 =	sne.s32 s16, s9;
	[sflag:s10] =	ssyncset.done $0x0  }
.Ltmp2:
0x3f: {  	[sflag:s10] =	ssyncadd.s32 $0xFFFFD800;
	(pc) =	sbr.rel @p0 .LBB2_1-.Ltmp2, $4  }
0x40: {  	[hbm4b:s8+s2] =	stream.linear.scatter [tilespmem:s15], [sflag:$0x1], $0x2800, $0x38;
	[tilespmem:$0xB400] =	vst v63  }
0x41: {  	_ =	swait.ge [sflag:s10], $0x2800  }
0x42: {  	[sflag:s10] =	ssyncset.done $0x0  }
0x43: {  	[sflag:s10] =	ssyncadd.s32 $0xFFFFD800  }
0x44: {  	_ =	sfence.sel $0x180000  }
0x45: {  	[bflag:$0x0] =	sbarrier.arrive $0xFFFF  }
0x46: {  	p0 =	sne.s32 s0, $0x0;
	_ =	strace $0x90000047  }
0x47: {  	s0 =	sadd.s32 @!p0 $0x100000, s1;
	[bflag:$0x2] =	sbarrier.arrive $0xFFFF  }
0x48: {  	[sflag:s0] =	ssyncadd.tile.s32 @!p0 $0x1;
	_ =	shalt  }
.Lfunc_end2:
_tile_overlayer_lowered:
.L_overlay_start_2:
0x49: {  	(tag) =	ssettag $0x2  }
0x4a: {  	s0 =	rddreg [dreg:$0x0];
	s2 =	stileid.u32  }
0x4b: {  	s1 =	rddreg [dreg:$0x1];
	p0 =	sne.s32 s2, $0x0  }
0x4c: {  	s3 =	rddreg [dreg:$0x2];
	[bflag:$0x3] =	sbarrier.arrive $0xFFFF;
	s2 =	simm.s32 @!p0 $0x1C01  }
0x4d: {  	[timem:s3], [sflag:s2] =	dma.local @!p0 [hbm:s0], s1  }
0x4e: {  	s0 =	simm.s32 @!p0 $0x1  }
0x4f: {  	_ =	swait.ge @!p0 [sflag:s0], s1  }
0x50: {  	s1 =	ssub.s32 @!p0 $0x0, s1;
	[sflag:s0] =	ssyncset.done @!p0 $0x0  }
0x51: {  	[sflag:s0] =	ssyncadd.s32 @!p0 s1  }
0x52: {  	[bflag:$0x3] =	sbarrier.arrive $0xFFFF  }
0x53: {  	_ =	shalt  }

// kernel: kernel.19.cloned.1.call-start
scs
__scs_entry_jumppad:
0x0: {  	(pc) =	sbr.rel $0x88, $3  }
0x1: {  	(tag) =	ssettag $0x0;
	lr =	simm.s32 $0x1  }
0x2: {  	[smem:$0x3F8B] =	sst lr;
	_ =	strace $0xD0000000  }
0x3: {  	_ = 	snop  }
0x4: {  	_ = 	snop  }
0x5: {  	_ = 	snop  }
0x6: {  	_ = 	snop  }
0x7: {  	_ = 	snop  }
__scs_overlays_trampoline_lowered:
0x8: {  	[smem:$0x3F9A] =	sst s0  }
0x9: {  	[smem:$0x3F9B] =	sst s1  }
0xa: {  	[smem:$0x3F9C] =	sst s2  }
0xb: {  	[smem:$0x3F9D] =	sst s3  }
0xc: {  	[smem:$0x3F9E] =	sst s4  }
0xd: {  	[smem:$0x3F9F] =	sst s5  }
0xe: {  	[smem:$0x3FA0] =	sst s6  }
0xf: {  	[smem:$0x3FA1] =	sst s7  }
0x10: {  	[smem:$0x3FA2] =	sst s8  }
0x11: {  	[smem:$0x3FA3] =	sst s9;
	s0 =	simm.s32 @!p0 $0x0  }
0x12: {  	s1 =	sld [smem:$0x3F89];
	s0 =	simm.s32 @p0 $0x1  }
0x13: {  	[smem:$0x3FA4] =	sst s0;
	s0 =	simm.s32 @!p1 $0x0  }
0x14: {  	s2 =	sld [smem:$0x3F88];
	s0 =	simm.s32 @p1 $0x1  }
0x15: {  	[smem:$0x3FA5] =	sst s0;
	s0 =	simm.s32 @!p2 $0x0  }
0x16: {  	s3 =	sld [smem:$0x3FDB];
	s0 =	simm.s32 @p2 $0x1  }
0x17: {  	s4 =	simm.s32 $0x1BF5;
	[smem:$0x3FA7] =	sst s0  }
0x18: {  	s0 =	sld [smem:$0x3F8A];
	_ =	swait.ge [sflag:s4], $0x0  }
0x19: {  	s7 =	sld [smem:$0x3F8B]  }
0x1a: {  	s8 =	sadd.s32 $0xFFFFE003, lr  }
0x1b: {  	s9 =	sadd.s32 $0xFFFFFEF7, lr;
	s5 =	simm.s32 $0xFFFFFFFF;
	p2 =	slt.u32 s8, $0xFFFFF086  }
0x1c: {  	p1 =	slt.u32 s9, $0xF7A;
	s5 =	simm.s32 @!p2 $0x0  }
0x1d: {  	s5 =	simm.s32 @p1 $0x1;
	p0 =	seq.s32 s7, s2  }
0x1e: {  	s7 =	smul.u32 @!p0 $0xF7A, s2;
	p2 =	seq.s32 @!p0 s5, $0x0  }
0x1f: {  	s9 =	smul.u32 $0xF7A, s1;
	s8 =	simm.s32 @!p0 $0x1BF5;
	p2 =	por !p2, p0  }
0x20: {  	[sflag:s8] =	ssyncset.s32 @!p0 $0xFFFFF086;
	s6 =	sadd.s32 @!p0 s3, s7;
	s7 =	simm.s32 @!p0 $0x108  }
0x21: {  	s3 =	sadd.s32 s3, s9;
	s6 =	sadd.s32 @!p0 $0x88, s6;
	s7 =	simm.s32 @p2 $0x1082  }
0x22: {  	[simem:s7], [sflag:s8] =	dma.local @!p0 [hbm:s6], $0xF7A  }
0x23: {  	s9 =	sor.u32 $0xD0000000, s2;
	s6 =	simm.s32 $0x108;
	_ =	swait.ge @!p0 [sflag:s8], $0x0  }
0x24: {  	s3 =	sadd.s32 $0x88, s3;
	s6 =	simm.s32 @!p1 $0x1082;
	[sflag:s4] =	ssyncset.s32 $0xFFFFF086  }
0x25: {  	[simem:s6], [sflag:s4] =	dma.local [hbm:s3], $0xF7A  }
0x26: {  	[smem:$0x3F8B] =	sst s1;
	(tag) =	ssettag s2;
	_ =	strace s9  }
0x27: {  	s1 =	sld [smem:$0x3F9B]  }
0x28: {  	s2 =	sld [smem:$0x3F9C]  }
0x29: {  	s4 =	sld [smem:$0x3F9E]  }
0x2a: {  	p0 =	seq.s32 s5, $0x0;
	s5 =	sld [smem:$0x3F9F]  }
0x2b: {  	s6 =	sld [smem:$0x3FA0]  }
0x2c: {  	s7 =	sld [smem:$0x3FA1]  }
0x2d: {  	s3 =	simm.s32 $0x108;
	s8 =	sld [smem:$0x3FA2]  }
0x2e: {  	s3 =	simm.s32 @!p0 $0x1082;
	s9 =	sld [smem:$0x3FA3]  }
0x2f: {  	lr =	sadd.s32 s0, s3;
	s0 =	sld [smem:$0x3F9A]  }
0x30: {  	s3 =	sld [smem:$0x3F9D]  }
0x31: {  	[smem:$0x3FA6] =	sst s10  }
0x32: {  	s10 =	sld [smem:$0x3FA4];
	_ =	sdelay $0x3  }
0x33: {  	p0 =	seq.s32 s10, $0x1;
	s10 =	sld [smem:$0x3FA6];
	_ =	sdelay $0x3  }
0x34: {  	[smem:$0x3FA6] =	sst s10  }
0x35: {  	s10 =	sld [smem:$0x3FA5];
	_ =	sdelay $0x3  }
0x36: {  	p1 =	seq.s32 s10, $0x1;
	s10 =	sld [smem:$0x3FA6];
	_ =	sdelay $0x3  }
0x37: {  	[smem:$0x3FA6] =	sst s10  }
0x38: {  	s10 =	sld [smem:$0x3FA7]  }
0x39: {  	_ = 	snop;
	(pc) =	sbr.ind lr, $3  }
0x3a: {  	_ = 	snop  }
0x3b: {  	_ = 	snop  }
0x3c: {  	p2 =	seq.s32 s10, $0x1;
	s10 =	sld [smem:$0x3FA6]  }
0x3d: {  	_ =	shalt  }
0x3e: {  	_ =	shalt  }
0x3f: {  	_ =	shalt  }
0x40: {  	_ =	shalt  }
0x41: {  	_ =	shalt  }
0x42: {  	_ =	shalt  }
0x43: {  	_ =	shalt  }
0x44: {  	_ =	shalt  }
0x45: {  	_ =	shalt  }
0x46: {  	_ =	shalt  }
0x47: {  	_ =	shalt  }
0x48: {  	_ =	shalt  }
0x49: {  	_ =	shalt  }
0x4a: {  	_ =	shalt  }
0x4b: {  	_ =	shalt  }
0x4c: {  	_ =	shalt  }
0x4d: {  	_ =	shalt  }
0x4e: {  	_ =	shalt  }
0x4f: {  	_ =	shalt  }
0x50: {  	_ =	shalt  }
0x51: {  	_ =	shalt  }
0x52: {  	_ =	shalt  }
0x53: {  	_ =	shalt  }
0x54: {  	_ =	shalt  }
0x55: {  	_ =	shalt  }
0x56: {  	_ =	shalt  }
0x57: {  	_ =	shalt  }
0x58: {  	_ =	shalt  }
0x59: {  	_ =	shalt  }
0x5a: {  	_ =	shalt  }
0x5b: {  	_ =	shalt  }
0x5c: {  	_ =	shalt  }
0x5d: {  	_ =	shalt  }
0x5e: {  	_ =	shalt  }
0x5f: {  	_ =	shalt  }
0x60: {  	_ =	shalt  }
0x61: {  	_ =	shalt  }
0x62: {  	_ =	shalt  }
0x63: {  	_ =	shalt  }
0x64: {  	_ =	shalt  }
0x65: {  	_ =	shalt  }
0x66: {  	_ =	shalt  }
0x67: {  	_ =	shalt  }
0x68: {  	_ =	shalt  }
0x69: {  	_ =	shalt  }
0x6a: {  	_ =	shalt  }
0x6b: {  	_ =	shalt  }
0x6c: {  	_ =	shalt  }
0x6d: {  	_ =	shalt  }
0x6e: {  	_ =	shalt  }
0x6f: {  	_ =	shalt  }
0x70: {  	_ =	shalt  }
0x71: {  	_ =	shalt  }
0x72: {  	_ =	shalt  }
0x73: {  	_ =	shalt  }
0x74: {  	_ =	shalt  }
0x75: {  	_ =	shalt  }
0x76: {  	_ =	shalt  }
0x77: {  	_ =	shalt  }
0x78: {  	_ =	shalt  }
0x79: {  	_ =	shalt  }
0x7a: {  	_ =	shalt  }
0x7b: {  	_ =	shalt  }
0x7c: {  	_ =	shalt  }
0x7d: {  	_ =	shalt  }
0x7e: {  	_ =	shalt  }
0x7f: {  	_ =	shalt  }
0x80: {  	_ =	shalt  }
0x81: {  	_ =	shalt  }
0x82: {  	_ =	shalt  }
0x83: {  	_ =	shalt  }
0x84: {  	_ =	shalt  }
0x85: {  	_ =	shalt  }
0x86: {  	_ =	shalt  }
0x87: {  	_ =	shalt  }
.Lfunc_end0:
.L_simem_size_0:
called_computation.1_lowered:
.L_overlay_start_0:
0x88: {  	s2 =	sld [smem:$0x3FD9]  }
0x89: {  	s3 =	sld [smem:$0x3FFE];
	_ =	sdelay $0x1  }
0x8a: {  	s1 =	srdreg.scid  }
0x8b: {  	s0 =	sand.u32 $0x1, s1  }
0x8c: {  	s16 =	sshll.u32 s0, $0xA;
	s2 =	sadd.s32 s3, s2  }
0x8d: {  	s2 =	sadd.s32 s2, s16  }
0x8e: {  	[smem:$0x3FB2] =	sst s2  }
0x8f: {  	_ = 	snop  }
0x90: {  	(tm) =	ssettm $0x1  }
0x91: {  	s17 =	sld [smem:$0x3FFB];
	_ =	sdelay $0x3  }
0x92: {  	_ =	strace s17  }
0x93: {  	s2 =	sld [smem:$0x3FFC];
	_ =	sdelay $0x3  }
0x94: {  	_ =	strace s2  }
0x95: {  	s2 =	sld [smem:$0x3FFD];
	_ =	sdelay $0x3  }
0x96: {  	_ =	strace s2  }
0x97: {  	_ =	strace $0x8FFFFFFF  }
0x98: {  	s18 =	sld [smem:$0x3FDB];
	_ =	sdelay $0x1  }
0x99: {  	s19 =	simm.s32 $_scs_section_size  }
0x9a: {  	s4 =	simm.s32 $_size__tile_overlayer_lowered;
	s5 =	simm.s32 $_tile_overlayer_lowered  }
0x9b: {  	s22 =	simm.s32 $0x1BFF;
	s21 =	sshll.u32 s5, $0x1;
	s2 =	sadd.s32 s19, s18  }
0x9c: {  	s6 =	simm.s32 $0x0;
	s20 =	sshll.u32 s4, $0x1;
	s4 =	sadd.s32 s21, s2  }
0x9d: {  	[timem:s6], [sflag:s22] =	dma.local [hbm:s4], s20  }
0x9e: {  	_ =	swait.ge [sflag:s22], s20  }
0x9f: {  	s3 =	ssub.s32 $0x0, s20;
	[sflag:s22] =	ssyncset.done $0x0  }
0xa0: {  	[sflag:s22] =	ssyncadd.s32 s3;
	_ =	sdelay $0x1  }
0xa1: {  	s23 =	simm.s32 $0x1B8B  }
0xa2: {  	_ =	swait.ge [sflag:s23], $0x1  }
0xa3: {  	[sflag:s23] =	ssyncset.done $0x0  }
0xa4: {  	s25 =	simm.s32 $0x1B8E;
	s24 =	sld [smem:$0x3FFE];
	[sflag:s23] =	ssyncadd.s32 $0xFFFFFFFF  }
0xa5: {  	s26 =	simm.s32 $execute0_lowered;
	[smem:$0x3FD2] =	sst s25  }
0xa6: {  	s4 =	sshll.u32 s26, $0x1;
	_ =	strace $0x80000049;
	[dreg:$0x1] =	wrdreg $0xFFFFFFFF  }
0xa7: {  	s28 =	simm.s32 $_size_execute0_lowered;
	s2 =	sadd.s32 s2, s4;
	[dreg:$0x0] =	wrdreg $0x0  }
0xa8: {  	s4 =	sshll.u32 s28, $0x1;
	[dreg:$0x2] =	wrdreg s2  }
0xa9: {  	[dreg:$0x3] =	wrdreg s4  }
0xaa: {  	[dreg:$0x4] =	wrdreg $0xC0  }
0xab: {  	_ =	task [dreg:s6], $0x5FFFF  }
0xac: {  	[dreg:$0x1] =	wrdreg $0xFFFFFFFF  }
0xad: {  	[dreg:$0x0] =	wrdreg $0x60  }
0xae: {  	[dreg:$0x2] =	wrdreg s24  }
0xaf: {  	[dreg:$0x3] =	wrdreg $0xA8000  }
0xb0: {  	[dreg:$0x4] =	wrdreg $0x9  }
0xb1: {  	_ =	task.clear_ibuf [dreg:s6], $0x5FFFF;
	_ =	strace $0x90000049  }
0xb2: {  	s29 =	simm.s32 $0x9;
	_ =	strace $0x8000004B  }
0xb3: {  	_ =	swait.ge [sflag:s29], $0x1  }
0xb4: {  	[sflag:s29] =	ssyncadd.s32 $0xFFFFFFFF  }
0xb5: {  	_ =	strace $0x9000004B  }
0xb6: {  	_ =	sfence  }
0xb7: {  	s30 =	sld [smem:$0x0];
	_ =	sdelay $0x2  }
0xb8: {  	s31 =	sshll.u32 s1, $0xD;
	s1 =	sshrl.u32 s1, $0x2  }
0xb9: {  	s3 =	sand.u32 $0x4000, s31;
	s1 =	sadd.s32 s1, s30  }
0xba: {  	s0 =	sor.u32 s3, s0;
	s1 =	sshll.u32 s1, $0x11  }
0xbb: {  	s0 =	sor.u32 s1, s0  }
0xbc: {  	s0 =	sadd.s32 $0x8F2B, s0  }
0xbd: {  	[sflag:s0] =	ssyncadd.remote.s32 $0x1  }
0xbe: {  	_ =	sfence.sel $0xFFFF  }
0xbf: {  	[dreg:$0x0] =	wrdreg $0xFFFFFFFF;
	(pc) =	sbr.abs _section_cstart, $3  }
0xc0: {  	[dreg:$0x1] =	wrdreg $0xFFFFFFFF  }
0xc1: {  	_ =	task.clear_ibuf [dreg:s6], $0x2FFFF;
	_ =	strace $0x9FFFFFFF  }
0xc2: {  	(tm) =	ssettm $0x7FFFFFFF  }
0xc3: {  	_ =	shalt  }
tec
execute0_lowered:
.L_overlay_start_1:
0x0: {  	(tag) =	ssettag $0x1  }
0x1: {  	s0 =	rddreg [dreg:$0x0];
	s1 =	stileid.u32  }
0x2: {  	s2 =	rddreg [dreg:$0x1];
	s11 =	smul.u32 $0x280, s1  }
0x3: {  	s3 =	simm.s32 $0x0;
	s5 =	srdreg.scid;
	s23 =	smul.u32 $0x50000, s1  }
0x4: {  	s28 =	simm.s32 $0x2780;
	s29 =	simm.s32 $0x0;
	s14 =	smul.u32 $0x2800, s1  }
0x5: {  	[smem:$0x7FF] =	sst s3;
	s9 =	sand.u32 $0x1, s5;
	s18 =	smul.u32 $0x14000, s1  }
0x6: {  	s4 =	sadd.s32 $0x45E00, s0;
	s15 =	sadd.s32 $0x31E00, s0;
	s6 =	smul.u32 $0x5000, s9  }
0x7: {  	s12 =	sadd.s32 $0xEE00, s0;
	s0 =	sadd.s32 $0xE5E00, s0;
	s10 =	smul.u32 $0x50000, s9  }
0x8: {  	s24 =	sshll.u32 s1, $0x6;
	s13 =	smul.u32 $0x280000, s9;
	s19 =	sshllo.u32 s9, $0x1  }
0x9: {  	_ =	strace $0x8000004A;
	s7 =	ssub.s32 $0x2, s9;
	s20 =	smul.u32 $0x2800, s19  }
0xa: {  	s8 =	sshrl.u32 s7, $0x1;
	s5 =	sshrl.u32 s23, $0x2;
	s31 =	smul.u32 $0x28000, s19  }
0xb: {  	s16 =	sadd.s32 $0x1400, s14;
	s30 =	sshrl.u32 s14, $0x3;
	s19 =	smul.u32 $0x140000, s19  }
0xc: {  	s23 =	simm.s32 $0x1;
	s17 =	ssub.s32 s7, s8;
	s5 =	sadd.s32 s5, s2  }
0xd: {  	s6 =	sadd.s32 s11, s6;
	s25 =	sadd.s32 s14, s10;
	s7 =	sor.u32 $0x1C03, s24  }
0xe: {  	s10 =	sadd.s32 s10, s16;
	s9 =	sadd.s32 s12, s30;
	s21 =	sshrl.u32 s16, $0x3  }
0xf: {  	s13 =	sadd.s32 s18, s13;
	s24 =	simm.s32 $0x2;
	[dreg:$0x3] =	wrdreg s5  }
0x10: {  	s6 =	sshll.u32 s6, $0x4;
	s8 =	sshrl.u32 s25, $0x3;
	s10 =	sshrl.u32 s10, $0x3  }
0x11: {  	s11 =	sadd.s32 s11, s20;
	s13 =	sshrl.u32 s13, $0x3;
	s14 =	sadd.s32 s14, s31  }
0x12: {  	s16 =	sadd.s32 s16, s31;
	s18 =	sadd.s32 s18, s19;
	s17 =	smax.u32 s17, $0x1  }
0x13: {  	s19 =	simm.s32 $0x1400;
	s20 =	simm.s32 $0x80;
	s25 =	simm.s32 $0x1380  }
0x14: {  	s26 =	sadd.s32 s4, s6;
	s8 =	sadd.s32 s15, s8;
	s10 =	sadd.s32 s15, s10  }
0x15: {  	s22 =	sshll.u32 s11, $0x4;
	s11 =	sadd.s32 s12, s21;
	s12 =	sadd.s32 s0, s13  }
0x16: {  	s14 =	sshrl.u32 s14, $0x3;
	s16 =	sshrl.u32 s16, $0x3;
	s18 =	sshrl.u32 s18, $0x3  }
0x17: {  	s21 =	simm.s32 $0x2800;
	[dreg:$0x4] =	wrdreg s26;
	s13 =	sadd.s32 s4, s22  }
0x18: {  	s14 =	sadd.s32 s15, s14;
	s15 =	sadd.s32 s15, s16;
	s16 =	sadd.s32 s0, s18  }
0x19: {  	s18 =	simm.s32 $0x3;
	s22 =	simm.s32 $0x6800;
	s26 =	simm.s32 $0x2700  }
.LBB2_1:
0x1a: {  	s0 =	rddreg [dreg:$0x3]  }
0x1b: {  	s5 =	rddreg [dreg:$0x4];
	s30 =	sshrl.u32 s0, $0x3  }
0x1c: {  	[spmem:s30], [sflag:s7] =	dma.local [hbm:s5], $0x2800  }
0x1d: {  	_ =	swait.ge [sflag:s18], $0x2800  }
0x1e: {  	[sflag:s18] =	ssyncset.done $0x0  }
0x1f: {  	[sflag:s18] =	ssyncadd.s32 $0xFFFFD800  }
0x20: {  	[bflag:$0x0] =	sbarrier.arrive $0xFFFF  }
0x21: {  	[tilespmem:s3], [sflag:$0x3] =	stream.linear.gather [hbm4b:s8+s3], $0x1400, $0x38;
	[tilespmem:$0x1E800] =	vst v63  }
0x22: {  	_ =	swait.ge [sflag:s18], $0x1400  }
0x23: {  	[sflag:s18] =	ssyncset.done $0x0  }
0x24: {  	[sflag:s18] =	ssyncadd.s32 $0xFFFFEC00  }
0x25: {  	[tilespmem:s19], [sflag:$0x3] =	stream.linear.gather [hbm4b:s9+s3], $0x1400, $0x38;
	[tilespmem:$0x1E800] =	vst v63  }
0x26: {  	_ =	swait.ge [sflag:s18], $0x1400  }
0x27: {  	[sflag:s18] =	ssyncset.done $0x0  }
0x28: {  	[sflag:s18] =	ssyncadd.s32 $0xFFFFEC00  }
0x29: {  	[tilespmem:s21], [sflag:$0x1] =	stream.indirect.gather [hbm4b:s4+s20], $0x80, s3, s20, $0xb8;
	[tilespmem:$0x1E800] =	vst v63  }
0x2a: {  	s6 =	simm.s32 $0x80  }
0x2b: {  	[tilespmem:s22], [sflag:$0x2] =	stream.indirect.gather [hbm4b:s4+s20], $0x80, s6, s20, $0xb8;
	[tilespmem:$0x1E800] =	vst v63  }
0x2c: {  	_ =	swait.ge [sflag:s23], $0x4000  }
0x2d: {  	[sflag:s23] =	ssyncset.done $0x0  }
0x2e: {  	s1 =	simm.s32 $0x1400;
	[sflag:s23] =	ssyncadd.s32 $0xFFFFC000  }
0x2f: {  	[spmem:s2] =	stream.indirect.scatter.add.f32 [tilespmem:s21], [sflag:$0x3], $0x80, s1, s20, $0xb8;
	[tilespmem:$0x1E800] =	vst v63  }
0x30: {  	_ =	swait.ge [sflag:s18], $0x4000  }
0x31: {  	[sflag:s18] =	ssyncset.done $0x0  }
0x32: {  	s5 =	simm.s32 $0x100;
	[sflag:s18] =	ssyncadd.s32 $0xFFFFC000  }
0x33: {  	[tilespmem:s21], [sflag:$0x1] =	stream.indirect.gather [hbm4b:s4+s20], $0x80, s5, s20, $0xb8;
	[tilespmem:$0x1E800] =	vst v63  }
0x34: {  	_ =	swait.ge [sflag:s24], $0x4000  }
0x35: {  	[sflag:s24] =	ssyncset.done $0x0  }
0x36: {  	s6 =	simm.s32 $0x1480;
	[sflag:s24] =	ssyncadd.s32 $0xFFFFC000  }
0x37: {  	[spmem:s2] =	stream.indirect.scatter.add.f32 [tilespmem:s22], [sflag:$0x3], $0x80, s6, s20, $0xb8;
	[tilespmem:$0x1E800] =	vst v63  }
0x38: {  	_ =	swait.ge [sflag:s18], $0x4000  }
0x39: {  	s31 =	simm.s32 $0x100;
	s0 =	simm.s32 $0x800;
	[sflag:s18] =	ssyncset.done $0x0  }
.LBB2_2:
0x3a: {  	s1 =	sadd.s32 $0x80, s31  }
0x3b: {  	[sflag:s18] =	ssyncadd.s32 $0xFFFFC000;
	s5 =	smov.u32 s0;
	s6 =	sadd.s32 $0x400, s0  }
0x3c: {  	[tilespmem:s22], [sflag:$0x2] =	stream.indirect.gather [hbm4b:s4+s20], $0x80, s1, s20, $0xb8;
	[tilespmem:$0x1E800] =	vst v63  }
0x3d: {  	p0 =	sne.s32 s0, $0x4800;
	_ =	swait.ge [sflag:s23], $0x4000  }
0x3e: {  	[sflag:s23] =	ssyncset.done $0x0  }
0x3f: {  	s0 =	sadd.s32 $0x1400, s31;
	[sflag:s23] =	ssyncadd.s32 $0xFFFFC000  }
0x40: {  	[spmem:s2] =	stream.indirect.scatter.add.f32 [tilespmem:s21], [sflag:$0x3], $0x80, s0, s20, $0xb8;
	[tilespmem:$0x1E800] =	vst v63  }
0x41: {  	_ =	swait.ge [sflag:s18], $0x4000  }
0x42: {  	[sflag:s18] =	ssyncset.done $0x0  }
0x43: {  	s0 =	sadd.s32 $0x100, s31;
	[sflag:s18] =	ssyncadd.s32 $0xFFFFC000  }
0x44: {  	[tilespmem:s21], [sflag:$0x1] =	stream.indirect.gather [hbm4b:s4+s20], $0x80, s0, s20, $0xb8;
	[tilespmem:$0x1E800] =	vst v63  }
0x45: {  	_ =	swait.ge [sflag:s24], $0x4000  }
.Ltmp0:
0x46: {  	[sflag:s24] =	ssyncset.done $0x0;
	(pc) =	sbr.rel @p0 .LBB2_2-.Ltmp0, $4  }
0x47: {  	s0 =	sadd.s32 $0x1480, s31;
	[sflag:s24] =	ssyncadd.s32 $0xFFFFC000  }
0x48: {  	[spmem:s2] =	stream.indirect.scatter.add.f32 [tilespmem:s22], [sflag:$0x3], $0x80, s0, s20, $0xb8;
	[tilespmem:$0x1E800] =	vst v63  }
0x49: {  	_ =	swait.ge [sflag:s18], $0x4000  }
0x4a: {  	s31 =	sshra.s32 s5, $0x2;
	s0 =	smov.u32 s6;
	[sflag:s18] =	ssyncset.done $0x0  }
0x4b: {  	s0 =	sadd.s32 $0x80, s31;
	[sflag:s18] =	ssyncadd.s32 $0xFFFFC000  }
0x4c: {  	[tilespmem:s22], [sflag:$0x2] =	stream.indirect.gather [hbm4b:s4+s20], $0x80, s0, s20, $0xb8;
	[tilespmem:$0x1E800] =	vst v63  }
0x4d: {  	_ =	swait.ge [sflag:s23], $0x4000  }
0x4e: {  	[sflag:s23] =	ssyncset.done $0x0  }
0x4f: {  	s5 =	sadd.s32 $0x1400, s31;
	[sflag:s23] =	ssyncadd.s32 $0xFFFFC000  }
0x50: {  	[spmem:s2] =	stream.indirect.scatter.add.f32 [tilespmem:s21], [sflag:$0x3], $0x80, s5, s20, $0xb8;
	[tilespmem:$0x1E800] =	vst v63  }
0x51: {  	_ =	swait.ge [sflag:s18], $0x4000  }
0x52: {  	[sflag:s18] =	ssyncset.done $0x0  }
0x53: {  	s6 =	sadd.s32 $0x100, s31;
	[sflag:s18] =	ssyncadd.s32 $0xFFFFC000  }
0x54: {  	[tilespmem:s21], [sflag:$0x1] =	stream.indirect.gather [hbm4b:s4+s20], $0x80, s6, s20, $0xb8;
	[tilespmem:$0x1E800] =	vst v63  }
0x55: {  	_ =	swait.ge [sflag:s24], $0x4000  }
0x56: {  	[sflag:s24] =	ssyncset.done $0x0  }
0x57: {  	s1 =	sadd.s32 $0x1480, s31;
	[sflag:s24] =	ssyncadd.s32 $0xFFFFC000  }
0x58: {  	[spmem:s2] =	stream.indirect.scatter.add.f32 [tilespmem:s22], [sflag:$0x3], $0x80, s1, s20, $0xb8;
	[tilespmem:$0x1E800] =	vst v63  }
0x59: {  	_ =	swait.ge [sflag:s18], $0x4000  }
0x5a: {  	[sflag:s18] =	ssyncset.done $0x0  }
0x5b: {  	[sflag:s18] =	ssyncadd.s32 $0xFFFFC000  }
0x5c: {  	[tilespmem:s22], [sflag:$0x2] =	stream.indirect.gather [hbm4b:s4+s20], $0x80, s25, s20, $0xb8;
	[tilespmem:$0x1E800] =	vst v63  }
0x5d: {  	_ =	swait.ge [sflag:s23], $0x4000  }
0x5e: {  	[sflag:s23] =	ssyncset.done $0x0  }
0x5f: {  	[sflag:s23] =	ssyncadd.s32 $0xFFFFC000  }
0x60: {  	[spmem:s2] =	stream.indirect.scatter.add.f32 [tilespmem:s21], [sflag:$0x3], $0x80, s26, s20, $0xb8;
	[tilespmem:$0x1E800] =	vst v63  }
0x61: {  	_ =	swait.ge [sflag:s18], $0x4000  }
0x62: {  	[sflag:s18] =	ssyncset.done $0x0  }
0x63: {  	[sflag:s18] =	ssyncadd.s32 $0xFFFFC000  }
0x64: {  	_ =	swait.ge [sflag:s24], $0x4000  }
0x65: {  	[sflag:s24] =	ssyncset.done $0x0  }
0x66: {  	[sflag:s24] =	ssyncadd.s32 $0xFFFFC000  }
0x67: {  	[spmem:s2] =	stream.indirect.scatter.add.f32 [tilespmem:s22], [sflag:$0x3], $0x80, s28, s20, $0xb8;
	[tilespmem:$0x1E800] =	vst v63  }
0x68: {  	_ =	swait.ge [sflag:s18], $0x4000  }
0x69: {  	[sflag:s18] =	ssyncset.done $0x0  }
0x6a: {  	s5 =	simm.s32 $0x0;
	[sflag:s18] =	ssyncadd.s32 $0xFFFFC000  }
0x6b: {  	[tilespmem:s5], [sflag:$0x3] =	stream.linear.gather [hbm4b:s10+s5], $0x1400, $0x38;
	[tilespmem:$0x1E800] =	vst v63  }
0x6c: {  	_ =	swait.ge [sflag:s18], $0x1400  }
0x6d: {  	[sflag:s18] =	ssyncset.done $0x0  }
0x6e: {  	[sflag:s18] =	ssyncadd.s32 $0xFFFFEC00  }
0x6f: {  	[tilespmem:s19], [sflag:$0x3] =	stream.linear.gather [hbm4b:s11+s5], $0x1400, $0x38;
	[tilespmem:$0x1E800] =	vst v63  }
0x70: {  	_ =	swait.ge [sflag:s18], $0x1400  }
0x71: {  	[sflag:s18] =	ssyncset.done $0x0  }
0x72: {  	[sflag:s18] =	ssyncadd.s32 $0xFFFFEC00  }
0x73: {  	[tilespmem:s21], [sflag:$0x1] =	stream.indirect.gather [hbm4b:s4+s20], $0x80, s5, s20, $0xb8;
	[tilespmem:$0x1E800] =	vst v63  }
0x74: {  	s6 =	simm.s32 $0x80  }
0x75: {  	[tilespmem:s22], [sflag:$0x2] =	stream.indirect.gather [hbm4b:s4+s20], $0x80, s6, s20, $0xb8;
	[tilespmem:$0x1E800] =	vst v63  }
0x76: {  	_ =	swait.ge [sflag:s23], $0x4000  }
0x77: {  	[sflag:s23] =	ssyncset.done $0x0  }
0x78: {  	s1 =	simm.s32 $0x1400;
	[sflag:s23] =	ssyncadd.s32 $0xFFFFC000  }
0x79: {  	[spmem:s2] =	stream.indirect.scatter.add.f32 [tilespmem:s21], [sflag:$0x3], $0x80, s1, s20, $0xb8;
	[tilespmem:$0x1E800] =	vst v63  }
0x7a: {  	_ =	swait.ge [sflag:s18], $0x4000  }
0x7b: {  	[sflag:s18] =	ssyncset.done $0x0  }
0x7c: {  	s5 =	simm.s32 $0x100;
	[sflag:s18] =	ssyncadd.s32 $0xFFFFC000  }
0x7d: {  	[tilespmem:s21], [sflag:$0x1] =	stream.indirect.gather [hbm4b:s4+s20], $0x80, s5, s20, $0xb8;
	[tilespmem:$0x1E800] =	vst v63  }
0x7e: {  	_ =	swait.ge [sflag:s24], $0x4000  }
0x7f: {  	[sflag:s24] =	ssyncset.done $0x0  }
0x80: {  	s6 =	simm.s32 $0x1480;
	[sflag:s24] =	ssyncadd.s32 $0xFFFFC000  }
0x81: {  	[spmem:s2] =	stream.indirect.scatter.add.f32 [tilespmem:s22], [sflag:$0x3], $0x80, s6, s20, $0xb8;
	[tilespmem:$0x1E800] =	vst v63  }
0x82: {  	_ =	swait.ge [sflag:s18], $0x4000  }
0x83: {  	s31 =	simm.s32 $0x100;
	s0 =	simm.s32 $0x800;
	[sflag:s18] =	ssyncset.done $0x0  }
.LBB2_4:
0x84: {  	s1 =	sadd.s32 $0x80, s31  }
0x85: {  	[sflag:s18] =	ssyncadd.s32 $0xFFFFC000;
	s5 =	smov.u32 s0;
	s6 =	sadd.s32 $0x400, s0  }
0x86: {  	[tilespmem:s22], [sflag:$0x2] =	stream.indirect.gather [hbm4b:s4+s20], $0x80, s1, s20, $0xb8;
	[tilespmem:$0x1E800] =	vst v63  }
0x87: {  	p0 =	sne.s32 s0, $0x4800;
	_ =	swait.ge [sflag:s23], $0x4000  }
0x88: {  	[sflag:s23] =	ssyncset.done $0x0  }
0x89: {  	s0 =	sadd.s32 $0x1400, s31;
	[sflag:s23] =	ssyncadd.s32 $0xFFFFC000  }
0x8a: {  	[spmem:s2] =	stream.indirect.scatter.add.f32 [tilespmem:s21], [sflag:$0x3], $0x80, s0, s20, $0xb8;
	[tilespmem:$0x1E800] =	vst v63  }
0x8b: {  	_ =	swait.ge [sflag:s18], $0x4000  }
0x8c: {  	[sflag:s18] =	ssyncset.done $0x0  }
0x8d: {  	s0 =	sadd.s32 $0x100, s31;
	[sflag:s18] =	ssyncadd.s32 $0xFFFFC000  }
0x8e: {  	[tilespmem:s21], [sflag:$0x1] =	stream.indirect.gather [hbm4b:s4+s20], $0x80, s0, s20, $0xb8;
	[tilespmem:$0x1E800] =	vst v63  }
0x8f: {  	_ =	swait.ge [sflag:s24], $0x4000  }
.Ltmp1:
0x90: {  	[sflag:s24] =	ssyncset.done $0x0;
	(pc) =	sbr.rel @p0 .LBB2_4-.Ltmp1, $4  }
0x91: {  	s0 =	sadd.s32 $0x1480, s31;
	[sflag:s24] =	ssyncadd.s32 $0xFFFFC000  }
0x92: {  	[spmem:s2] =	stream.indirect.scatter.add.f32 [tilespmem:s22], [sflag:$0x3], $0x80, s0, s20, $0xb8;
	[tilespmem:$0x1E800] =	vst v63  }
0x93: {  	_ =	swait.ge [sflag:s18], $0x4000  }
0x94: {  	s31 =	sshra.s32 s5, $0x2;
	s0 =	smov.u32 s6;
	[sflag:s18] =	ssyncset.done $0x0  }
0x95: {  	s0 =	sadd.s32 $0x80, s31;
	[sflag:s18] =	ssyncadd.s32 $0xFFFFC000  }
0x96: {  	[tilespmem:s22], [sflag:$0x2] =	stream.indirect.gather [hbm4b:s4+s20], $0x80, s0, s20, $0xb8;
	[tilespmem:$0x1E800] =	vst v63  }
0x97: {  	_ =	swait.ge [sflag:s23], $0x4000  }
0x98: {  	[sflag:s23] =	ssyncset.done $0x0  }
0x99: {  	s5 =	sadd.s32 $0x1400, s31;
	[sflag:s23] =	ssyncadd.s32 $0xFFFFC000  }
0x9a: {  	[spmem:s2] =	stream.indirect.scatter.add.f32 [tilespmem:s21], [sflag:$0x3], $0x80, s5, s20, $0xb8;
	[tilespmem:$0x1E800] =	vst v63  }
0x9b: {  	_ =	swait.ge [sflag:s18], $0x4000  }
0x9c: {  	[sflag:s18] =	ssyncset.done $0x0  }
0x9d: {  	s6 =	sadd.s32 $0x100, s31;
	[sflag:s18] =	ssyncadd.s32 $0xFFFFC000  }
0x9e: {  	[tilespmem:s21], [sflag:$0x1] =	stream.indirect.gather [hbm4b:s4+s20], $0x80, s6, s20, $0xb8;
	[tilespmem:$0x1E800] =	vst v63  }
0x9f: {  	_ =	swait.ge [sflag:s24], $0x4000  }
0xa0: {  	[sflag:s24] =	ssyncset.done $0x0  }
0xa1: {  	s1 =	sadd.s32 $0x1480, s31;
	[sflag:s24] =	ssyncadd.s32 $0xFFFFC000  }
0xa2: {  	[spmem:s2] =	stream.indirect.scatter.add.f32 [tilespmem:s22], [sflag:$0x3], $0x80, s1, s20, $0xb8;
	[tilespmem:$0x1E800] =	vst v63  }
0xa3: {  	_ =	swait.ge [sflag:s18], $0x4000  }
0xa4: {  	[sflag:s18] =	ssyncset.done $0x0  }
0xa5: {  	[sflag:s18] =	ssyncadd.s32 $0xFFFFC000  }
0xa6: {  	[tilespmem:s22], [sflag:$0x2] =	stream.indirect.gather [hbm4b:s4+s20], $0x80, s25, s20, $0xb8;
	[tilespmem:$0x1E800] =	vst v63  }
0xa7: {  	_ =	swait.ge [sflag:s23], $0x4000  }
0xa8: {  	[sflag:s23] =	ssyncset.done $0x0  }
0xa9: {  	[sflag:s23] =	ssyncadd.s32 $0xFFFFC000  }
0xaa: {  	[spmem:s2] =	stream.indirect.scatter.add.f32 [tilespmem:s21], [sflag:$0x3], $0x80, s26, s20, $0xb8;
	[tilespmem:$0x1E800] =	vst v63  }
0xab: {  	_ =	swait.ge [sflag:s18], $0x4000  }
0xac: {  	[sflag:s18] =	ssyncset.done $0x0  }
0xad: {  	[sflag:s18] =	ssyncadd.s32 $0xFFFFC000  }
0xae: {  	_ =	swait.ge [sflag:s24], $0x4000  }
0xaf: {  	[sflag:s24] =	ssyncset.done $0x0  }
0xb0: {  	[sflag:s24] =	ssyncadd.s32 $0xFFFFC000  }
0xb1: {  	[spmem:s2] =	stream.indirect.scatter.add.f32 [tilespmem:s22], [sflag:$0x3], $0x80, s28, s20, $0xb8;
	[tilespmem:$0x1E800] =	vst v63  }
0xb2: {  	_ =	swait.ge [sflag:s18], $0x4000  }
0xb3: {  	[sflag:s18] =	ssyncset.done $0x0  }
0xb4: {  	[sflag:s18] =	ssyncadd.s32 $0xFFFFC000  }
0xb5: {  	[bflag:$0x0] =	sbarrier.arrive $0xFFFF  }
0xb6: {  	[hbm:s12], [sflag:s7] =	dma.local [spmem:s30], $0x2800  }
0xb7: {  	_ =	swait.ge [sflag:s18], $0x2800  }
0xb8: {  	[sflag:s18] =	ssyncset.done $0x0  }
0xb9: {  	[sflag:s18] =	ssyncadd.s32 $0xFFFFD800  }
0xba: {  	[bflag:$0x0] =	sbarrier.arrive $0xFFFF  }
0xbb: {  	[spmem:s30], [sflag:s7] =	dma.local [hbm:s13], $0x2800  }
0xbc: {  	_ =	swait.ge [sflag:s18], $0x2800  }
0xbd: {  	[sflag:s18] =	ssyncset.done $0x0  }
0xbe: {  	[sflag:s18] =	ssyncadd.s32 $0xFFFFD800  }
0xbf: {  	s5 =	simm.s32 $0x0;
	[bflag:$0x0] =	sbarrier.arrive $0xFFFF  }
0xc0: {  	[tilespmem:s5], [sflag:$0x3] =	stream.linear.gather [hbm4b:s14+s5], $0x1400, $0x38;
	[tilespmem:$0x1E800] =	vst v63  }
0xc1: {  	_ =	swait.ge [sflag:s18], $0x1400  }
0xc2: {  	[sflag:s18] =	ssyncset.done $0x0  }
0xc3: {  	[sflag:s18] =	ssyncadd.s32 $0xFFFFEC00  }
0xc4: {  	[tilespmem:s19], [sflag:$0x3] =	stream.linear.gather [hbm4b:s9+s5], $0x1400, $0x38;
	[tilespmem:$0x1E800] =	vst v63  }
0xc5: {  	_ =	swait.ge [sflag:s18], $0x1400  }
0xc6: {  	[sflag:s18] =	ssyncset.done $0x0  }
0xc7: {  	[sflag:s18] =	ssyncadd.s32 $0xFFFFEC00  }
0xc8: {  	[tilespmem:s21], [sflag:$0x1] =	stream.indirect.gather [hbm4b:s4+s20], $0x80, s5, s20, $0xb8;
	[tilespmem:$0x1E800] =	vst v63  }
0xc9: {  	s6 =	simm.s32 $0x80  }
0xca: {  	[tilespmem:s22], [sflag:$0x2] =	stream.indirect.gather [hbm4b:s4+s20], $0x80, s6, s20, $0xb8;
	[tilespmem:$0x1E800] =	vst v63  }
0xcb: {  	_ =	swait.ge [sflag:s23], $0x4000  }
0xcc: {  	[sflag:s23] =	ssyncset.done $0x0  }
0xcd: {  	s1 =	simm.s32 $0x1400;
	[sflag:s23] =	ssyncadd.s32 $0xFFFFC000  }
0xce: {  	[spmem:s2] =	stream.indirect.scatter.add.f32 [tilespmem:s21], [sflag:$0x3], $0x80, s1, s20, $0xb8;
	[tilespmem:$0x1E800] =	vst v63  }
0xcf: {  	_ =	swait.ge [sflag:s18], $0x4000  }
0xd0: {  	[sflag:s18] =	ssyncset.done $0x0  }
0xd1: {  	s5 =	simm.s32 $0x100;
	[sflag:s18] =	ssyncadd.s32 $0xFFFFC000  }
0xd2: {  	[tilespmem:s21], [sflag:$0x1] =	stream.indirect.gather [hbm4b:s4+s20], $0x80, s5, s20, $0xb8;
	[tilespmem:$0x1E800] =	vst v63  }
0xd3: {  	_ =	swait.ge [sflag:s24], $0x4000  }
0xd4: {  	[sflag:s24] =	ssyncset.done $0x0  }
0xd5: {  	s6 =	simm.s32 $0x1480;
	[sflag:s24] =	ssyncadd.s32 $0xFFFFC000  }
0xd6: {  	[spmem:s2] =	stream.indirect.scatter.add.f32 [tilespmem:s22], [sflag:$0x3], $0x80, s6, s20, $0xb8;
	[tilespmem:$0x1E800] =	vst v63  }
0xd7: {  	_ =	swait.ge [sflag:s18], $0x4000  }
0xd8: {  	s31 =	simm.s32 $0x100;
	s0 =	simm.s32 $0x800;
	[sflag:s18] =	ssyncset.done $0x0  }
.LBB2_6:
0xd9: {  	s1 =	sadd.s32 $0x80, s31  }
0xda: {  	[sflag:s18] =	ssyncadd.s32 $0xFFFFC000;
	s5 =	smov.u32 s0;
	s6 =	sadd.s32 $0x400, s0  }
0xdb: {  	[tilespmem:s22], [sflag:$0x2] =	stream.indirect.gather [hbm4b:s4+s20], $0x80, s1, s20, $0xb8;
	[tilespmem:$0x1E800] =	vst v63  }
0xdc: {  	p0 =	sne.s32 s0, $0x4800;
	_ =	swait.ge [sflag:s23], $0x4000  }
0xdd: {  	[sflag:s23] =	ssyncset.done $0x0  }
0xde: {  	s0 =	sadd.s32 $0x1400, s31;
	[sflag:s23] =	ssyncadd.s32 $0xFFFFC000  }
0xdf: {  	[spmem:s2] =	stream.indirect.scatter.add.f32 [tilespmem:s21], [sflag:$0x3], $0x80, s0, s20, $0xb8;
	[tilespmem:$0x1E800] =	vst v63  }
0xe0: {  	_ =	swait.ge [sflag:s18], $0x4000  }
0xe1: {  	[sflag:s18] =	ssyncset.done $0x0  }
0xe2: {  	s0 =	sadd.s32 $0x100, s31;
	[sflag:s18] =	ssyncadd.s32 $0xFFFFC000  }
0xe3: {  	[tilespmem:s21], [sflag:$0x1] =	stream.indirect.gather [hbm4b:s4+s20], $0x80, s0, s20, $0xb8;
	[tilespmem:$0x1E800] =	vst v63  }
0xe4: {  	_ =	swait.ge [sflag:s24], $0x4000  }
.Ltmp2:
0xe5: {  	[sflag:s24] =	ssyncset.done $0x0;
	(pc) =	sbr.rel @p0 .LBB2_6-.Ltmp2, $4  }
0xe6: {  	s0 =	sadd.s32 $0x1480, s31;
	[sflag:s24] =	ssyncadd.s32 $0xFFFFC000  }
0xe7: {  	[spmem:s2] =	stream.indirect.scatter.add.f32 [tilespmem:s22], [sflag:$0x3], $0x80, s0, s20, $0xb8;
	[tilespmem:$0x1E800] =	vst v63  }
0xe8: {  	_ =	swait.ge [sflag:s18], $0x4000  }
0xe9: {  	s31 =	sshra.s32 s5, $0x2;
	s0 =	smov.u32 s6;
	[sflag:s18] =	ssyncset.done $0x0  }
0xea: {  	s0 =	sadd.s32 $0x80, s31;
	[sflag:s18] =	ssyncadd.s32 $0xFFFFC000  }
0xeb: {  	[tilespmem:s22], [sflag:$0x2] =	stream.indirect.gather [hbm4b:s4+s20], $0x80, s0, s20, $0xb8;
	[tilespmem:$0x1E800] =	vst v63  }
0xec: {  	_ =	swait.ge [sflag:s23], $0x4000  }
0xed: {  	[sflag:s23] =	ssyncset.done $0x0  }
0xee: {  	s5 =	sadd.s32 $0x1400, s31;
	[sflag:s23] =	ssyncadd.s32 $0xFFFFC000  }
0xef: {  	[spmem:s2] =	stream.indirect.scatter.add.f32 [tilespmem:s21], [sflag:$0x3], $0x80, s5, s20, $0xb8;
	[tilespmem:$0x1E800] =	vst v63  }
0xf0: {  	_ =	swait.ge [sflag:s18], $0x4000  }
0xf1: {  	[sflag:s18] =	ssyncset.done $0x0  }
0xf2: {  	s6 =	sadd.s32 $0x100, s31;
	[sflag:s18] =	ssyncadd.s32 $0xFFFFC000  }
0xf3: {  	[tilespmem:s21], [sflag:$0x1] =	stream.indirect.gather [hbm4b:s4+s20], $0x80, s6, s20, $0xb8;
	[tilespmem:$0x1E800] =	vst v63  }
0xf4: {  	_ =	swait.ge [sflag:s24], $0x4000  }
0xf5: {  	[sflag:s24] =	ssyncset.done $0x0  }
0xf6: {  	s1 =	sadd.s32 $0x1480, s31;
	[sflag:s24] =	ssyncadd.s32 $0xFFFFC000  }
0xf7: {  	[spmem:s2] =	stream.indirect.scatter.add.f32 [tilespmem:s22], [sflag:$0x3], $0x80, s1, s20, $0xb8;
	[tilespmem:$0x1E800] =	vst v63  }
0xf8: {  	_ =	swait.ge [sflag:s18], $0x4000  }
0xf9: {  	[sflag:s18] =	ssyncset.done $0x0  }
0xfa: {  	[sflag:s18] =	ssyncadd.s32 $0xFFFFC000  }
0xfb: {  	[tilespmem:s22], [sflag:$0x2] =	stream.indirect.gather [hbm4b:s4+s20], $0x80, s25, s20, $0xb8;
	[tilespmem:$0x1E800] =	vst v63  }
0xfc: {  	_ =	swait.ge [sflag:s23], $0x4000  }
0xfd: {  	[sflag:s23] =	ssyncset.done $0x0  }
0xfe: {  	[sflag:s23] =	ssyncadd.s32 $0xFFFFC000  }
0xff: {  	[spmem:s2] =	stream.indirect.scatter.add.f32 [tilespmem:s21], [sflag:$0x3], $0x80, s26, s20, $0xb8;
	[tilespmem:$0x1E800] =	vst v63  }
0x100: {  	_ =	swait.ge [sflag:s18], $0x4000  }
0x101: {  	[sflag:s18] =	ssyncset.done $0x0  }
0x102: {  	[sflag:s18] =	ssyncadd.s32 $0xFFFFC000  }
0x103: {  	_ =	swait.ge [sflag:s24], $0x4000  }
0x104: {  	[sflag:s24] =	ssyncset.done $0x0  }
0x105: {  	[sflag:s24] =	ssyncadd.s32 $0xFFFFC000  }
0x106: {  	[spmem:s2] =	stream.indirect.scatter.add.f32 [tilespmem:s22], [sflag:$0x3], $0x80, s28, s20, $0xb8;
	[tilespmem:$0x1E800] =	vst v63  }
0x107: {  	_ =	swait.ge [sflag:s18], $0x4000  }
0x108: {  	[sflag:s18] =	ssyncset.done $0x0  }
0x109: {  	s5 =	simm.s32 $0x0;
	[sflag:s18] =	ssyncadd.s32 $0xFFFFC000  }
0x10a: {  	[tilespmem:s5], [sflag:$0x3] =	stream.linear.gather [hbm4b:s15+s5], $0x1400, $0x38;
	[tilespmem:$0x1E800] =	vst v63  }
0x10b: {  	_ =	swait.ge [sflag:s18], $0x1400  }
0x10c: {  	[sflag:s18] =	ssyncset.done $0x0  }
0x10d: {  	[sflag:s18] =	ssyncadd.s32 $0xFFFFEC00  }
0x10e: {  	[tilespmem:s19], [sflag:$0x3] =	stream.linear.gather [hbm4b:s11+s5], $0x1400, $0x38;
	[tilespmem:$0x1E800] =	vst v63  }
0x10f: {  	_ =	swait.ge [sflag:s18], $0x1400  }
0x110: {  	[sflag:s18] =	ssyncset.done $0x0  }
0x111: {  	[sflag:s18] =	ssyncadd.s32 $0xFFFFEC00  }
0x112: {  	[tilespmem:s21], [sflag:$0x1] =	stream.indirect.gather [hbm4b:s4+s20], $0x80, s5, s20, $0xb8;
	[tilespmem:$0x1E800] =	vst v63  }
0x113: {  	s6 =	simm.s32 $0x80  }
0x114: {  	[tilespmem:s22], [sflag:$0x2] =	stream.indirect.gather [hbm4b:s4+s20], $0x80, s6, s20, $0xb8;
	[tilespmem:$0x1E800] =	vst v63  }
0x115: {  	_ =	swait.ge [sflag:s23], $0x4000  }
0x116: {  	[sflag:s23] =	ssyncset.done $0x0  }
0x117: {  	s1 =	simm.s32 $0x1400;
	[sflag:s23] =	ssyncadd.s32 $0xFFFFC000  }
0x118: {  	[spmem:s2] =	stream.indirect.scatter.add.f32 [tilespmem:s21], [sflag:$0x3], $0x80, s1, s20, $0xb8;
	[tilespmem:$0x1E800] =	vst v63  }
0x119: {  	_ =	swait.ge [sflag:s18], $0x4000  }
0x11a: {  	[sflag:s18] =	ssyncset.done $0x0  }
0x11b: {  	s5 =	simm.s32 $0x100;
	[sflag:s18] =	ssyncadd.s32 $0xFFFFC000  }
0x11c: {  	[tilespmem:s21], [sflag:$0x1] =	stream.indirect.gather [hbm4b:s4+s20], $0x80, s5, s20, $0xb8;
	[tilespmem:$0x1E800] =	vst v63  }
0x11d: {  	_ =	swait.ge [sflag:s24], $0x4000  }
0x11e: {  	[sflag:s24] =	ssyncset.done $0x0  }
0x11f: {  	s6 =	simm.s32 $0x1480;
	[sflag:s24] =	ssyncadd.s32 $0xFFFFC000  }
0x120: {  	[spmem:s2] =	stream.indirect.scatter.add.f32 [tilespmem:s22], [sflag:$0x3], $0x80, s6, s20, $0xb8;
	[tilespmem:$0x1E800] =	vst v63  }
0x121: {  	_ =	swait.ge [sflag:s18], $0x4000  }
0x122: {  	s31 =	simm.s32 $0x100;
	s0 =	simm.s32 $0x800;
	[sflag:s18] =	ssyncset.done $0x0  }
.LBB2_8:
0x123: {  	s1 =	sadd.s32 $0x80, s31  }
0x124: {  	[sflag:s18] =	ssyncadd.s32 $0xFFFFC000;
	s5 =	smov.u32 s0;
	s6 =	sadd.s32 $0x400, s0  }
0x125: {  	[tilespmem:s22], [sflag:$0x2] =	stream.indirect.gather [hbm4b:s4+s20], $0x80, s1, s20, $0xb8;
	[tilespmem:$0x1E800] =	vst v63  }
0x126: {  	p0 =	sne.s32 s0, $0x4800;
	_ =	swait.ge [sflag:s23], $0x4000  }
0x127: {  	[sflag:s23] =	ssyncset.done $0x0  }
0x128: {  	s0 =	sadd.s32 $0x1400, s31;
	[sflag:s23] =	ssyncadd.s32 $0xFFFFC000  }
0x129: {  	[spmem:s2] =	stream.indirect.scatter.add.f32 [tilespmem:s21], [sflag:$0x3], $0x80, s0, s20, $0xb8;
	[tilespmem:$0x1E800] =	vst v63  }
0x12a: {  	_ =	swait.ge [sflag:s18], $0x4000  }
0x12b: {  	[sflag:s18] =	ssyncset.done $0x0  }
0x12c: {  	s0 =	sadd.s32 $0x100, s31;
	[sflag:s18] =	ssyncadd.s32 $0xFFFFC000  }
0x12d: {  	[tilespmem:s21], [sflag:$0x1] =	stream.indirect.gather [hbm4b:s4+s20], $0x80, s0, s20, $0xb8;
	[tilespmem:$0x1E800] =	vst v63  }
0x12e: {  	_ =	swait.ge [sflag:s24], $0x4000  }
.Ltmp3:
0x12f: {  	[sflag:s24] =	ssyncset.done $0x0;
	(pc) =	sbr.rel @p0 .LBB2_8-.Ltmp3, $4  }
0x130: {  	s0 =	sadd.s32 $0x1480, s31;
	[sflag:s24] =	ssyncadd.s32 $0xFFFFC000  }
0x131: {  	[spmem:s2] =	stream.indirect.scatter.add.f32 [tilespmem:s22], [sflag:$0x3], $0x80, s0, s20, $0xb8;
	[tilespmem:$0x1E800] =	vst v63  }
0x132: {  	_ =	swait.ge [sflag:s18], $0x4000  }
0x133: {  	s31 =	sshra.s32 s5, $0x2;
	s0 =	smov.u32 s6;
	[sflag:s18] =	ssyncset.done $0x0  }
0x134: {  	s0 =	sadd.s32 $0x80, s31;
	[sflag:s18] =	ssyncadd.s32 $0xFFFFC000  }
0x135: {  	[tilespmem:s22], [sflag:$0x2] =	stream.indirect.gather [hbm4b:s4+s20], $0x80, s0, s20, $0xb8;
	[tilespmem:$0x1E800] =	vst v63  }
0x136: {  	_ =	swait.ge [sflag:s23], $0x4000  }
0x137: {  	[sflag:s23] =	ssyncset.done $0x0  }
0x138: {  	s5 =	sadd.s32 $0x1400, s31;
	[sflag:s23] =	ssyncadd.s32 $0xFFFFC000  }
0x139: {  	[spmem:s2] =	stream.indirect.scatter.add.f32 [tilespmem:s21], [sflag:$0x3], $0x80, s5, s20, $0xb8;
	[tilespmem:$0x1E800] =	vst v63  }
0x13a: {  	_ =	swait.ge [sflag:s18], $0x4000  }
0x13b: {  	[sflag:s18] =	ssyncset.done $0x0  }
0x13c: {  	s6 =	sadd.s32 $0x100, s31;
	[sflag:s18] =	ssyncadd.s32 $0xFFFFC000  }
0x13d: {  	[tilespmem:s21], [sflag:$0x1] =	stream.indirect.gather [hbm4b:s4+s20], $0x80, s6, s20, $0xb8;
	[tilespmem:$0x1E800] =	vst v63  }
0x13e: {  	_ =	swait.ge [sflag:s24], $0x4000  }
0x13f: {  	[sflag:s24] =	ssyncset.done $0x0  }
0x140: {  	s31 =	sadd.s32 $0x1480, s31;
	[sflag:s24] =	ssyncadd.s32 $0xFFFFC000  }
0x141: {  	[spmem:s2] =	stream.indirect.scatter.add.f32 [tilespmem:s22], [sflag:$0x3], $0x80, s31, s20, $0xb8;
	[tilespmem:$0x1E800] =	vst v63  }
0x142: {  	_ =	swait.ge [sflag:s18], $0x4000  }
0x143: {  	[sflag:s18] =	ssyncset.done $0x0  }
0x144: {  	[sflag:s18] =	ssyncadd.s32 $0xFFFFC000  }
0x145: {  	[tilespmem:s22], [sflag:$0x2] =	stream.indirect.gather [hbm4b:s4+s20], $0x80, s25, s20, $0xb8;
	[tilespmem:$0x1E800] =	vst v63  }
0x146: {  	_ =	swait.ge [sflag:s23], $0x4000  }
0x147: {  	[sflag:s23] =	ssyncset.done $0x0  }
0x148: {  	[sflag:s23] =	ssyncadd.s32 $0xFFFFC000  }
0x149: {  	[spmem:s2] =	stream.indirect.scatter.add.f32 [tilespmem:s21], [sflag:$0x3], $0x80, s26, s20, $0xb8;
	[tilespmem:$0x1E800] =	vst v63  }
0x14a: {  	_ =	swait.ge [sflag:s18], $0x4000  }
0x14b: {  	[sflag:s18] =	ssyncset.done $0x0  }
0x14c: {  	[sflag:s18] =	ssyncadd.s32 $0xFFFFC000  }
0x14d: {  	_ =	swait.ge [sflag:s24], $0x4000  }
0x14e: {  	[sflag:s24] =	ssyncset.done $0x0  }
0x14f: {  	[sflag:s24] =	ssyncadd.s32 $0xFFFFC000  }
0x150: {  	[spmem:s2] =	stream.indirect.scatter.add.f32 [tilespmem:s22], [sflag:$0x3], $0x80, s28, s20, $0xb8;
	[tilespmem:$0x1E800] =	vst v63  }
0x151: {  	_ =	swait.ge [sflag:s18], $0x4000  }
0x152: {  	[sflag:s18] =	ssyncset.done $0x0  }
0x153: {  	s29 =	sadd.s32 $0x1, s29;
	[sflag:s18] =	ssyncadd.s32 $0xFFFFC000  }
0x154: {  	p0 =	sne.s32 s29, s17;
	[bflag:$0x0] =	sbarrier.arrive $0xFFFF  }
0x155: {  	[hbm:s16], [sflag:s7] =	dma.local [spmem:s30], $0x2800  }
.Ltmp4:
0x156: {  	_ =	swait.ge [sflag:s18], $0x2800;
	(pc) =	sbr.rel @p0 .LBB2_1-.Ltmp4, $3  }
0x157: {  	[sflag:s18] =	ssyncset.done $0x0  }
0x158: {  	[sflag:s18] =	ssyncadd.s32 $0xFFFFD800  }
0x159: {  	[bflag:$0x0] =	sbarrier.arrive $0xFFFF;
	_ =	sdelay $0x1  }
0x15a: {  	_ =	sfence.sel $0x180000  }
0x15b: {  	[bflag:$0x0] =	sbarrier.arrive $0xFFFF  }
0x15c: {  	_ =	strace $0x9000004A  }
0x15d: {  	s0 =	stileid.u32;
	[bflag:$0x2] =	sbarrier.arrive $0xFFFF  }
0x15e: {  	p0 =	sne.s32 s0, $0x0;
	s0 =	rddreg [dreg:$0x2]  }
0x15f: {  	s0 =	sadd.s32 @!p0 $0x100000, s0  }
0x160: {  	[sflag:s0] =	ssyncadd.tile.s32 @!p0 $0x1;
	_ =	shalt  }
.Lfunc_end2:
_tile_overlayer_lowered:
.L_overlay_start_2:
0x161: {  	(tag) =	ssettag $0x2  }
0x162: {  	s0 =	rddreg [dreg:$0x0];
	s2 =	stileid.u32  }
0x163: {  	s1 =	rddreg [dreg:$0x1];
	p0 =	sne.s32 s2, $0x0  }
0x164: {  	s3 =	rddreg [dreg:$0x2];
	[bflag:$0x3] =	sbarrier.arrive $0xFFFF;
	s2 =	simm.s32 @!p0 $0x1C03  }
0x165: {  	[timem:s3], [sflag:s2] =	dma.local @!p0 [hbm:s0], s1  }
0x166: {  	s0 =	simm.s32 @!p0 $0x3  }
0x167: {  	_ =	swait.ge @!p0 [sflag:s0], s1  }
0x168: {  	s1 =	ssub.s32 @!p0 $0x0, s1;
	[sflag:s0] =	ssyncset.done @!p0 $0x0  }
0x169: {  	[sflag:s0] =	ssyncadd.s32 @!p0 s1  }
0x16a: {  	[bflag:$0x3] =	sbarrier.arrive $0xFFFF  }
0x16b: {  	_ =	shalt  }

// kernel: kernel.22.cloned.1.call-start
scs
__scs_entry_jumppad:
0x0: {  	(pc) =	sbr.rel $0x88, $3  }
0x1: {  	(tag) =	ssettag $0x0;
	lr =	simm.s32 $0x1  }
0x2: {  	[smem:$0x3F8B] =	sst lr;
	_ =	strace $0xD0000000  }
0x3: {  	_ = 	snop  }
0x4: {  	_ = 	snop  }
0x5: {  	_ = 	snop  }
0x6: {  	_ = 	snop  }
0x7: {  	_ = 	snop  }
__scs_overlays_trampoline_lowered:
0x8: {  	[smem:$0x3F9A] =	sst s0  }
0x9: {  	[smem:$0x3F9B] =	sst s1  }
0xa: {  	[smem:$0x3F9C] =	sst s2  }
0xb: {  	[smem:$0x3F9D] =	sst s3  }
0xc: {  	[smem:$0x3F9E] =	sst s4  }
0xd: {  	[smem:$0x3F9F] =	sst s5  }
0xe: {  	[smem:$0x3FA0] =	sst s6  }
0xf: {  	[smem:$0x3FA1] =	sst s7  }
0x10: {  	[smem:$0x3FA2] =	sst s8  }
0x11: {  	[smem:$0x3FA3] =	sst s9;
	s0 =	simm.s32 @!p0 $0x0  }
0x12: {  	s1 =	sld [smem:$0x3F89];
	s0 =	simm.s32 @p0 $0x1  }
0x13: {  	[smem:$0x3FA4] =	sst s0;
	s0 =	simm.s32 @!p1 $0x0  }
0x14: {  	s2 =	sld [smem:$0x3F88];
	s0 =	simm.s32 @p1 $0x1  }
0x15: {  	[smem:$0x3FA5] =	sst s0;
	s0 =	simm.s32 @!p2 $0x0  }
0x16: {  	s3 =	sld [smem:$0x3FDB];
	s0 =	simm.s32 @p2 $0x1  }
0x17: {  	s4 =	simm.s32 $0x1BF5;
	[smem:$0x3FA7] =	sst s0  }
0x18: {  	s0 =	sld [smem:$0x3F8A];
	_ =	swait.ge [sflag:s4], $0x0  }
0x19: {  	s7 =	sld [smem:$0x3F8B]  }
0x1a: {  	s8 =	sadd.s32 $0xFFFFE003, lr  }
0x1b: {  	s9 =	sadd.s32 $0xFFFFFEF7, lr;
	s5 =	simm.s32 $0xFFFFFFFF;
	p2 =	slt.u32 s8, $0xFFFFF086  }
0x1c: {  	p1 =	slt.u32 s9, $0xF7A;
	s5 =	simm.s32 @!p2 $0x0  }
0x1d: {  	s5 =	simm.s32 @p1 $0x1;
	p0 =	seq.s32 s7, s2  }
0x1e: {  	s7 =	smul.u32 @!p0 $0xF7A, s2;
	p2 =	seq.s32 @!p0 s5, $0x0  }
0x1f: {  	s9 =	smul.u32 $0xF7A, s1;
	s8 =	simm.s32 @!p0 $0x1BF5;
	p2 =	por !p2, p0  }
0x20: {  	[sflag:s8] =	ssyncset.s32 @!p0 $0xFFFFF086;
	s6 =	sadd.s32 @!p0 s3, s7;
	s7 =	simm.s32 @!p0 $0x108  }
0x21: {  	s3 =	sadd.s32 s3, s9;
	s6 =	sadd.s32 @!p0 $0x88, s6;
	s7 =	simm.s32 @p2 $0x1082  }
0x22: {  	[simem:s7], [sflag:s8] =	dma.local @!p0 [hbm:s6], $0xF7A  }
0x23: {  	s9 =	sor.u32 $0xD0000000, s2;
	s6 =	simm.s32 $0x108;
	_ =	swait.ge @!p0 [sflag:s8], $0x0  }
0x24: {  	s3 =	sadd.s32 $0x88, s3;
	s6 =	simm.s32 @!p1 $0x1082;
	[sflag:s4] =	ssyncset.s32 $0xFFFFF086  }
0x25: {  	[simem:s6], [sflag:s4] =	dma.local [hbm:s3], $0xF7A  }
0x26: {  	[smem:$0x3F8B] =	sst s1;
	(tag) =	ssettag s2;
	_ =	strace s9  }
0x27: {  	s1 =	sld [smem:$0x3F9B]  }
0x28: {  	s2 =	sld [smem:$0x3F9C]  }
0x29: {  	s4 =	sld [smem:$0x3F9E]  }
0x2a: {  	p0 =	seq.s32 s5, $0x0;
	s5 =	sld [smem:$0x3F9F]  }
0x2b: {  	s6 =	sld [smem:$0x3FA0]  }
0x2c: {  	s7 =	sld [smem:$0x3FA1]  }
0x2d: {  	s3 =	simm.s32 $0x108;
	s8 =	sld [smem:$0x3FA2]  }
0x2e: {  	s3 =	simm.s32 @!p0 $0x1082;
	s9 =	sld [smem:$0x3FA3]  }
0x2f: {  	lr =	sadd.s32 s0, s3;
	s0 =	sld [smem:$0x3F9A]  }
0x30: {  	s3 =	sld [smem:$0x3F9D]  }
0x31: {  	[smem:$0x3FA6] =	sst s10  }
0x32: {  	s10 =	sld [smem:$0x3FA4];
	_ =	sdelay $0x3  }
0x33: {  	p0 =	seq.s32 s10, $0x1;
	s10 =	sld [smem:$0x3FA6];
	_ =	sdelay $0x3  }
0x34: {  	[smem:$0x3FA6] =	sst s10  }
0x35: {  	s10 =	sld [smem:$0x3FA5];
	_ =	sdelay $0x3  }
0x36: {  	p1 =	seq.s32 s10, $0x1;
	s10 =	sld [smem:$0x3FA6];
	_ =	sdelay $0x3  }
0x37: {  	[smem:$0x3FA6] =	sst s10  }
0x38: {  	s10 =	sld [smem:$0x3FA7]  }
0x39: {  	_ = 	snop;
	(pc) =	sbr.ind lr, $3  }
0x3a: {  	_ = 	snop  }
0x3b: {  	_ = 	snop  }
0x3c: {  	p2 =	seq.s32 s10, $0x1;
	s10 =	sld [smem:$0x3FA6]  }
0x3d: {  	_ =	shalt  }
0x3e: {  	_ =	shalt  }
0x3f: {  	_ =	shalt  }
0x40: {  	_ =	shalt  }
0x41: {  	_ =	shalt  }
0x42: {  	_ =	shalt  }
0x43: {  	_ =	shalt  }
0x44: {  	_ =	shalt  }
0x45: {  	_ =	shalt  }
0x46: {  	_ =	shalt  }
0x47: {  	_ =	shalt  }
0x48: {  	_ =	shalt  }
0x49: {  	_ =	shalt  }
0x4a: {  	_ =	shalt  }
0x4b: {  	_ =	shalt  }
0x4c: {  	_ =	shalt  }
0x4d: {  	_ =	shalt  }
0x4e: {  	_ =	shalt  }
0x4f: {  	_ =	shalt  }
0x50: {  	_ =	shalt  }
0x51: {  	_ =	shalt  }
0x52: {  	_ =	shalt  }
0x53: {  	_ =	shalt  }
0x54: {  	_ =	shalt  }
0x55: {  	_ =	shalt  }
0x56: {  	_ =	shalt  }
0x57: {  	_ =	shalt  }
0x58: {  	_ =	shalt  }
0x59: {  	_ =	shalt  }
0x5a: {  	_ =	shalt  }
0x5b: {  	_ =	shalt  }
0x5c: {  	_ =	shalt  }
0x5d: {  	_ =	shalt  }
0x5e: {  	_ =	shalt  }
0x5f: {  	_ =	shalt  }
0x60: {  	_ =	shalt  }
0x61: {  	_ =	shalt  }
0x62: {  	_ =	shalt  }
0x63: {  	_ =	shalt  }
0x64: {  	_ =	shalt  }
0x65: {  	_ =	shalt  }
0x66: {  	_ =	shalt  }
0x67: {  	_ =	shalt  }
0x68: {  	_ =	shalt  }
0x69: {  	_ =	shalt  }
0x6a: {  	_ =	shalt  }
0x6b: {  	_ =	shalt  }
0x6c: {  	_ =	shalt  }
0x6d: {  	_ =	shalt  }
0x6e: {  	_ =	shalt  }
0x6f: {  	_ =	shalt  }
0x70: {  	_ =	shalt  }
0x71: {  	_ =	shalt  }
0x72: {  	_ =	shalt  }
0x73: {  	_ =	shalt  }
0x74: {  	_ =	shalt  }
0x75: {  	_ =	shalt  }
0x76: {  	_ =	shalt  }
0x77: {  	_ =	shalt  }
0x78: {  	_ =	shalt  }
0x79: {  	_ =	shalt  }
0x7a: {  	_ =	shalt  }
0x7b: {  	_ =	shalt  }
0x7c: {  	_ =	shalt  }
0x7d: {  	_ =	shalt  }
0x7e: {  	_ =	shalt  }
0x7f: {  	_ =	shalt  }
0x80: {  	_ =	shalt  }
0x81: {  	_ =	shalt  }
0x82: {  	_ =	shalt  }
0x83: {  	_ =	shalt  }
0x84: {  	_ =	shalt  }
0x85: {  	_ =	shalt  }
0x86: {  	_ =	shalt  }
0x87: {  	_ =	shalt  }
.Lfunc_end0:
.L_simem_size_0:
called_computation.2_lowered:
.L_overlay_start_0:
0x88: {  	s2 =	sld [smem:$0x3FD9]  }
0x89: {  	s3 =	sld [smem:$0x3FFE];
	_ =	sdelay $0x1  }
0x8a: {  	s1 =	srdreg.scid  }
0x8b: {  	s0 =	sand.u32 $0x1, s1  }
0x8c: {  	s16 =	sshll.u32 s0, $0xA;
	s2 =	sadd.s32 s3, s2  }
0x8d: {  	s2 =	sadd.s32 s2, s16  }
0x8e: {  	[smem:$0x3FB2] =	sst s2  }
0x8f: {  	_ = 	snop  }
0x90: {  	(tm) =	ssettm $0x1  }
0x91: {  	s17 =	sld [smem:$0x3FFB];
	_ =	sdelay $0x3  }
0x92: {  	_ =	strace s17  }
0x93: {  	s2 =	sld [smem:$0x3FFC];
	_ =	sdelay $0x3  }
0x94: {  	_ =	strace s2  }
0x95: {  	s2 =	sld [smem:$0x3FFD];
	_ =	sdelay $0x3  }
0x96: {  	_ =	strace s2  }
0x97: {  	_ =	strace $0x8FFFFFFF  }
0x98: {  	s18 =	sld [smem:$0x3FDB];
	_ =	sdelay $0x1  }
0x99: {  	s19 =	simm.s32 $_scs_section_size  }
0x9a: {  	s4 =	simm.s32 $_size__tile_overlayer_lowered;
	s5 =	simm.s32 $_tile_overlayer_lowered  }
0x9b: {  	s22 =	simm.s32 $0x1BFF;
	s21 =	sshll.u32 s5, $0x1;
	s2 =	sadd.s32 s19, s18  }
0x9c: {  	s6 =	simm.s32 $0x0;
	s20 =	sshll.u32 s4, $0x1;
	s4 =	sadd.s32 s21, s2  }
0x9d: {  	[timem:s6], [sflag:s22] =	dma.local [hbm:s4], s20  }
0x9e: {  	_ =	swait.ge [sflag:s22], s20  }
0x9f: {  	s3 =	ssub.s32 $0x0, s20;
	[sflag:s22] =	ssyncset.done $0x0  }
0xa0: {  	[sflag:s22] =	ssyncadd.s32 s3;
	_ =	sdelay $0x1  }
0xa1: {  	s23 =	simm.s32 $0x1B8B  }
0xa2: {  	_ =	swait.ge [sflag:s23], $0x1  }
0xa3: {  	[sflag:s23] =	ssyncset.done $0x0  }
0xa4: {  	s25 =	simm.s32 $0x1B8E;
	s24 =	sld [smem:$0x3FFE];
	[sflag:s23] =	ssyncadd.s32 $0xFFFFFFFF  }
0xa5: {  	s26 =	simm.s32 $execute0_lowered;
	[smem:$0x3FD2] =	sst s25  }
0xa6: {  	s4 =	sshll.u32 s26, $0x1;
	_ =	strace $0x8000004C;
	[dreg:$0x1] =	wrdreg $0xFFFFFFFF  }
0xa7: {  	s28 =	simm.s32 $_size_execute0_lowered;
	s2 =	sadd.s32 s2, s4;
	[dreg:$0x0] =	wrdreg $0x0  }
0xa8: {  	s4 =	sshll.u32 s28, $0x1;
	[dreg:$0x2] =	wrdreg s2  }
0xa9: {  	[dreg:$0x3] =	wrdreg s4  }
0xaa: {  	[dreg:$0x4] =	wrdreg $0xC0  }
0xab: {  	_ =	task [dreg:s6], $0x5FFFF  }
0xac: {  	[dreg:$0x1] =	wrdreg $0xFFFFFFFF  }
0xad: {  	[dreg:$0x0] =	wrdreg $0x60  }
0xae: {  	[dreg:$0x2] =	wrdreg s24  }
0xaf: {  	[dreg:$0x3] =	wrdreg $0xA8000  }
0xb0: {  	[dreg:$0x4] =	wrdreg $0x9  }
0xb1: {  	_ =	task.clear_ibuf [dreg:s6], $0x5FFFF;
	_ =	strace $0x9000004C  }
0xb2: {  	s29 =	simm.s32 $0x9;
	_ =	strace $0x8000004E  }
0xb3: {  	_ =	swait.ge [sflag:s29], $0x1  }
0xb4: {  	[sflag:s29] =	ssyncadd.s32 $0xFFFFFFFF  }
0xb5: {  	_ =	strace $0x9000004E  }
0xb6: {  	_ =	sfence  }
0xb7: {  	s30 =	sld [smem:$0x0];
	_ =	sdelay $0x2  }
0xb8: {  	s31 =	sshll.u32 s1, $0xD;
	s1 =	sshrl.u32 s1, $0x2  }
0xb9: {  	s3 =	sand.u32 $0x4000, s31;
	s1 =	sadd.s32 s1, s30  }
0xba: {  	s0 =	sor.u32 s3, s0;
	s1 =	sshll.u32 s1, $0x11  }
0xbb: {  	s0 =	sor.u32 s1, s0  }
0xbc: {  	s0 =	sadd.s32 $0x8F2B, s0  }
0xbd: {  	[sflag:s0] =	ssyncadd.remote.s32 $0x1  }
0xbe: {  	_ =	sfence.sel $0xFFFF  }
0xbf: {  	[dreg:$0x0] =	wrdreg $0xFFFFFFFF;
	(pc) =	sbr.abs _section_cstart, $3  }
0xc0: {  	[dreg:$0x1] =	wrdreg $0xFFFFFFFF  }
0xc1: {  	_ =	task.clear_ibuf [dreg:s6], $0x2FFFF;
	_ =	strace $0x9FFFFFFF  }
0xc2: {  	(tm) =	ssettm $0x7FFFFFFF  }
0xc3: {  	_ =	shalt  }
tec
execute0_lowered:
.L_overlay_start_1:
0x0: {  	(tag) =	ssettag $0x1  }
0x1: {  	s0 =	rddreg [dreg:$0x0];
	s1 =	stileid.u32  }
0x2: {  	s2 =	rddreg [dreg:$0x1];
	s11 =	smul.u32 $0x280, s1  }
0x3: {  	s3 =	simm.s32 $0x0;
	s5 =	srdreg.scid;
	s23 =	smul.u32 $0x50000, s1  }
0x4: {  	s28 =	simm.s32 $0x2780;
	s29 =	simm.s32 $0x0;
	s14 =	smul.u32 $0x2800, s1  }
0x5: {  	[smem:$0x7FF] =	sst s3;
	s9 =	sand.u32 $0x1, s5;
	s18 =	smul.u32 $0x14000, s1  }
0x6: {  	s4 =	sadd.s32 $0xE2200, s0;
	s15 =	sadd.s32 $0x31E00, s0;
	s6 =	smul.u32 $0x5000, s9  }
0x7: {  	s12 =	sadd.s32 $0xEE00, s0;
	s0 =	sadd.s32 $0x182200, s0;
	s10 =	smul.u32 $0x50000, s9  }
0x8: {  	s24 =	sshll.u32 s1, $0x6;
	s13 =	smul.u32 $0x280000, s9;
	s19 =	sshllo.u32 s9, $0x1  }
0x9: {  	_ =	strace $0x8000004D;
	s7 =	ssub.s32 $0x2, s9;
	s20 =	smul.u32 $0x2800, s19  }
0xa: {  	s8 =	sshrl.u32 s7, $0x1;
	s5 =	sshrl.u32 s23, $0x2;
	s31 =	smul.u32 $0x28000, s19  }
0xb: {  	s16 =	sadd.s32 $0x1400, s14;
	s30 =	sshrl.u32 s14, $0x3;
	s19 =	smul.u32 $0x140000, s19  }
0xc: {  	s23 =	simm.s32 $0x1;
	s17 =	ssub.s32 s7, s8;
	s5 =	sadd.s32 s5, s2  }
0xd: {  	s6 =	sadd.s32 s11, s6;
	s25 =	sadd.s32 s14, s10;
	s7 =	sor.u32 $0x1C03, s24  }
0xe: {  	s10 =	sadd.s32 s10, s16;
	s9 =	sadd.s32 s12, s30;
	s21 =	sshrl.u32 s16, $0x3  }
0xf: {  	s13 =	sadd.s32 s18, s13;
	s24 =	simm.s32 $0x2;
	[dreg:$0x3] =	wrdreg s5  }
0x10: {  	s6 =	sshll.u32 s6, $0x4;
	s8 =	sshrl.u32 s25, $0x3;
	s10 =	sshrl.u32 s10, $0x3  }
0x11: {  	s11 =	sadd.s32 s11, s20;
	s13 =	sshrl.u32 s13, $0x3;
	s14 =	sadd.s32 s14, s31  }
0x12: {  	s16 =	sadd.s32 s16, s31;
	s18 =	sadd.s32 s18, s19;
	s17 =	smax.u32 s17, $0x1  }
0x13: {  	s19 =	simm.s32 $0x1400;
	s20 =	simm.s32 $0x80;
	s25 =	simm.s32 $0x1380  }
0x14: {  	s26 =	sadd.s32 s4, s6;
	s8 =	sadd.s32 s15, s8;
	s10 =	sadd.s32 s15, s10  }
0x15: {  	s22 =	sshll.u32 s11, $0x4;
	s11 =	sadd.s32 s12, s21;
	s12 =	sadd.s32 s0, s13  }
0x16: {  	s14 =	sshrl.u32 s14, $0x3;
	s16 =	sshrl.u32 s16, $0x3;
	s18 =	sshrl.u32 s18, $0x3  }
0x17: {  	s21 =	simm.s32 $0x2800;
	[dreg:$0x4] =	wrdreg s26;
	s13 =	sadd.s32 s4, s22  }
0x18: {  	s14 =	sadd.s32 s15, s14;
	s15 =	sadd.s32 s15, s16;
	s16 =	sadd.s32 s0, s18  }
0x19: {  	s18 =	simm.s32 $0x3;
	s22 =	simm.s32 $0x6800;
	s26 =	simm.s32 $0x2700  }
.LBB2_1:
0x1a: {  	s0 =	rddreg [dreg:$0x3]  }
0x1b: {  	s5 =	rddreg [dreg:$0x4];
	s30 =	sshrl.u32 s0, $0x3  }
0x1c: {  	[spmem:s30], [sflag:s7] =	dma.local [hbm:s5], $0x2800  }
0x1d: {  	_ =	swait.ge [sflag:s18], $0x2800  }
0x1e: {  	[sflag:s18] =	ssyncset.done $0x0  }
0x1f: {  	[sflag:s18] =	ssyncadd.s32 $0xFFFFD800  }
0x20: {  	[bflag:$0x0] =	sbarrier.arrive $0xFFFF  }
0x21: {  	[tilespmem:s3], [sflag:$0x3] =	stream.linear.gather [hbm4b:s8+s3], $0x1400, $0x38;
	[tilespmem:$0x1E800] =	vst v63  }
0x22: {  	_ =	swait.ge [sflag:s18], $0x1400  }
0x23: {  	[sflag:s18] =	ssyncset.done $0x0  }
0x24: {  	[sflag:s18] =	ssyncadd.s32 $0xFFFFEC00  }
0x25: {  	[tilespmem:s19], [sflag:$0x3] =	stream.linear.gather [hbm4b:s9+s3], $0x1400, $0x38;
	[tilespmem:$0x1E800] =	vst v63  }
0x26: {  	_ =	swait.ge [sflag:s18], $0x1400  }
0x27: {  	[sflag:s18] =	ssyncset.done $0x0  }
0x28: {  	[sflag:s18] =	ssyncadd.s32 $0xFFFFEC00  }
0x29: {  	[tilespmem:s21], [sflag:$0x1] =	stream.indirect.gather [hbm4b:s4+s20], $0x80, s3, s20, $0xb8;
	[tilespmem:$0x1E800] =	vst v63  }
0x2a: {  	s6 =	simm.s32 $0x80  }
0x2b: {  	[tilespmem:s22], [sflag:$0x2] =	stream.indirect.gather [hbm4b:s4+s20], $0x80, s6, s20, $0xb8;
	[tilespmem:$0x1E800] =	vst v63  }
0x2c: {  	_ =	swait.ge [sflag:s23], $0x4000  }
0x2d: {  	[sflag:s23] =	ssyncset.done $0x0  }
0x2e: {  	s1 =	simm.s32 $0x1400;
	[sflag:s23] =	ssyncadd.s32 $0xFFFFC000  }
0x2f: {  	[spmem:s2] =	stream.indirect.scatter.add.f32 [tilespmem:s21], [sflag:$0x3], $0x80, s1, s20, $0xb8;
	[tilespmem:$0x1E800] =	vst v63  }
0x30: {  	_ =	swait.ge [sflag:s18], $0x4000  }
0x31: {  	[sflag:s18] =	ssyncset.done $0x0  }
0x32: {  	s5 =	simm.s32 $0x100;
	[sflag:s18] =	ssyncadd.s32 $0xFFFFC000  }
0x33: {  	[tilespmem:s21], [sflag:$0x1] =	stream.indirect.gather [hbm4b:s4+s20], $0x80, s5, s20, $0xb8;
	[tilespmem:$0x1E800] =	vst v63  }
0x34: {  	_ =	swait.ge [sflag:s24], $0x4000  }
0x35: {  	[sflag:s24] =	ssyncset.done $0x0  }
0x36: {  	s6 =	simm.s32 $0x1480;
	[sflag:s24] =	ssyncadd.s32 $0xFFFFC000  }
0x37: {  	[spmem:s2] =	stream.indirect.scatter.add.f32 [tilespmem:s22], [sflag:$0x3], $0x80, s6, s20, $0xb8;
	[tilespmem:$0x1E800] =	vst v63  }
0x38: {  	_ =	swait.ge [sflag:s18], $0x4000  }
0x39: {  	s31 =	simm.s32 $0x100;
	s0 =	simm.s32 $0x800;
	[sflag:s18] =	ssyncset.done $0x0  }
.LBB2_2:
0x3a: {  	s1 =	sadd.s32 $0x80, s31  }
0x3b: {  	[sflag:s18] =	ssyncadd.s32 $0xFFFFC000;
	s5 =	smov.u32 s0;
	s6 =	sadd.s32 $0x400, s0  }
0x3c: {  	[tilespmem:s22], [sflag:$0x2] =	stream.indirect.gather [hbm4b:s4+s20], $0x80, s1, s20, $0xb8;
	[tilespmem:$0x1E800] =	vst v63  }
0x3d: {  	p0 =	sne.s32 s0, $0x4800;
	_ =	swait.ge [sflag:s23], $0x4000  }
0x3e: {  	[sflag:s23] =	ssyncset.done $0x0  }
0x3f: {  	s0 =	sadd.s32 $0x1400, s31;
	[sflag:s23] =	ssyncadd.s32 $0xFFFFC000  }
0x40: {  	[spmem:s2] =	stream.indirect.scatter.add.f32 [tilespmem:s21], [sflag:$0x3], $0x80, s0, s20, $0xb8;
	[tilespmem:$0x1E800] =	vst v63  }
0x41: {  	_ =	swait.ge [sflag:s18], $0x4000  }
0x42: {  	[sflag:s18] =	ssyncset.done $0x0  }
0x43: {  	s0 =	sadd.s32 $0x100, s31;
	[sflag:s18] =	ssyncadd.s32 $0xFFFFC000  }
0x44: {  	[tilespmem:s21], [sflag:$0x1] =	stream.indirect.gather [hbm4b:s4+s20], $0x80, s0, s20, $0xb8;
	[tilespmem:$0x1E800] =	vst v63  }
0x45: {  	_ =	swait.ge [sflag:s24], $0x4000  }
.Ltmp0:
0x46: {  	[sflag:s24] =	ssyncset.done $0x0;
	(pc) =	sbr.rel @p0 .LBB2_2-.Ltmp0, $4  }
0x47: {  	s0 =	sadd.s32 $0x1480, s31;
	[sflag:s24] =	ssyncadd.s32 $0xFFFFC000  }
0x48: {  	[spmem:s2] =	stream.indirect.scatter.add.f32 [tilespmem:s22], [sflag:$0x3], $0x80, s0, s20, $0xb8;
	[tilespmem:$0x1E800] =	vst v63  }
0x49: {  	_ =	swait.ge [sflag:s18], $0x4000  }
0x4a: {  	s31 =	sshra.s32 s5, $0x2;
	s0 =	smov.u32 s6;
	[sflag:s18] =	ssyncset.done $0x0  }
0x4b: {  	s0 =	sadd.s32 $0x80, s31;
	[sflag:s18] =	ssyncadd.s32 $0xFFFFC000  }
0x4c: {  	[tilespmem:s22], [sflag:$0x2] =	stream.indirect.gather [hbm4b:s4+s20], $0x80, s0, s20, $0xb8;
	[tilespmem:$0x1E800] =	vst v63  }
0x4d: {  	_ =	swait.ge [sflag:s23], $0x4000  }
0x4e: {  	[sflag:s23] =	ssyncset.done $0x0  }
0x4f: {  	s5 =	sadd.s32 $0x1400, s31;
	[sflag:s23] =	ssyncadd.s32 $0xFFFFC000  }
0x50: {  	[spmem:s2] =	stream.indirect.scatter.add.f32 [tilespmem:s21], [sflag:$0x3], $0x80, s5, s20, $0xb8;
	[tilespmem:$0x1E800] =	vst v63  }
0x51: {  	_ =	swait.ge [sflag:s18], $0x4000  }
0x52: {  	[sflag:s18] =	ssyncset.done $0x0  }
0x53: {  	s6 =	sadd.s32 $0x100, s31;
	[sflag:s18] =	ssyncadd.s32 $0xFFFFC000  }
0x54: {  	[tilespmem:s21], [sflag:$0x1] =	stream.indirect.gather [hbm4b:s4+s20], $0x80, s6, s20, $0xb8;
	[tilespmem:$0x1E800] =	vst v63  }
0x55: {  	_ =	swait.ge [sflag:s24], $0x4000  }
0x56: {  	[sflag:s24] =	ssyncset.done $0x0  }
0x57: {  	s1 =	sadd.s32 $0x1480, s31;
	[sflag:s24] =	ssyncadd.s32 $0xFFFFC000  }
0x58: {  	[spmem:s2] =	stream.indirect.scatter.add.f32 [tilespmem:s22], [sflag:$0x3], $0x80, s1, s20, $0xb8;
	[tilespmem:$0x1E800] =	vst v63  }
0x59: {  	_ =	swait.ge [sflag:s18], $0x4000  }
0x5a: {  	[sflag:s18] =	ssyncset.done $0x0  }
0x5b: {  	[sflag:s18] =	ssyncadd.s32 $0xFFFFC000  }
0x5c: {  	[tilespmem:s22], [sflag:$0x2] =	stream.indirect.gather [hbm4b:s4+s20], $0x80, s25, s20, $0xb8;
	[tilespmem:$0x1E800] =	vst v63  }
0x5d: {  	_ =	swait.ge [sflag:s23], $0x4000  }
0x5e: {  	[sflag:s23] =	ssyncset.done $0x0  }
0x5f: {  	[sflag:s23] =	ssyncadd.s32 $0xFFFFC000  }
0x60: {  	[spmem:s2] =	stream.indirect.scatter.add.f32 [tilespmem:s21], [sflag:$0x3], $0x80, s26, s20, $0xb8;
	[tilespmem:$0x1E800] =	vst v63  }
0x61: {  	_ =	swait.ge [sflag:s18], $0x4000  }
0x62: {  	[sflag:s18] =	ssyncset.done $0x0  }
0x63: {  	[sflag:s18] =	ssyncadd.s32 $0xFFFFC000  }
0x64: {  	_ =	swait.ge [sflag:s24], $0x4000  }
0x65: {  	[sflag:s24] =	ssyncset.done $0x0  }
0x66: {  	[sflag:s24] =	ssyncadd.s32 $0xFFFFC000  }
0x67: {  	[spmem:s2] =	stream.indirect.scatter.add.f32 [tilespmem:s22], [sflag:$0x3], $0x80, s28, s20, $0xb8;
	[tilespmem:$0x1E800] =	vst v63  }
0x68: {  	_ =	swait.ge [sflag:s18], $0x4000  }
0x69: {  	[sflag:s18] =	ssyncset.done $0x0  }
0x6a: {  	s5 =	simm.s32 $0x0;
	[sflag:s18] =	ssyncadd.s32 $0xFFFFC000  }
0x6b: {  	[tilespmem:s5], [sflag:$0x3] =	stream.linear.gather [hbm4b:s10+s5], $0x1400, $0x38;
	[tilespmem:$0x1E800] =	vst v63  }
0x6c: {  	_ =	swait.ge [sflag:s18], $0x1400  }
0x6d: {  	[sflag:s18] =	ssyncset.done $0x0  }
0x6e: {  	[sflag:s18] =	ssyncadd.s32 $0xFFFFEC00  }
0x6f: {  	[tilespmem:s19], [sflag:$0x3] =	stream.linear.gather [hbm4b:s11+s5], $0x1400, $0x38;
	[tilespmem:$0x1E800] =	vst v63  }
0x70: {  	_ =	swait.ge [sflag:s18], $0x1400  }
0x71: {  	[sflag:s18] =	ssyncset.done $0x0  }
0x72: {  	[sflag:s18] =	ssyncadd.s32 $0xFFFFEC00  }
0x73: {  	[tilespmem:s21], [sflag:$0x1] =	stream.indirect.gather [hbm4b:s4+s20], $0x80, s5, s20, $0xb8;
	[tilespmem:$0x1E800] =	vst v63  }
0x74: {  	s6 =	simm.s32 $0x80  }
0x75: {  	[tilespmem:s22], [sflag:$0x2] =	stream.indirect.gather [hbm4b:s4+s20], $0x80, s6, s20, $0xb8;
	[tilespmem:$0x1E800] =	vst v63  }
0x76: {  	_ =	swait.ge [sflag:s23], $0x4000  }
0x77: {  	[sflag:s23] =	ssyncset.done $0x0  }
0x78: {  	s1 =	simm.s32 $0x1400;
	[sflag:s23] =	ssyncadd.s32 $0xFFFFC000  }
0x79: {  	[spmem:s2] =	stream.indirect.scatter.add.f32 [tilespmem:s21], [sflag:$0x3], $0x80, s1, s20, $0xb8;
	[tilespmem:$0x1E800] =	vst v63  }
0x7a: {  	_ =	swait.ge [sflag:s18], $0x4000  }
0x7b: {  	[sflag:s18] =	ssyncset.done $0x0  }
0x7c: {  	s5 =	simm.s32 $0x100;
	[sflag:s18] =	ssyncadd.s32 $0xFFFFC000  }
0x7d: {  	[tilespmem:s21], [sflag:$0x1] =	stream.indirect.gather [hbm4b:s4+s20], $0x80, s5, s20, $0xb8;
	[tilespmem:$0x1E800] =	vst v63  }
0x7e: {  	_ =	swait.ge [sflag:s24], $0x4000  }
0x7f: {  	[sflag:s24] =	ssyncset.done $0x0  }
0x80: {  	s6 =	simm.s32 $0x1480;
	[sflag:s24] =	ssyncadd.s32 $0xFFFFC000  }
0x81: {  	[spmem:s2] =	stream.indirect.scatter.add.f32 [tilespmem:s22], [sflag:$0x3], $0x80, s6, s20, $0xb8;
	[tilespmem:$0x1E800] =	vst v63  }
0x82: {  	_ =	swait.ge [sflag:s18], $0x4000  }
0x83: {  	s31 =	simm.s32 $0x100;
	s0 =	simm.s32 $0x800;
	[sflag:s18] =	ssyncset.done $0x0  }
.LBB2_4:
0x84: {  	s1 =	sadd.s32 $0x80, s31  }
0x85: {  	[sflag:s18] =	ssyncadd.s32 $0xFFFFC000;
	s5 =	smov.u32 s0;
	s6 =	sadd.s32 $0x400, s0  }
0x86: {  	[tilespmem:s22], [sflag:$0x2] =	stream.indirect.gather [hbm4b:s4+s20], $0x80, s1, s20, $0xb8;
	[tilespmem:$0x1E800] =	vst v63  }
0x87: {  	p0 =	sne.s32 s0, $0x4800;
	_ =	swait.ge [sflag:s23], $0x4000  }
0x88: {  	[sflag:s23] =	ssyncset.done $0x0  }
0x89: {  	s0 =	sadd.s32 $0x1400, s31;
	[sflag:s23] =	ssyncadd.s32 $0xFFFFC000  }
0x8a: {  	[spmem:s2] =	stream.indirect.scatter.add.f32 [tilespmem:s21], [sflag:$0x3], $0x80, s0, s20, $0xb8;
	[tilespmem:$0x1E800] =	vst v63  }
0x8b: {  	_ =	swait.ge [sflag:s18], $0x4000  }
0x8c: {  	[sflag:s18] =	ssyncset.done $0x0  }
0x8d: {  	s0 =	sadd.s32 $0x100, s31;
	[sflag:s18] =	ssyncadd.s32 $0xFFFFC000  }
0x8e: {  	[tilespmem:s21], [sflag:$0x1] =	stream.indirect.gather [hbm4b:s4+s20], $0x80, s0, s20, $0xb8;
	[tilespmem:$0x1E800] =	vst v63  }
0x8f: {  	_ =	swait.ge [sflag:s24], $0x4000  }
.Ltmp1:
0x90: {  	[sflag:s24] =	ssyncset.done $0x0;
	(pc) =	sbr.rel @p0 .LBB2_4-.Ltmp1, $4  }
0x91: {  	s0 =	sadd.s32 $0x1480, s31;
	[sflag:s24] =	ssyncadd.s32 $0xFFFFC000  }
0x92: {  	[spmem:s2] =	stream.indirect.scatter.add.f32 [tilespmem:s22], [sflag:$0x3], $0x80, s0, s20, $0xb8;
	[tilespmem:$0x1E800] =	vst v63  }
0x93: {  	_ =	swait.ge [sflag:s18], $0x4000  }
0x94: {  	s31 =	sshra.s32 s5, $0x2;
	s0 =	smov.u32 s6;
	[sflag:s18] =	ssyncset.done $0x0  }
0x95: {  	s0 =	sadd.s32 $0x80, s31;
	[sflag:s18] =	ssyncadd.s32 $0xFFFFC000  }
0x96: {  	[tilespmem:s22], [sflag:$0x2] =	stream.indirect.gather [hbm4b:s4+s20], $0x80, s0, s20, $0xb8;
	[tilespmem:$0x1E800] =	vst v63  }
0x97: {  	_ =	swait.ge [sflag:s23], $0x4000  }
0x98: {  	[sflag:s23] =	ssyncset.done $0x0  }
0x99: {  	s5 =	sadd.s32 $0x1400, s31;
	[sflag:s23] =	ssyncadd.s32 $0xFFFFC000  }
0x9a: {  	[spmem:s2] =	stream.indirect.scatter.add.f32 [tilespmem:s21], [sflag:$0x3], $0x80, s5, s20, $0xb8;
	[tilespmem:$0x1E800] =	vst v63  }
0x9b: {  	_ =	swait.ge [sflag:s18], $0x4000  }
0x9c: {  	[sflag:s18] =	ssyncset.done $0x0  }
0x9d: {  	s6 =	sadd.s32 $0x100, s31;
	[sflag:s18] =	ssyncadd.s32 $0xFFFFC000  }
0x9e: {  	[tilespmem:s21], [sflag:$0x1] =	stream.indirect.gather [hbm4b:s4+s20], $0x80, s6, s20, $0xb8;
	[tilespmem:$0x1E800] =	vst v63  }
0x9f: {  	_ =	swait.ge [sflag:s24], $0x4000  }
0xa0: {  	[sflag:s24] =	ssyncset.done $0x0  }
0xa1: {  	s1 =	sadd.s32 $0x1480, s31;
	[sflag:s24] =	ssyncadd.s32 $0xFFFFC000  }
0xa2: {  	[spmem:s2] =	stream.indirect.scatter.add.f32 [tilespmem:s22], [sflag:$0x3], $0x80, s1, s20, $0xb8;
	[tilespmem:$0x1E800] =	vst v63  }
0xa3: {  	_ =	swait.ge [sflag:s18], $0x4000  }
0xa4: {  	[sflag:s18] =	ssyncset.done $0x0  }
0xa5: {  	[sflag:s18] =	ssyncadd.s32 $0xFFFFC000  }
0xa6: {  	[tilespmem:s22], [sflag:$0x2] =	stream.indirect.gather [hbm4b:s4+s20], $0x80, s25, s20, $0xb8;
	[tilespmem:$0x1E800] =	vst v63  }
0xa7: {  	_ =	swait.ge [sflag:s23], $0x4000  }
0xa8: {  	[sflag:s23] =	ssyncset.done $0x0  }
0xa9: {  	[sflag:s23] =	ssyncadd.s32 $0xFFFFC000  }
0xaa: {  	[spmem:s2] =	stream.indirect.scatter.add.f32 [tilespmem:s21], [sflag:$0x3], $0x80, s26, s20, $0xb8;
	[tilespmem:$0x1E800] =	vst v63  }
0xab: {  	_ =	swait.ge [sflag:s18], $0x4000  }
0xac: {  	[sflag:s18] =	ssyncset.done $0x0  }
0xad: {  	[sflag:s18] =	ssyncadd.s32 $0xFFFFC000  }
0xae: {  	_ =	swait.ge [sflag:s24], $0x4000  }
0xaf: {  	[sflag:s24] =	ssyncset.done $0x0  }
0xb0: {  	[sflag:s24] =	ssyncadd.s32 $0xFFFFC000  }
0xb1: {  	[spmem:s2] =	stream.indirect.scatter.add.f32 [tilespmem:s22], [sflag:$0x3], $0x80, s28, s20, $0xb8;
	[tilespmem:$0x1E800] =	vst v63  }
0xb2: {  	_ =	swait.ge [sflag:s18], $0x4000  }
0xb3: {  	[sflag:s18] =	ssyncset.done $0x0  }
0xb4: {  	[sflag:s18] =	ssyncadd.s32 $0xFFFFC000  }
0xb5: {  	[bflag:$0x0] =	sbarrier.arrive $0xFFFF  }
0xb6: {  	[hbm:s12], [sflag:s7] =	dma.local [spmem:s30], $0x2800  }
0xb7: {  	_ =	swait.ge [sflag:s18], $0x2800  }
0xb8: {  	[sflag:s18] =	ssyncset.done $0x0  }
0xb9: {  	[sflag:s18] =	ssyncadd.s32 $0xFFFFD800  }
0xba: {  	[bflag:$0x0] =	sbarrier.arrive $0xFFFF  }
0xbb: {  	[spmem:s30], [sflag:s7] =	dma.local [hbm:s13], $0x2800  }
0xbc: {  	_ =	swait.ge [sflag:s18], $0x2800  }
0xbd: {  	[sflag:s18] =	ssyncset.done $0x0  }
0xbe: {  	[sflag:s18] =	ssyncadd.s32 $0xFFFFD800  }
0xbf: {  	s5 =	simm.s32 $0x0;
	[bflag:$0x0] =	sbarrier.arrive $0xFFFF  }
0xc0: {  	[tilespmem:s5], [sflag:$0x3] =	stream.linear.gather [hbm4b:s14+s5], $0x1400, $0x38;
	[tilespmem:$0x1E800] =	vst v63  }
0xc1: {  	_ =	swait.ge [sflag:s18], $0x1400  }
0xc2: {  	[sflag:s18] =	ssyncset.done $0x0  }
0xc3: {  	[sflag:s18] =	ssyncadd.s32 $0xFFFFEC00  }
0xc4: {  	[tilespmem:s19], [sflag:$0x3] =	stream.linear.gather [hbm4b:s9+s5], $0x1400, $0x38;
	[tilespmem:$0x1E800] =	vst v63  }
0xc5: {  	_ =	swait.ge [sflag:s18], $0x1400  }
0xc6: {  	[sflag:s18] =	ssyncset.done $0x0  }
0xc7: {  	[sflag:s18] =	ssyncadd.s32 $0xFFFFEC00  }
0xc8: {  	[tilespmem:s21], [sflag:$0x1] =	stream.indirect.gather [hbm4b:s4+s20], $0x80, s5, s20, $0xb8;
	[tilespmem:$0x1E800] =	vst v63  }
0xc9: {  	s6 =	simm.s32 $0x80  }
0xca: {  	[tilespmem:s22], [sflag:$0x2] =	stream.indirect.gather [hbm4b:s4+s20], $0x80, s6, s20, $0xb8;
	[tilespmem:$0x1E800] =	vst v63  }
0xcb: {  	_ =	swait.ge [sflag:s23], $0x4000  }
0xcc: {  	[sflag:s23] =	ssyncset.done $0x0  }
0xcd: {  	s1 =	simm.s32 $0x1400;
	[sflag:s23] =	ssyncadd.s32 $0xFFFFC000  }
0xce: {  	[spmem:s2] =	stream.indirect.scatter.add.f32 [tilespmem:s21], [sflag:$0x3], $0x80, s1, s20, $0xb8;
	[tilespmem:$0x1E800] =	vst v63  }
0xcf: {  	_ =	swait.ge [sflag:s18], $0x4000  }
0xd0: {  	[sflag:s18] =	ssyncset.done $0x0  }
0xd1: {  	s5 =	simm.s32 $0x100;
	[sflag:s18] =	ssyncadd.s32 $0xFFFFC000  }
0xd2: {  	[tilespmem:s21], [sflag:$0x1] =	stream.indirect.gather [hbm4b:s4+s20], $0x80, s5, s20, $0xb8;
	[tilespmem:$0x1E800] =	vst v63  }
0xd3: {  	_ =	swait.ge [sflag:s24], $0x4000  }
0xd4: {  	[sflag:s24] =	ssyncset.done $0x0  }
0xd5: {  	s6 =	simm.s32 $0x1480;
	[sflag:s24] =	ssyncadd.s32 $0xFFFFC000  }
0xd6: {  	[spmem:s2] =	stream.indirect.scatter.add.f32 [tilespmem:s22], [sflag:$0x3], $0x80, s6, s20, $0xb8;
	[tilespmem:$0x1E800] =	vst v63  }
0xd7: {  	_ =	swait.ge [sflag:s18], $0x4000  }
0xd8: {  	s31 =	simm.s32 $0x100;
	s0 =	simm.s32 $0x800;
	[sflag:s18] =	ssyncset.done $0x0  }
.LBB2_6:
0xd9: {  	s1 =	sadd.s32 $0x80, s31  }
0xda: {  	[sflag:s18] =	ssyncadd.s32 $0xFFFFC000;
	s5 =	smov.u32 s0;
	s6 =	sadd.s32 $0x400, s0  }
0xdb: {  	[tilespmem:s22], [sflag:$0x2] =	stream.indirect.gather [hbm4b:s4+s20], $0x80, s1, s20, $0xb8;
	[tilespmem:$0x1E800] =	vst v63  }
0xdc: {  	p0 =	sne.s32 s0, $0x4800;
	_ =	swait.ge [sflag:s23], $0x4000  }
0xdd: {  	[sflag:s23] =	ssyncset.done $0x0  }
0xde: {  	s0 =	sadd.s32 $0x1400, s31;
	[sflag:s23] =	ssyncadd.s32 $0xFFFFC000  }
0xdf: {  	[spmem:s2] =	stream.indirect.scatter.add.f32 [tilespmem:s21], [sflag:$0x3], $0x80, s0, s20, $0xb8;
	[tilespmem:$0x1E800] =	vst v63  }
0xe0: {  	_ =	swait.ge [sflag:s18], $0x4000  }
0xe1: {  	[sflag:s18] =	ssyncset.done $0x0  }
0xe2: {  	s0 =	sadd.s32 $0x100, s31;
	[sflag:s18] =	ssyncadd.s32 $0xFFFFC000  }
0xe3: {  	[tilespmem:s21], [sflag:$0x1] =	stream.indirect.gather [hbm4b:s4+s20], $0x80, s0, s20, $0xb8;
	[tilespmem:$0x1E800] =	vst v63  }
0xe4: {  	_ =	swait.ge [sflag:s24], $0x4000  }
.Ltmp2:
0xe5: {  	[sflag:s24] =	ssyncset.done $0x0;
	(pc) =	sbr.rel @p0 .LBB2_6-.Ltmp2, $4  }
0xe6: {  	s0 =	sadd.s32 $0x1480, s31;
	[sflag:s24] =	ssyncadd.s32 $0xFFFFC000  }
0xe7: {  	[spmem:s2] =	stream.indirect.scatter.add.f32 [tilespmem:s22], [sflag:$0x3], $0x80, s0, s20, $0xb8;
	[tilespmem:$0x1E800] =	vst v63  }
0xe8: {  	_ =	swait.ge [sflag:s18], $0x4000  }
0xe9: {  	s31 =	sshra.s32 s5, $0x2;
	s0 =	smov.u32 s6;
	[sflag:s18] =	ssyncset.done $0x0  }
0xea: {  	s0 =	sadd.s32 $0x80, s31;
	[sflag:s18] =	ssyncadd.s32 $0xFFFFC000  }
0xeb: {  	[tilespmem:s22], [sflag:$0x2] =	stream.indirect.gather [hbm4b:s4+s20], $0x80, s0, s20, $0xb8;
	[tilespmem:$0x1E800] =	vst v63  }
0xec: {  	_ =	swait.ge [sflag:s23], $0x4000  }
0xed: {  	[sflag:s23] =	ssyncset.done $0x0  }
0xee: {  	s5 =	sadd.s32 $0x1400, s31;
	[sflag:s23] =	ssyncadd.s32 $0xFFFFC000  }
0xef: {  	[spmem:s2] =	stream.indirect.scatter.add.f32 [tilespmem:s21], [sflag:$0x3], $0x80, s5, s20, $0xb8;
	[tilespmem:$0x1E800] =	vst v63  }
0xf0: {  	_ =	swait.ge [sflag:s18], $0x4000  }
0xf1: {  	[sflag:s18] =	ssyncset.done $0x0  }
0xf2: {  	s6 =	sadd.s32 $0x100, s31;
	[sflag:s18] =	ssyncadd.s32 $0xFFFFC000  }
0xf3: {  	[tilespmem:s21], [sflag:$0x1] =	stream.indirect.gather [hbm4b:s4+s20], $0x80, s6, s20, $0xb8;
	[tilespmem:$0x1E800] =	vst v63  }
0xf4: {  	_ =	swait.ge [sflag:s24], $0x4000  }
0xf5: {  	[sflag:s24] =	ssyncset.done $0x0  }
0xf6: {  	s1 =	sadd.s32 $0x1480, s31;
	[sflag:s24] =	ssyncadd.s32 $0xFFFFC000  }
0xf7: {  	[spmem:s2] =	stream.indirect.scatter.add.f32 [tilespmem:s22], [sflag:$0x3], $0x80, s1, s20, $0xb8;
	[tilespmem:$0x1E800] =	vst v63  }
0xf8: {  	_ =	swait.ge [sflag:s18], $0x4000  }
0xf9: {  	[sflag:s18] =	ssyncset.done $0x0  }
0xfa: {  	[sflag:s18] =	ssyncadd.s32 $0xFFFFC000  }
0xfb: {  	[tilespmem:s22], [sflag:$0x2] =	stream.indirect.gather [hbm4b:s4+s20], $0x80, s25, s20, $0xb8;
	[tilespmem:$0x1E800] =	vst v63  }
0xfc: {  	_ =	swait.ge [sflag:s23], $0x4000  }
0xfd: {  	[sflag:s23] =	ssyncset.done $0x0  }
0xfe: {  	[sflag:s23] =	ssyncadd.s32 $0xFFFFC000  }
0xff: {  	[spmem:s2] =	stream.indirect.scatter.add.f32 [tilespmem:s21], [sflag:$0x3], $0x80, s26, s20, $0xb8;
	[tilespmem:$0x1E800] =	vst v63  }
0x100: {  	_ =	swait.ge [sflag:s18], $0x4000  }
0x101: {  	[sflag:s18] =	ssyncset.done $0x0  }
0x102: {  	[sflag:s18] =	ssyncadd.s32 $0xFFFFC000  }
0x103: {  	_ =	swait.ge [sflag:s24], $0x4000  }
0x104: {  	[sflag:s24] =	ssyncset.done $0x0  }
0x105: {  	[sflag:s24] =	ssyncadd.s32 $0xFFFFC000  }
0x106: {  	[spmem:s2] =	stream.indirect.scatter.add.f32 [tilespmem:s22], [sflag:$0x3], $0x80, s28, s20, $0xb8;
	[tilespmem:$0x1E800] =	vst v63  }
0x107: {  	_ =	swait.ge [sflag:s18], $0x4000  }
0x108: {  	[sflag:s18] =	ssyncset.done $0x0  }
0x109: {  	s5 =	simm.s32 $0x0;
	[sflag:s18] =	ssyncadd.s32 $0xFFFFC000  }
0x10a: {  	[tilespmem:s5], [sflag:$0x3] =	stream.linear.gather [hbm4b:s15+s5], $0x1400, $0x38;
	[tilespmem:$0x1E800] =	vst v63  }
0x10b: {  	_ =	swait.ge [sflag:s18], $0x1400  }
0x10c: {  	[sflag:s18] =	ssyncset.done $0x0  }
0x10d: {  	[sflag:s18] =	ssyncadd.s32 $0xFFFFEC00  }
0x10e: {  	[tilespmem:s19], [sflag:$0x3] =	stream.linear.gather [hbm4b:s11+s5], $0x1400, $0x38;
	[tilespmem:$0x1E800] =	vst v63  }
0x10f: {  	_ =	swait.ge [sflag:s18], $0x1400  }
0x110: {  	[sflag:s18] =	ssyncset.done $0x0  }
0x111: {  	[sflag:s18] =	ssyncadd.s32 $0xFFFFEC00  }
0x112: {  	[tilespmem:s21], [sflag:$0x1] =	stream.indirect.gather [hbm4b:s4+s20], $0x80, s5, s20, $0xb8;
	[tilespmem:$0x1E800] =	vst v63  }
0x113: {  	s6 =	simm.s32 $0x80  }
0x114: {  	[tilespmem:s22], [sflag:$0x2] =	stream.indirect.gather [hbm4b:s4+s20], $0x80, s6, s20, $0xb8;
	[tilespmem:$0x1E800] =	vst v63  }
0x115: {  	_ =	swait.ge [sflag:s23], $0x4000  }
0x116: {  	[sflag:s23] =	ssyncset.done $0x0  }
0x117: {  	s1 =	simm.s32 $0x1400;
	[sflag:s23] =	ssyncadd.s32 $0xFFFFC000  }
0x118: {  	[spmem:s2] =	stream.indirect.scatter.add.f32 [tilespmem:s21], [sflag:$0x3], $0x80, s1, s20, $0xb8;
	[tilespmem:$0x1E800] =	vst v63  }
0x119: {  	_ =	swait.ge [sflag:s18], $0x4000  }
0x11a: {  	[sflag:s18] =	ssyncset.done $0x0  }
0x11b: {  	s5 =	simm.s32 $0x100;
	[sflag:s18] =	ssyncadd.s32 $0xFFFFC000  }
0x11c: {  	[tilespmem:s21], [sflag:$0x1] =	stream.indirect.gather [hbm4b:s4+s20], $0x80, s5, s20, $0xb8;
	[tilespmem:$0x1E800] =	vst v63  }
0x11d: {  	_ =	swait.ge [sflag:s24], $0x4000  }
0x11e: {  	[sflag:s24] =	ssyncset.done $0x0  }
0x11f: {  	s6 =	simm.s32 $0x1480;
	[sflag:s24] =	ssyncadd.s32 $0xFFFFC000  }
0x120: {  	[spmem:s2] =	stream.indirect.scatter.add.f32 [tilespmem:s22], [sflag:$0x3], $0x80, s6, s20, $0xb8;
	[tilespmem:$0x1E800] =	vst v63  }
0x121: {  	_ =	swait.ge [sflag:s18], $0x4000  }
0x122: {  	s31 =	simm.s32 $0x100;
	s0 =	simm.s32 $0x800;
	[sflag:s18] =	ssyncset.done $0x0  }
.LBB2_8:
0x123: {  	s1 =	sadd.s32 $0x80, s31  }
0x124: {  	[sflag:s18] =	ssyncadd.s32 $0xFFFFC000;
	s5 =	smov.u32 s0;
	s6 =	sadd.s32 $0x400, s0  }
0x125: {  	[tilespmem:s22], [sflag:$0x2] =	stream.indirect.gather [hbm4b:s4+s20], $0x80, s1, s20, $0xb8;
	[tilespmem:$0x1E800] =	vst v63  }
0x126: {  	p0 =	sne.s32 s0, $0x4800;
	_ =	swait.ge [sflag:s23], $0x4000  }
0x127: {  	[sflag:s23] =	ssyncset.done $0x0  }
0x128: {  	s0 =	sadd.s32 $0x1400, s31;
	[sflag:s23] =	ssyncadd.s32 $0xFFFFC000  }
0x129: {  	[spmem:s2] =	stream.indirect.scatter.add.f32 [tilespmem:s21], [sflag:$0x3], $0x80, s0, s20, $0xb8;
	[tilespmem:$0x1E800] =	vst v63  }
0x12a: {  	_ =	swait.ge [sflag:s18], $0x4000  }
0x12b: {  	[sflag:s18] =	ssyncset.done $0x0  }
0x12c: {  	s0 =	sadd.s32 $0x100, s31;
	[sflag:s18] =	ssyncadd.s32 $0xFFFFC000  }
0x12d: {  	[tilespmem:s21], [sflag:$0x1] =	stream.indirect.gather [hbm4b:s4+s20], $0x80, s0, s20, $0xb8;
	[tilespmem:$0x1E800] =	vst v63  }
0x12e: {  	_ =	swait.ge [sflag:s24], $0x4000  }
.Ltmp3:
0x12f: {  	[sflag:s24] =	ssyncset.done $0x0;
	(pc) =	sbr.rel @p0 .LBB2_8-.Ltmp3, $4  }
0x130: {  	s0 =	sadd.s32 $0x1480, s31;
	[sflag:s24] =	ssyncadd.s32 $0xFFFFC000  }
0x131: {  	[spmem:s2] =	stream.indirect.scatter.add.f32 [tilespmem:s22], [sflag:$0x3], $0x80, s0, s20, $0xb8;
	[tilespmem:$0x1E800] =	vst v63  }
0x132: {  	_ =	swait.ge [sflag:s18], $0x4000  }
0x133: {  	s31 =	sshra.s32 s5, $0x2;
	s0 =	smov.u32 s6;
	[sflag:s18] =	ssyncset.done $0x0  }
0x134: {  	s0 =	sadd.s32 $0x80, s31;
	[sflag:s18] =	ssyncadd.s32 $0xFFFFC000  }
0x135: {  	[tilespmem:s22], [sflag:$0x2] =	stream.indirect.gather [hbm4b:s4+s20], $0x80, s0, s20, $0xb8;
	[tilespmem:$0x1E800] =	vst v63  }
0x136: {  	_ =	swait.ge [sflag:s23], $0x4000  }
0x137: {  	[sflag:s23] =	ssyncset.done $0x0  }
0x138: {  	s5 =	sadd.s32 $0x1400, s31;
	[sflag:s23] =	ssyncadd.s32 $0xFFFFC000  }
0x139: {  	[spmem:s2] =	stream.indirect.scatter.add.f32 [tilespmem:s21], [sflag:$0x3], $0x80, s5, s20, $0xb8;
	[tilespmem:$0x1E800] =	vst v63  }
0x13a: {  	_ =	swait.ge [sflag:s18], $0x4000  }
0x13b: {  	[sflag:s18] =	ssyncset.done $0x0  }
0x13c: {  	s6 =	sadd.s32 $0x100, s31;
	[sflag:s18] =	ssyncadd.s32 $0xFFFFC000  }
0x13d: {  	[tilespmem:s21], [sflag:$0x1] =	stream.indirect.gather [hbm4b:s4+s20], $0x80, s6, s20, $0xb8;
	[tilespmem:$0x1E800] =	vst v63  }
0x13e: {  	_ =	swait.ge [sflag:s24], $0x4000  }
0x13f: {  	[sflag:s24] =	ssyncset.done $0x0  }
0x140: {  	s31 =	sadd.s32 $0x1480, s31;
	[sflag:s24] =	ssyncadd.s32 $0xFFFFC000  }
0x141: {  	[spmem:s2] =	stream.indirect.scatter.add.f32 [tilespmem:s22], [sflag:$0x3], $0x80, s31, s20, $0xb8;
	[tilespmem:$0x1E800] =	vst v63  }
0x142: {  	_ =	swait.ge [sflag:s18], $0x4000  }
0x143: {  	[sflag:s18] =	ssyncset.done $0x0  }
0x144: {  	[sflag:s18] =	ssyncadd.s32 $0xFFFFC000  }
0x145: {  	[tilespmem:s22], [sflag:$0x2] =	stream.indirect.gather [hbm4b:s4+s20], $0x80, s25, s20, $0xb8;
	[tilespmem:$0x1E800] =	vst v63  }
0x146: {  	_ =	swait.ge [sflag:s23], $0x4000  }
0x147: {  	[sflag:s23] =	ssyncset.done $0x0  }
0x148: {  	[sflag:s23] =	ssyncadd.s32 $0xFFFFC000  }
0x149: {  	[spmem:s2] =	stream.indirect.scatter.add.f32 [tilespmem:s21], [sflag:$0x3], $0x80, s26, s20, $0xb8;
	[tilespmem:$0x1E800] =	vst v63  }
0x14a: {  	_ =	swait.ge [sflag:s18], $0x4000  }
0x14b: {  	[sflag:s18] =	ssyncset.done $0x0  }
0x14c: {  	[sflag:s18] =	ssyncadd.s32 $0xFFFFC000  }
0x14d: {  	_ =	swait.ge [sflag:s24], $0x4000  }
0x14e: {  	[sflag:s24] =	ssyncset.done $0x0  }
0x14f: {  	[sflag:s24] =	ssyncadd.s32 $0xFFFFC000  }
0x150: {  	[spmem:s2] =	stream.indirect.scatter.add.f32 [tilespmem:s22], [sflag:$0x3], $0x80, s28, s20, $0xb8;
	[tilespmem:$0x1E800] =	vst v63  }
0x151: {  	_ =	swait.ge [sflag:s18], $0x4000  }
0x152: {  	[sflag:s18] =	ssyncset.done $0x0  }
0x153: {  	s29 =	sadd.s32 $0x1, s29;
	[sflag:s18] =	ssyncadd.s32 $0xFFFFC000  }
0x154: {  	p0 =	sne.s32 s29, s17;
	[bflag:$0x0] =	sbarrier.arrive $0xFFFF  }
0x155: {  	[hbm:s16], [sflag:s7] =	dma.local [spmem:s30], $0x2800  }
.Ltmp4:
0x156: {  	_ =	swait.ge [sflag:s18], $0x2800;
	(pc) =	sbr.rel @p0 .LBB2_1-.Ltmp4, $3  }
0x157: {  	[sflag:s18] =	ssyncset.done $0x0  }
0x158: {  	[sflag:s18] =	ssyncadd.s32 $0xFFFFD800  }
0x159: {  	[bflag:$0x0] =	sbarrier.arrive $0xFFFF;
	_ =	sdelay $0x1  }
0x15a: {  	_ =	sfence.sel $0x180000  }
0x15b: {  	[bflag:$0x0] =	sbarrier.arrive $0xFFFF  }
0x15c: {  	_ =	strace $0x9000004D  }
0x15d: {  	s0 =	stileid.u32;
	[bflag:$0x2] =	sbarrier.arrive $0xFFFF  }
0x15e: {  	p0 =	sne.s32 s0, $0x0;
	s0 =	rddreg [dreg:$0x2]  }
0x15f: {  	s0 =	sadd.s32 @!p0 $0x100000, s0  }
0x160: {  	[sflag:s0] =	ssyncadd.tile.s32 @!p0 $0x1;
	_ =	shalt  }
.Lfunc_end2:
_tile_overlayer_lowered:
.L_overlay_start_2:
0x161: {  	(tag) =	ssettag $0x2  }
0x162: {  	s0 =	rddreg [dreg:$0x0];
	s2 =	stileid.u32  }
0x163: {  	s1 =	rddreg [dreg:$0x1];
	p0 =	sne.s32 s2, $0x0  }
0x164: {  	s3 =	rddreg [dreg:$0x2];
	[bflag:$0x3] =	sbarrier.arrive $0xFFFF;
	s2 =	simm.s32 @!p0 $0x1C03  }
0x165: {  	[timem:s3], [sflag:s2] =	dma.local @!p0 [hbm:s0], s1  }
0x166: {  	s0 =	simm.s32 @!p0 $0x3  }
0x167: {  	_ =	swait.ge @!p0 [sflag:s0], s1  }
0x168: {  	s1 =	ssub.s32 @!p0 $0x0, s1;
	[sflag:s0] =	ssyncset.done @!p0 $0x0  }
0x169: {  	[sflag:s0] =	ssyncadd.s32 @!p0 s1  }
0x16a: {  	[bflag:$0x3] =	sbarrier.arrive $0xFFFF  }
0x16b: {  	_ =	shalt  }

// kernel: kernel.25.cloned.1.call-start
scs
__scs_entry_jumppad:
0x0: {  	(pc) =	sbr.rel $0x88, $3  }
0x1: {  	(tag) =	ssettag $0x0;
	lr =	simm.s32 $0x1  }
0x2: {  	[smem:$0x3F8B] =	sst lr;
	_ =	strace $0xD0000000  }
0x3: {  	_ = 	snop  }
0x4: {  	_ = 	snop  }
0x5: {  	_ = 	snop  }
0x6: {  	_ = 	snop  }
0x7: {  	_ = 	snop  }
__scs_overlays_trampoline_lowered:
0x8: {  	[smem:$0x3F9A] =	sst s0  }
0x9: {  	[smem:$0x3F9B] =	sst s1  }
0xa: {  	[smem:$0x3F9C] =	sst s2  }
0xb: {  	[smem:$0x3F9D] =	sst s3  }
0xc: {  	[smem:$0x3F9E] =	sst s4  }
0xd: {  	[smem:$0x3F9F] =	sst s5  }
0xe: {  	[smem:$0x3FA0] =	sst s6  }
0xf: {  	[smem:$0x3FA1] =	sst s7  }
0x10: {  	[smem:$0x3FA2] =	sst s8  }
0x11: {  	[smem:$0x3FA3] =	sst s9;
	s0 =	simm.s32 @!p0 $0x0  }
0x12: {  	s1 =	sld [smem:$0x3F89];
	s0 =	simm.s32 @p0 $0x1  }
0x13: {  	[smem:$0x3FA4] =	sst s0;
	s0 =	simm.s32 @!p1 $0x0  }
0x14: {  	s2 =	sld [smem:$0x3F88];
	s0 =	simm.s32 @p1 $0x1  }
0x15: {  	[smem:$0x3FA5] =	sst s0;
	s0 =	simm.s32 @!p2 $0x0  }
0x16: {  	s3 =	sld [smem:$0x3FDB];
	s0 =	simm.s32 @p2 $0x1  }
0x17: {  	s4 =	simm.s32 $0x1BF5;
	[smem:$0x3FA7] =	sst s0  }
0x18: {  	s0 =	sld [smem:$0x3F8A];
	_ =	swait.ge [sflag:s4], $0x0  }
0x19: {  	s7 =	sld [smem:$0x3F8B]  }
0x1a: {  	s8 =	sadd.s32 $0xFFFFE003, lr  }
0x1b: {  	s9 =	sadd.s32 $0xFFFFFEF7, lr;
	s5 =	simm.s32 $0xFFFFFFFF;
	p2 =	slt.u32 s8, $0xFFFFF086  }
0x1c: {  	p1 =	slt.u32 s9, $0xF7A;
	s5 =	simm.s32 @!p2 $0x0  }
0x1d: {  	s5 =	simm.s32 @p1 $0x1;
	p0 =	seq.s32 s7, s2  }
0x1e: {  	s7 =	smul.u32 @!p0 $0xF7A, s2;
	p2 =	seq.s32 @!p0 s5, $0x0  }
0x1f: {  	s9 =	smul.u32 $0xF7A, s1;
	s8 =	simm.s32 @!p0 $0x1BF5;
	p2 =	por !p2, p0  }
0x20: {  	[sflag:s8] =	ssyncset.s32 @!p0 $0xFFFFF086;
	s6 =	sadd.s32 @!p0 s3, s7;
	s7 =	simm.s32 @!p0 $0x108  }
0x21: {  	s3 =	sadd.s32 s3, s9;
	s6 =	sadd.s32 @!p0 $0x88, s6;
	s7 =	simm.s32 @p2 $0x1082  }
0x22: {  	[simem:s7], [sflag:s8] =	dma.local @!p0 [hbm:s6], $0xF7A  }
0x23: {  	s9 =	sor.u32 $0xD0000000, s2;
	s6 =	simm.s32 $0x108;
	_ =	swait.ge @!p0 [sflag:s8], $0x0  }
0x24: {  	s3 =	sadd.s32 $0x88, s3;
	s6 =	simm.s32 @!p1 $0x1082;
	[sflag:s4] =	ssyncset.s32 $0xFFFFF086  }
0x25: {  	[simem:s6], [sflag:s4] =	dma.local [hbm:s3], $0xF7A  }
0x26: {  	[smem:$0x3F8B] =	sst s1;
	(tag) =	ssettag s2;
	_ =	strace s9  }
0x27: {  	s1 =	sld [smem:$0x3F9B]  }
0x28: {  	s2 =	sld [smem:$0x3F9C]  }
0x29: {  	s4 =	sld [smem:$0x3F9E]  }
0x2a: {  	p0 =	seq.s32 s5, $0x0;
	s5 =	sld [smem:$0x3F9F]  }
0x2b: {  	s6 =	sld [smem:$0x3FA0]  }
0x2c: {  	s7 =	sld [smem:$0x3FA1]  }
0x2d: {  	s3 =	simm.s32 $0x108;
	s8 =	sld [smem:$0x3FA2]  }
0x2e: {  	s3 =	simm.s32 @!p0 $0x1082;
	s9 =	sld [smem:$0x3FA3]  }
0x2f: {  	lr =	sadd.s32 s0, s3;
	s0 =	sld [smem:$0x3F9A]  }
0x30: {  	s3 =	sld [smem:$0x3F9D]  }
0x31: {  	[smem:$0x3FA6] =	sst s10  }
0x32: {  	s10 =	sld [smem:$0x3FA4];
	_ =	sdelay $0x3  }
0x33: {  	p0 =	seq.s32 s10, $0x1;
	s10 =	sld [smem:$0x3FA6];
	_ =	sdelay $0x3  }
0x34: {  	[smem:$0x3FA6] =	sst s10  }
0x35: {  	s10 =	sld [smem:$0x3FA5];
	_ =	sdelay $0x3  }
0x36: {  	p1 =	seq.s32 s10, $0x1;
	s10 =	sld [smem:$0x3FA6];
	_ =	sdelay $0x3  }
0x37: {  	[smem:$0x3FA6] =	sst s10  }
0x38: {  	s10 =	sld [smem:$0x3FA7]  }
0x39: {  	_ = 	snop;
	(pc) =	sbr.ind lr, $3  }
0x3a: {  	_ = 	snop  }
0x3b: {  	_ = 	snop  }
0x3c: {  	p2 =	seq.s32 s10, $0x1;
	s10 =	sld [smem:$0x3FA6]  }
0x3d: {  	_ =	shalt  }
0x3e: {  	_ =	shalt  }
0x3f: {  	_ =	shalt  }
0x40: {  	_ =	shalt  }
0x41: {  	_ =	shalt  }
0x42: {  	_ =	shalt  }
0x43: {  	_ =	shalt  }
0x44: {  	_ =	shalt  }
0x45: {  	_ =	shalt  }
0x46: {  	_ =	shalt  }
0x47: {  	_ =	shalt  }
0x48: {  	_ =	shalt  }
0x49: {  	_ =	shalt  }
0x4a: {  	_ =	shalt  }
0x4b: {  	_ =	shalt  }
0x4c: {  	_ =	shalt  }
0x4d: {  	_ =	shalt  }
0x4e: {  	_ =	shalt  }
0x4f: {  	_ =	shalt  }
0x50: {  	_ =	shalt  }
0x51: {  	_ =	shalt  }
0x52: {  	_ =	shalt  }
0x53: {  	_ =	shalt  }
0x54: {  	_ =	shalt  }
0x55: {  	_ =	shalt  }
0x56: {  	_ =	shalt  }
0x57: {  	_ =	shalt  }
0x58: {  	_ =	shalt  }
0x59: {  	_ =	shalt  }
0x5a: {  	_ =	shalt  }
0x5b: {  	_ =	shalt  }
0x5c: {  	_ =	shalt  }
0x5d: {  	_ =	shalt  }
0x5e: {  	_ =	shalt  }
0x5f: {  	_ =	shalt  }
0x60: {  	_ =	shalt  }
0x61: {  	_ =	shalt  }
0x62: {  	_ =	shalt  }
0x63: {  	_ =	shalt  }
0x64: {  	_ =	shalt  }
0x65: {  	_ =	shalt  }
0x66: {  	_ =	shalt  }
0x67: {  	_ =	shalt  }
0x68: {  	_ =	shalt  }
0x69: {  	_ =	shalt  }
0x6a: {  	_ =	shalt  }
0x6b: {  	_ =	shalt  }
0x6c: {  	_ =	shalt  }
0x6d: {  	_ =	shalt  }
0x6e: {  	_ =	shalt  }
0x6f: {  	_ =	shalt  }
0x70: {  	_ =	shalt  }
0x71: {  	_ =	shalt  }
0x72: {  	_ =	shalt  }
0x73: {  	_ =	shalt  }
0x74: {  	_ =	shalt  }
0x75: {  	_ =	shalt  }
0x76: {  	_ =	shalt  }
0x77: {  	_ =	shalt  }
0x78: {  	_ =	shalt  }
0x79: {  	_ =	shalt  }
0x7a: {  	_ =	shalt  }
0x7b: {  	_ =	shalt  }
0x7c: {  	_ =	shalt  }
0x7d: {  	_ =	shalt  }
0x7e: {  	_ =	shalt  }
0x7f: {  	_ =	shalt  }
0x80: {  	_ =	shalt  }
0x81: {  	_ =	shalt  }
0x82: {  	_ =	shalt  }
0x83: {  	_ =	shalt  }
0x84: {  	_ =	shalt  }
0x85: {  	_ =	shalt  }
0x86: {  	_ =	shalt  }
0x87: {  	_ =	shalt  }
.Lfunc_end0:
.L_simem_size_0:
called_computation.3_lowered:
.L_overlay_start_0:
0x88: {  	s2 =	sld [smem:$0x3FD9]  }
0x89: {  	s3 =	sld [smem:$0x3FFE];
	_ =	sdelay $0x1  }
0x8a: {  	s1 =	srdreg.scid  }
0x8b: {  	s0 =	sand.u32 $0x1, s1  }
0x8c: {  	s16 =	sshll.u32 s0, $0xA;
	s2 =	sadd.s32 s3, s2  }
0x8d: {  	s2 =	sadd.s32 s2, s16  }
0x8e: {  	[smem:$0x3FB2] =	sst s2  }
0x8f: {  	_ = 	snop  }
0x90: {  	(tm) =	ssettm $0x1  }
0x91: {  	s17 =	sld [smem:$0x3FFB];
	_ =	sdelay $0x3  }
0x92: {  	_ =	strace s17  }
0x93: {  	s2 =	sld [smem:$0x3FFC];
	_ =	sdelay $0x3  }
0x94: {  	_ =	strace s2  }
0x95: {  	s2 =	sld [smem:$0x3FFD];
	_ =	sdelay $0x3  }
0x96: {  	_ =	strace s2  }
0x97: {  	_ =	strace $0x8FFFFFFF  }
0x98: {  	s18 =	sld [smem:$0x3FDB];
	_ =	sdelay $0x1  }
0x99: {  	s19 =	simm.s32 $_scs_section_size  }
0x9a: {  	s4 =	simm.s32 $_size__tile_overlayer_lowered;
	s5 =	simm.s32 $_tile_overlayer_lowered  }
0x9b: {  	s22 =	simm.s32 $0x1BFF;
	s21 =	sshll.u32 s5, $0x1;
	s2 =	sadd.s32 s19, s18  }
0x9c: {  	s6 =	simm.s32 $0x0;
	s20 =	sshll.u32 s4, $0x1;
	s4 =	sadd.s32 s21, s2  }
0x9d: {  	[timem:s6], [sflag:s22] =	dma.local [hbm:s4], s20  }
0x9e: {  	_ =	swait.ge [sflag:s22], s20  }
0x9f: {  	s3 =	ssub.s32 $0x0, s20;
	[sflag:s22] =	ssyncset.done $0x0  }
0xa0: {  	[sflag:s22] =	ssyncadd.s32 s3;
	_ =	sdelay $0x1  }
0xa1: {  	s23 =	simm.s32 $0x1B8B  }
0xa2: {  	_ =	swait.ge [sflag:s23], $0x1  }
0xa3: {  	[sflag:s23] =	ssyncset.done $0x0  }
0xa4: {  	s25 =	simm.s32 $0x1B8E;
	s24 =	sld [smem:$0x3FFE];
	[sflag:s23] =	ssyncadd.s32 $0xFFFFFFFF  }
0xa5: {  	s26 =	simm.s32 $execute0_lowered;
	[smem:$0x3FD2] =	sst s25  }
0xa6: {  	s4 =	sshll.u32 s26, $0x1;
	_ =	strace $0x8000004F;
	[dreg:$0x1] =	wrdreg $0xFFFFFFFF  }
0xa7: {  	s28 =	simm.s32 $_size_execute0_lowered;
	s2 =	sadd.s32 s2, s4;
	[dreg:$0x0] =	wrdreg $0x0  }
0xa8: {  	s4 =	sshll.u32 s28, $0x1;
	[dreg:$0x2] =	wrdreg s2  }
0xa9: {  	[dreg:$0x3] =	wrdreg s4  }
0xaa: {  	[dreg:$0x4] =	wrdreg $0xC0  }
0xab: {  	_ =	task [dreg:s6], $0x5FFFF  }
0xac: {  	[dreg:$0x1] =	wrdreg $0xFFFFFFFF  }
0xad: {  	[dreg:$0x0] =	wrdreg $0x60  }
0xae: {  	[dreg:$0x2] =	wrdreg s24  }
0xaf: {  	[dreg:$0x3] =	wrdreg $0xA8000  }
0xb0: {  	[dreg:$0x4] =	wrdreg $0x9  }
0xb1: {  	_ =	task.clear_ibuf [dreg:s6], $0x5FFFF;
	_ =	strace $0x9000004F  }
0xb2: {  	s29 =	simm.s32 $0x9;
	_ =	strace $0x80000051  }
0xb3: {  	_ =	swait.ge [sflag:s29], $0x1  }
0xb4: {  	[sflag:s29] =	ssyncadd.s32 $0xFFFFFFFF  }
0xb5: {  	_ =	strace $0x90000051  }
0xb6: {  	_ =	sfence  }
0xb7: {  	s30 =	sld [smem:$0x0];
	_ =	sdelay $0x2  }
0xb8: {  	s31 =	sshll.u32 s1, $0xD;
	s1 =	sshrl.u32 s1, $0x2  }
0xb9: {  	s3 =	sand.u32 $0x4000, s31;
	s1 =	sadd.s32 s1, s30  }
0xba: {  	s0 =	sor.u32 s3, s0;
	s1 =	sshll.u32 s1, $0x11  }
0xbb: {  	s0 =	sor.u32 s1, s0  }
0xbc: {  	s0 =	sadd.s32 $0x8F2B, s0  }
0xbd: {  	[sflag:s0] =	ssyncadd.remote.s32 $0x1  }
0xbe: {  	_ =	sfence.sel $0xFFFF  }
0xbf: {  	[dreg:$0x0] =	wrdreg $0xFFFFFFFF;
	(pc) =	sbr.abs _section_cstart, $3  }
0xc0: {  	[dreg:$0x1] =	wrdreg $0xFFFFFFFF  }
0xc1: {  	_ =	task.clear_ibuf [dreg:s6], $0x2FFFF;
	_ =	strace $0x9FFFFFFF  }
0xc2: {  	(tm) =	ssettm $0x7FFFFFFF  }
0xc3: {  	_ =	shalt  }
tec
execute0_lowered:
.L_overlay_start_1:
0x0: {  	(tag) =	ssettag $0x1  }
0x1: {  	s0 =	rddreg [dreg:$0x0];
	s1 =	stileid.u32  }
0x2: {  	s2 =	rddreg [dreg:$0x1];
	s11 =	smul.u32 $0x280, s1  }
0x3: {  	s3 =	simm.s32 $0x0;
	s5 =	srdreg.scid;
	s23 =	smul.u32 $0x50000, s1  }
0x4: {  	s28 =	simm.s32 $0x2780;
	s29 =	simm.s32 $0x0;
	s14 =	smul.u32 $0x2800, s1  }
0x5: {  	[smem:$0x7FF] =	sst s3;
	s9 =	sand.u32 $0x1, s5;
	s18 =	smul.u32 $0x14000, s1  }
0x6: {  	s4 =	sadd.s32 $0xE2200, s0;
	s15 =	sadd.s32 $0x31E00, s0;
	s6 =	smul.u32 $0x5000, s9  }
0x7: {  	s12 =	sadd.s32 $0xEE00, s0;
	s0 =	sadd.s32 $0x182200, s0;
	s10 =	smul.u32 $0x50000, s9  }
0x8: {  	s24 =	sshll.u32 s1, $0x6;
	s13 =	smul.u32 $0x280000, s9;
	s19 =	sshllo.u32 s9, $0x1  }
0x9: {  	_ =	strace $0x80000050;
	s7 =	ssub.s32 $0x2, s9;
	s20 =	smul.u32 $0x2800, s19  }
0xa: {  	s8 =	sshrl.u32 s7, $0x1;
	s5 =	sshrl.u32 s23, $0x2;
	s31 =	smul.u32 $0x28000, s19  }
0xb: {  	s16 =	sadd.s32 $0x1400, s14;
	s30 =	sshrl.u32 s14, $0x3;
	s19 =	smul.u32 $0x140000, s19  }
0xc: {  	s23 =	simm.s32 $0x1;
	s17 =	ssub.s32 s7, s8;
	s5 =	sadd.s32 s5, s2  }
0xd: {  	s6 =	sadd.s32 s11, s6;
	s25 =	sadd.s32 s14, s10;
	s7 =	sor.u32 $0x1C03, s24  }
0xe: {  	s10 =	sadd.s32 s10, s16;
	s9 =	sadd.s32 s12, s30;
	s21 =	sshrl.u32 s16, $0x3  }
0xf: {  	s13 =	sadd.s32 s18, s13;
	s24 =	simm.s32 $0x2;
	[dreg:$0x3] =	wrdreg s5  }
0x10: {  	s6 =	sshll.u32 s6, $0x4;
	s8 =	sshrl.u32 s25, $0x3;
	s10 =	sshrl.u32 s10, $0x3  }
0x11: {  	s11 =	sadd.s32 s11, s20;
	s13 =	sshrl.u32 s13, $0x3;
	s14 =	sadd.s32 s14, s31  }
0x12: {  	s16 =	sadd.s32 s16, s31;
	s18 =	sadd.s32 s18, s19;
	s17 =	smax.u32 s17, $0x1  }
0x13: {  	s19 =	simm.s32 $0x1400;
	s20 =	simm.s32 $0x80;
	s25 =	simm.s32 $0x1380  }
0x14: {  	s26 =	sadd.s32 s4, s6;
	s8 =	sadd.s32 s15, s8;
	s10 =	sadd.s32 s15, s10  }
0x15: {  	s22 =	sshll.u32 s11, $0x4;
	s11 =	sadd.s32 s12, s21;
	s12 =	sadd.s32 s0, s13  }
0x16: {  	s14 =	sshrl.u32 s14, $0x3;
	s16 =	sshrl.u32 s16, $0x3;
	s18 =	sshrl.u32 s18, $0x3  }
0x17: {  	s21 =	simm.s32 $0x2800;
	[dreg:$0x4] =	wrdreg s26;
	s13 =	sadd.s32 s4, s22  }
0x18: {  	s14 =	sadd.s32 s15, s14;
	s15 =	sadd.s32 s15, s16;
	s16 =	sadd.s32 s0, s18  }
0x19: {  	s18 =	simm.s32 $0x3;
	s22 =	simm.s32 $0x6800;
	s26 =	simm.s32 $0x2700  }
.LBB2_1:
0x1a: {  	s0 =	rddreg [dreg:$0x3]  }
0x1b: {  	s5 =	rddreg [dreg:$0x4];
	s30 =	sshrl.u32 s0, $0x3  }
0x1c: {  	[spmem:s30], [sflag:s7] =	dma.local [hbm:s5], $0x2800  }
0x1d: {  	_ =	swait.ge [sflag:s18], $0x2800  }
0x1e: {  	[sflag:s18] =	ssyncset.done $0x0  }
0x1f: {  	[sflag:s18] =	ssyncadd.s32 $0xFFFFD800  }
0x20: {  	[bflag:$0x0] =	sbarrier.arrive $0xFFFF  }
0x21: {  	[tilespmem:s3], [sflag:$0x3] =	stream.linear.gather [hbm4b:s8+s3], $0x1400, $0x38;
	[tilespmem:$0x1E800] =	vst v63  }
0x22: {  	_ =	swait.ge [sflag:s18], $0x1400  }
0x23: {  	[sflag:s18] =	ssyncset.done $0x0  }
0x24: {  	[sflag:s18] =	ssyncadd.s32 $0xFFFFEC00  }
0x25: {  	[tilespmem:s19], [sflag:$0x3] =	stream.linear.gather [hbm4b:s9+s3], $0x1400, $0x38;
	[tilespmem:$0x1E800] =	vst v63  }
0x26: {  	_ =	swait.ge [sflag:s18], $0x1400  }
0x27: {  	[sflag:s18] =	ssyncset.done $0x0  }
0x28: {  	[sflag:s18] =	ssyncadd.s32 $0xFFFFEC00  }
0x29: {  	[tilespmem:s21], [sflag:$0x1] =	stream.indirect.gather [hbm4b:s4+s20], $0x80, s3, s20, $0xb8;
	[tilespmem:$0x1E800] =	vst v63  }
0x2a: {  	s6 =	simm.s32 $0x80  }
0x2b: {  	[tilespmem:s22], [sflag:$0x2] =	stream.indirect.gather [hbm4b:s4+s20], $0x80, s6, s20, $0xb8;
	[tilespmem:$0x1E800] =	vst v63  }
0x2c: {  	_ =	swait.ge [sflag:s23], $0x4000  }
0x2d: {  	[sflag:s23] =	ssyncset.done $0x0  }
0x2e: {  	s1 =	simm.s32 $0x1400;
	[sflag:s23] =	ssyncadd.s32 $0xFFFFC000  }
0x2f: {  	[spmem:s2] =	stream.indirect.scatter.add.f32 [tilespmem:s21], [sflag:$0x3], $0x80, s1, s20, $0xb8;
	[tilespmem:$0x1E800] =	vst v63  }
0x30: {  	_ =	swait.ge [sflag:s18], $0x4000  }
0x31: {  	[sflag:s18] =	ssyncset.done $0x0  }
0x32: {  	s5 =	simm.s32 $0x100;
	[sflag:s18] =	ssyncadd.s32 $0xFFFFC000  }
0x33: {  	[tilespmem:s21], [sflag:$0x1] =	stream.indirect.gather [hbm4b:s4+s20], $0x80, s5, s20, $0xb8;
	[tilespmem:$0x1E800] =	vst v63  }
0x34: {  	_ =	swait.ge [sflag:s24], $0x4000  }
0x35: {  	[sflag:s24] =	ssyncset.done $0x0  }
0x36: {  	s6 =	simm.s32 $0x1480;
	[sflag:s24] =	ssyncadd.s32 $0xFFFFC000  }
0x37: {  	[spmem:s2] =	stream.indirect.scatter.add.f32 [tilespmem:s22], [sflag:$0x3], $0x80, s6, s20, $0xb8;
	[tilespmem:$0x1E800] =	vst v63  }
0x38: {  	_ =	swait.ge [sflag:s18], $0x4000  }
0x39: {  	s31 =	simm.s32 $0x100;
	s0 =	simm.s32 $0x800;
	[sflag:s18] =	ssyncset.done $0x0  }
.LBB2_2:
0x3a: {  	s1 =	sadd.s32 $0x80, s31  }
0x3b: {  	[sflag:s18] =	ssyncadd.s32 $0xFFFFC000;
	s5 =	smov.u32 s0;
	s6 =	sadd.s32 $0x400, s0  }
0x3c: {  	[tilespmem:s22], [sflag:$0x2] =	stream.indirect.gather [hbm4b:s4+s20], $0x80, s1, s20, $0xb8;
	[tilespmem:$0x1E800] =	vst v63  }
0x3d: {  	p0 =	sne.s32 s0, $0x4800;
	_ =	swait.ge [sflag:s23], $0x4000  }
0x3e: {  	[sflag:s23] =	ssyncset.done $0x0  }
0x3f: {  	s0 =	sadd.s32 $0x1400, s31;
	[sflag:s23] =	ssyncadd.s32 $0xFFFFC000  }
0x40: {  	[spmem:s2] =	stream.indirect.scatter.add.f32 [tilespmem:s21], [sflag:$0x3], $0x80, s0, s20, $0xb8;
	[tilespmem:$0x1E800] =	vst v63  }
0x41: {  	_ =	swait.ge [sflag:s18], $0x4000  }
0x42: {  	[sflag:s18] =	ssyncset.done $0x0  }
0x43: {  	s0 =	sadd.s32 $0x100, s31;
	[sflag:s18] =	ssyncadd.s32 $0xFFFFC000  }
0x44: {  	[tilespmem:s21], [sflag:$0x1] =	stream.indirect.gather [hbm4b:s4+s20], $0x80, s0, s20, $0xb8;
	[tilespmem:$0x1E800] =	vst v63  }
0x45: {  	_ =	swait.ge [sflag:s24], $0x4000  }
.Ltmp0:
0x46: {  	[sflag:s24] =	ssyncset.done $0x0;
	(pc) =	sbr.rel @p0 .LBB2_2-.Ltmp0, $4  }
0x47: {  	s0 =	sadd.s32 $0x1480, s31;
	[sflag:s24] =	ssyncadd.s32 $0xFFFFC000  }
0x48: {  	[spmem:s2] =	stream.indirect.scatter.add.f32 [tilespmem:s22], [sflag:$0x3], $0x80, s0, s20, $0xb8;
	[tilespmem:$0x1E800] =	vst v63  }
0x49: {  	_ =	swait.ge [sflag:s18], $0x4000  }
0x4a: {  	s31 =	sshra.s32 s5, $0x2;
	s0 =	smov.u32 s6;
	[sflag:s18] =	ssyncset.done $0x0  }
0x4b: {  	s0 =	sadd.s32 $0x80, s31;
	[sflag:s18] =	ssyncadd.s32 $0xFFFFC000  }
0x4c: {  	[tilespmem:s22], [sflag:$0x2] =	stream.indirect.gather [hbm4b:s4+s20], $0x80, s0, s20, $0xb8;
	[tilespmem:$0x1E800] =	vst v63  }
0x4d: {  	_ =	swait.ge [sflag:s23], $0x4000  }
0x4e: {  	[sflag:s23] =	ssyncset.done $0x0  }
0x4f: {  	s5 =	sadd.s32 $0x1400, s31;
	[sflag:s23] =	ssyncadd.s32 $0xFFFFC000  }
0x50: {  	[spmem:s2] =	stream.indirect.scatter.add.f32 [tilespmem:s21], [sflag:$0x3], $0x80, s5, s20, $0xb8;
	[tilespmem:$0x1E800] =	vst v63  }
0x51: {  	_ =	swait.ge [sflag:s18], $0x4000  }
0x52: {  	[sflag:s18] =	ssyncset.done $0x0  }
0x53: {  	s6 =	sadd.s32 $0x100, s31;
	[sflag:s18] =	ssyncadd.s32 $0xFFFFC000  }
0x54: {  	[tilespmem:s21], [sflag:$0x1] =	stream.indirect.gather [hbm4b:s4+s20], $0x80, s6, s20, $0xb8;
	[tilespmem:$0x1E800] =	vst v63  }
0x55: {  	_ =	swait.ge [sflag:s24], $0x4000  }
0x56: {  	[sflag:s24] =	ssyncset.done $0x0  }
0x57: {  	s1 =	sadd.s32 $0x1480, s31;
	[sflag:s24] =	ssyncadd.s32 $0xFFFFC000  }
0x58: {  	[spmem:s2] =	stream.indirect.scatter.add.f32 [tilespmem:s22], [sflag:$0x3], $0x80, s1, s20, $0xb8;
	[tilespmem:$0x1E800] =	vst v63  }
0x59: {  	_ =	swait.ge [sflag:s18], $0x4000  }
0x5a: {  	[sflag:s18] =	ssyncset.done $0x0  }
0x5b: {  	[sflag:s18] =	ssyncadd.s32 $0xFFFFC000  }
0x5c: {  	[tilespmem:s22], [sflag:$0x2] =	stream.indirect.gather [hbm4b:s4+s20], $0x80, s25, s20, $0xb8;
	[tilespmem:$0x1E800] =	vst v63  }
0x5d: {  	_ =	swait.ge [sflag:s23], $0x4000  }
0x5e: {  	[sflag:s23] =	ssyncset.done $0x0  }
0x5f: {  	[sflag:s23] =	ssyncadd.s32 $0xFFFFC000  }
0x60: {  	[spmem:s2] =	stream.indirect.scatter.add.f32 [tilespmem:s21], [sflag:$0x3], $0x80, s26, s20, $0xb8;
	[tilespmem:$0x1E800] =	vst v63  }
0x61: {  	_ =	swait.ge [sflag:s18], $0x4000  }
0x62: {  	[sflag:s18] =	ssyncset.done $0x0  }
0x63: {  	[sflag:s18] =	ssyncadd.s32 $0xFFFFC000  }
0x64: {  	_ =	swait.ge [sflag:s24], $0x4000  }
0x65: {  	[sflag:s24] =	ssyncset.done $0x0  }
0x66: {  	[sflag:s24] =	ssyncadd.s32 $0xFFFFC000  }
0x67: {  	[spmem:s2] =	stream.indirect.scatter.add.f32 [tilespmem:s22], [sflag:$0x3], $0x80, s28, s20, $0xb8;
	[tilespmem:$0x1E800] =	vst v63  }
0x68: {  	_ =	swait.ge [sflag:s18], $0x4000  }
0x69: {  	[sflag:s18] =	ssyncset.done $0x0  }
0x6a: {  	s5 =	simm.s32 $0x0;
	[sflag:s18] =	ssyncadd.s32 $0xFFFFC000  }
0x6b: {  	[tilespmem:s5], [sflag:$0x3] =	stream.linear.gather [hbm4b:s10+s5], $0x1400, $0x38;
	[tilespmem:$0x1E800] =	vst v63  }
0x6c: {  	_ =	swait.ge [sflag:s18], $0x1400  }
0x6d: {  	[sflag:s18] =	ssyncset.done $0x0  }
0x6e: {  	[sflag:s18] =	ssyncadd.s32 $0xFFFFEC00  }
0x6f: {  	[tilespmem:s19], [sflag:$0x3] =	stream.linear.gather [hbm4b:s11+s5], $0x1400, $0x38;
	[tilespmem:$0x1E800] =	vst v63  }
0x70: {  	_ =	swait.ge [sflag:s18], $0x1400  }
0x71: {  	[sflag:s18] =	ssyncset.done $0x0  }
0x72: {  	[sflag:s18] =	ssyncadd.s32 $0xFFFFEC00  }
0x73: {  	[tilespmem:s21], [sflag:$0x1] =	stream.indirect.gather [hbm4b:s4+s20], $0x80, s5, s20, $0xb8;
	[tilespmem:$0x1E800] =	vst v63  }
0x74: {  	s6 =	simm.s32 $0x80  }
0x75: {  	[tilespmem:s22], [sflag:$0x2] =	stream.indirect.gather [hbm4b:s4+s20], $0x80, s6, s20, $0xb8;
	[tilespmem:$0x1E800] =	vst v63  }
0x76: {  	_ =	swait.ge [sflag:s23], $0x4000  }
0x77: {  	[sflag:s23] =	ssyncset.done $0x0  }
0x78: {  	s1 =	simm.s32 $0x1400;
	[sflag:s23] =	ssyncadd.s32 $0xFFFFC000  }
0x79: {  	[spmem:s2] =	stream.indirect.scatter.add.f32 [tilespmem:s21], [sflag:$0x3], $0x80, s1, s20, $0xb8;
	[tilespmem:$0x1E800] =	vst v63  }
0x7a: {  	_ =	swait.ge [sflag:s18], $0x4000  }
0x7b: {  	[sflag:s18] =	ssyncset.done $0x0  }
0x7c: {  	s5 =	simm.s32 $0x100;
	[sflag:s18] =	ssyncadd.s32 $0xFFFFC000  }
0x7d: {  	[tilespmem:s21], [sflag:$0x1] =	stream.indirect.gather [hbm4b:s4+s20], $0x80, s5, s20, $0xb8;
	[tilespmem:$0x1E800] =	vst v63  }
0x7e: {  	_ =	swait.ge [sflag:s24], $0x4000  }
0x7f: {  	[sflag:s24] =	ssyncset.done $0x0  }
0x80: {  	s6 =	simm.s32 $0x1480;
	[sflag:s24] =	ssyncadd.s32 $0xFFFFC000  }
0x81: {  	[spmem:s2] =	stream.indirect.scatter.add.f32 [tilespmem:s22], [sflag:$0x3], $0x80, s6, s20, $0xb8;
	[tilespmem:$0x1E800] =	vst v63  }
0x82: {  	_ =	swait.ge [sflag:s18], $0x4000  }
0x83: {  	s31 =	simm.s32 $0x100;
	s0 =	simm.s32 $0x800;
	[sflag:s18] =	ssyncset.done $0x0  }
.LBB2_4:
0x84: {  	s1 =	sadd.s32 $0x80, s31  }
0x85: {  	[sflag:s18] =	ssyncadd.s32 $0xFFFFC000;
	s5 =	smov.u32 s0;
	s6 =	sadd.s32 $0x400, s0  }
0x86: {  	[tilespmem:s22], [sflag:$0x2] =	stream.indirect.gather [hbm4b:s4+s20], $0x80, s1, s20, $0xb8;
	[tilespmem:$0x1E800] =	vst v63  }
0x87: {  	p0 =	sne.s32 s0, $0x4800;
	_ =	swait.ge [sflag:s23], $0x4000  }
0x88: {  	[sflag:s23] =	ssyncset.done $0x0  }
0x89: {  	s0 =	sadd.s32 $0x1400, s31;
	[sflag:s23] =	ssyncadd.s32 $0xFFFFC000  }
0x8a: {  	[spmem:s2] =	stream.indirect.scatter.add.f32 [tilespmem:s21], [sflag:$0x3], $0x80, s0, s20, $0xb8;
	[tilespmem:$0x1E800] =	vst v63  }
0x8b: {  	_ =	swait.ge [sflag:s18], $0x4000  }
0x8c: {  	[sflag:s18] =	ssyncset.done $0x0  }
0x8d: {  	s0 =	sadd.s32 $0x100, s31;
	[sflag:s18] =	ssyncadd.s32 $0xFFFFC000  }
0x8e: {  	[tilespmem:s21], [sflag:$0x1] =	stream.indirect.gather [hbm4b:s4+s20], $0x80, s0, s20, $0xb8;
	[tilespmem:$0x1E800] =	vst v63  }
0x8f: {  	_ =	swait.ge [sflag:s24], $0x4000  }
.Ltmp1:
0x90: {  	[sflag:s24] =	ssyncset.done $0x0;
	(pc) =	sbr.rel @p0 .LBB2_4-.Ltmp1, $4  }
0x91: {  	s0 =	sadd.s32 $0x1480, s31;
	[sflag:s24] =	ssyncadd.s32 $0xFFFFC000  }
0x92: {  	[spmem:s2] =	stream.indirect.scatter.add.f32 [tilespmem:s22], [sflag:$0x3], $0x80, s0, s20, $0xb8;
	[tilespmem:$0x1E800] =	vst v63  }
0x93: {  	_ =	swait.ge [sflag:s18], $0x4000  }
0x94: {  	s31 =	sshra.s32 s5, $0x2;
	s0 =	smov.u32 s6;
	[sflag:s18] =	ssyncset.done $0x0  }
0x95: {  	s0 =	sadd.s32 $0x80, s31;
	[sflag:s18] =	ssyncadd.s32 $0xFFFFC000  }
0x96: {  	[tilespmem:s22], [sflag:$0x2] =	stream.indirect.gather [hbm4b:s4+s20], $0x80, s0, s20, $0xb8;
	[tilespmem:$0x1E800] =	vst v63  }
0x97: {  	_ =	swait.ge [sflag:s23], $0x4000  }
0x98: {  	[sflag:s23] =	ssyncset.done $0x0  }
0x99: {  	s5 =	sadd.s32 $0x1400, s31;
	[sflag:s23] =	ssyncadd.s32 $0xFFFFC000  }
0x9a: {  	[spmem:s2] =	stream.indirect.scatter.add.f32 [tilespmem:s21], [sflag:$0x3], $0x80, s5, s20, $0xb8;
	[tilespmem:$0x1E800] =	vst v63  }
0x9b: {  	_ =	swait.ge [sflag:s18], $0x4000  }
0x9c: {  	[sflag:s18] =	ssyncset.done $0x0  }
0x9d: {  	s6 =	sadd.s32 $0x100, s31;
	[sflag:s18] =	ssyncadd.s32 $0xFFFFC000  }
0x9e: {  	[tilespmem:s21], [sflag:$0x1] =	stream.indirect.gather [hbm4b:s4+s20], $0x80, s6, s20, $0xb8;
	[tilespmem:$0x1E800] =	vst v63  }
0x9f: {  	_ =	swait.ge [sflag:s24], $0x4000  }
0xa0: {  	[sflag:s24] =	ssyncset.done $0x0  }
0xa1: {  	s1 =	sadd.s32 $0x1480, s31;
	[sflag:s24] =	ssyncadd.s32 $0xFFFFC000  }
0xa2: {  	[spmem:s2] =	stream.indirect.scatter.add.f32 [tilespmem:s22], [sflag:$0x3], $0x80, s1, s20, $0xb8;
	[tilespmem:$0x1E800] =	vst v63  }
0xa3: {  	_ =	swait.ge [sflag:s18], $0x4000  }
0xa4: {  	[sflag:s18] =	ssyncset.done $0x0  }
0xa5: {  	[sflag:s18] =	ssyncadd.s32 $0xFFFFC000  }
0xa6: {  	[tilespmem:s22], [sflag:$0x2] =	stream.indirect.gather [hbm4b:s4+s20], $0x80, s25, s20, $0xb8;
	[tilespmem:$0x1E800] =	vst v63  }
0xa7: {  	_ =	swait.ge [sflag:s23], $0x4000  }
0xa8: {  	[sflag:s23] =	ssyncset.done $0x0  }
0xa9: {  	[sflag:s23] =	ssyncadd.s32 $0xFFFFC000  }
0xaa: {  	[spmem:s2] =	stream.indirect.scatter.add.f32 [tilespmem:s21], [sflag:$0x3], $0x80, s26, s20, $0xb8;
	[tilespmem:$0x1E800] =	vst v63  }
0xab: {  	_ =	swait.ge [sflag:s18], $0x4000  }
0xac: {  	[sflag:s18] =	ssyncset.done $0x0  }
0xad: {  	[sflag:s18] =	ssyncadd.s32 $0xFFFFC000  }
0xae: {  	_ =	swait.ge [sflag:s24], $0x4000  }
0xaf: {  	[sflag:s24] =	ssyncset.done $0x0  }
0xb0: {  	[sflag:s24] =	ssyncadd.s32 $0xFFFFC000  }
0xb1: {  	[spmem:s2] =	stream.indirect.scatter.add.f32 [tilespmem:s22], [sflag:$0x3], $0x80, s28, s20, $0xb8;
	[tilespmem:$0x1E800] =	vst v63  }
0xb2: {  	_ =	swait.ge [sflag:s18], $0x4000  }
0xb3: {  	[sflag:s18] =	ssyncset.done $0x0  }
0xb4: {  	[sflag:s18] =	ssyncadd.s32 $0xFFFFC000  }
0xb5: {  	[bflag:$0x0] =	sbarrier.arrive $0xFFFF  }
0xb6: {  	[hbm:s12], [sflag:s7] =	dma.local [spmem:s30], $0x2800  }
0xb7: {  	_ =	swait.ge [sflag:s18], $0x2800  }
0xb8: {  	[sflag:s18] =	ssyncset.done $0x0  }
0xb9: {  	[sflag:s18] =	ssyncadd.s32 $0xFFFFD800  }
0xba: {  	[bflag:$0x0] =	sbarrier.arrive $0xFFFF  }
0xbb: {  	[spmem:s30], [sflag:s7] =	dma.local [hbm:s13], $0x2800  }
0xbc: {  	_ =	swait.ge [sflag:s18], $0x2800  }
0xbd: {  	[sflag:s18] =	ssyncset.done $0x0  }
0xbe: {  	[sflag:s18] =	ssyncadd.s32 $0xFFFFD800  }
0xbf: {  	s5 =	simm.s32 $0x0;
	[bflag:$0x0] =	sbarrier.arrive $0xFFFF  }
0xc0: {  	[tilespmem:s5], [sflag:$0x3] =	stream.linear.gather [hbm4b:s14+s5], $0x1400, $0x38;
	[tilespmem:$0x1E800] =	vst v63  }
0xc1: {  	_ =	swait.ge [sflag:s18], $0x1400  }
0xc2: {  	[sflag:s18] =	ssyncset.done $0x0  }
0xc3: {  	[sflag:s18] =	ssyncadd.s32 $0xFFFFEC00  }
0xc4: {  	[tilespmem:s19], [sflag:$0x3] =	stream.linear.gather [hbm4b:s9+s5], $0x1400, $0x38;
	[tilespmem:$0x1E800] =	vst v63  }
0xc5: {  	_ =	swait.ge [sflag:s18], $0x1400  }
0xc6: {  	[sflag:s18] =	ssyncset.done $0x0  }
0xc7: {  	[sflag:s18] =	ssyncadd.s32 $0xFFFFEC00  }
0xc8: {  	[tilespmem:s21], [sflag:$0x1] =	stream.indirect.gather [hbm4b:s4+s20], $0x80, s5, s20, $0xb8;
	[tilespmem:$0x1E800] =	vst v63  }
0xc9: {  	s6 =	simm.s32 $0x80  }
0xca: {  	[tilespmem:s22], [sflag:$0x2] =	stream.indirect.gather [hbm4b:s4+s20], $0x80, s6, s20, $0xb8;
	[tilespmem:$0x1E800] =	vst v63  }
0xcb: {  	_ =	swait.ge [sflag:s23], $0x4000  }
0xcc: {  	[sflag:s23] =	ssyncset.done $0x0  }
0xcd: {  	s1 =	simm.s32 $0x1400;
	[sflag:s23] =	ssyncadd.s32 $0xFFFFC000  }
0xce: {  	[spmem:s2] =	stream.indirect.scatter.add.f32 [tilespmem:s21], [sflag:$0x3], $0x80, s1, s20, $0xb8;
	[tilespmem:$0x1E800] =	vst v63  }
0xcf: {  	_ =	swait.ge [sflag:s18], $0x4000  }
0xd0: {  	[sflag:s18] =	ssyncset.done $0x0  }
0xd1: {  	s5 =	simm.s32 $0x100;
	[sflag:s18] =	ssyncadd.s32 $0xFFFFC000  }
0xd2: {  	[tilespmem:s21], [sflag:$0x1] =	stream.indirect.gather [hbm4b:s4+s20], $0x80, s5, s20, $0xb8;
	[tilespmem:$0x1E800] =	vst v63  }
0xd3: {  	_ =	swait.ge [sflag:s24], $0x4000  }
0xd4: {  	[sflag:s24] =	ssyncset.done $0x0  }
0xd5: {  	s6 =	simm.s32 $0x1480;
	[sflag:s24] =	ssyncadd.s32 $0xFFFFC000  }
0xd6: {  	[spmem:s2] =	stream.indirect.scatter.add.f32 [tilespmem:s22], [sflag:$0x3], $0x80, s6, s20, $0xb8;
	[tilespmem:$0x1E800] =	vst v63  }
0xd7: {  	_ =	swait.ge [sflag:s18], $0x4000  }
0xd8: {  	s31 =	simm.s32 $0x100;
	s0 =	simm.s32 $0x800;
	[sflag:s18] =	ssyncset.done $0x0  }
.LBB2_6:
0xd9: {  	s1 =	sadd.s32 $0x80, s31  }
0xda: {  	[sflag:s18] =	ssyncadd.s32 $0xFFFFC000;
	s5 =	smov.u32 s0;
	s6 =	sadd.s32 $0x400, s0  }
0xdb: {  	[tilespmem:s22], [sflag:$0x2] =	stream.indirect.gather [hbm4b:s4+s20], $0x80, s1, s20, $0xb8;
	[tilespmem:$0x1E800] =	vst v63  }
0xdc: {  	p0 =	sne.s32 s0, $0x4800;
	_ =	swait.ge [sflag:s23], $0x4000  }
0xdd: {  	[sflag:s23] =	ssyncset.done $0x0  }
0xde: {  	s0 =	sadd.s32 $0x1400, s31;
	[sflag:s23] =	ssyncadd.s32 $0xFFFFC000  }
0xdf: {  	[spmem:s2] =	stream.indirect.scatter.add.f32 [tilespmem:s21], [sflag:$0x3], $0x80, s0, s20, $0xb8;
	[tilespmem:$0x1E800] =	vst v63  }
0xe0: {  	_ =	swait.ge [sflag:s18], $0x4000  }
0xe1: {  	[sflag:s18] =	ssyncset.done $0x0  }
0xe2: {  	s0 =	sadd.s32 $0x100, s31;
	[sflag:s18] =	ssyncadd.s32 $0xFFFFC000  }
0xe3: {  	[tilespmem:s21], [sflag:$0x1] =	stream.indirect.gather [hbm4b:s4+s20], $0x80, s0, s20, $0xb8;
	[tilespmem:$0x1E800] =	vst v63  }
0xe4: {  	_ =	swait.ge [sflag:s24], $0x4000  }
.Ltmp2:
0xe5: {  	[sflag:s24] =	ssyncset.done $0x0;
	(pc) =	sbr.rel @p0 .LBB2_6-.Ltmp2, $4  }
0xe6: {  	s0 =	sadd.s32 $0x1480, s31;
	[sflag:s24] =	ssyncadd.s32 $0xFFFFC000  }
0xe7: {  	[spmem:s2] =	stream.indirect.scatter.add.f32 [tilespmem:s22], [sflag:$0x3], $0x80, s0, s20, $0xb8;
	[tilespmem:$0x1E800] =	vst v63  }
0xe8: {  	_ =	swait.ge [sflag:s18], $0x4000  }
0xe9: {  	s31 =	sshra.s32 s5, $0x2;
	s0 =	smov.u32 s6;
	[sflag:s18] =	ssyncset.done $0x0  }
0xea: {  	s0 =	sadd.s32 $0x80, s31;
	[sflag:s18] =	ssyncadd.s32 $0xFFFFC000  }
0xeb: {  	[tilespmem:s22], [sflag:$0x2] =	stream.indirect.gather [hbm4b:s4+s20], $0x80, s0, s20, $0xb8;
	[tilespmem:$0x1E800] =	vst v63  }
0xec: {  	_ =	swait.ge [sflag:s23], $0x4000  }
0xed: {  	[sflag:s23] =	ssyncset.done $0x0  }
0xee: {  	s5 =	sadd.s32 $0x1400, s31;
	[sflag:s23] =	ssyncadd.s32 $0xFFFFC000  }
0xef: {  	[spmem:s2] =	stream.indirect.scatter.add.f32 [tilespmem:s21], [sflag:$0x3], $0x80, s5, s20, $0xb8;
	[tilespmem:$0x1E800] =	vst v63  }
0xf0: {  	_ =	swait.ge [sflag:s18], $0x4000  }
0xf1: {  	[sflag:s18] =	ssyncset.done $0x0  }
0xf2: {  	s6 =	sadd.s32 $0x100, s31;
	[sflag:s18] =	ssyncadd.s32 $0xFFFFC000  }
0xf3: {  	[tilespmem:s21], [sflag:$0x1] =	stream.indirect.gather [hbm4b:s4+s20], $0x80, s6, s20, $0xb8;
	[tilespmem:$0x1E800] =	vst v63  }
0xf4: {  	_ =	swait.ge [sflag:s24], $0x4000  }
0xf5: {  	[sflag:s24] =	ssyncset.done $0x0  }
0xf6: {  	s1 =	sadd.s32 $0x1480, s31;
	[sflag:s24] =	ssyncadd.s32 $0xFFFFC000  }
0xf7: {  	[spmem:s2] =	stream.indirect.scatter.add.f32 [tilespmem:s22], [sflag:$0x3], $0x80, s1, s20, $0xb8;
	[tilespmem:$0x1E800] =	vst v63  }
0xf8: {  	_ =	swait.ge [sflag:s18], $0x4000  }
0xf9: {  	[sflag:s18] =	ssyncset.done $0x0  }
0xfa: {  	[sflag:s18] =	ssyncadd.s32 $0xFFFFC000  }
0xfb: {  	[tilespmem:s22], [sflag:$0x2] =	stream.indirect.gather [hbm4b:s4+s20], $0x80, s25, s20, $0xb8;
	[tilespmem:$0x1E800] =	vst v63  }
0xfc: {  	_ =	swait.ge [sflag:s23], $0x4000  }
0xfd: {  	[sflag:s23] =	ssyncset.done $0x0  }
0xfe: {  	[sflag:s23] =	ssyncadd.s32 $0xFFFFC000  }
0xff: {  	[spmem:s2] =	stream.indirect.scatter.add.f32 [tilespmem:s21], [sflag:$0x3], $0x80, s26, s20, $0xb8;
	[tilespmem:$0x1E800] =	vst v63  }
0x100: {  	_ =	swait.ge [sflag:s18], $0x4000  }
0x101: {  	[sflag:s18] =	ssyncset.done $0x0  }
0x102: {  	[sflag:s18] =	ssyncadd.s32 $0xFFFFC000  }
0x103: {  	_ =	swait.ge [sflag:s24], $0x4000  }
0x104: {  	[sflag:s24] =	ssyncset.done $0x0  }
0x105: {  	[sflag:s24] =	ssyncadd.s32 $0xFFFFC000  }
0x106: {  	[spmem:s2] =	stream.indirect.scatter.add.f32 [tilespmem:s22], [sflag:$0x3], $0x80, s28, s20, $0xb8;
	[tilespmem:$0x1E800] =	vst v63  }
0x107: {  	_ =	swait.ge [sflag:s18], $0x4000  }
0x108: {  	[sflag:s18] =	ssyncset.done $0x0  }
0x109: {  	s5 =	simm.s32 $0x0;
	[sflag:s18] =	ssyncadd.s32 $0xFFFFC000  }
0x10a: {  	[tilespmem:s5], [sflag:$0x3] =	stream.linear.gather [hbm4b:s15+s5], $0x1400, $0x38;
	[tilespmem:$0x1E800] =	vst v63  }
0x10b: {  	_ =	swait.ge [sflag:s18], $0x1400  }
0x10c: {  	[sflag:s18] =	ssyncset.done $0x0  }
0x10d: {  	[sflag:s18] =	ssyncadd.s32 $0xFFFFEC00  }
0x10e: {  	[tilespmem:s19], [sflag:$0x3] =	stream.linear.gather [hbm4b:s11+s5], $0x1400, $0x38;
	[tilespmem:$0x1E800] =	vst v63  }
0x10f: {  	_ =	swait.ge [sflag:s18], $0x1400  }
0x110: {  	[sflag:s18] =	ssyncset.done $0x0  }
0x111: {  	[sflag:s18] =	ssyncadd.s32 $0xFFFFEC00  }
0x112: {  	[tilespmem:s21], [sflag:$0x1] =	stream.indirect.gather [hbm4b:s4+s20], $0x80, s5, s20, $0xb8;
	[tilespmem:$0x1E800] =	vst v63  }
0x113: {  	s6 =	simm.s32 $0x80  }
0x114: {  	[tilespmem:s22], [sflag:$0x2] =	stream.indirect.gather [hbm4b:s4+s20], $0x80, s6, s20, $0xb8;
	[tilespmem:$0x1E800] =	vst v63  }
0x115: {  	_ =	swait.ge [sflag:s23], $0x4000  }
0x116: {  	[sflag:s23] =	ssyncset.done $0x0  }
0x117: {  	s1 =	simm.s32 $0x1400;
	[sflag:s23] =	ssyncadd.s32 $0xFFFFC000  }
0x118: {  	[spmem:s2] =	stream.indirect.scatter.add.f32 [tilespmem:s21], [sflag:$0x3], $0x80, s1, s20, $0xb8;
	[tilespmem:$0x1E800] =	vst v63  }
0x119: {  	_ =	swait.ge [sflag:s18], $0x4000  }
0x11a: {  	[sflag:s18] =	ssyncset.done $0x0  }
0x11b: {  	s5 =	simm.s32 $0x100;
	[sflag:s18] =	ssyncadd.s32 $0xFFFFC000  }
0x11c: {  	[tilespmem:s21], [sflag:$0x1] =	stream.indirect.gather [hbm4b:s4+s20], $0x80, s5, s20, $0xb8;
	[tilespmem:$0x1E800] =	vst v63  }
0x11d: {  	_ =	swait.ge [sflag:s24], $0x4000  }
0x11e: {  	[sflag:s24] =	ssyncset.done $0x0  }
0x11f: {  	s6 =	simm.s32 $0x1480;
	[sflag:s24] =	ssyncadd.s32 $0xFFFFC000  }
0x120: {  	[spmem:s2] =	stream.indirect.scatter.add.f32 [tilespmem:s22], [sflag:$0x3], $0x80, s6, s20, $0xb8;
	[tilespmem:$0x1E800] =	vst v63  }
0x121: {  	_ =	swait.ge [sflag:s18], $0x4000  }
0x122: {  	s31 =	simm.s32 $0x100;
	s0 =	simm.s32 $0x800;
	[sflag:s18] =	ssyncset.done $0x0  }
.LBB2_8:
0x123: {  	s1 =	sadd.s32 $0x80, s31  }
0x124: {  	[sflag:s18] =	ssyncadd.s32 $0xFFFFC000;
	s5 =	smov.u32 s0;
	s6 =	sadd.s32 $0x400, s0  }
0x125: {  	[tilespmem:s22], [sflag:$0x2] =	stream.indirect.gather [hbm4b:s4+s20], $0x80, s1, s20, $0xb8;
	[tilespmem:$0x1E800] =	vst v63  }
0x126: {  	p0 =	sne.s32 s0, $0x4800;
	_ =	swait.ge [sflag:s23], $0x4000  }
0x127: {  	[sflag:s23] =	ssyncset.done $0x0  }
0x128: {  	s0 =	sadd.s32 $0x1400, s31;
	[sflag:s23] =	ssyncadd.s32 $0xFFFFC000  }
0x129: {  	[spmem:s2] =	stream.indirect.scatter.add.f32 [tilespmem:s21], [sflag:$0x3], $0x80, s0, s20, $0xb8;
	[tilespmem:$0x1E800] =	vst v63  }
0x12a: {  	_ =	swait.ge [sflag:s18], $0x4000  }
0x12b: {  	[sflag:s18] =	ssyncset.done $0x0  }
0x12c: {  	s0 =	sadd.s32 $0x100, s31;
	[sflag:s18] =	ssyncadd.s32 $0xFFFFC000  }
0x12d: {  	[tilespmem:s21], [sflag:$0x1] =	stream.indirect.gather [hbm4b:s4+s20], $0x80, s0, s20, $0xb8;
	[tilespmem:$0x1E800] =	vst v63  }
0x12e: {  	_ =	swait.ge [sflag:s24], $0x4000  }
.Ltmp3:
0x12f: {  	[sflag:s24] =	ssyncset.done $0x0;
	(pc) =	sbr.rel @p0 .LBB2_8-.Ltmp3, $4  }
0x130: {  	s0 =	sadd.s32 $0x1480, s31;
	[sflag:s24] =	ssyncadd.s32 $0xFFFFC000  }
0x131: {  	[spmem:s2] =	stream.indirect.scatter.add.f32 [tilespmem:s22], [sflag:$0x3], $0x80, s0, s20, $0xb8;
	[tilespmem:$0x1E800] =	vst v63  }
0x132: {  	_ =	swait.ge [sflag:s18], $0x4000  }
0x133: {  	s31 =	sshra.s32 s5, $0x2;
	s0 =	smov.u32 s6;
	[sflag:s18] =	ssyncset.done $0x0  }
0x134: {  	s0 =	sadd.s32 $0x80, s31;
	[sflag:s18] =	ssyncadd.s32 $0xFFFFC000  }
0x135: {  	[tilespmem:s22], [sflag:$0x2] =	stream.indirect.gather [hbm4b:s4+s20], $0x80, s0, s20, $0xb8;
	[tilespmem:$0x1E800] =	vst v63  }
0x136: {  	_ =	swait.ge [sflag:s23], $0x4000  }
0x137: {  	[sflag:s23] =	ssyncset.done $0x0  }
0x138: {  	s5 =	sadd.s32 $0x1400, s31;
	[sflag:s23] =	ssyncadd.s32 $0xFFFFC000  }
0x139: {  	[spmem:s2] =	stream.indirect.scatter.add.f32 [tilespmem:s21], [sflag:$0x3], $0x80, s5, s20, $0xb8;
	[tilespmem:$0x1E800] =	vst v63  }
0x13a: {  	_ =	swait.ge [sflag:s18], $0x4000  }
0x13b: {  	[sflag:s18] =	ssyncset.done $0x0  }
0x13c: {  	s6 =	sadd.s32 $0x100, s31;
	[sflag:s18] =	ssyncadd.s32 $0xFFFFC000  }
0x13d: {  	[tilespmem:s21], [sflag:$0x1] =	stream.indirect.gather [hbm4b:s4+s20], $0x80, s6, s20, $0xb8;
	[tilespmem:$0x1E800] =	vst v63  }
0x13e: {  	_ =	swait.ge [sflag:s24], $0x4000  }
0x13f: {  	[sflag:s24] =	ssyncset.done $0x0  }
0x140: {  	s31 =	sadd.s32 $0x1480, s31;
	[sflag:s24] =	ssyncadd.s32 $0xFFFFC000  }
0x141: {  	[spmem:s2] =	stream.indirect.scatter.add.f32 [tilespmem:s22], [sflag:$0x3], $0x80, s31, s20, $0xb8;
	[tilespmem:$0x1E800] =	vst v63  }
0x142: {  	_ =	swait.ge [sflag:s18], $0x4000  }
0x143: {  	[sflag:s18] =	ssyncset.done $0x0  }
0x144: {  	[sflag:s18] =	ssyncadd.s32 $0xFFFFC000  }
0x145: {  	[tilespmem:s22], [sflag:$0x2] =	stream.indirect.gather [hbm4b:s4+s20], $0x80, s25, s20, $0xb8;
	[tilespmem:$0x1E800] =	vst v63  }
0x146: {  	_ =	swait.ge [sflag:s23], $0x4000  }
0x147: {  	[sflag:s23] =	ssyncset.done $0x0  }
0x148: {  	[sflag:s23] =	ssyncadd.s32 $0xFFFFC000  }
0x149: {  	[spmem:s2] =	stream.indirect.scatter.add.f32 [tilespmem:s21], [sflag:$0x3], $0x80, s26, s20, $0xb8;
	[tilespmem:$0x1E800] =	vst v63  }
0x14a: {  	_ =	swait.ge [sflag:s18], $0x4000  }
0x14b: {  	[sflag:s18] =	ssyncset.done $0x0  }
0x14c: {  	[sflag:s18] =	ssyncadd.s32 $0xFFFFC000  }
0x14d: {  	_ =	swait.ge [sflag:s24], $0x4000  }
0x14e: {  	[sflag:s24] =	ssyncset.done $0x0  }
0x14f: {  	[sflag:s24] =	ssyncadd.s32 $0xFFFFC000  }
0x150: {  	[spmem:s2] =	stream.indirect.scatter.add.f32 [tilespmem:s22], [sflag:$0x3], $0x80, s28, s20, $0xb8;
	[tilespmem:$0x1E800] =	vst v63  }
0x151: {  	_ =	swait.ge [sflag:s18], $0x4000  }
0x152: {  	[sflag:s18] =	ssyncset.done $0x0  }
0x153: {  	s29 =	sadd.s32 $0x1, s29;
	[sflag:s18] =	ssyncadd.s32 $0xFFFFC000  }
0x154: {  	p0 =	sne.s32 s29, s17;
	[bflag:$0x0] =	sbarrier.arrive $0xFFFF  }
0x155: {  	[hbm:s16], [sflag:s7] =	dma.local [spmem:s30], $0x2800  }
.Ltmp4:
0x156: {  	_ =	swait.ge [sflag:s18], $0x2800;
	(pc) =	sbr.rel @p0 .LBB2_1-.Ltmp4, $3  }
0x157: {  	[sflag:s18] =	ssyncset.done $0x0  }
0x158: {  	[sflag:s18] =	ssyncadd.s32 $0xFFFFD800  }
0x159: {  	[bflag:$0x0] =	sbarrier.arrive $0xFFFF;
	_ =	sdelay $0x1  }
0x15a: {  	_ =	sfence.sel $0x180000  }
0x15b: {  	[bflag:$0x0] =	sbarrier.arrive $0xFFFF  }
0x15c: {  	_ =	strace $0x90000050  }
0x15d: {  	s0 =	stileid.u32;
	[bflag:$0x2] =	sbarrier.arrive $0xFFFF  }
0x15e: {  	p0 =	sne.s32 s0, $0x0;
	s0 =	rddreg [dreg:$0x2]  }
0x15f: {  	s0 =	sadd.s32 @!p0 $0x100000, s0  }
0x160: {  	[sflag:s0] =	ssyncadd.tile.s32 @!p0 $0x1;
	_ =	shalt  }
.Lfunc_end2:
_tile_overlayer_lowered:
.L_overlay_start_2:
0x161: {  	(tag) =	ssettag $0x2  }
0x162: {  	s0 =	rddreg [dreg:$0x0];
	s2 =	stileid.u32  }
0x163: {  	s1 =	rddreg [dreg:$0x1];
	p0 =	sne.s32 s2, $0x0  }
0x164: {  	s3 =	rddreg [dreg:$0x2];
	[bflag:$0x3] =	sbarrier.arrive $0xFFFF;
	s2 =	simm.s32 @!p0 $0x1C03  }
0x165: {  	[timem:s3], [sflag:s2] =	dma.local @!p0 [hbm:s0], s1  }
0x166: {  	s0 =	simm.s32 @!p0 $0x3  }
0x167: {  	_ =	swait.ge @!p0 [sflag:s0], s1  }
0x168: {  	s1 =	ssub.s32 @!p0 $0x0, s1;
	[sflag:s0] =	ssyncset.done @!p0 $0x0  }
0x169: {  	[sflag:s0] =	ssyncadd.s32 @!p0 s1  }
0x16a: {  	[bflag:$0x3] =	sbarrier.arrive $0xFFFF  }
0x16b: {  	_ =	shalt  }

</sc_bundles>
